<compile_context>
chip_gen: v7x
topology: tpu7x:2x2x1
jax: 0.10.2.dev20260603
libtpu: 0.0.44.dev20260713+nightly
codegen_flags: <defaults>
</compile_context>

<pallas_src>
import functools

import jax
import jax.numpy as jnp
from jax import lax
from jax.experimental import pallas as pl
from jax.experimental.pallas import tpu as pltpu
from jax.experimental.pallas import tpu_sc as plsc

VOCAB = 1000000
EMBED_DIM = 64
BATCH = 4096
HIST = 200
B = BATCH * HIST

_INFO = plsc.get_sparse_core_info()
NC = _INFO.num_cores
NS = _INFO.num_subcores
NW = NC * NS

BLKW = 384
NBLK = VOCAB // BLKW
TAIL = VOCAB - NBLK * BLKW
DENSE_ROWS = VOCAB // 2 + 32
BLK_PER_W = (NBLK + NW - 1) // NW


@functools.partial(
    pl.kernel,
    out_type=jax.ShapeDtypeStruct((DENSE_ROWS, 128), jnp.float32),
    mesh=plsc.VectorSubcoreMesh(core_axis_name="c", subcore_axis_name="s"),
    scratch_types=[
        pltpu.VMEM((2, 64, BLKW), jnp.float32),
        pltpu.VMEM((2, BLKW // 2, 128), jnp.float32),
        pltpu.VMEM((64, 64), jnp.float32),
        pltpu.SemaphoreType.DMA((2,)),
        pltpu.SemaphoreType.DMA((2,)),
    ],
    compiler_params=pltpu.CompilerParams(
        use_tc_tiling_on_sc=True, needs_layout_passes=False),
)
def _table_transpose(tableT_hbm, tailT_hbm, dense_hbm, src_v, dst_v, tail_v,
                     sem_i, sem_o):
    w = lax.axis_index("s") * NC + lax.axis_index("c")
    j0 = w * BLK_PER_W

    iota = lax.iota(jnp.int32, 16)

    dvs = [16 * g + iota for g in range(4)]

    def start_in(jj, b):
        j = j0 + jj

        @pl.when((jj < BLK_PER_W) & (j < NBLK))
        def _():
            pltpu.async_copy(
                tableT_hbm.at[:, pl.ds(j * BLKW, BLKW)], src_v.at[b],
                sem_i.at[b])

    def wait_in(b):
        pltpu.make_async_copy(
            tableT_hbm.at[:, pl.ds(0, BLKW)], src_v.at[b], sem_i.at[b]).wait()

    def wait_out(b):
        pltpu.make_async_copy(
            dst_v.at[b], dense_hbm.at[pl.ds(0, BLKW // 2)], sem_o.at[b]).wait()

    def transpose(src_ref, b, width):
        @plsc.parallel_loop(0, width, unroll=8)
        def diag(c0):
            cv = c0 + iota
            cv = jnp.where(cv >= width, cv - width, cv)
            qv = lax.shift_right_logical(cv, 1)
            c2v = lax.shift_left(jnp.bitwise_and(cv, 1), 6)
            for g in range(4):
                vals = plsc.load_gather(src_ref, [dvs[g], cv])
                plsc.store_scatter(dst_v.at[b], [qv, c2v + dvs[g]], vals)

    start_in(0, 0)
    start_in(1, 1)

    def outer(g, carry):
        for b in range(2):
            jj = g * 2 + b
            j = j0 + jj

            @pl.when((jj < BLK_PER_W) & (j < NBLK))
            def _():
                wait_in(b)

                @pl.when(jj >= 2)
                def _():
                    wait_out(b)

                transpose(src_v.at[b], b, BLKW)
                start_in(jj + 2, b)
                pltpu.async_copy(
                    dst_v.at[b],
                    dense_hbm.at[pl.ds(j * (BLKW // 2), BLKW // 2)],
                    sem_o.at[b])
        return carry

    lax.fori_loop(0, (BLK_PER_W + 1) // 2, outer, 0)

    nv = jnp.minimum(NBLK - j0, BLK_PER_W)
    for b in range(2):
        @pl.when(nv > b)
        def _():
            wait_out(b)

    @pl.when(w == NW - 1)
    def _():
        pltpu.sync_copy(tailT_hbm, tail_v)
        transpose(tail_v, 0, TAIL)
        pltpu.sync_copy(
            dst_v.at[0, pl.ds(0, TAIL // 2), :],
            dense_hbm.at[pl.ds(NBLK * (BLKW // 2), TAIL // 2)])


BPW = B // NW


@functools.partial(
    pl.kernel,
    out_type=jax.ShapeDtypeStruct((HIST, 8, 32, 8, 128), jnp.float32),
    mesh=plsc.VectorSubcoreMesh(core_axis_name="c", subcore_axis_name="s"),
    scratch_types=[
        pltpu.VMEM((BPW,), jnp.int32),
        pltpu.VMEM((HIST, 128), jnp.int32),
        pltpu.VMEM((3, 128, EMBED_DIM), jnp.float32),
        pltpu.VMEM((3, 8, 8, 128), jnp.float32),
        pltpu.SemaphoreType.DMA((3,)),
        pltpu.SemaphoreType.DMA((3,)),
    ],
    compiler_params=pltpu.CompilerParams(
        use_tc_tiling_on_sc=False, needs_layout_passes=False),
)
def _embed_gather(doc_hbm, table_hbm, out_hbm, doc_v, idxh_v, rows_v, tile_v,
                  sem_g, sem_o):
    w = lax.axis_index("s") * NC + lax.axis_index("c")
    iota = lax.iota(jnp.int32, 16)

    pltpu.sync_copy(doc_hbm.at[pl.ds(w * BPW, BPW)], doc_v)

    @plsc.parallel_loop(0, HIST, unroll=4)
    def docT(h0):
        hv = h0 + iota
        hv = jnp.where(hv >= HIST, hv - HIST, hv)
        for g in range(8):
            bv = 16 * g + iota
            vals = plsc.load_gather(doc_v, [bv * HIST + hv])
            plsc.store_scatter(idxh_v, [hv, bv], vals)

    def start_gather(h, b):
        pltpu.async_copy(
            table_hbm.at[idxh_v.at[h]], rows_v.at[b], sem_g.at[b])

    def wait_gather(b):
        pltpu.make_async_copy(
            table_hbm.at[idxh_v.at[0]], rows_v.at[b], sem_g.at[b]).wait()

    def wait_out(b):
        pltpu.make_async_copy(
            tile_v.at[b], out_hbm.at[0, :, 0], sem_o.at[b]).wait()

    def transpose_rows(b):
        @plsc.parallel_loop(0, EMBED_DIM, unroll=4)
        def diag(d0):
            dv = d0 + iota
            dv = jnp.where(dv >= EMBED_DIM, dv - EMBED_DIM, dv)
            dtv = lax.shift_right_logical(dv, 3)
            dsv = jnp.bitwise_and(dv, 7)
            for g in range(8):
                bv = 16 * g + iota
                vals = plsc.load_gather(rows_v.at[b], [bv, dv])
                plsc.store_scatter(tile_v.at[b], [dtv, dsv, bv], vals)

    for b in range(3):
        start_gather(b, b)

    def outer(g2, carry):
        for b in range(3):
            h = g2 * 3 + b

            @pl.when(h < HIST)
            def _():
                wait_gather(b)

                @pl.when(h >= 3)
                def _():
                    wait_out(b)

                transpose_rows(b)

                @pl.when(h + 3 < HIST)
                def _():
                    start_gather(h + 3, b)

                pltpu.async_copy(
                    tile_v.at[b], out_hbm.at[h, :, w], sem_o.at[b])
        return carry

    lax.fori_loop(0, (HIST + 2) // 3, outer, 0)

    for b in range(3):
        wait_out(b)


def kernel(doc, table):
    flat = doc.reshape(B).astype(jnp.int32)
    dense = _table_transpose(table.T, table.T[:, VOCAB - TAIL:])
    dense_rows = dense.reshape(DENSE_ROWS * 2, EMBED_DIM)
    out5 = _embed_gather(flat, dense_rows)
    return out5.transpose(2, 4, 0, 1, 3).reshape(BATCH, HIST, EMBED_DIM)

# --- scband reference (transcript-rebuilt; emitter-appended) ---
"""Pipeline reference for scband-embed-91139206021602 (READ-ONLY COPY).

The authoritative reference and input builder live on the scoring server;
editing this copy changes nothing except your own understanding.
"""

import jax, jax.numpy as jnp
import numpy as np

VOCAB = 1000000
EMBED_DIM = 64
BATCH = 4096
HIST = 200


def setup_inputs(seed: int = 0) -> dict:
    key = jax.random.key(seed)
    k_idx, k_tab = jax.random.split(key)
    doc = jax.random.randint(k_idx, (BATCH, HIST), 0, VOCAB, dtype=jnp.int64 if jax.config.jax_enable_x64 else jnp.int32)
    table = jax.random.normal(k_tab, (VOCAB, EMBED_DIM), dtype=jnp.float32)
    return {"doc": doc, "table": table}


def reference(doc, table):
    # nn.Embedding forward: gather rows of the embedding table
    out = jnp.take(table, doc, axis=0)
    return out

if __name__ == "__main__":
    import jax
    _d = setup_inputs()
    print(jax.jit(kernel)(*tuple(_d.values())))

</pallas_src>

<mosaic_0001>
#map = affine_map<(d0, d1) -> (0)>
#map1 = affine_map<(d0, d1) -> (0, 0)>
#map2 = affine_map<(d0, d1) -> (0, 0, 0, 0, 0)>
module attributes {stable_mosaic.version = 14 : i64} {
  func.func @_embed_gather(%arg0: i32, %arg1: i32, %arg2: memref<819200xi32, #tpu.memory_space<hbm>>, %arg3: memref<1000064x64xf32, #tpu.memory_space<hbm>>, %arg4: memref<200x8x32x8x128xf32, #tpu.memory_space<hbm>>, %arg5: memref<25600xi32, #tpu.memory_space<vmem>>, %arg6: memref<200x128xi32, #tpu.memory_space<vmem>>, %arg7: memref<3x128x64xf32, #tpu.memory_space<vmem>>, %arg8: memref<3x8x8x128xf32, #tpu.memory_space<vmem>>, %arg9: memref<3x!tpu.dma_semaphore, #tpu.memory_space<semaphore_mem>>, %arg10: memref<3x!tpu.dma_semaphore, #tpu.memory_space<semaphore_mem>>) attributes {dimension_semantics = [#tpu.dimension_semantics<core_parallel>, #tpu.dimension_semantics<subcore_parallel>], iteration_bounds = array<i64: 2, 16>, scalar_prefetch = 0 : i64, scratch_operands = 6 : i64, tpu.core_type = #tpu.core_type<sc_vector_subcore>, window_params = [{transform_indices = #map}, {transform_indices = #map1}, {transform_indices = #map2}]} {
    %mul3A = arith.constant 2 : i32
    %mul3A_0 = arith.muli %arg1, %mul3A : i32
    %add3A = arith.addi %mul3A_0, %arg0 : i32
    %iota3A = tpu.iota {dimensions = array<i32: 0>} : vector<16xi32>
    %mul3A_1 = arith.constant 25600 : i32
    %mul3A_2 = arith.muli %add3A, %mul3A_1 : i32
    "tpu.region"() ({
      %run_scoped3A = tpu.sem_alloc : memref<!tpu.dma_semaphore, #tpu.memory_space<semaphore_mem>>
      %dma_start3A_131 = tpu.memref_slice %arg2[%mul3A_2] : memref<819200xi32, #tpu.memory_space<hbm>> -> memref<25600xi32, #tpu.memory_space<hbm>>
      %dma_start3A_132 = tpu.memref_slice %arg2[%mul3A_2] : memref<819200xi32, #tpu.memory_space<hbm>> -> memref<25600xi32, #tpu.memory_space<hbm>>
      tpu.enqueue_dma source(%dma_start3A_132 : memref<25600xi32, #tpu.memory_space<hbm>>) target(%arg5 : memref<25600xi32, #tpu.memory_space<vmem>>) target_semaphore(%run_scoped3A : memref<!tpu.dma_semaphore, #tpu.memory_space<semaphore_mem>>)
      %dma_wait3A_133 = tpu.memref_slice %arg2[%mul3A_2] : memref<819200xi32, #tpu.memory_space<hbm>> -> memref<25600xi32, #tpu.memory_space<hbm>>
      %dma_wait3A_134 = tpu.memref_slice %arg2[%mul3A_2] : memref<819200xi32, #tpu.memory_space<hbm>> -> memref<25600xi32, #tpu.memory_space<hbm>>
      tpu.wait_dma2 semaphore(%run_scoped3A : memref<!tpu.dma_semaphore, #tpu.memory_space<semaphore_mem>>) src(%dma_wait3A_134 : memref<25600xi32, #tpu.memory_space<hbm>>) dst(%arg5 : memref<25600xi32, #tpu.memory_space<vmem>>)
      tpu.yield
    }) : () -> ()
    %parallel_loop3A = arith.constant 0 : i32
    %parallel_loop3A_3 = arith.constant 200 : i32
    %parallel_loop3A_4 = arith.constant 1 : i32
    scf.for %parallel_loop3A_131 = %parallel_loop3A to %parallel_loop3A_3 step %parallel_loop3A_4  : i32 {
      %parallel_loop3A_132 = vector.broadcast %parallel_loop3A_131 : i32 to vector<16xi32>
      %parallel_loop3A_133 = arith.addi %parallel_loop3A_132, %iota3A : vector<16xi32>
      %parallel_loop3A_134 = arith.constant 200 : i32
      %parallel_loop3A_135 = vector.broadcast %parallel_loop3A_134 : i32 to vector<16xi32>
      %parallel_loop3A_136 = arith.cmpi sge, %parallel_loop3A_133, %parallel_loop3A_135 : vector<16xi32>
      %parallel_loop3A_137 = arith.constant 200 : i32
      %parallel_loop3A_138 = vector.broadcast %parallel_loop3A_137 : i32 to vector<16xi32>
      %parallel_loop3A_139 = arith.subi %parallel_loop3A_133, %parallel_loop3A_138 : vector<16xi32>
      %parallel_loop3A_140 = arith.select %parallel_loop3A_136, %parallel_loop3A_139, %parallel_loop3A_133 : vector<16xi1>, vector<16xi32>
      %parallel_loop3A_141 = arith.constant 0 : i32
      %parallel_loop3A_142 = vector.broadcast %parallel_loop3A_141 : i32 to vector<16xi32>
      %parallel_loop3A_143 = arith.addi %parallel_loop3A_142, %iota3A : vector<16xi32>
      %parallel_loop3A_144 = arith.constant 200 : i32
      %parallel_loop3A_145 = vector.broadcast %parallel_loop3A_144 : i32 to vector<16xi32>
      %parallel_loop3A_146 = arith.muli %parallel_loop3A_143, %parallel_loop3A_145 : vector<16xi32>
      %parallel_loop3A_147 = arith.addi %parallel_loop3A_146, %parallel_loop3A_140 : vector<16xi32>
      %parallel_loop3A_148 = tpu.vector_load_idx %arg5[%parallel_loop3A_147] : memref<25600xi32, #tpu.memory_space<vmem>>[vector<16xi32>], vector<16xi32>,
      tpu.vector_store_idx %arg6[%parallel_loop3A_140, %parallel_loop3A_143], %parallel_loop3A_148 : memref<200x128xi32, #tpu.memory_space<vmem>>[vector<16xi32>, vector<16xi32>], vector<16xi32>,
      %parallel_loop3A_149 = arith.constant 16 : i32
      %parallel_loop3A_150 = vector.broadcast %parallel_loop3A_149 : i32 to vector<16xi32>
      %parallel_loop3A_151 = arith.addi %parallel_loop3A_150, %iota3A : vector<16xi32>
      %parallel_loop3A_152 = arith.constant 200 : i32
      %parallel_loop3A_153 = vector.broadcast %parallel_loop3A_152 : i32 to vector<16xi32>
      %parallel_loop3A_154 = arith.muli %parallel_loop3A_151, %parallel_loop3A_153 : vector<16xi32>
      %parallel_loop3A_155 = arith.addi %parallel_loop3A_154, %parallel_loop3A_140 : vector<16xi32>
      %parallel_loop3A_156 = tpu.vector_load_idx %arg5[%parallel_loop3A_155] : memref<25600xi32, #tpu.memory_space<vmem>>[vector<16xi32>], vector<16xi32>,
      tpu.vector_store_idx %arg6[%parallel_loop3A_140, %parallel_loop3A_151], %parallel_loop3A_156 : memref<200x128xi32, #tpu.memory_space<vmem>>[vector<16xi32>, vector<16xi32>], vector<16xi32>,
      %parallel_loop3A_157 = arith.constant 32 : i32
      %parallel_loop3A_158 = vector.broadcast %parallel_loop3A_157 : i32 to vector<16xi32>
      %parallel_loop3A_159 = arith.addi %parallel_loop3A_158, %iota3A : vector<16xi32>
      %parallel_loop3A_160 = arith.constant 200 : i32
      %parallel_loop3A_161 = vector.broadcast %parallel_loop3A_160 : i32 to vector<16xi32>
      %parallel_loop3A_162 = arith.muli %parallel_loop3A_159, %parallel_loop3A_161 : vector<16xi32>
      %parallel_loop3A_163 = arith.addi %parallel_loop3A_162, %parallel_loop3A_140 : vector<16xi32>
      %parallel_loop3A_164 = tpu.vector_load_idx %arg5[%parallel_loop3A_163] : memref<25600xi32, #tpu.memory_space<vmem>>[vector<16xi32>], vector<16xi32>,
      tpu.vector_store_idx %arg6[%parallel_loop3A_140, %parallel_loop3A_159], %parallel_loop3A_164 : memref<200x128xi32, #tpu.memory_space<vmem>>[vector<16xi32>, vector<16xi32>], vector<16xi32>,
      %parallel_loop3A_165 = arith.constant 48 : i32
      %parallel_loop3A_166 = vector.broadcast %parallel_loop3A_165 : i32 to vector<16xi32>
      %parallel_loop3A_167 = arith.addi %parallel_loop3A_166, %iota3A : vector<16xi32>
      %parallel_loop3A_168 = arith.constant 200 : i32
      %parallel_loop3A_169 = vector.broadcast %parallel_loop3A_168 : i32 to vector<16xi32>
      %parallel_loop3A_170 = arith.muli %parallel_loop3A_167, %parallel_loop3A_169 : vector<16xi32>
      %parallel_loop3A_171 = arith.addi %parallel_loop3A_170, %parallel_loop3A_140 : vector<16xi32>
      %parallel_loop3A_172 = tpu.vector_load_idx %arg5[%parallel_loop3A_171] : memref<25600xi32, #tpu.memory_space<vmem>>[vector<16xi32>], vector<16xi32>,
      tpu.vector_store_idx %arg6[%parallel_loop3A_140, %parallel_loop3A_167], %parallel_loop3A_172 : memref<200x128xi32, #tpu.memory_space<vmem>>[vector<16xi32>, vector<16xi32>], vector<16xi32>,
      %parallel_loop3A_173 = arith.constant 64 : i32
      %parallel_loop3A_174 = vector.broadcast %parallel_loop3A_173 : i32 to vector<16xi32>
      %parallel_loop3A_175 = arith.addi %parallel_loop3A_174, %iota3A : vector<16xi32>
      %parallel_loop3A_176 = arith.constant 200 : i32
      %parallel_loop3A_177 = vector.broadcast %parallel_loop3A_176 : i32 to vector<16xi32>
      %parallel_loop3A_178 = arith.muli %parallel_loop3A_175, %parallel_loop3A_177 : vector<16xi32>
      %parallel_loop3A_179 = arith.addi %parallel_loop3A_178, %parallel_loop3A_140 : vector<16xi32>
      %parallel_loop3A_180 = tpu.vector_load_idx %arg5[%parallel_loop3A_179] : memref<25600xi32, #tpu.memory_space<vmem>>[vector<16xi32>], vector<16xi32>,
      tpu.vector_store_idx %arg6[%parallel_loop3A_140, %parallel_loop3A_175], %parallel_loop3A_180 : memref<200x128xi32, #tpu.memory_space<vmem>>[vector<16xi32>, vector<16xi32>], vector<16xi32>,
      %parallel_loop3A_181 = arith.constant 80 : i32
      %parallel_loop3A_182 = vector.broadcast %parallel_loop3A_181 : i32 to vector<16xi32>
      %parallel_loop3A_183 = arith.addi %parallel_loop3A_182, %iota3A : vector<16xi32>
      %parallel_loop3A_184 = arith.constant 200 : i32
      %parallel_loop3A_185 = vector.broadcast %parallel_loop3A_184 : i32 to vector<16xi32>
      %parallel_loop3A_186 = arith.muli %parallel_loop3A_183, %parallel_loop3A_185 : vector<16xi32>
      %parallel_loop3A_187 = arith.addi %parallel_loop3A_186, %parallel_loop3A_140 : vector<16xi32>
      %parallel_loop3A_188 = tpu.vector_load_idx %arg5[%parallel_loop3A_187] : memref<25600xi32, #tpu.memory_space<vmem>>[vector<16xi32>], vector<16xi32>,
      tpu.vector_store_idx %arg6[%parallel_loop3A_140, %parallel_loop3A_183], %parallel_loop3A_188 : memref<200x128xi32, #tpu.memory_space<vmem>>[vector<16xi32>, vector<16xi32>], vector<16xi32>,
      %parallel_loop3A_189 = arith.constant 96 : i32
      %parallel_loop3A_190 = vector.broadcast %parallel_loop3A_189 : i32 to vector<16xi32>
      %parallel_loop3A_191 = arith.addi %parallel_loop3A_190, %iota3A : vector<16xi32>
      %parallel_loop3A_192 = arith.constant 200 : i32
      %parallel_loop3A_193 = vector.broadcast %parallel_loop3A_192 : i32 to vector<16xi32>
      %parallel_loop3A_194 = arith.muli %parallel_loop3A_191, %parallel_loop3A_193 : vector<16xi32>
      %parallel_loop3A_195 = arith.addi %parallel_loop3A_194, %parallel_loop3A_140 : vector<16xi32>
      %parallel_loop3A_196 = tpu.vector_load_idx %arg5[%parallel_loop3A_195] : memref<25600xi32, #tpu.memory_space<vmem>>[vector<16xi32>], vector<16xi32>,
      tpu.vector_store_idx %arg6[%parallel_loop3A_140, %parallel_loop3A_191], %parallel_loop3A_196 : memref<200x128xi32, #tpu.memory_space<vmem>>[vector<16xi32>, vector<16xi32>], vector<16xi32>,
      %parallel_loop3A_197 = arith.constant 112 : i32
      %parallel_loop3A_198 = vector.broadcast %parallel_loop3A_197 : i32 to vector<16xi32>
      %parallel_loop3A_199 = arith.addi %parallel_loop3A_198, %iota3A : vector<16xi32>
      %parallel_loop3A_200 = arith.constant 200 : i32
      %parallel_loop3A_201 = vector.broadcast %parallel_loop3A_200 : i32 to vector<16xi32>
      %parallel_loop3A_202 = arith.muli %parallel_loop3A_199, %parallel_loop3A_201 : vector<16xi32>
      %parallel_loop3A_203 = arith.addi %parallel_loop3A_202, %parallel_loop3A_140 : vector<16xi32>
      %parallel_loop3A_204 = tpu.vector_load_idx %arg5[%parallel_loop3A_203] : memref<25600xi32, #tpu.memory_space<vmem>>[vector<16xi32>], vector<16xi32>,
      tpu.vector_store_idx %arg6[%parallel_loop3A_140, %parallel_loop3A_199], %parallel_loop3A_204 : memref<200x128xi32, #tpu.memory_space<vmem>>[vector<16xi32>, vector<16xi32>], vector<16xi32>,
    } {sc.loop_unroll_factor = 4 : i64, sc.parallel_access}
    %dma_start3A = arith.constant 0 : i32
    %dma_start3A_5 = arith.constant 0 : i32
    %dma_start3A_6 = arith.constant 0 : i32
    %dma_start3A_7 = arith.constant 0 : i32
    %dma_start3A_8 = arith.constant 0 : i32
    %dma_start3A_9 = tpu.memref_slice %arg7[%dma_start3A_5, %dma_start3A_7, %dma_start3A_8] : memref<3x128x64xf32, #tpu.memory_space<vmem>> -> memref<1x128x64xf32, #tpu.memory_space<vmem>>
    %dma_start3A_10 = tpu.memref_squeeze %dma_start3A_9 : memref<1x128x64xf32, #tpu.memory_space<vmem>> -> memref<128x64xf32, #tpu.memory_space<vmem>>
    %dma_start3A_11 = arith.constant 0 : i32
    %dma_start3A_12 = tpu.memref_slice %arg6[%dma_start3A, %dma_start3A_11] : memref<200x128xi32, #tpu.memory_space<vmem>> -> memref<1x128xi32, #tpu.memory_space<vmem>>
    %dma_start3A_13 = tpu.memref_squeeze %dma_start3A_12 : memref<1x128xi32, #tpu.memory_space<vmem>> -> memref<128xi32, #tpu.memory_space<vmem>>
    %dma_start3A_14 = arith.constant 0 : i32
    %dma_start3A_15 = arith.constant 0 : i32
    %dma_start3A_16 = tpu.memref_slice %arg3[%dma_start3A_14, %dma_start3A_15] : memref<1000064x64xf32, #tpu.memory_space<hbm>> -> memref<1000064x64xf32, #tpu.memory_space<hbm>>
    %dma_start3A_17 = tpu.memref_slice %arg9[%dma_start3A_6] : memref<3x!tpu.dma_semaphore, #tpu.memory_space<semaphore_mem>> -> memref<1x!tpu.dma_semaphore, #tpu.memory_space<semaphore_mem>>
    %dma_start3A_18 = tpu.memref_squeeze %dma_start3A_17 : memref<1x!tpu.dma_semaphore, #tpu.memory_space<semaphore_mem>> -> memref<!tpu.dma_semaphore, #tpu.memory_space<semaphore_mem>>
    tpu.enqueue_indirect_dma source(%dma_start3A_16 : memref<1000064x64xf32, #tpu.memory_space<hbm>>) target(%dma_start3A_10 : memref<128x64xf32, #tpu.memory_space<vmem>>) offsets(%dma_start3A_13 : memref<128xi32, #tpu.memory_space<vmem>>) semaphore(%dma_start3A_18 : memref<!tpu.dma_semaphore, #tpu.memory_space<semaphore_mem>>)
    %dma_start3A_19 = arith.constant 1 : i32
    %dma_start3A_20 = arith.constant 1 : i32
    %dma_start3A_21 = arith.constant 1 : i32
    %dma_start3A_22 = arith.constant 0 : i32
    %dma_start3A_23 = arith.constant 0 : i32
    %dma_start3A_24 = tpu.memref_slice %arg7[%dma_start3A_20, %dma_start3A_22, %dma_start3A_23] : memref<3x128x64xf32, #tpu.memory_space<vmem>> -> memref<1x128x64xf32, #tpu.memory_space<vmem>>
    %dma_start3A_25 = tpu.memref_squeeze %dma_start3A_24 : memref<1x128x64xf32, #tpu.memory_space<vmem>> -> memref<128x64xf32, #tpu.memory_space<vmem>>
    %dma_start3A_26 = arith.constant 0 : i32
    %dma_start3A_27 = tpu.memref_slice %arg6[%dma_start3A_19, %dma_start3A_26] : memref<200x128xi32, #tpu.memory_space<vmem>> -> memref<1x128xi32, #tpu.memory_space<vmem>>
    %dma_start3A_28 = tpu.memref_squeeze %dma_start3A_27 : memref<1x128xi32, #tpu.memory_space<vmem>> -> memref<128xi32, #tpu.memory_space<vmem>>
    %dma_start3A_29 = arith.constant 0 : i32
    %dma_start3A_30 = arith.constant 0 : i32
    %dma_start3A_31 = tpu.memref_slice %arg3[%dma_start3A_29, %dma_start3A_30] : memref<1000064x64xf32, #tpu.memory_space<hbm>> -> memref<1000064x64xf32, #tpu.memory_space<hbm>>
    %dma_start3A_32 = tpu.memref_slice %arg9[%dma_start3A_21] : memref<3x!tpu.dma_semaphore, #tpu.memory_space<semaphore_mem>> -> memref<1x!tpu.dma_semaphore, #tpu.memory_space<semaphore_mem>>
    %dma_start3A_33 = tpu.memref_squeeze %dma_start3A_32 : memref<1x!tpu.dma_semaphore, #tpu.memory_space<semaphore_mem>> -> memref<!tpu.dma_semaphore, #tpu.memory_space<semaphore_mem>>
    tpu.enqueue_indirect_dma source(%dma_start3A_31 : memref<1000064x64xf32, #tpu.memory_space<hbm>>) target(%dma_start3A_25 : memref<128x64xf32, #tpu.memory_space<vmem>>) offsets(%dma_start3A_28 : memref<128xi32, #tpu.memory_space<vmem>>) semaphore(%dma_start3A_33 : memref<!tpu.dma_semaphore, #tpu.memory_space<semaphore_mem>>)
    %dma_start3A_34 = arith.constant 2 : i32
    %dma_start3A_35 = arith.constant 2 : i32
    %dma_start3A_36 = arith.constant 2 : i32
    %dma_start3A_37 = arith.constant 0 : i32
    %dma_start3A_38 = arith.constant 0 : i32
    %dma_start3A_39 = tpu.memref_slice %arg7[%dma_start3A_35, %dma_start3A_37, %dma_start3A_38] : memref<3x128x64xf32, #tpu.memory_space<vmem>> -> memref<1x128x64xf32, #tpu.memory_space<vmem>>
    %dma_start3A_40 = tpu.memref_squeeze %dma_start3A_39 : memref<1x128x64xf32, #tpu.memory_space<vmem>> -> memref<128x64xf32, #tpu.memory_space<vmem>>
    %dma_start3A_41 = arith.constant 0 : i32
    %dma_start3A_42 = tpu.memref_slice %arg6[%dma_start3A_34, %dma_start3A_41] : memref<200x128xi32, #tpu.memory_space<vmem>> -> memref<1x128xi32, #tpu.memory_space<vmem>>
    %dma_start3A_43 = tpu.memref_squeeze %dma_start3A_42 : memref<1x128xi32, #tpu.memory_space<vmem>> -> memref<128xi32, #tpu.memory_space<vmem>>
    %dma_start3A_44 = arith.constant 0 : i32
    %dma_start3A_45 = arith.constant 0 : i32
    %dma_start3A_46 = tpu.memref_slice %arg3[%dma_start3A_44, %dma_start3A_45] : memref<1000064x64xf32, #tpu.memory_space<hbm>> -> memref<1000064x64xf32, #tpu.memory_space<hbm>>
    %dma_start3A_47 = tpu.memref_slice %arg9[%dma_start3A_36] : memref<3x!tpu.dma_semaphore, #tpu.memory_space<semaphore_mem>> -> memref<1x!tpu.dma_semaphore, #tpu.memory_space<semaphore_mem>>
    %dma_start3A_48 = tpu.memref_squeeze %dma_start3A_47 : memref<1x!tpu.dma_semaphore, #tpu.memory_space<semaphore_mem>> -> memref<!tpu.dma_semaphore, #tpu.memory_space<semaphore_mem>>
    tpu.enqueue_indirect_dma source(%dma_start3A_46 : memref<1000064x64xf32, #tpu.memory_space<hbm>>) target(%dma_start3A_40 : memref<128x64xf32, #tpu.memory_space<vmem>>) offsets(%dma_start3A_43 : memref<128xi32, #tpu.memory_space<vmem>>) semaphore(%dma_start3A_48 : memref<!tpu.dma_semaphore, #tpu.memory_space<semaphore_mem>>)
    %scan3A = arith.constant 0 : i32
    %scan3A_49 = arith.constant 0 : i32
    %scan3A_50 = arith.constant 67 : i32
    %scan3A_51 = arith.addi %scan3A_49, %scan3A_50 : i32
    %scan3A_52 = arith.constant 1 : i32
    scf.for %scan3A_131 = %scan3A_49 to %scan3A_51 step %scan3A_52  : i32 {
      %mul3A_132 = arith.constant 3 : i32
      %mul3A_133 = arith.muli %scan3A_131, %mul3A_132 : i32
      %add3A_134 = arith.constant 0 : i32
      %add3A_135 = arith.addi %mul3A_133, %add3A_134 : i32
      %lt3A = arith.constant 200 : i32
      %lt3A_136 = arith.cmpi slt, %add3A_135, %lt3A : i32
      %convert_element_type3A = arith.extui %lt3A_136 : i1 to i32
      %cond3A = arith.constant 0 : i32
      %cond3A_137 = arith.cmpi ne, %convert_element_type3A, %cond3A : i32
      scf.if %cond3A_137 {
        %dma_wait3A_156 = arith.constant 0 : i32
        %dma_wait3A_157 = arith.constant 0 : i32
        %dma_wait3A_158 = arith.constant 0 : i32
        %dma_wait3A_159 = arith.constant 0 : i32
        %dma_wait3A_160 = arith.constant 0 : i32
        %dma_wait3A_161 = tpu.memref_slice %arg7[%dma_wait3A_157, %dma_wait3A_159, %dma_wait3A_160] : memref<3x128x64xf32, #tpu.memory_space<vmem>> -> memref<1x128x64xf32, #tpu.memory_space<vmem>>
        %dma_wait3A_162 = tpu.memref_squeeze %dma_wait3A_161 : memref<1x128x64xf32, #tpu.memory_space<vmem>> -> memref<128x64xf32, #tpu.memory_space<vmem>>
        %dma_wait3A_163 = arith.constant 0 : i32
        %dma_wait3A_164 = tpu.memref_slice %arg6[%dma_wait3A_156, %dma_wait3A_163] : memref<200x128xi32, #tpu.memory_space<vmem>> -> memref<1x128xi32, #tpu.memory_space<vmem>>
        %dma_wait3A_165 = tpu.memref_squeeze %dma_wait3A_164 : memref<1x128xi32, #tpu.memory_space<vmem>> -> memref<128xi32, #tpu.memory_space<vmem>>
        %dma_wait3A_166 = arith.constant 0 : i32
        %dma_wait3A_167 = arith.constant 0 : i32
        %dma_wait3A_168 = tpu.memref_slice %arg3[%dma_wait3A_166, %dma_wait3A_167] : memref<1000064x64xf32, #tpu.memory_space<hbm>> -> memref<1000064x64xf32, #tpu.memory_space<hbm>>
        %dma_wait3A_169 = tpu.memref_slice %arg9[%dma_wait3A_158] : memref<3x!tpu.dma_semaphore, #tpu.memory_space<semaphore_mem>> -> memref<1x!tpu.dma_semaphore, #tpu.memory_space<semaphore_mem>>
        %dma_wait3A_170 = tpu.memref_squeeze %dma_wait3A_169 : memref<1x!tpu.dma_semaphore, #tpu.memory_space<semaphore_mem>> -> memref<!tpu.dma_semaphore, #tpu.memory_space<semaphore_mem>>
        tpu.wait_indirect_dma semaphore(%dma_wait3A_170 : memref<!tpu.dma_semaphore, #tpu.memory_space<semaphore_mem>>) src(%dma_wait3A_168 : memref<1000064x64xf32, #tpu.memory_space<hbm>>) dst(%dma_wait3A_162 : memref<128x64xf32, #tpu.memory_space<vmem>>)
        %ge3A = arith.constant 3 : i32
        %ge3A_171 = arith.cmpi sge, %add3A_135, %ge3A : i32
        %convert_element_type3A_172 = arith.extui %ge3A_171 : i1 to i32
        %cond3A_173 = arith.constant 0 : i32
        %cond3A_174 = arith.cmpi ne, %convert_element_type3A_172, %cond3A_173 : i32
        scf.if %cond3A_174 {
          %dma_wait3A_209 = arith.constant 0 : i32
          %dma_wait3A_210 = arith.constant 0 : i32
          %dma_wait3A_211 = arith.constant 0 : i32
          %dma_wait3A_212 = arith.constant 0 : i32
          %dma_wait3A_213 = arith.constant 0 : i32
          %dma_wait3A_214 = arith.constant 0 : i32
          %dma_wait3A_215 = arith.constant 0 : i32
          %dma_wait3A_216 = tpu.memref_slice %arg8[%dma_wait3A_209, %dma_wait3A_213, %dma_wait3A_214, %dma_wait3A_215] : memref<3x8x8x128xf32, #tpu.memory_space<vmem>> -> memref<1x8x8x128xf32, #tpu.memory_space<vmem>>
          %dma_wait3A_217 = tpu.memref_squeeze %dma_wait3A_216 : memref<1x8x8x128xf32, #tpu.memory_space<vmem>> -> memref<8x8x128xf32, #tpu.memory_space<vmem>>
          %dma_wait3A_218 = arith.constant 0 : i32
          %dma_wait3A_219 = arith.constant 0 : i32
          %dma_wait3A_220 = arith.constant 0 : i32
          %dma_wait3A_221 = tpu.memref_slice %arg4[%dma_wait3A_210, %dma_wait3A_218, %dma_wait3A_211, %dma_wait3A_219, %dma_wait3A_220] : memref<200x8x32x8x128xf32, #tpu.memory_space<hbm>> -> memref<1x8x1x8x128xf32, #tpu.memory_space<hbm>>
          %dma_wait3A_222 = tpu.memref_squeeze %dma_wait3A_221 : memref<1x8x1x8x128xf32, #tpu.memory_space<hbm>> -> memref<8x8x128xf32, #tpu.memory_space<hbm>>
          %dma_wait3A_223 = tpu.memref_slice %arg10[%dma_wait3A_212] : memref<3x!tpu.dma_semaphore, #tpu.memory_space<semaphore_mem>> -> memref<1x!tpu.dma_semaphore, #tpu.memory_space<semaphore_mem>>
          %dma_wait3A_224 = tpu.memref_squeeze %dma_wait3A_223 : memref<1x!tpu.dma_semaphore, #tpu.memory_space<semaphore_mem>> -> memref<!tpu.dma_semaphore, #tpu.memory_space<semaphore_mem>>
          %dma_wait3A_225 = arith.constant 0 : i32
          %dma_wait3A_226 = arith.constant 0 : i32
          %dma_wait3A_227 = arith.constant 0 : i32
          %dma_wait3A_228 = tpu.memref_slice %arg4[%dma_wait3A_210, %dma_wait3A_225, %dma_wait3A_211, %dma_wait3A_226, %dma_wait3A_227] : memref<200x8x32x8x128xf32, #tpu.memory_space<hbm>> -> memref<1x8x1x8x128xf32, #tpu.memory_space<hbm>>
          %dma_wait3A_229 = tpu.memref_squeeze %dma_wait3A_228 : memref<1x8x1x8x128xf32, #tpu.memory_space<hbm>> -> memref<8x8x128xf32, #tpu.memory_space<hbm>>
          %dma_wait3A_230 = arith.constant 0 : i32
          %dma_wait3A_231 = arith.constant 0 : i32
          %dma_wait3A_232 = arith.constant 0 : i32
          %dma_wait3A_233 = tpu.memref_slice %arg8[%dma_wait3A_209, %dma_wait3A_230, %dma_wait3A_231, %dma_wait3A_232] : memref<3x8x8x128xf32, #tpu.memory_space<vmem>> -> memref<1x8x8x128xf32, #tpu.memory_space<vmem>>
          %dma_wait3A_234 = tpu.memref_squeeze %dma_wait3A_233 : memref<1x8x8x128xf32, #tpu.memory_space<vmem>> -> memref<8x8x128xf32, #tpu.memory_space<vmem>>
          tpu.wait_dma2 semaphore(%dma_wait3A_224 : memref<!tpu.dma_semaphore, #tpu.memory_space<semaphore_mem>>) src(%dma_wait3A_234 : memref<8x8x128xf32, #tpu.memory_space<vmem>>) dst(%dma_wait3A_229 : memref<8x8x128xf32, #tpu.memory_space<hbm>>)
        } else {
        }
        %parallel_loop3A_175 = arith.constant 0 : i32
        %parallel_loop3A_176 = arith.constant 64 : i32
        %parallel_loop3A_177 = arith.constant 1 : i32
        scf.for %parallel_loop3A_209 = %parallel_loop3A_175 to %parallel_loop3A_176 step %parallel_loop3A_177  : i32 {
          %parallel_loop3A_210 = vector.broadcast %parallel_loop3A_209 : i32 to vector<16xi32>
          %parallel_loop3A_211 = arith.addi %parallel_loop3A_210, %iota3A : vector<16xi32>
          %parallel_loop3A_212 = arith.constant 64 : i32
          %parallel_loop3A_213 = vector.broadcast %parallel_loop3A_212 : i32 to vector<16xi32>
          %parallel_loop3A_214 = arith.cmpi sge, %parallel_loop3A_211, %parallel_loop3A_213 : vector<16xi32>
          %parallel_loop3A_215 = arith.constant 64 : i32
          %parallel_loop3A_216 = vector.broadcast %parallel_loop3A_215 : i32 to vector<16xi32>
          %parallel_loop3A_217 = arith.subi %parallel_loop3A_211, %parallel_loop3A_216 : vector<16xi32>
          %parallel_loop3A_218 = arith.select %parallel_loop3A_214, %parallel_loop3A_217, %parallel_loop3A_211 : vector<16xi1>, vector<16xi32>
          %parallel_loop3A_219 = arith.constant 3 : i32
          %parallel_loop3A_220 = vector.broadcast %parallel_loop3A_219 : i32 to vector<16xi32>
          %parallel_loop3A_221 = arith.shrui %parallel_loop3A_218, %parallel_loop3A_220 : vector<16xi32>
          %parallel_loop3A_222 = arith.constant 7 : i32
          %parallel_loop3A_223 = vector.broadcast %parallel_loop3A_222 : i32 to vector<16xi32>
          %parallel_loop3A_224 = arith.andi %parallel_loop3A_218, %parallel_loop3A_223 : vector<16xi32>
          %parallel_loop3A_225 = arith.constant 0 : i32
          %parallel_loop3A_226 = vector.broadcast %parallel_loop3A_225 : i32 to vector<16xi32>
          %parallel_loop3A_227 = arith.addi %parallel_loop3A_226, %iota3A : vector<16xi32>
          %parallel_loop3A_228 = arith.constant 0 : i32
          %parallel_loop3A_229 = arith.constant 0 : i32
          %parallel_loop3A_230 = arith.constant 0 : i32
          %parallel_loop3A_231 = tpu.memref_slice %arg7[%parallel_loop3A_228, %parallel_loop3A_229, %parallel_loop3A_230] : memref<3x128x64xf32, #tpu.memory_space<vmem>> -> memref<1x128x64xf32, #tpu.memory_space<vmem>>
          %parallel_loop3A_232 = tpu.memref_squeeze %parallel_loop3A_231 : memref<1x128x64xf32, #tpu.memory_space<vmem>> -> memref<128x64xf32, #tpu.memory_space<vmem>>
          %parallel_loop3A_233 = tpu.vector_load_idx %parallel_loop3A_232[%parallel_loop3A_227, %parallel_loop3A_218] : memref<128x64xf32, #tpu.memory_space<vmem>>[vector<16xi32>, vector<16xi32>], vector<16xf32>,
          %parallel_loop3A_234 = arith.constant 0 : i32
          %parallel_loop3A_235 = arith.constant 0 : i32
          %parallel_loop3A_236 = arith.constant 0 : i32
          %parallel_loop3A_237 = arith.constant 0 : i32
          %parallel_loop3A_238 = tpu.memref_slice %arg8[%parallel_loop3A_234, %parallel_loop3A_235, %parallel_loop3A_236, %parallel_loop3A_237] : memref<3x8x8x128xf32, #tpu.memory_space<vmem>> -> memref<1x8x8x128xf32, #tpu.memory_space<vmem>>
          %parallel_loop3A_239 = tpu.memref_squeeze %parallel_loop3A_238 : memref<1x8x8x128xf32, #tpu.memory_space<vmem>> -> memref<8x8x128xf32, #tpu.memory_space<vmem>>
          tpu.vector_store_idx %parallel_loop3A_239[%parallel_loop3A_221, %parallel_loop3A_224, %parallel_loop3A_227], %parallel_loop3A_233 : memref<8x8x128xf32, #tpu.memory_space<vmem>>[vector<16xi32>, vector<16xi32>, vector<16xi32>], vector<16xf32>,
          %parallel_loop3A_240 = arith.constant 16 : i32
          %parallel_loop3A_241 = vector.broadcast %parallel_loop3A_240 : i32 to vector<16xi32>
          %parallel_loop3A_242 = arith.addi %parallel_loop3A_241, %iota3A : vector<16xi32>
          %parallel_loop3A_243 = arith.constant 0 : i32
          %parallel_loop3A_244 = arith.constant 0 : i32
          %parallel_loop3A_245 = arith.constant 0 : i32
          %parallel_loop3A_246 = tpu.memref_slice %arg7[%parallel_loop3A_243, %parallel_loop3A_244, %parallel_loop3A_245] : memref<3x128x64xf32, #tpu.memory_space<vmem>> -> memref<1x128x64xf32, #tpu.memory_space<vmem>>
          %parallel_loop3A_247 = tpu.memref_squeeze %parallel_loop3A_246 : memref<1x128x64xf32, #tpu.memory_space<vmem>> -> memref<128x64xf32, #tpu.memory_space<vmem>>
          %parallel_loop3A_248 = tpu.vector_load_idx %parallel_loop3A_247[%parallel_loop3A_242, %parallel_loop3A_218] : memref<128x64xf32, #tpu.memory_space<vmem>>[vector<16xi32>, vector<16xi32>], vector<16xf32>,
          %parallel_loop3A_249 = arith.constant 0 : i32
          %parallel_loop3A_250 = arith.constant 0 : i32
          %parallel_loop3A_251 = arith.constant 0 : i32
          %parallel_loop3A_252 = arith.constant 0 : i32
          %parallel_loop3A_253 = tpu.memref_slice %arg8[%parallel_loop3A_249, %parallel_loop3A_250, %parallel_loop3A_251, %parallel_loop3A_252] : memref<3x8x8x128xf32, #tpu.memory_space<vmem>> -> memref<1x8x8x128xf32, #tpu.memory_space<vmem>>
          %parallel_loop3A_254 = tpu.memref_squeeze %parallel_loop3A_253 : memref<1x8x8x128xf32, #tpu.memory_space<vmem>> -> memref<8x8x128xf32, #tpu.memory_space<vmem>>
          tpu.vector_store_idx %parallel_loop3A_254[%parallel_loop3A_221, %parallel_loop3A_224, %parallel_loop3A_242], %parallel_loop3A_248 : memref<8x8x128xf32, #tpu.memory_space<vmem>>[vector<16xi32>, vector<16xi32>, vector<16xi32>], vector<16xf32>,
          %parallel_loop3A_255 = arith.constant 32 : i32
          %parallel_loop3A_256 = vector.broadcast %parallel_loop3A_255 : i32 to vector<16xi32>
          %parallel_loop3A_257 = arith.addi %parallel_loop3A_256, %iota3A : vector<16xi32>
          %parallel_loop3A_258 = arith.constant 0 : i32
          %parallel_loop3A_259 = arith.constant 0 : i32
          %parallel_loop3A_260 = arith.constant 0 : i32
          %parallel_loop3A_261 = tpu.memref_slice %arg7[%parallel_loop3A_258, %parallel_loop3A_259, %parallel_loop3A_260] : memref<3x128x64xf32, #tpu.memory_space<vmem>> -> memref<1x128x64xf32, #tpu.memory_space<vmem>>
          %parallel_loop3A_262 = tpu.memref_squeeze %parallel_loop3A_261 : memref<1x128x64xf32, #tpu.memory_space<vmem>> -> memref<128x64xf32, #tpu.memory_space<vmem>>
          %parallel_loop3A_263 = tpu.vector_load_idx %parallel_loop3A_262[%parallel_loop3A_257, %parallel_loop3A_218] : memref<128x64xf32, #tpu.memory_space<vmem>>[vector<16xi32>, vector<16xi32>], vector<16xf32>,
          %parallel_loop3A_264 = arith.constant 0 : i32
          %parallel_loop3A_265 = arith.constant 0 : i32
          %parallel_loop3A_266 = arith.constant 0 : i32
          %parallel_loop3A_267 = arith.constant 0 : i32
          %parallel_loop3A_268 = tpu.memref_slice %arg8[%parallel_loop3A_264, %parallel_loop3A_265, %parallel_loop3A_266, %parallel_loop3A_267] : memref<3x8x8x128xf32, #tpu.memory_space<vmem>> -> memref<1x8x8x128xf32, #tpu.memory_space<vmem>>
          %parallel_loop3A_269 = tpu.memref_squeeze %parallel_loop3A_268 : memref<1x8x8x128xf32, #tpu.memory_space<vmem>> -> memref<8x8x128xf32, #tpu.memory_space<vmem>>
          tpu.vector_store_idx %parallel_loop3A_269[%parallel_loop3A_221, %parallel_loop3A_224, %parallel_loop3A_257], %parallel_loop3A_263 : memref<8x8x128xf32, #tpu.memory_space<vmem>>[vector<16xi32>, vector<16xi32>, vector<16xi32>], vector<16xf32>,
          %parallel_loop3A_270 = arith.constant 48 : i32
          %parallel_loop3A_271 = vector.broadcast %parallel_loop3A_270 : i32 to vector<16xi32>
          %parallel_loop3A_272 = arith.addi %parallel_loop3A_271, %iota3A : vector<16xi32>
          %parallel_loop3A_273 = arith.constant 0 : i32
          %parallel_loop3A_274 = arith.constant 0 : i32
          %parallel_loop3A_275 = arith.constant 0 : i32
          %parallel_loop3A_276 = tpu.memref_slice %arg7[%parallel_loop3A_273, %parallel_loop3A_274, %parallel_loop3A_275] : memref<3x128x64xf32, #tpu.memory_space<vmem>> -> memref<1x128x64xf32, #tpu.memory_space<vmem>>
          %parallel_loop3A_277 = tpu.memref_squeeze %parallel_loop3A_276 : memref<1x128x64xf32, #tpu.memory_space<vmem>> -> memref<128x64xf32, #tpu.memory_space<vmem>>
          %parallel_loop3A_278 = tpu.vector_load_idx %parallel_loop3A_277[%parallel_loop3A_272, %parallel_loop3A_218] : memref<128x64xf32, #tpu.memory_space<vmem>>[vector<16xi32>, vector<16xi32>], vector<16xf32>,
          %parallel_loop3A_279 = arith.constant 0 : i32
          %parallel_loop3A_280 = arith.constant 0 : i32
          %parallel_loop3A_281 = arith.constant 0 : i32
          %parallel_loop3A_282 = arith.constant 0 : i32
          %parallel_loop3A_283 = tpu.memref_slice %arg8[%parallel_loop3A_279, %parallel_loop3A_280, %parallel_loop3A_281, %parallel_loop3A_282] : memref<3x8x8x128xf32, #tpu.memory_space<vmem>> -> memref<1x8x8x128xf32, #tpu.memory_space<vmem>>
          %parallel_loop3A_284 = tpu.memref_squeeze %parallel_loop3A_283 : memref<1x8x8x128xf32, #tpu.memory_space<vmem>> -> memref<8x8x128xf32, #tpu.memory_space<vmem>>
          tpu.vector_store_idx %parallel_loop3A_284[%parallel_loop3A_221, %parallel_loop3A_224, %parallel_loop3A_272], %parallel_loop3A_278 : memref<8x8x128xf32, #tpu.memory_space<vmem>>[vector<16xi32>, vector<16xi32>, vector<16xi32>], vector<16xf32>,
          %parallel_loop3A_285 = arith.constant 64 : i32
          %parallel_loop3A_286 = vector.broadcast %parallel_loop3A_285 : i32 to vector<16xi32>
          %parallel_loop3A_287 = arith.addi %parallel_loop3A_286, %iota3A : vector<16xi32>
          %parallel_loop3A_288 = arith.constant 0 : i32
          %parallel_loop3A_289 = arith.constant 0 : i32
          %parallel_loop3A_290 = arith.constant 0 : i32
          %parallel_loop3A_291 = tpu.memref_slice %arg7[%parallel_loop3A_288, %parallel_loop3A_289, %parallel_loop3A_290] : memref<3x128x64xf32, #tpu.memory_space<vmem>> -> memref<1x128x64xf32, #tpu.memory_space<vmem>>
          %parallel_loop3A_292 = tpu.memref_squeeze %parallel_loop3A_291 : memref<1x128x64xf32, #tpu.memory_space<vmem>> -> memref<128x64xf32, #tpu.memory_space<vmem>>
          %parallel_loop3A_293 = tpu.vector_load_idx %parallel_loop3A_292[%parallel_loop3A_287, %parallel_loop3A_218] : memref<128x64xf32, #tpu.memory_space<vmem>>[vector<16xi32>, vector<16xi32>], vector<16xf32>,
          %parallel_loop3A_294 = arith.constant 0 : i32
          %parallel_loop3A_295 = arith.constant 0 : i32
          %parallel_loop3A_296 = arith.constant 0 : i32
          %parallel_loop3A_297 = arith.constant 0 : i32
          %parallel_loop3A_298 = tpu.memref_slice %arg8[%parallel_loop3A_294, %parallel_loop3A_295, %parallel_loop3A_296, %parallel_loop3A_297] : memref<3x8x8x128xf32, #tpu.memory_space<vmem>> -> memref<1x8x8x128xf32, #tpu.memory_space<vmem>>
          %parallel_loop3A_299 = tpu.memref_squeeze %parallel_loop3A_298 : memref<1x8x8x128xf32, #tpu.memory_space<vmem>> -> memref<8x8x128xf32, #tpu.memory_space<vmem>>
          tpu.vector_store_idx %parallel_loop3A_299[%parallel_loop3A_221, %parallel_loop3A_224, %parallel_loop3A_287], %parallel_loop3A_293 : memref<8x8x128xf32, #tpu.memory_space<vmem>>[vector<16xi32>, vector<16xi32>, vector<16xi32>], vector<16xf32>,
          %parallel_loop3A_300 = arith.constant 80 : i32
          %parallel_loop3A_301 = vector.broadcast %parallel_loop3A_300 : i32 to vector<16xi32>
          %parallel_loop3A_302 = arith.addi %parallel_loop3A_301, %iota3A : vector<16xi32>
          %parallel_loop3A_303 = arith.constant 0 : i32
          %parallel_loop3A_304 = arith.constant 0 : i32
          %parallel_loop3A_305 = arith.constant 0 : i32
          %parallel_loop3A_306 = tpu.memref_slice %arg7[%parallel_loop3A_303, %parallel_loop3A_304, %parallel_loop3A_305] : memref<3x128x64xf32, #tpu.memory_space<vmem>> -> memref<1x128x64xf32, #tpu.memory_space<vmem>>
          %parallel_loop3A_307 = tpu.memref_squeeze %parallel_loop3A_306 : memref<1x128x64xf32, #tpu.memory_space<vmem>> -> memref<128x64xf32, #tpu.memory_space<vmem>>
          %parallel_loop3A_308 = tpu.vector_load_idx %parallel_loop3A_307[%parallel_loop3A_302, %parallel_loop3A_218] : memref<128x64xf32, #tpu.memory_space<vmem>>[vector<16xi32>, vector<16xi32>], vector<16xf32>,
          %parallel_loop3A_309 = arith.constant 0 : i32
          %parallel_loop3A_310 = arith.constant 0 : i32
          %parallel_loop3A_311 = arith.constant 0 : i32
          %parallel_loop3A_312 = arith.constant 0 : i32
          %parallel_loop3A_313 = tpu.memref_slice %arg8[%parallel_loop3A_309, %parallel_loop3A_310, %parallel_loop3A_311, %parallel_loop3A_312] : memref<3x8x8x128xf32, #tpu.memory_space<vmem>> -> memref<1x8x8x128xf32, #tpu.memory_space<vmem>>
          %parallel_loop3A_314 = tpu.memref_squeeze %parallel_loop3A_313 : memref<1x8x8x128xf32, #tpu.memory_space<vmem>> -> memref<8x8x128xf32, #tpu.memory_space<vmem>>
          tpu.vector_store_idx %parallel_loop3A_314[%parallel_loop3A_221, %parallel_loop3A_224, %parallel_loop3A_302], %parallel_loop3A_308 : memref<8x8x128xf32, #tpu.memory_space<vmem>>[vector<16xi32>, vector<16xi32>, vector<16xi32>], vector<16xf32>,
          %parallel_loop3A_315 = arith.constant 96 : i32
          %parallel_loop3A_316 = vector.broadcast %parallel_loop3A_315 : i32 to vector<16xi32>
          %parallel_loop3A_317 = arith.addi %parallel_loop3A_316, %iota3A : vector<16xi32>
          %parallel_loop3A_318 = arith.constant 0 : i32
          %parallel_loop3A_319 = arith.constant 0 : i32
          %parallel_loop3A_320 = arith.constant 0 : i32
          %parallel_loop3A_321 = tpu.memref_slice %arg7[%parallel_loop3A_318, %parallel_loop3A_319, %parallel_loop3A_320] : memref<3x128x64xf32, #tpu.memory_space<vmem>> -> memref<1x128x64xf32, #tpu.memory_space<vmem>>
          %parallel_loop3A_322 = tpu.memref_squeeze %parallel_loop3A_321 : memref<1x128x64xf32, #tpu.memory_space<vmem>> -> memref<128x64xf32, #tpu.memory_space<vmem>>
          %parallel_loop3A_323 = tpu.vector_load_idx %parallel_loop3A_322[%parallel_loop3A_317, %parallel_loop3A_218] : memref<128x64xf32, #tpu.memory_space<vmem>>[vector<16xi32>, vector<16xi32>], vector<16xf32>,
          %parallel_loop3A_324 = arith.constant 0 : i32
          %parallel_loop3A_325 = arith.constant 0 : i32
          %parallel_loop3A_326 = arith.constant 0 : i32
          %parallel_loop3A_327 = arith.constant 0 : i32
          %parallel_loop3A_328 = tpu.memref_slice %arg8[%parallel_loop3A_324, %parallel_loop3A_325, %parallel_loop3A_326, %parallel_loop3A_327] : memref<3x8x8x128xf32, #tpu.memory_space<vmem>> -> memref<1x8x8x128xf32, #tpu.memory_space<vmem>>
          %parallel_loop3A_329 = tpu.memref_squeeze %parallel_loop3A_328 : memref<1x8x8x128xf32, #tpu.memory_space<vmem>> -> memref<8x8x128xf32, #tpu.memory_space<vmem>>
          tpu.vector_store_idx %parallel_loop3A_329[%parallel_loop3A_221, %parallel_loop3A_224, %parallel_loop3A_317], %parallel_loop3A_323 : memref<8x8x128xf32, #tpu.memory_space<vmem>>[vector<16xi32>, vector<16xi32>, vector<16xi32>], vector<16xf32>,
          %parallel_loop3A_330 = arith.constant 112 : i32
          %parallel_loop3A_331 = vector.broadcast %parallel_loop3A_330 : i32 to vector<16xi32>
          %parallel_loop3A_332 = arith.addi %parallel_loop3A_331, %iota3A : vector<16xi32>
          %parallel_loop3A_333 = arith.constant 0 : i32
          %parallel_loop3A_334 = arith.constant 0 : i32
          %parallel_loop3A_335 = arith.constant 0 : i32
          %parallel_loop3A_336 = tpu.memref_slice %arg7[%parallel_loop3A_333, %parallel_loop3A_334, %parallel_loop3A_335] : memref<3x128x64xf32, #tpu.memory_space<vmem>> -> memref<1x128x64xf32, #tpu.memory_space<vmem>>
          %parallel_loop3A_337 = tpu.memref_squeeze %parallel_loop3A_336 : memref<1x128x64xf32, #tpu.memory_space<vmem>> -> memref<128x64xf32, #tpu.memory_space<vmem>>
          %parallel_loop3A_338 = tpu.vector_load_idx %parallel_loop3A_337[%parallel_loop3A_332, %parallel_loop3A_218] : memref<128x64xf32, #tpu.memory_space<vmem>>[vector<16xi32>, vector<16xi32>], vector<16xf32>,
          %parallel_loop3A_339 = arith.constant 0 : i32
          %parallel_loop3A_340 = arith.constant 0 : i32
          %parallel_loop3A_341 = arith.constant 0 : i32
          %parallel_loop3A_342 = arith.constant 0 : i32
          %parallel_loop3A_343 = tpu.memref_slice %arg8[%parallel_loop3A_339, %parallel_loop3A_340, %parallel_loop3A_341, %parallel_loop3A_342] : memref<3x8x8x128xf32, #tpu.memory_space<vmem>> -> memref<1x8x8x128xf32, #tpu.memory_space<vmem>>
          %parallel_loop3A_344 = tpu.memref_squeeze %parallel_loop3A_343 : memref<1x8x8x128xf32, #tpu.memory_space<vmem>> -> memref<8x8x128xf32, #tpu.memory_space<vmem>>
          tpu.vector_store_idx %parallel_loop3A_344[%parallel_loop3A_221, %parallel_loop3A_224, %parallel_loop3A_332], %parallel_loop3A_338 : memref<8x8x128xf32, #tpu.memory_space<vmem>>[vector<16xi32>, vector<16xi32>, vector<16xi32>], vector<16xf32>,
        } {sc.loop_unroll_factor = 4 : i64, sc.parallel_access}
        %add3A_178 = arith.constant 3 : i32
        %add3A_179 = arith.addi %add3A_135, %add3A_178 : i32
        %lt3A_180 = arith.constant 200 : i32
        %lt3A_181 = arith.cmpi slt, %add3A_179, %lt3A_180 : i32
        %convert_element_type3A_182 = arith.extui %lt3A_181 : i1 to i32
        %cond3A_183 = arith.constant 0 : i32
        %cond3A_184 = arith.cmpi ne, %convert_element_type3A_182, %cond3A_183 : i32
        scf.if %cond3A_184 {
          %add3A_209 = arith.constant 3 : i32
          %add3A_210 = arith.addi %add3A_135, %add3A_209 : i32
          %dma_start3A_211 = arith.constant 0 : i32
          %dma_start3A_212 = arith.constant 0 : i32
          %dma_start3A_213 = arith.constant 0 : i32
          %dma_start3A_214 = arith.constant 0 : i32
          %dma_start3A_215 = tpu.memref_slice %arg7[%dma_start3A_211, %dma_start3A_213, %dma_start3A_214] : memref<3x128x64xf32, #tpu.memory_space<vmem>> -> memref<1x128x64xf32, #tpu.memory_space<vmem>>
          %dma_start3A_216 = tpu.memref_squeeze %dma_start3A_215 : memref<1x128x64xf32, #tpu.memory_space<vmem>> -> memref<128x64xf32, #tpu.memory_space<vmem>>
          %dma_start3A_217 = arith.constant 0 : i32
          %dma_start3A_218 = tpu.memref_slice %arg6[%add3A_210, %dma_start3A_217] : memref<200x128xi32, #tpu.memory_space<vmem>> -> memref<1x128xi32, #tpu.memory_space<vmem>>
          %dma_start3A_219 = tpu.memref_squeeze %dma_start3A_218 : memref<1x128xi32, #tpu.memory_space<vmem>> -> memref<128xi32, #tpu.memory_space<vmem>>
          %dma_start3A_220 = arith.constant 0 : i32
          %dma_start3A_221 = arith.constant 0 : i32
          %dma_start3A_222 = tpu.memref_slice %arg3[%dma_start3A_220, %dma_start3A_221] : memref<1000064x64xf32, #tpu.memory_space<hbm>> -> memref<1000064x64xf32, #tpu.memory_space<hbm>>
          %dma_start3A_223 = tpu.memref_slice %arg9[%dma_start3A_212] : memref<3x!tpu.dma_semaphore, #tpu.memory_space<semaphore_mem>> -> memref<1x!tpu.dma_semaphore, #tpu.memory_space<semaphore_mem>>
          %dma_start3A_224 = tpu.memref_squeeze %dma_start3A_223 : memref<1x!tpu.dma_semaphore, #tpu.memory_space<semaphore_mem>> -> memref<!tpu.dma_semaphore, #tpu.memory_space<semaphore_mem>>
          tpu.enqueue_indirect_dma source(%dma_start3A_222 : memref<1000064x64xf32, #tpu.memory_space<hbm>>) target(%dma_start3A_216 : memref<128x64xf32, #tpu.memory_space<vmem>>) offsets(%dma_start3A_219 : memref<128xi32, #tpu.memory_space<vmem>>) semaphore(%dma_start3A_224 : memref<!tpu.dma_semaphore, #tpu.memory_space<semaphore_mem>>)
        } else {
        }
        %dma_start3A_185 = arith.constant 0 : i32
        %dma_start3A_186 = arith.constant 0 : i32
        %dma_start3A_187 = arith.constant 0 : i32
        %dma_start3A_188 = arith.constant 0 : i32
        %dma_start3A_189 = arith.constant 0 : i32
        %dma_start3A_190 = tpu.memref_slice %arg8[%dma_start3A_185, %dma_start3A_187, %dma_start3A_188, %dma_start3A_189] : memref<3x8x8x128xf32, #tpu.memory_space<vmem>> -> memref<1x8x8x128xf32, #tpu.memory_space<vmem>>
        %dma_start3A_191 = tpu.memref_squeeze %dma_start3A_190 : memref<1x8x8x128xf32, #tpu.memory_space<vmem>> -> memref<8x8x128xf32, #tpu.memory_space<vmem>>
        %dma_start3A_192 = arith.constant 0 : i32
        %dma_start3A_193 = arith.constant 0 : i32
        %dma_start3A_194 = arith.constant 0 : i32
        %dma_start3A_195 = tpu.memref_slice %arg4[%add3A_135, %dma_start3A_192, %add3A, %dma_start3A_193, %dma_start3A_194] : memref<200x8x32x8x128xf32, #tpu.memory_space<hbm>> -> memref<1x8x1x8x128xf32, #tpu.memory_space<hbm>>
        %dma_start3A_196 = tpu.memref_squeeze %dma_start3A_195 : memref<1x8x1x8x128xf32, #tpu.memory_space<hbm>> -> memref<8x8x128xf32, #tpu.memory_space<hbm>>
        %dma_start3A_197 = tpu.memref_slice %arg10[%dma_start3A_186] : memref<3x!tpu.dma_semaphore, #tpu.memory_space<semaphore_mem>> -> memref<1x!tpu.dma_semaphore, #tpu.memory_space<semaphore_mem>>
        %dma_start3A_198 = tpu.memref_squeeze %dma_start3A_197 : memref<1x!tpu.dma_semaphore, #tpu.memory_space<semaphore_mem>> -> memref<!tpu.dma_semaphore, #tpu.memory_space<semaphore_mem>>
        %dma_start3A_199 = arith.constant 0 : i32
        %dma_start3A_200 = arith.constant 0 : i32
        %dma_start3A_201 = arith.constant 0 : i32
        %dma_start3A_202 = tpu.memref_slice %arg4[%add3A_135, %dma_start3A_199, %add3A, %dma_start3A_200, %dma_start3A_201] : memref<200x8x32x8x128xf32, #tpu.memory_space<hbm>> -> memref<1x8x1x8x128xf32, #tpu.memory_space<hbm>>
        %dma_start3A_203 = tpu.memref_squeeze %dma_start3A_202 : memref<1x8x1x8x128xf32, #tpu.memory_space<hbm>> -> memref<8x8x128xf32, #tpu.memory_space<hbm>>
        %dma_start3A_204 = arith.constant 0 : i32
        %dma_start3A_205 = arith.constant 0 : i32
        %dma_start3A_206 = arith.constant 0 : i32
        %dma_start3A_207 = tpu.memref_slice %arg8[%dma_start3A_185, %dma_start3A_204, %dma_start3A_205, %dma_start3A_206] : memref<3x8x8x128xf32, #tpu.memory_space<vmem>> -> memref<1x8x8x128xf32, #tpu.memory_space<vmem>>
        %dma_start3A_208 = tpu.memref_squeeze %dma_start3A_207 : memref<1x8x8x128xf32, #tpu.memory_space<vmem>> -> memref<8x8x128xf32, #tpu.memory_space<vmem>>
        tpu.enqueue_dma source(%dma_start3A_208 : memref<8x8x128xf32, #tpu.memory_space<vmem>>) target(%dma_start3A_203 : memref<8x8x128xf32, #tpu.memory_space<hbm>>) target_semaphore(%dma_start3A_198 : memref<!tpu.dma_semaphore, #tpu.memory_space<semaphore_mem>>)
      } else {
      }
      %mul3A_138 = arith.constant 3 : i32
      %mul3A_139 = arith.muli %scan3A_131, %mul3A_138 : i32
      %add3A_140 = arith.constant 1 : i32
      %add3A_141 = arith.addi %mul3A_139, %add3A_140 : i32
      %lt3A_142 = arith.constant 200 : i32
      %lt3A_143 = arith.cmpi slt, %add3A_141, %lt3A_142 : i32
      %convert_element_type3A_144 = arith.extui %lt3A_143 : i1 to i32
      %cond3A_145 = arith.constant 0 : i32
      %cond3A_146 = arith.cmpi ne, %convert_element_type3A_144, %cond3A_145 : i32
      scf.if %cond3A_146 {
        %dma_wait3A_156 = arith.constant 0 : i32
        %dma_wait3A_157 = arith.constant 1 : i32
        %dma_wait3A_158 = arith.constant 1 : i32
        %dma_wait3A_159 = arith.constant 0 : i32
        %dma_wait3A_160 = arith.constant 0 : i32
        %dma_wait3A_161 = tpu.memref_slice %arg7[%dma_wait3A_157, %dma_wait3A_159, %dma_wait3A_160] : memref<3x128x64xf32, #tpu.memory_space<vmem>> -> memref<1x128x64xf32, #tpu.memory_space<vmem>>
        %dma_wait3A_162 = tpu.memref_squeeze %dma_wait3A_161 : memref<1x128x64xf32, #tpu.memory_space<vmem>> -> memref<128x64xf32, #tpu.memory_space<vmem>>
        %dma_wait3A_163 = arith.constant 0 : i32
        %dma_wait3A_164 = tpu.memref_slice %arg6[%dma_wait3A_156, %dma_wait3A_163] : memref<200x128xi32, #tpu.memory_space<vmem>> -> memref<1x128xi32, #tpu.memory_space<vmem>>
        %dma_wait3A_165 = tpu.memref_squeeze %dma_wait3A_164 : memref<1x128xi32, #tpu.memory_space<vmem>> -> memref<128xi32, #tpu.memory_space<vmem>>
        %dma_wait3A_166 = arith.constant 0 : i32
        %dma_wait3A_167 = arith.constant 0 : i32
        %dma_wait3A_168 = tpu.memref_slice %arg3[%dma_wait3A_166, %dma_wait3A_167] : memref<1000064x64xf32, #tpu.memory_space<hbm>> -> memref<1000064x64xf32, #tpu.memory_space<hbm>>
        %dma_wait3A_169 = tpu.memref_slice %arg9[%dma_wait3A_158] : memref<3x!tpu.dma_semaphore, #tpu.memory_space<semaphore_mem>> -> memref<1x!tpu.dma_semaphore, #tpu.memory_space<semaphore_mem>>
        %dma_wait3A_170 = tpu.memref_squeeze %dma_wait3A_169 : memref<1x!tpu.dma_semaphore, #tpu.memory_space<semaphore_mem>> -> memref<!tpu.dma_semaphore, #tpu.memory_space<semaphore_mem>>
        tpu.wait_indirect_dma semaphore(%dma_wait3A_170 : memref<!tpu.dma_semaphore, #tpu.memory_space<semaphore_mem>>) src(%dma_wait3A_168 : memref<1000064x64xf32, #tpu.memory_space<hbm>>) dst(%dma_wait3A_162 : memref<128x64xf32, #tpu.memory_space<vmem>>)
        %ge3A = arith.constant 3 : i32
        %ge3A_171 = arith.cmpi sge, %add3A_141, %ge3A : i32
        %convert_element_type3A_172 = arith.extui %ge3A_171 : i1 to i32
        %cond3A_173 = arith.constant 0 : i32
        %cond3A_174 = arith.cmpi ne, %convert_element_type3A_172, %cond3A_173 : i32
        scf.if %cond3A_174 {
          %dma_wait3A_209 = arith.constant 1 : i32
          %dma_wait3A_210 = arith.constant 0 : i32
          %dma_wait3A_211 = arith.constant 0 : i32
          %dma_wait3A_212 = arith.constant 1 : i32
          %dma_wait3A_213 = arith.constant 0 : i32
          %dma_wait3A_214 = arith.constant 0 : i32
          %dma_wait3A_215 = arith.constant 0 : i32
          %dma_wait3A_216 = tpu.memref_slice %arg8[%dma_wait3A_209, %dma_wait3A_213, %dma_wait3A_214, %dma_wait3A_215] : memref<3x8x8x128xf32, #tpu.memory_space<vmem>> -> memref<1x8x8x128xf32, #tpu.memory_space<vmem>>
          %dma_wait3A_217 = tpu.memref_squeeze %dma_wait3A_216 : memref<1x8x8x128xf32, #tpu.memory_space<vmem>> -> memref<8x8x128xf32, #tpu.memory_space<vmem>>
          %dma_wait3A_218 = arith.constant 0 : i32
          %dma_wait3A_219 = arith.constant 0 : i32
          %dma_wait3A_220 = arith.constant 0 : i32
          %dma_wait3A_221 = tpu.memref_slice %arg4[%dma_wait3A_210, %dma_wait3A_218, %dma_wait3A_211, %dma_wait3A_219, %dma_wait3A_220] : memref<200x8x32x8x128xf32, #tpu.memory_space<hbm>> -> memref<1x8x1x8x128xf32, #tpu.memory_space<hbm>>
          %dma_wait3A_222 = tpu.memref_squeeze %dma_wait3A_221 : memref<1x8x1x8x128xf32, #tpu.memory_space<hbm>> -> memref<8x8x128xf32, #tpu.memory_space<hbm>>
          %dma_wait3A_223 = tpu.memref_slice %arg10[%dma_wait3A_212] : memref<3x!tpu.dma_semaphore, #tpu.memory_space<semaphore_mem>> -> memref<1x!tpu.dma_semaphore, #tpu.memory_space<semaphore_mem>>
          %dma_wait3A_224 = tpu.memref_squeeze %dma_wait3A_223 : memref<1x!tpu.dma_semaphore, #tpu.memory_space<semaphore_mem>> -> memref<!tpu.dma_semaphore, #tpu.memory_space<semaphore_mem>>
          %dma_wait3A_225 = arith.constant 0 : i32
          %dma_wait3A_226 = arith.constant 0 : i32
          %dma_wait3A_227 = arith.constant 0 : i32
          %dma_wait3A_228 = tpu.memref_slice %arg4[%dma_wait3A_210, %dma_wait3A_225, %dma_wait3A_211, %dma_wait3A_226, %dma_wait3A_227] : memref<200x8x32x8x128xf32, #tpu.memory_space<hbm>> -> memref<1x8x1x8x128xf32, #tpu.memory_space<hbm>>
          %dma_wait3A_229 = tpu.memref_squeeze %dma_wait3A_228 : memref<1x8x1x8x128xf32, #tpu.memory_space<hbm>> -> memref<8x8x128xf32, #tpu.memory_space<hbm>>
          %dma_wait3A_230 = arith.constant 0 : i32
          %dma_wait3A_231 = arith.constant 0 : i32
          %dma_wait3A_232 = arith.constant 0 : i32
          %dma_wait3A_233 = tpu.memref_slice %arg8[%dma_wait3A_209, %dma_wait3A_230, %dma_wait3A_231, %dma_wait3A_232] : memref<3x8x8x128xf32, #tpu.memory_space<vmem>> -> memref<1x8x8x128xf32, #tpu.memory_space<vmem>>
          %dma_wait3A_234 = tpu.memref_squeeze %dma_wait3A_233 : memref<1x8x8x128xf32, #tpu.memory_space<vmem>> -> memref<8x8x128xf32, #tpu.memory_space<vmem>>
          tpu.wait_dma2 semaphore(%dma_wait3A_224 : memref<!tpu.dma_semaphore, #tpu.memory_space<semaphore_mem>>) src(%dma_wait3A_234 : memref<8x8x128xf32, #tpu.memory_space<vmem>>) dst(%dma_wait3A_229 : memref<8x8x128xf32, #tpu.memory_space<hbm>>)
        } else {
        }
        %parallel_loop3A_175 = arith.constant 0 : i32
        %parallel_loop3A_176 = arith.constant 64 : i32
        %parallel_loop3A_177 = arith.constant 1 : i32
        scf.for %parallel_loop3A_209 = %parallel_loop3A_175 to %parallel_loop3A_176 step %parallel_loop3A_177  : i32 {
          %parallel_loop3A_210 = vector.broadcast %parallel_loop3A_209 : i32 to vector<16xi32>
          %parallel_loop3A_211 = arith.addi %parallel_loop3A_210, %iota3A : vector<16xi32>
          %parallel_loop3A_212 = arith.constant 64 : i32
          %parallel_loop3A_213 = vector.broadcast %parallel_loop3A_212 : i32 to vector<16xi32>
          %parallel_loop3A_214 = arith.cmpi sge, %parallel_loop3A_211, %parallel_loop3A_213 : vector<16xi32>
          %parallel_loop3A_215 = arith.constant 64 : i32
          %parallel_loop3A_216 = vector.broadcast %parallel_loop3A_215 : i32 to vector<16xi32>
          %parallel_loop3A_217 = arith.subi %parallel_loop3A_211, %parallel_loop3A_216 : vector<16xi32>
          %parallel_loop3A_218 = arith.select %parallel_loop3A_214, %parallel_loop3A_217, %parallel_loop3A_211 : vector<16xi1>, vector<16xi32>
          %parallel_loop3A_219 = arith.constant 3 : i32
          %parallel_loop3A_220 = vector.broadcast %parallel_loop3A_219 : i32 to vector<16xi32>
          %parallel_loop3A_221 = arith.shrui %parallel_loop3A_218, %parallel_loop3A_220 : vector<16xi32>
          %parallel_loop3A_222 = arith.constant 7 : i32
          %parallel_loop3A_223 = vector.broadcast %parallel_loop3A_222 : i32 to vector<16xi32>
          %parallel_loop3A_224 = arith.andi %parallel_loop3A_218, %parallel_loop3A_223 : vector<16xi32>
          %parallel_loop3A_225 = arith.constant 0 : i32
          %parallel_loop3A_226 = vector.broadcast %parallel_loop3A_225 : i32 to vector<16xi32>
          %parallel_loop3A_227 = arith.addi %parallel_loop3A_226, %iota3A : vector<16xi32>
          %parallel_loop3A_228 = arith.constant 1 : i32
          %parallel_loop3A_229 = arith.constant 0 : i32
          %parallel_loop3A_230 = arith.constant 0 : i32
          %parallel_loop3A_231 = tpu.memref_slice %arg7[%parallel_loop3A_228, %parallel_loop3A_229, %parallel_loop3A_230] : memref<3x128x64xf32, #tpu.memory_space<vmem>> -> memref<1x128x64xf32, #tpu.memory_space<vmem>>
          %parallel_loop3A_232 = tpu.memref_squeeze %parallel_loop3A_231 : memref<1x128x64xf32, #tpu.memory_space<vmem>> -> memref<128x64xf32, #tpu.memory_space<vmem>>
          %parallel_loop3A_233 = tpu.vector_load_idx %parallel_loop3A_232[%parallel_loop3A_227, %parallel_loop3A_218] : memref<128x64xf32, #tpu.memory_space<vmem>>[vector<16xi32>, vector<16xi32>], vector<16xf32>,
          %parallel_loop3A_234 = arith.constant 1 : i32
          %parallel_loop3A_235 = arith.constant 0 : i32
          %parallel_loop3A_236 = arith.constant 0 : i32
          %parallel_loop3A_237 = arith.constant 0 : i32
          %parallel_loop3A_238 = tpu.memref_slice %arg8[%parallel_loop3A_234, %parallel_loop3A_235, %parallel_loop3A_236, %parallel_loop3A_237] : memref<3x8x8x128xf32, #tpu.memory_space<vmem>> -> memref<1x8x8x128xf32, #tpu.memory_space<vmem>>
          %parallel_loop3A_239 = tpu.memref_squeeze %parallel_loop3A_238 : memref<1x8x8x128xf32, #tpu.memory_space<vmem>> -> memref<8x8x128xf32, #tpu.memory_space<vmem>>
          tpu.vector_store_idx %parallel_loop3A_239[%parallel_loop3A_221, %parallel_loop3A_224, %parallel_loop3A_227], %parallel_loop3A_233 : memref<8x8x128xf32, #tpu.memory_space<vmem>>[vector<16xi32>, vector<16xi32>, vector<16xi32>], vector<16xf32>,
          %parallel_loop3A_240 = arith.constant 16 : i32
          %parallel_loop3A_241 = vector.broadcast %parallel_loop3A_240 : i32 to vector<16xi32>
          %parallel_loop3A_242 = arith.addi %parallel_loop3A_241, %iota3A : vector<16xi32>
          %parallel_loop3A_243 = arith.constant 1 : i32
          %parallel_loop3A_244 = arith.constant 0 : i32
          %parallel_loop3A_245 = arith.constant 0 : i32
          %parallel_loop3A_246 = tpu.memref_slice %arg7[%parallel_loop3A_243, %parallel_loop3A_244, %parallel_loop3A_245] : memref<3x128x64xf32, #tpu.memory_space<vmem>> -> memref<1x128x64xf32, #tpu.memory_space<vmem>>
          %parallel_loop3A_247 = tpu.memref_squeeze %parallel_loop3A_246 : memref<1x128x64xf32, #tpu.memory_space<vmem>> -> memref<128x64xf32, #tpu.memory_space<vmem>>
          %parallel_loop3A_248 = tpu.vector_load_idx %parallel_loop3A_247[%parallel_loop3A_242, %parallel_loop3A_218] : memref<128x64xf32, #tpu.memory_space<vmem>>[vector<16xi32>, vector<16xi32>], vector<16xf32>,
          %parallel_loop3A_249 = arith.constant 1 : i32
          %parallel_loop3A_250 = arith.constant 0 : i32
          %parallel_loop3A_251 = arith.constant 0 : i32
          %parallel_loop3A_252 = arith.constant 0 : i32
          %parallel_loop3A_253 = tpu.memref_slice %arg8[%parallel_loop3A_249, %parallel_loop3A_250, %parallel_loop3A_251, %parallel_loop3A_252] : memref<3x8x8x128xf32, #tpu.memory_space<vmem>> -> memref<1x8x8x128xf32, #tpu.memory_space<vmem>>
          %parallel_loop3A_254 = tpu.memref_squeeze %parallel_loop3A_253 : memref<1x8x8x128xf32, #tpu.memory_space<vmem>> -> memref<8x8x128xf32, #tpu.memory_space<vmem>>
          tpu.vector_store_idx %parallel_loop3A_254[%parallel_loop3A_221, %parallel_loop3A_224, %parallel_loop3A_242], %parallel_loop3A_248 : memref<8x8x128xf32, #tpu.memory_space<vmem>>[vector<16xi32>, vector<16xi32>, vector<16xi32>], vector<16xf32>,
          %parallel_loop3A_255 = arith.constant 32 : i32
          %parallel_loop3A_256 = vector.broadcast %parallel_loop3A_255 : i32 to vector<16xi32>
          %parallel_loop3A_257 = arith.addi %parallel_loop3A_256, %iota3A : vector<16xi32>
          %parallel_loop3A_258 = arith.constant 1 : i32
          %parallel_loop3A_259 = arith.constant 0 : i32
          %parallel_loop3A_260 = arith.constant 0 : i32
          %parallel_loop3A_261 = tpu.memref_slice %arg7[%parallel_loop3A_258, %parallel_loop3A_259, %parallel_loop3A_260] : memref<3x128x64xf32, #tpu.memory_space<vmem>> -> memref<1x128x64xf32, #tpu.memory_space<vmem>>
          %parallel_loop3A_262 = tpu.memref_squeeze %parallel_loop3A_261 : memref<1x128x64xf32, #tpu.memory_space<vmem>> -> memref<128x64xf32, #tpu.memory_space<vmem>>
          %parallel_loop3A_263 = tpu.vector_load_idx %parallel_loop3A_262[%parallel_loop3A_257, %parallel_loop3A_218] : memref<128x64xf32, #tpu.memory_space<vmem>>[vector<16xi32>, vector<16xi32>], vector<16xf32>,
          %parallel_loop3A_264 = arith.constant 1 : i32
          %parallel_loop3A_265 = arith.constant 0 : i32
          %parallel_loop3A_266 = arith.constant 0 : i32
          %parallel_loop3A_267 = arith.constant 0 : i32
          %parallel_loop3A_268 = tpu.memref_slice %arg8[%parallel_loop3A_264, %parallel_loop3A_265, %parallel_loop3A_266, %parallel_loop3A_267] : memref<3x8x8x128xf32, #tpu.memory_space<vmem>> -> memref<1x8x8x128xf32, #tpu.memory_space<vmem>>
          %parallel_loop3A_269 = tpu.memref_squeeze %parallel_loop3A_268 : memref<1x8x8x128xf32, #tpu.memory_space<vmem>> -> memref<8x8x128xf32, #tpu.memory_space<vmem>>
          tpu.vector_store_idx %parallel_loop3A_269[%parallel_loop3A_221, %parallel_loop3A_224, %parallel_loop3A_257], %parallel_loop3A_263 : memref<8x8x128xf32, #tpu.memory_space<vmem>>[vector<16xi32>, vector<16xi32>, vector<16xi32>], vector<16xf32>,
          %parallel_loop3A_270 = arith.constant 48 : i32
          %parallel_loop3A_271 = vector.broadcast %parallel_loop3A_270 : i32 to vector<16xi32>
          %parallel_loop3A_272 = arith.addi %parallel_loop3A_271, %iota3A : vector<16xi32>
          %parallel_loop3A_273 = arith.constant 1 : i32
          %parallel_loop3A_274 = arith.constant 0 : i32
          %parallel_loop3A_275 = arith.constant 0 : i32
          %parallel_loop3A_276 = tpu.memref_slice %arg7[%parallel_loop3A_273, %parallel_loop3A_274, %parallel_loop3A_275] : memref<3x128x64xf32, #tpu.memory_space<vmem>> -> memref<1x128x64xf32, #tpu.memory_space<vmem>>
          %parallel_loop3A_277 = tpu.memref_squeeze %parallel_loop3A_276 : memref<1x128x64xf32, #tpu.memory_space<vmem>> -> memref<128x64xf32, #tpu.memory_space<vmem>>
          %parallel_loop3A_278 = tpu.vector_load_idx %parallel_loop3A_277[%parallel_loop3A_272, %parallel_loop3A_218] : memref<128x64xf32, #tpu.memory_space<vmem>>[vector<16xi32>, vector<16xi32>], vector<16xf32>,
          %parallel_loop3A_279 = arith.constant 1 : i32
          %parallel_loop3A_280 = arith.constant 0 : i32
          %parallel_loop3A_281 = arith.constant 0 : i32
          %parallel_loop3A_282 = arith.constant 0 : i32
          %parallel_loop3A_283 = tpu.memref_slice %arg8[%parallel_loop3A_279, %parallel_loop3A_280, %parallel_loop3A_281, %parallel_loop3A_282] : memref<3x8x8x128xf32, #tpu.memory_space<vmem>> -> memref<1x8x8x128xf32, #tpu.memory_space<vmem>>
          %parallel_loop3A_284 = tpu.memref_squeeze %parallel_loop3A_283 : memref<1x8x8x128xf32, #tpu.memory_space<vmem>> -> memref<8x8x128xf32, #tpu.memory_space<vmem>>
          tpu.vector_store_idx %parallel_loop3A_284[%parallel_loop3A_221, %parallel_loop3A_224, %parallel_loop3A_272], %parallel_loop3A_278 : memref<8x8x128xf32, #tpu.memory_space<vmem>>[vector<16xi32>, vector<16xi32>, vector<16xi32>], vector<16xf32>,
          %parallel_loop3A_285 = arith.constant 64 : i32
          %parallel_loop3A_286 = vector.broadcast %parallel_loop3A_285 : i32 to vector<16xi32>
          %parallel_loop3A_287 = arith.addi %parallel_loop3A_286, %iota3A : vector<16xi32>
          %parallel_loop3A_288 = arith.constant 1 : i32
          %parallel_loop3A_289 = arith.constant 0 : i32
          %parallel_loop3A_290 = arith.constant 0 : i32
          %parallel_loop3A_291 = tpu.memref_slice %arg7[%parallel_loop3A_288, %parallel_loop3A_289, %parallel_loop3A_290] : memref<3x128x64xf32, #tpu.memory_space<vmem>> -> memref<1x128x64xf32, #tpu.memory_space<vmem>>
          %parallel_loop3A_292 = tpu.memref_squeeze %parallel_loop3A_291 : memref<1x128x64xf32, #tpu.memory_space<vmem>> -> memref<128x64xf32, #tpu.memory_space<vmem>>
          %parallel_loop3A_293 = tpu.vector_load_idx %parallel_loop3A_292[%parallel_loop3A_287, %parallel_loop3A_218] : memref<128x64xf32, #tpu.memory_space<vmem>>[vector<16xi32>, vector<16xi32>], vector<16xf32>,
          %parallel_loop3A_294 = arith.constant 1 : i32
          %parallel_loop3A_295 = arith.constant 0 : i32
          %parallel_loop3A_296 = arith.constant 0 : i32
          %parallel_loop3A_297 = arith.constant 0 : i32
          %parallel_loop3A_298 = tpu.memref_slice %arg8[%parallel_loop3A_294, %parallel_loop3A_295, %parallel_loop3A_296, %parallel_loop3A_297] : memref<3x8x8x128xf32, #tpu.memory_space<vmem>> -> memref<1x8x8x128xf32, #tpu.memory_space<vmem>>
          %parallel_loop3A_299 = tpu.memref_squeeze %parallel_loop3A_298 : memref<1x8x8x128xf32, #tpu.memory_space<vmem>> -> memref<8x8x128xf32, #tpu.memory_space<vmem>>
          tpu.vector_store_idx %parallel_loop3A_299[%parallel_loop3A_221, %parallel_loop3A_224, %parallel_loop3A_287], %parallel_loop3A_293 : memref<8x8x128xf32, #tpu.memory_space<vmem>>[vector<16xi32>, vector<16xi32>, vector<16xi32>], vector<16xf32>,
          %parallel_loop3A_300 = arith.constant 80 : i32
          %parallel_loop3A_301 = vector.broadcast %parallel_loop3A_300 : i32 to vector<16xi32>
          %parallel_loop3A_302 = arith.addi %parallel_loop3A_301, %iota3A : vector<16xi32>
          %parallel_loop3A_303 = arith.constant 1 : i32
          %parallel_loop3A_304 = arith.constant 0 : i32
          %parallel_loop3A_305 = arith.constant 0 : i32
          %parallel_loop3A_306 = tpu.memref_slice %arg7[%parallel_loop3A_303, %parallel_loop3A_304, %parallel_loop3A_305] : memref<3x128x64xf32, #tpu.memory_space<vmem>> -> memref<1x128x64xf32, #tpu.memory_space<vmem>>
          %parallel_loop3A_307 = tpu.memref_squeeze %parallel_loop3A_306 : memref<1x128x64xf32, #tpu.memory_space<vmem>> -> memref<128x64xf32, #tpu.memory_space<vmem>>
          %parallel_loop3A_308 = tpu.vector_load_idx %parallel_loop3A_307[%parallel_loop3A_302, %parallel_loop3A_218] : memref<128x64xf32, #tpu.memory_space<vmem>>[vector<16xi32>, vector<16xi32>], vector<16xf32>,
          %parallel_loop3A_309 = arith.constant 1 : i32
          %parallel_loop3A_310 = arith.constant 0 : i32
          %parallel_loop3A_311 = arith.constant 0 : i32
          %parallel_loop3A_312 = arith.constant 0 : i32
          %parallel_loop3A_313 = tpu.memref_slice %arg8[%parallel_loop3A_309, %parallel_loop3A_310, %parallel_loop3A_311, %parallel_loop3A_312] : memref<3x8x8x128xf32, #tpu.memory_space<vmem>> -> memref<1x8x8x128xf32, #tpu.memory_space<vmem>>
          %parallel_loop3A_314 = tpu.memref_squeeze %parallel_loop3A_313 : memref<1x8x8x128xf32, #tpu.memory_space<vmem>> -> memref<8x8x128xf32, #tpu.memory_space<vmem>>
          tpu.vector_store_idx %parallel_loop3A_314[%parallel_loop3A_221, %parallel_loop3A_224, %parallel_loop3A_302], %parallel_loop3A_308 : memref<8x8x128xf32, #tpu.memory_space<vmem>>[vector<16xi32>, vector<16xi32>, vector<16xi32>], vector<16xf32>,
          %parallel_loop3A_315 = arith.constant 96 : i32
          %parallel_loop3A_316 = vector.broadcast %parallel_loop3A_315 : i32 to vector<16xi32>
          %parallel_loop3A_317 = arith.addi %parallel_loop3A_316, %iota3A : vector<16xi32>
          %parallel_loop3A_318 = arith.constant 1 : i32
          %parallel_loop3A_319 = arith.constant 0 : i32
          %parallel_loop3A_320 = arith.constant 0 : i32
          %parallel_loop3A_321 = tpu.memref_slice %arg7[%parallel_loop3A_318, %parallel_loop3A_319, %parallel_loop3A_320] : memref<3x128x64xf32, #tpu.memory_space<vmem>> -> memref<1x128x64xf32, #tpu.memory_space<vmem>>
          %parallel_loop3A_322 = tpu.memref_squeeze %parallel_loop3A_321 : memref<1x128x64xf32, #tpu.memory_space<vmem>> -> memref<128x64xf32, #tpu.memory_space<vmem>>
          %parallel_loop3A_323 = tpu.vector_load_idx %parallel_loop3A_322[%parallel_loop3A_317, %parallel_loop3A_218] : memref<128x64xf32, #tpu.memory_space<vmem>>[vector<16xi32>, vector<16xi32>], vector<16xf32>,
          %parallel_loop3A_324 = arith.constant 1 : i32
          %parallel_loop3A_325 = arith.constant 0 : i32
          %parallel_loop3A_326 = arith.constant 0 : i32
          %parallel_loop3A_327 = arith.constant 0 : i32
          %parallel_loop3A_328 = tpu.memref_slice %arg8[%parallel_loop3A_324, %parallel_loop3A_325, %parallel_loop3A_326, %parallel_loop3A_327] : memref<3x8x8x128xf32, #tpu.memory_space<vmem>> -> memref<1x8x8x128xf32, #tpu.memory_space<vmem>>
          %parallel_loop3A_329 = tpu.memref_squeeze %parallel_loop3A_328 : memref<1x8x8x128xf32, #tpu.memory_space<vmem>> -> memref<8x8x128xf32, #tpu.memory_space<vmem>>
          tpu.vector_store_idx %parallel_loop3A_329[%parallel_loop3A_221, %parallel_loop3A_224, %parallel_loop3A_317], %parallel_loop3A_323 : memref<8x8x128xf32, #tpu.memory_space<vmem>>[vector<16xi32>, vector<16xi32>, vector<16xi32>], vector<16xf32>,
          %parallel_loop3A_330 = arith.constant 112 : i32
          %parallel_loop3A_331 = vector.broadcast %parallel_loop3A_330 : i32 to vector<16xi32>
          %parallel_loop3A_332 = arith.addi %parallel_loop3A_331, %iota3A : vector<16xi32>
          %parallel_loop3A_333 = arith.constant 1 : i32
          %parallel_loop3A_334 = arith.constant 0 : i32
          %parallel_loop3A_335 = arith.constant 0 : i32
          %parallel_loop3A_336 = tpu.memref_slice %arg7[%parallel_loop3A_333, %parallel_loop3A_334, %parallel_loop3A_335] : memref<3x128x64xf32, #tpu.memory_space<vmem>> -> memref<1x128x64xf32, #tpu.memory_space<vmem>>
          %parallel_loop3A_337 = tpu.memref_squeeze %parallel_loop3A_336 : memref<1x128x64xf32, #tpu.memory_space<vmem>> -> memref<128x64xf32, #tpu.memory_space<vmem>>
          %parallel_loop3A_338 = tpu.vector_load_idx %parallel_loop3A_337[%parallel_loop3A_332, %parallel_loop3A_218] : memref<128x64xf32, #tpu.memory_space<vmem>>[vector<16xi32>, vector<16xi32>], vector<16xf32>,
          %parallel_loop3A_339 = arith.constant 1 : i32
          %parallel_loop3A_340 = arith.constant 0 : i32
          %parallel_loop3A_341 = arith.constant 0 : i32
          %parallel_loop3A_342 = arith.constant 0 : i32
          %parallel_loop3A_343 = tpu.memref_slice %arg8[%parallel_loop3A_339, %parallel_loop3A_340, %parallel_loop3A_341, %parallel_loop3A_342] : memref<3x8x8x128xf32, #tpu.memory_space<vmem>> -> memref<1x8x8x128xf32, #tpu.memory_space<vmem>>
          %parallel_loop3A_344 = tpu.memref_squeeze %parallel_loop3A_343 : memref<1x8x8x128xf32, #tpu.memory_space<vmem>> -> memref<8x8x128xf32, #tpu.memory_space<vmem>>
          tpu.vector_store_idx %parallel_loop3A_344[%parallel_loop3A_221, %parallel_loop3A_224, %parallel_loop3A_332], %parallel_loop3A_338 : memref<8x8x128xf32, #tpu.memory_space<vmem>>[vector<16xi32>, vector<16xi32>, vector<16xi32>], vector<16xf32>,
        } {sc.loop_unroll_factor = 4 : i64, sc.parallel_access}
        %add3A_178 = arith.constant 3 : i32
        %add3A_179 = arith.addi %add3A_141, %add3A_178 : i32
        %lt3A_180 = arith.constant 200 : i32
        %lt3A_181 = arith.cmpi slt, %add3A_179, %lt3A_180 : i32
        %convert_element_type3A_182 = arith.extui %lt3A_181 : i1 to i32
        %cond3A_183 = arith.constant 0 : i32
        %cond3A_184 = arith.cmpi ne, %convert_element_type3A_182, %cond3A_183 : i32
        scf.if %cond3A_184 {
          %add3A_209 = arith.constant 3 : i32
          %add3A_210 = arith.addi %add3A_141, %add3A_209 : i32
          %dma_start3A_211 = arith.constant 1 : i32
          %dma_start3A_212 = arith.constant 1 : i32
          %dma_start3A_213 = arith.constant 0 : i32
          %dma_start3A_214 = arith.constant 0 : i32
          %dma_start3A_215 = tpu.memref_slice %arg7[%dma_start3A_211, %dma_start3A_213, %dma_start3A_214] : memref<3x128x64xf32, #tpu.memory_space<vmem>> -> memref<1x128x64xf32, #tpu.memory_space<vmem>>
          %dma_start3A_216 = tpu.memref_squeeze %dma_start3A_215 : memref<1x128x64xf32, #tpu.memory_space<vmem>> -> memref<128x64xf32, #tpu.memory_space<vmem>>
          %dma_start3A_217 = arith.constant 0 : i32
          %dma_start3A_218 = tpu.memref_slice %arg6[%add3A_210, %dma_start3A_217] : memref<200x128xi32, #tpu.memory_space<vmem>> -> memref<1x128xi32, #tpu.memory_space<vmem>>
          %dma_start3A_219 = tpu.memref_squeeze %dma_start3A_218 : memref<1x128xi32, #tpu.memory_space<vmem>> -> memref<128xi32, #tpu.memory_space<vmem>>
          %dma_start3A_220 = arith.constant 0 : i32
          %dma_start3A_221 = arith.constant 0 : i32
          %dma_start3A_222 = tpu.memref_slice %arg3[%dma_start3A_220, %dma_start3A_221] : memref<1000064x64xf32, #tpu.memory_space<hbm>> -> memref<1000064x64xf32, #tpu.memory_space<hbm>>
          %dma_start3A_223 = tpu.memref_slice %arg9[%dma_start3A_212] : memref<3x!tpu.dma_semaphore, #tpu.memory_space<semaphore_mem>> -> memref<1x!tpu.dma_semaphore, #tpu.memory_space<semaphore_mem>>
          %dma_start3A_224 = tpu.memref_squeeze %dma_start3A_223 : memref<1x!tpu.dma_semaphore, #tpu.memory_space<semaphore_mem>> -> memref<!tpu.dma_semaphore, #tpu.memory_space<semaphore_mem>>
          tpu.enqueue_indirect_dma source(%dma_start3A_222 : memref<1000064x64xf32, #tpu.memory_space<hbm>>) target(%dma_start3A_216 : memref<128x64xf32, #tpu.memory_space<vmem>>) offsets(%dma_start3A_219 : memref<128xi32, #tpu.memory_space<vmem>>) semaphore(%dma_start3A_224 : memref<!tpu.dma_semaphore, #tpu.memory_space<semaphore_mem>>)
        } else {
        }
        %dma_start3A_185 = arith.constant 1 : i32
        %dma_start3A_186 = arith.constant 1 : i32
        %dma_start3A_187 = arith.constant 0 : i32
        %dma_start3A_188 = arith.constant 0 : i32
        %dma_start3A_189 = arith.constant 0 : i32
        %dma_start3A_190 = tpu.memref_slice %arg8[%dma_start3A_185, %dma_start3A_187, %dma_start3A_188, %dma_start3A_189] : memref<3x8x8x128xf32, #tpu.memory_space<vmem>> -> memref<1x8x8x128xf32, #tpu.memory_space<vmem>>
        %dma_start3A_191 = tpu.memref_squeeze %dma_start3A_190 : memref<1x8x8x128xf32, #tpu.memory_space<vmem>> -> memref<8x8x128xf32, #tpu.memory_space<vmem>>
        %dma_start3A_192 = arith.constant 0 : i32
        %dma_start3A_193 = arith.constant 0 : i32
        %dma_start3A_194 = arith.constant 0 : i32
        %dma_start3A_195 = tpu.memref_slice %arg4[%add3A_141, %dma_start3A_192, %add3A, %dma_start3A_193, %dma_start3A_194] : memref<200x8x32x8x128xf32, #tpu.memory_space<hbm>> -> memref<1x8x1x8x128xf32, #tpu.memory_space<hbm>>
        %dma_start3A_196 = tpu.memref_squeeze %dma_start3A_195 : memref<1x8x1x8x128xf32, #tpu.memory_space<hbm>> -> memref<8x8x128xf32, #tpu.memory_space<hbm>>
        %dma_start3A_197 = tpu.memref_slice %arg10[%dma_start3A_186] : memref<3x!tpu.dma_semaphore, #tpu.memory_space<semaphore_mem>> -> memref<1x!tpu.dma_semaphore, #tpu.memory_space<semaphore_mem>>
        %dma_start3A_198 = tpu.memref_squeeze %dma_start3A_197 : memref<1x!tpu.dma_semaphore, #tpu.memory_space<semaphore_mem>> -> memref<!tpu.dma_semaphore, #tpu.memory_space<semaphore_mem>>
        %dma_start3A_199 = arith.constant 0 : i32
        %dma_start3A_200 = arith.constant 0 : i32
        %dma_start3A_201 = arith.constant 0 : i32
        %dma_start3A_202 = tpu.memref_slice %arg4[%add3A_141, %dma_start3A_199, %add3A, %dma_start3A_200, %dma_start3A_201] : memref<200x8x32x8x128xf32, #tpu.memory_space<hbm>> -> memref<1x8x1x8x128xf32, #tpu.memory_space<hbm>>
        %dma_start3A_203 = tpu.memref_squeeze %dma_start3A_202 : memref<1x8x1x8x128xf32, #tpu.memory_space<hbm>> -> memref<8x8x128xf32, #tpu.memory_space<hbm>>
        %dma_start3A_204 = arith.constant 0 : i32
        %dma_start3A_205 = arith.constant 0 : i32
        %dma_start3A_206 = arith.constant 0 : i32
        %dma_start3A_207 = tpu.memref_slice %arg8[%dma_start3A_185, %dma_start3A_204, %dma_start3A_205, %dma_start3A_206] : memref<3x8x8x128xf32, #tpu.memory_space<vmem>> -> memref<1x8x8x128xf32, #tpu.memory_space<vmem>>
        %dma_start3A_208 = tpu.memref_squeeze %dma_start3A_207 : memref<1x8x8x128xf32, #tpu.memory_space<vmem>> -> memref<8x8x128xf32, #tpu.memory_space<vmem>>
        tpu.enqueue_dma source(%dma_start3A_208 : memref<8x8x128xf32, #tpu.memory_space<vmem>>) target(%dma_start3A_203 : memref<8x8x128xf32, #tpu.memory_space<hbm>>) target_semaphore(%dma_start3A_198 : memref<!tpu.dma_semaphore, #tpu.memory_space<semaphore_mem>>)
      } else {
      }
      %mul3A_147 = arith.constant 3 : i32
      %mul3A_148 = arith.muli %scan3A_131, %mul3A_147 : i32
      %add3A_149 = arith.constant 2 : i32
      %add3A_150 = arith.addi %mul3A_148, %add3A_149 : i32
      %lt3A_151 = arith.constant 200 : i32
      %lt3A_152 = arith.cmpi slt, %add3A_150, %lt3A_151 : i32
      %convert_element_type3A_153 = arith.extui %lt3A_152 : i1 to i32
      %cond3A_154 = arith.constant 0 : i32
      %cond3A_155 = arith.cmpi ne, %convert_element_type3A_153, %cond3A_154 : i32
      scf.if %cond3A_155 {
        %dma_wait3A_156 = arith.constant 0 : i32
        %dma_wait3A_157 = arith.constant 2 : i32
        %dma_wait3A_158 = arith.constant 2 : i32
        %dma_wait3A_159 = arith.constant 0 : i32
        %dma_wait3A_160 = arith.constant 0 : i32
        %dma_wait3A_161 = tpu.memref_slice %arg7[%dma_wait3A_157, %dma_wait3A_159, %dma_wait3A_160] : memref<3x128x64xf32, #tpu.memory_space<vmem>> -> memref<1x128x64xf32, #tpu.memory_space<vmem>>
        %dma_wait3A_162 = tpu.memref_squeeze %dma_wait3A_161 : memref<1x128x64xf32, #tpu.memory_space<vmem>> -> memref<128x64xf32, #tpu.memory_space<vmem>>
        %dma_wait3A_163 = arith.constant 0 : i32
        %dma_wait3A_164 = tpu.memref_slice %arg6[%dma_wait3A_156, %dma_wait3A_163] : memref<200x128xi32, #tpu.memory_space<vmem>> -> memref<1x128xi32, #tpu.memory_space<vmem>>
        %dma_wait3A_165 = tpu.memref_squeeze %dma_wait3A_164 : memref<1x128xi32, #tpu.memory_space<vmem>> -> memref<128xi32, #tpu.memory_space<vmem>>
        %dma_wait3A_166 = arith.constant 0 : i32
        %dma_wait3A_167 = arith.constant 0 : i32
        %dma_wait3A_168 = tpu.memref_slice %arg3[%dma_wait3A_166, %dma_wait3A_167] : memref<1000064x64xf32, #tpu.memory_space<hbm>> -> memref<1000064x64xf32, #tpu.memory_space<hbm>>
        %dma_wait3A_169 = tpu.memref_slice %arg9[%dma_wait3A_158] : memref<3x!tpu.dma_semaphore, #tpu.memory_space<semaphore_mem>> -> memref<1x!tpu.dma_semaphore, #tpu.memory_space<semaphore_mem>>
        %dma_wait3A_170 = tpu.memref_squeeze %dma_wait3A_169 : memref<1x!tpu.dma_semaphore, #tpu.memory_space<semaphore_mem>> -> memref<!tpu.dma_semaphore, #tpu.memory_space<semaphore_mem>>
        tpu.wait_indirect_dma semaphore(%dma_wait3A_170 : memref<!tpu.dma_semaphore, #tpu.memory_space<semaphore_mem>>) src(%dma_wait3A_168 : memref<1000064x64xf32, #tpu.memory_space<hbm>>) dst(%dma_wait3A_162 : memref<128x64xf32, #tpu.memory_space<vmem>>)
        %ge3A = arith.constant 3 : i32
        %ge3A_171 = arith.cmpi sge, %add3A_150, %ge3A : i32
        %convert_element_type3A_172 = arith.extui %ge3A_171 : i1 to i32
        %cond3A_173 = arith.constant 0 : i32
        %cond3A_174 = arith.cmpi ne, %convert_element_type3A_172, %cond3A_173 : i32
        scf.if %cond3A_174 {
          %dma_wait3A_209 = arith.constant 2 : i32
          %dma_wait3A_210 = arith.constant 0 : i32
          %dma_wait3A_211 = arith.constant 0 : i32
          %dma_wait3A_212 = arith.constant 2 : i32
          %dma_wait3A_213 = arith.constant 0 : i32
          %dma_wait3A_214 = arith.constant 0 : i32
          %dma_wait3A_215 = arith.constant 0 : i32
          %dma_wait3A_216 = tpu.memref_slice %arg8[%dma_wait3A_209, %dma_wait3A_213, %dma_wait3A_214, %dma_wait3A_215] : memref<3x8x8x128xf32, #tpu.memory_space<vmem>> -> memref<1x8x8x128xf32, #tpu.memory_space<vmem>>
          %dma_wait3A_217 = tpu.memref_squeeze %dma_wait3A_216 : memref<1x8x8x128xf32, #tpu.memory_space<vmem>> -> memref<8x8x128xf32, #tpu.memory_space<vmem>>
          %dma_wait3A_218 = arith.constant 0 : i32
          %dma_wait3A_219 = arith.constant 0 : i32
          %dma_wait3A_220 = arith.constant 0 : i32
          %dma_wait3A_221 = tpu.memref_slice %arg4[%dma_wait3A_210, %dma_wait3A_218, %dma_wait3A_211, %dma_wait3A_219, %dma_wait3A_220] : memref<200x8x32x8x128xf32, #tpu.memory_space<hbm>> -> memref<1x8x1x8x128xf32, #tpu.memory_space<hbm>>
          %dma_wait3A_222 = tpu.memref_squeeze %dma_wait3A_221 : memref<1x8x1x8x128xf32, #tpu.memory_space<hbm>> -> memref<8x8x128xf32, #tpu.memory_space<hbm>>
          %dma_wait3A_223 = tpu.memref_slice %arg10[%dma_wait3A_212] : memref<3x!tpu.dma_semaphore, #tpu.memory_space<semaphore_mem>> -> memref<1x!tpu.dma_semaphore, #tpu.memory_space<semaphore_mem>>
          %dma_wait3A_224 = tpu.memref_squeeze %dma_wait3A_223 : memref<1x!tpu.dma_semaphore, #tpu.memory_space<semaphore_mem>> -> memref<!tpu.dma_semaphore, #tpu.memory_space<semaphore_mem>>
          %dma_wait3A_225 = arith.constant 0 : i32
          %dma_wait3A_226 = arith.constant 0 : i32
          %dma_wait3A_227 = arith.constant 0 : i32
          %dma_wait3A_228 = tpu.memref_slice %arg4[%dma_wait3A_210, %dma_wait3A_225, %dma_wait3A_211, %dma_wait3A_226, %dma_wait3A_227] : memref<200x8x32x8x128xf32, #tpu.memory_space<hbm>> -> memref<1x8x1x8x128xf32, #tpu.memory_space<hbm>>
          %dma_wait3A_229 = tpu.memref_squeeze %dma_wait3A_228 : memref<1x8x1x8x128xf32, #tpu.memory_space<hbm>> -> memref<8x8x128xf32, #tpu.memory_space<hbm>>
          %dma_wait3A_230 = arith.constant 0 : i32
          %dma_wait3A_231 = arith.constant 0 : i32
          %dma_wait3A_232 = arith.constant 0 : i32
          %dma_wait3A_233 = tpu.memref_slice %arg8[%dma_wait3A_209, %dma_wait3A_230, %dma_wait3A_231, %dma_wait3A_232] : memref<3x8x8x128xf32, #tpu.memory_space<vmem>> -> memref<1x8x8x128xf32, #tpu.memory_space<vmem>>
          %dma_wait3A_234 = tpu.memref_squeeze %dma_wait3A_233 : memref<1x8x8x128xf32, #tpu.memory_space<vmem>> -> memref<8x8x128xf32, #tpu.memory_space<vmem>>
          tpu.wait_dma2 semaphore(%dma_wait3A_224 : memref<!tpu.dma_semaphore, #tpu.memory_space<semaphore_mem>>) src(%dma_wait3A_234 : memref<8x8x128xf32, #tpu.memory_space<vmem>>) dst(%dma_wait3A_229 : memref<8x8x128xf32, #tpu.memory_space<hbm>>)
        } else {
        }
        %parallel_loop3A_175 = arith.constant 0 : i32
        %parallel_loop3A_176 = arith.constant 64 : i32
        %parallel_loop3A_177 = arith.constant 1 : i32
        scf.for %parallel_loop3A_209 = %parallel_loop3A_175 to %parallel_loop3A_176 step %parallel_loop3A_177  : i32 {
          %parallel_loop3A_210 = vector.broadcast %parallel_loop3A_209 : i32 to vector<16xi32>
          %parallel_loop3A_211 = arith.addi %parallel_loop3A_210, %iota3A : vector<16xi32>
          %parallel_loop3A_212 = arith.constant 64 : i32
          %parallel_loop3A_213 = vector.broadcast %parallel_loop3A_212 : i32 to vector<16xi32>
          %parallel_loop3A_214 = arith.cmpi sge, %parallel_loop3A_211, %parallel_loop3A_213 : vector<16xi32>
          %parallel_loop3A_215 = arith.constant 64 : i32
          %parallel_loop3A_216 = vector.broadcast %parallel_loop3A_215 : i32 to vector<16xi32>
          %parallel_loop3A_217 = arith.subi %parallel_loop3A_211, %parallel_loop3A_216 : vector<16xi32>
          %parallel_loop3A_218 = arith.select %parallel_loop3A_214, %parallel_loop3A_217, %parallel_loop3A_211 : vector<16xi1>, vector<16xi32>
          %parallel_loop3A_219 = arith.constant 3 : i32
          %parallel_loop3A_220 = vector.broadcast %parallel_loop3A_219 : i32 to vector<16xi32>
          %parallel_loop3A_221 = arith.shrui %parallel_loop3A_218, %parallel_loop3A_220 : vector<16xi32>
          %parallel_loop3A_222 = arith.constant 7 : i32
          %parallel_loop3A_223 = vector.broadcast %parallel_loop3A_222 : i32 to vector<16xi32>
          %parallel_loop3A_224 = arith.andi %parallel_loop3A_218, %parallel_loop3A_223 : vector<16xi32>
          %parallel_loop3A_225 = arith.constant 0 : i32
          %parallel_loop3A_226 = vector.broadcast %parallel_loop3A_225 : i32 to vector<16xi32>
          %parallel_loop3A_227 = arith.addi %parallel_loop3A_226, %iota3A : vector<16xi32>
          %parallel_loop3A_228 = arith.constant 2 : i32
          %parallel_loop3A_229 = arith.constant 0 : i32
          %parallel_loop3A_230 = arith.constant 0 : i32
          %parallel_loop3A_231 = tpu.memref_slice %arg7[%parallel_loop3A_228, %parallel_loop3A_229, %parallel_loop3A_230] : memref<3x128x64xf32, #tpu.memory_space<vmem>> -> memref<1x128x64xf32, #tpu.memory_space<vmem>>
          %parallel_loop3A_232 = tpu.memref_squeeze %parallel_loop3A_231 : memref<1x128x64xf32, #tpu.memory_space<vmem>> -> memref<128x64xf32, #tpu.memory_space<vmem>>
          %parallel_loop3A_233 = tpu.vector_load_idx %parallel_loop3A_232[%parallel_loop3A_227, %parallel_loop3A_218] : memref<128x64xf32, #tpu.memory_space<vmem>>[vector<16xi32>, vector<16xi32>], vector<16xf32>,
          %parallel_loop3A_234 = arith.constant 2 : i32
          %parallel_loop3A_235 = arith.constant 0 : i32
          %parallel_loop3A_236 = arith.constant 0 : i32
          %parallel_loop3A_237 = arith.constant 0 : i32
          %parallel_loop3A_238 = tpu.memref_slice %arg8[%parallel_loop3A_234, %parallel_loop3A_235, %parallel_loop3A_236, %parallel_loop3A_237] : memref<3x8x8x128xf32, #tpu.memory_space<vmem>> -> memref<1x8x8x128xf32, #tpu.memory_space<vmem>>
          %parallel_loop3A_239 = tpu.memref_squeeze %parallel_loop3A_238 : memref<1x8x8x128xf32, #tpu.memory_space<vmem>> -> memref<8x8x128xf32, #tpu.memory_space<vmem>>
          tpu.vector_store_idx %parallel_loop3A_239[%parallel_loop3A_221, %parallel_loop3A_224, %parallel_loop3A_227], %parallel_loop3A_233 : memref<8x8x128xf32, #tpu.memory_space<vmem>>[vector<16xi32>, vector<16xi32>, vector<16xi32>], vector<16xf32>,
          %parallel_loop3A_240 = arith.constant 16 : i32
          %parallel_loop3A_241 = vector.broadcast %parallel_loop3A_240 : i32 to vector<16xi32>
          %parallel_loop3A_242 = arith.addi %parallel_loop3A_241, %iota3A : vector<16xi32>
          %parallel_loop3A_243 = arith.constant 2 : i32
          %parallel_loop3A_244 = arith.constant 0 : i32
          %parallel_loop3A_245 = arith.constant 0 : i32
          %parallel_loop3A_246 = tpu.memref_slice %arg7[%parallel_loop3A_243, %parallel_loop3A_244, %parallel_loop3A_245] : memref<3x128x64xf32, #tpu.memory_space<vmem>> -> memref<1x128x64xf32, #tpu.memory_space<vmem>>
          %parallel_loop3A_247 = tpu.memref_squeeze %parallel_loop3A_246 : memref<1x128x64xf32, #tpu.memory_space<vmem>> -> memref<128x64xf32, #tpu.memory_space<vmem>>
          %parallel_loop3A_248 = tpu.vector_load_idx %parallel_loop3A_247[%parallel_loop3A_242, %parallel_loop3A_218] : memref<128x64xf32, #tpu.memory_space<vmem>>[vector<16xi32>, vector<16xi32>], vector<16xf32>,
          %parallel_loop3A_249 = arith.constant 2 : i32
          %parallel_loop3A_250 = arith.constant 0 : i32
          %parallel_loop3A_251 = arith.constant 0 : i32
          %parallel_loop3A_252 = arith.constant 0 : i32
          %parallel_loop3A_253 = tpu.memref_slice %arg8[%parallel_loop3A_249, %parallel_loop3A_250, %parallel_loop3A_251, %parallel_loop3A_252] : memref<3x8x8x128xf32, #tpu.memory_space<vmem>> -> memref<1x8x8x128xf32, #tpu.memory_space<vmem>>
          %parallel_loop3A_254 = tpu.memref_squeeze %parallel_loop3A_253 : memref<1x8x8x128xf32, #tpu.memory_space<vmem>> -> memref<8x8x128xf32, #tpu.memory_space<vmem>>
          tpu.vector_store_idx %parallel_loop3A_254[%parallel_loop3A_221, %parallel_loop3A_224, %parallel_loop3A_242], %parallel_loop3A_248 : memref<8x8x128xf32, #tpu.memory_space<vmem>>[vector<16xi32>, vector<16xi32>, vector<16xi32>], vector<16xf32>,
          %parallel_loop3A_255 = arith.constant 32 : i32
          %parallel_loop3A_256 = vector.broadcast %parallel_loop3A_255 : i32 to vector<16xi32>
          %parallel_loop3A_257 = arith.addi %parallel_loop3A_256, %iota3A : vector<16xi32>
          %parallel_loop3A_258 = arith.constant 2 : i32
          %parallel_loop3A_259 = arith.constant 0 : i32
          %parallel_loop3A_260 = arith.constant 0 : i32
          %parallel_loop3A_261 = tpu.memref_slice %arg7[%parallel_loop3A_258, %parallel_loop3A_259, %parallel_loop3A_260] : memref<3x128x64xf32, #tpu.memory_space<vmem>> -> memref<1x128x64xf32, #tpu.memory_space<vmem>>
          %parallel_loop3A_262 = tpu.memref_squeeze %parallel_loop3A_261 : memref<1x128x64xf32, #tpu.memory_space<vmem>> -> memref<128x64xf32, #tpu.memory_space<vmem>>
          %parallel_loop3A_263 = tpu.vector_load_idx %parallel_loop3A_262[%parallel_loop3A_257, %parallel_loop3A_218] : memref<128x64xf32, #tpu.memory_space<vmem>>[vector<16xi32>, vector<16xi32>], vector<16xf32>,
          %parallel_loop3A_264 = arith.constant 2 : i32
          %parallel_loop3A_265 = arith.constant 0 : i32
          %parallel_loop3A_266 = arith.constant 0 : i32
          %parallel_loop3A_267 = arith.constant 0 : i32
          %parallel_loop3A_268 = tpu.memref_slice %arg8[%parallel_loop3A_264, %parallel_loop3A_265, %parallel_loop3A_266, %parallel_loop3A_267] : memref<3x8x8x128xf32, #tpu.memory_space<vmem>> -> memref<1x8x8x128xf32, #tpu.memory_space<vmem>>
          %parallel_loop3A_269 = tpu.memref_squeeze %parallel_loop3A_268 : memref<1x8x8x128xf32, #tpu.memory_space<vmem>> -> memref<8x8x128xf32, #tpu.memory_space<vmem>>
          tpu.vector_store_idx %parallel_loop3A_269[%parallel_loop3A_221, %parallel_loop3A_224, %parallel_loop3A_257], %parallel_loop3A_263 : memref<8x8x128xf32, #tpu.memory_space<vmem>>[vector<16xi32>, vector<16xi32>, vector<16xi32>], vector<16xf32>,
          %parallel_loop3A_270 = arith.constant 48 : i32
          %parallel_loop3A_271 = vector.broadcast %parallel_loop3A_270 : i32 to vector<16xi32>
          %parallel_loop3A_272 = arith.addi %parallel_loop3A_271, %iota3A : vector<16xi32>
          %parallel_loop3A_273 = arith.constant 2 : i32
          %parallel_loop3A_274 = arith.constant 0 : i32
          %parallel_loop3A_275 = arith.constant 0 : i32
          %parallel_loop3A_276 = tpu.memref_slice %arg7[%parallel_loop3A_273, %parallel_loop3A_274, %parallel_loop3A_275] : memref<3x128x64xf32, #tpu.memory_space<vmem>> -> memref<1x128x64xf32, #tpu.memory_space<vmem>>
          %parallel_loop3A_277 = tpu.memref_squeeze %parallel_loop3A_276 : memref<1x128x64xf32, #tpu.memory_space<vmem>> -> memref<128x64xf32, #tpu.memory_space<vmem>>
          %parallel_loop3A_278 = tpu.vector_load_idx %parallel_loop3A_277[%parallel_loop3A_272, %parallel_loop3A_218] : memref<128x64xf32, #tpu.memory_space<vmem>>[vector<16xi32>, vector<16xi32>], vector<16xf32>,
          %parallel_loop3A_279 = arith.constant 2 : i32
          %parallel_loop3A_280 = arith.constant 0 : i32
          %parallel_loop3A_281 = arith.constant 0 : i32
          %parallel_loop3A_282 = arith.constant 0 : i32
          %parallel_loop3A_283 = tpu.memref_slice %arg8[%parallel_loop3A_279, %parallel_loop3A_280, %parallel_loop3A_281, %parallel_loop3A_282] : memref<3x8x8x128xf32, #tpu.memory_space<vmem>> -> memref<1x8x8x128xf32, #tpu.memory_space<vmem>>
          %parallel_loop3A_284 = tpu.memref_squeeze %parallel_loop3A_283 : memref<1x8x8x128xf32, #tpu.memory_space<vmem>> -> memref<8x8x128xf32, #tpu.memory_space<vmem>>
          tpu.vector_store_idx %parallel_loop3A_284[%parallel_loop3A_221, %parallel_loop3A_224, %parallel_loop3A_272], %parallel_loop3A_278 : memref<8x8x128xf32, #tpu.memory_space<vmem>>[vector<16xi32>, vector<16xi32>, vector<16xi32>], vector<16xf32>,
          %parallel_loop3A_285 = arith.constant 64 : i32
          %parallel_loop3A_286 = vector.broadcast %parallel_loop3A_285 : i32 to vector<16xi32>
          %parallel_loop3A_287 = arith.addi %parallel_loop3A_286, %iota3A : vector<16xi32>
          %parallel_loop3A_288 = arith.constant 2 : i32
          %parallel_loop3A_289 = arith.constant 0 : i32
          %parallel_loop3A_290 = arith.constant 0 : i32
          %parallel_loop3A_291 = tpu.memref_slice %arg7[%parallel_loop3A_288, %parallel_loop3A_289, %parallel_loop3A_290] : memref<3x128x64xf32, #tpu.memory_space<vmem>> -> memref<1x128x64xf32, #tpu.memory_space<vmem>>
          %parallel_loop3A_292 = tpu.memref_squeeze %parallel_loop3A_291 : memref<1x128x64xf32, #tpu.memory_space<vmem>> -> memref<128x64xf32, #tpu.memory_space<vmem>>
          %parallel_loop3A_293 = tpu.vector_load_idx %parallel_loop3A_292[%parallel_loop3A_287, %parallel_loop3A_218] : memref<128x64xf32, #tpu.memory_space<vmem>>[vector<16xi32>, vector<16xi32>], vector<16xf32>,
          %parallel_loop3A_294 = arith.constant 2 : i32
          %parallel_loop3A_295 = arith.constant 0 : i32
          %parallel_loop3A_296 = arith.constant 0 : i32
          %parallel_loop3A_297 = arith.constant 0 : i32
          %parallel_loop3A_298 = tpu.memref_slice %arg8[%parallel_loop3A_294, %parallel_loop3A_295, %parallel_loop3A_296, %parallel_loop3A_297] : memref<3x8x8x128xf32, #tpu.memory_space<vmem>> -> memref<1x8x8x128xf32, #tpu.memory_space<vmem>>
          %parallel_loop3A_299 = tpu.memref_squeeze %parallel_loop3A_298 : memref<1x8x8x128xf32, #tpu.memory_space<vmem>> -> memref<8x8x128xf32, #tpu.memory_space<vmem>>
          tpu.vector_store_idx %parallel_loop3A_299[%parallel_loop3A_221, %parallel_loop3A_224, %parallel_loop3A_287], %parallel_loop3A_293 : memref<8x8x128xf32, #tpu.memory_space<vmem>>[vector<16xi32>, vector<16xi32>, vector<16xi32>], vector<16xf32>,
          %parallel_loop3A_300 = arith.constant 80 : i32
          %parallel_loop3A_301 = vector.broadcast %parallel_loop3A_300 : i32 to vector<16xi32>
          %parallel_loop3A_302 = arith.addi %parallel_loop3A_301, %iota3A : vector<16xi32>
          %parallel_loop3A_303 = arith.constant 2 : i32
          %parallel_loop3A_304 = arith.constant 0 : i32
          %parallel_loop3A_305 = arith.constant 0 : i32
          %parallel_loop3A_306 = tpu.memref_slice %arg7[%parallel_loop3A_303, %parallel_loop3A_304, %parallel_loop3A_305] : memref<3x128x64xf32, #tpu.memory_space<vmem>> -> memref<1x128x64xf32, #tpu.memory_space<vmem>>
          %parallel_loop3A_307 = tpu.memref_squeeze %parallel_loop3A_306 : memref<1x128x64xf32, #tpu.memory_space<vmem>> -> memref<128x64xf32, #tpu.memory_space<vmem>>
          %parallel_loop3A_308 = tpu.vector_load_idx %parallel_loop3A_307[%parallel_loop3A_302, %parallel_loop3A_218] : memref<128x64xf32, #tpu.memory_space<vmem>>[vector<16xi32>, vector<16xi32>], vector<16xf32>,
          %parallel_loop3A_309 = arith.constant 2 : i32
          %parallel_loop3A_310 = arith.constant 0 : i32
          %parallel_loop3A_311 = arith.constant 0 : i32
          %parallel_loop3A_312 = arith.constant 0 : i32
          %parallel_loop3A_313 = tpu.memref_slice %arg8[%parallel_loop3A_309, %parallel_loop3A_310, %parallel_loop3A_311, %parallel_loop3A_312] : memref<3x8x8x128xf32, #tpu.memory_space<vmem>> -> memref<1x8x8x128xf32, #tpu.memory_space<vmem>>
          %parallel_loop3A_314 = tpu.memref_squeeze %parallel_loop3A_313 : memref<1x8x8x128xf32, #tpu.memory_space<vmem>> -> memref<8x8x128xf32, #tpu.memory_space<vmem>>
          tpu.vector_store_idx %parallel_loop3A_314[%parallel_loop3A_221, %parallel_loop3A_224, %parallel_loop3A_302], %parallel_loop3A_308 : memref<8x8x128xf32, #tpu.memory_space<vmem>>[vector<16xi32>, vector<16xi32>, vector<16xi32>], vector<16xf32>,
          %parallel_loop3A_315 = arith.constant 96 : i32
          %parallel_loop3A_316 = vector.broadcast %parallel_loop3A_315 : i32 to vector<16xi32>
          %parallel_loop3A_317 = arith.addi %parallel_loop3A_316, %iota3A : vector<16xi32>
          %parallel_loop3A_318 = arith.constant 2 : i32
          %parallel_loop3A_319 = arith.constant 0 : i32
          %parallel_loop3A_320 = arith.constant 0 : i32
          %parallel_loop3A_321 = tpu.memref_slice %arg7[%parallel_loop3A_318, %parallel_loop3A_319, %parallel_loop3A_320] : memref<3x128x64xf32, #tpu.memory_space<vmem>> -> memref<1x128x64xf32, #tpu.memory_space<vmem>>
          %parallel_loop3A_322 = tpu.memref_squeeze %parallel_loop3A_321 : memref<1x128x64xf32, #tpu.memory_space<vmem>> -> memref<128x64xf32, #tpu.memory_space<vmem>>
          %parallel_loop3A_323 = tpu.vector_load_idx %parallel_loop3A_322[%parallel_loop3A_317, %parallel_loop3A_218] : memref<128x64xf32, #tpu.memory_space<vmem>>[vector<16xi32>, vector<16xi32>], vector<16xf32>,
          %parallel_loop3A_324 = arith.constant 2 : i32
          %parallel_loop3A_325 = arith.constant 0 : i32
          %parallel_loop3A_326 = arith.constant 0 : i32
          %parallel_loop3A_327 = arith.constant 0 : i32
          %parallel_loop3A_328 = tpu.memref_slice %arg8[%parallel_loop3A_324, %parallel_loop3A_325, %parallel_loop3A_326, %parallel_loop3A_327] : memref<3x8x8x128xf32, #tpu.memory_space<vmem>> -> memref<1x8x8x128xf32, #tpu.memory_space<vmem>>
          %parallel_loop3A_329 = tpu.memref_squeeze %parallel_loop3A_328 : memref<1x8x8x128xf32, #tpu.memory_space<vmem>> -> memref<8x8x128xf32, #tpu.memory_space<vmem>>
          tpu.vector_store_idx %parallel_loop3A_329[%parallel_loop3A_221, %parallel_loop3A_224, %parallel_loop3A_317], %parallel_loop3A_323 : memref<8x8x128xf32, #tpu.memory_space<vmem>>[vector<16xi32>, vector<16xi32>, vector<16xi32>], vector<16xf32>,
          %parallel_loop3A_330 = arith.constant 112 : i32
          %parallel_loop3A_331 = vector.broadcast %parallel_loop3A_330 : i32 to vector<16xi32>
          %parallel_loop3A_332 = arith.addi %parallel_loop3A_331, %iota3A : vector<16xi32>
          %parallel_loop3A_333 = arith.constant 2 : i32
          %parallel_loop3A_334 = arith.constant 0 : i32
          %parallel_loop3A_335 = arith.constant 0 : i32
          %parallel_loop3A_336 = tpu.memref_slice %arg7[%parallel_loop3A_333, %parallel_loop3A_334, %parallel_loop3A_335] : memref<3x128x64xf32, #tpu.memory_space<vmem>> -> memref<1x128x64xf32, #tpu.memory_space<vmem>>
          %parallel_loop3A_337 = tpu.memref_squeeze %parallel_loop3A_336 : memref<1x128x64xf32, #tpu.memory_space<vmem>> -> memref<128x64xf32, #tpu.memory_space<vmem>>
          %parallel_loop3A_338 = tpu.vector_load_idx %parallel_loop3A_337[%parallel_loop3A_332, %parallel_loop3A_218] : memref<128x64xf32, #tpu.memory_space<vmem>>[vector<16xi32>, vector<16xi32>], vector<16xf32>,
          %parallel_loop3A_339 = arith.constant 2 : i32
          %parallel_loop3A_340 = arith.constant 0 : i32
          %parallel_loop3A_341 = arith.constant 0 : i32
          %parallel_loop3A_342 = arith.constant 0 : i32
          %parallel_loop3A_343 = tpu.memref_slice %arg8[%parallel_loop3A_339, %parallel_loop3A_340, %parallel_loop3A_341, %parallel_loop3A_342] : memref<3x8x8x128xf32, #tpu.memory_space<vmem>> -> memref<1x8x8x128xf32, #tpu.memory_space<vmem>>
          %parallel_loop3A_344 = tpu.memref_squeeze %parallel_loop3A_343 : memref<1x8x8x128xf32, #tpu.memory_space<vmem>> -> memref<8x8x128xf32, #tpu.memory_space<vmem>>
          tpu.vector_store_idx %parallel_loop3A_344[%parallel_loop3A_221, %parallel_loop3A_224, %parallel_loop3A_332], %parallel_loop3A_338 : memref<8x8x128xf32, #tpu.memory_space<vmem>>[vector<16xi32>, vector<16xi32>, vector<16xi32>], vector<16xf32>,
        } {sc.loop_unroll_factor = 4 : i64, sc.parallel_access}
        %add3A_178 = arith.constant 3 : i32
        %add3A_179 = arith.addi %add3A_150, %add3A_178 : i32
        %lt3A_180 = arith.constant 200 : i32
        %lt3A_181 = arith.cmpi slt, %add3A_179, %lt3A_180 : i32
        %convert_element_type3A_182 = arith.extui %lt3A_181 : i1 to i32
        %cond3A_183 = arith.constant 0 : i32
        %cond3A_184 = arith.cmpi ne, %convert_element_type3A_182, %cond3A_183 : i32
        scf.if %cond3A_184 {
          %add3A_209 = arith.constant 3 : i32
          %add3A_210 = arith.addi %add3A_150, %add3A_209 : i32
          %dma_start3A_211 = arith.constant 2 : i32
          %dma_start3A_212 = arith.constant 2 : i32
          %dma_start3A_213 = arith.constant 0 : i32
          %dma_start3A_214 = arith.constant 0 : i32
          %dma_start3A_215 = tpu.memref_slice %arg7[%dma_start3A_211, %dma_start3A_213, %dma_start3A_214] : memref<3x128x64xf32, #tpu.memory_space<vmem>> -> memref<1x128x64xf32, #tpu.memory_space<vmem>>
          %dma_start3A_216 = tpu.memref_squeeze %dma_start3A_215 : memref<1x128x64xf32, #tpu.memory_space<vmem>> -> memref<128x64xf32, #tpu.memory_space<vmem>>
          %dma_start3A_217 = arith.constant 0 : i32
          %dma_start3A_218 = tpu.memref_slice %arg6[%add3A_210, %dma_start3A_217] : memref<200x128xi32, #tpu.memory_space<vmem>> -> memref<1x128xi32, #tpu.memory_space<vmem>>
          %dma_start3A_219 = tpu.memref_squeeze %dma_start3A_218 : memref<1x128xi32, #tpu.memory_space<vmem>> -> memref<128xi32, #tpu.memory_space<vmem>>
          %dma_start3A_220 = arith.constant 0 : i32
          %dma_start3A_221 = arith.constant 0 : i32
          %dma_start3A_222 = tpu.memref_slice %arg3[%dma_start3A_220, %dma_start3A_221] : memref<1000064x64xf32, #tpu.memory_space<hbm>> -> memref<1000064x64xf32, #tpu.memory_space<hbm>>
          %dma_start3A_223 = tpu.memref_slice %arg9[%dma_start3A_212] : memref<3x!tpu.dma_semaphore, #tpu.memory_space<semaphore_mem>> -> memref<1x!tpu.dma_semaphore, #tpu.memory_space<semaphore_mem>>
          %dma_start3A_224 = tpu.memref_squeeze %dma_start3A_223 : memref<1x!tpu.dma_semaphore, #tpu.memory_space<semaphore_mem>> -> memref<!tpu.dma_semaphore, #tpu.memory_space<semaphore_mem>>
          tpu.enqueue_indirect_dma source(%dma_start3A_222 : memref<1000064x64xf32, #tpu.memory_space<hbm>>) target(%dma_start3A_216 : memref<128x64xf32, #tpu.memory_space<vmem>>) offsets(%dma_start3A_219 : memref<128xi32, #tpu.memory_space<vmem>>) semaphore(%dma_start3A_224 : memref<!tpu.dma_semaphore, #tpu.memory_space<semaphore_mem>>)
        } else {
        }
        %dma_start3A_185 = arith.constant 2 : i32
        %dma_start3A_186 = arith.constant 2 : i32
        %dma_start3A_187 = arith.constant 0 : i32
        %dma_start3A_188 = arith.constant 0 : i32
        %dma_start3A_189 = arith.constant 0 : i32
        %dma_start3A_190 = tpu.memref_slice %arg8[%dma_start3A_185, %dma_start3A_187, %dma_start3A_188, %dma_start3A_189] : memref<3x8x8x128xf32, #tpu.memory_space<vmem>> -> memref<1x8x8x128xf32, #tpu.memory_space<vmem>>
        %dma_start3A_191 = tpu.memref_squeeze %dma_start3A_190 : memref<1x8x8x128xf32, #tpu.memory_space<vmem>> -> memref<8x8x128xf32, #tpu.memory_space<vmem>>
        %dma_start3A_192 = arith.constant 0 : i32
        %dma_start3A_193 = arith.constant 0 : i32
        %dma_start3A_194 = arith.constant 0 : i32
        %dma_start3A_195 = tpu.memref_slice %arg4[%add3A_150, %dma_start3A_192, %add3A, %dma_start3A_193, %dma_start3A_194] : memref<200x8x32x8x128xf32, #tpu.memory_space<hbm>> -> memref<1x8x1x8x128xf32, #tpu.memory_space<hbm>>
        %dma_start3A_196 = tpu.memref_squeeze %dma_start3A_195 : memref<1x8x1x8x128xf32, #tpu.memory_space<hbm>> -> memref<8x8x128xf32, #tpu.memory_space<hbm>>
        %dma_start3A_197 = tpu.memref_slice %arg10[%dma_start3A_186] : memref<3x!tpu.dma_semaphore, #tpu.memory_space<semaphore_mem>> -> memref<1x!tpu.dma_semaphore, #tpu.memory_space<semaphore_mem>>
        %dma_start3A_198 = tpu.memref_squeeze %dma_start3A_197 : memref<1x!tpu.dma_semaphore, #tpu.memory_space<semaphore_mem>> -> memref<!tpu.dma_semaphore, #tpu.memory_space<semaphore_mem>>
        %dma_start3A_199 = arith.constant 0 : i32
        %dma_start3A_200 = arith.constant 0 : i32
        %dma_start3A_201 = arith.constant 0 : i32
        %dma_start3A_202 = tpu.memref_slice %arg4[%add3A_150, %dma_start3A_199, %add3A, %dma_start3A_200, %dma_start3A_201] : memref<200x8x32x8x128xf32, #tpu.memory_space<hbm>> -> memref<1x8x1x8x128xf32, #tpu.memory_space<hbm>>
        %dma_start3A_203 = tpu.memref_squeeze %dma_start3A_202 : memref<1x8x1x8x128xf32, #tpu.memory_space<hbm>> -> memref<8x8x128xf32, #tpu.memory_space<hbm>>
        %dma_start3A_204 = arith.constant 0 : i32
        %dma_start3A_205 = arith.constant 0 : i32
        %dma_start3A_206 = arith.constant 0 : i32
        %dma_start3A_207 = tpu.memref_slice %arg8[%dma_start3A_185, %dma_start3A_204, %dma_start3A_205, %dma_start3A_206] : memref<3x8x8x128xf32, #tpu.memory_space<vmem>> -> memref<1x8x8x128xf32, #tpu.memory_space<vmem>>
        %dma_start3A_208 = tpu.memref_squeeze %dma_start3A_207 : memref<1x8x8x128xf32, #tpu.memory_space<vmem>> -> memref<8x8x128xf32, #tpu.memory_space<vmem>>
        tpu.enqueue_dma source(%dma_start3A_208 : memref<8x8x128xf32, #tpu.memory_space<vmem>>) target(%dma_start3A_203 : memref<8x8x128xf32, #tpu.memory_space<hbm>>) target_semaphore(%dma_start3A_198 : memref<!tpu.dma_semaphore, #tpu.memory_space<semaphore_mem>>)
      } else {
      }
    }
    %scan3A_53 = arith.constant 67 : i32
    %dma_wait3A = arith.constant 0 : i32
    %dma_wait3A_54 = arith.constant 0 : i32
    %dma_wait3A_55 = arith.constant 0 : i32
    %dma_wait3A_56 = arith.constant 0 : i32
    %dma_wait3A_57 = arith.constant 0 : i32
    %dma_wait3A_58 = arith.constant 0 : i32
    %dma_wait3A_59 = arith.constant 0 : i32
    %dma_wait3A_60 = tpu.memref_slice %arg8[%dma_wait3A, %dma_wait3A_57, %dma_wait3A_58, %dma_wait3A_59] : memref<3x8x8x128xf32, #tpu.memory_space<vmem>> -> memref<1x8x8x128xf32, #tpu.memory_space<vmem>>
    %dma_wait3A_61 = tpu.memref_squeeze %dma_wait3A_60 : memref<1x8x8x128xf32, #tpu.memory_space<vmem>> -> memref<8x8x128xf32, #tpu.memory_space<vmem>>
    %dma_wait3A_62 = arith.constant 0 : i32
    %dma_wait3A_63 = arith.constant 0 : i32
    %dma_wait3A_64 = arith.constant 0 : i32
    %dma_wait3A_65 = tpu.memref_slice %arg4[%dma_wait3A_54, %dma_wait3A_62, %dma_wait3A_55, %dma_wait3A_63, %dma_wait3A_64] : memref<200x8x32x8x128xf32, #tpu.memory_space<hbm>> -> memref<1x8x1x8x128xf32, #tpu.memory_space<hbm>>
    %dma_wait3A_66 = tpu.memref_squeeze %dma_wait3A_65 : memref<1x8x1x8x128xf32, #tpu.memory_space<hbm>> -> memref<8x8x128xf32, #tpu.memory_space<hbm>>
    %dma_wait3A_67 = tpu.memref_slice %arg10[%dma_wait3A_56] : memref<3x!tpu.dma_semaphore, #tpu.memory_space<semaphore_mem>> -> memref<1x!tpu.dma_semaphore, #tpu.memory_space<semaphore_mem>>
    %dma_wait3A_68 = tpu.memref_squeeze %dma_wait3A_67 : memref<1x!tpu.dma_semaphore, #tpu.memory_space<semaphore_mem>> -> memref<!tpu.dma_semaphore, #tpu.memory_space<semaphore_mem>>
    %dma_wait3A_69 = arith.constant 0 : i32
    %dma_wait3A_70 = arith.constant 0 : i32
    %dma_wait3A_71 = arith.constant 0 : i32
    %dma_wait3A_72 = tpu.memref_slice %arg4[%dma_wait3A_54, %dma_wait3A_69, %dma_wait3A_55, %dma_wait3A_70, %dma_wait3A_71] : memref<200x8x32x8x128xf32, #tpu.memory_space<hbm>> -> memref<1x8x1x8x128xf32, #tpu.memory_space<hbm>>
    %dma_wait3A_73 = tpu.memref_squeeze %dma_wait3A_72 : memref<1x8x1x8x128xf32, #tpu.memory_space<hbm>> -> memref<8x8x128xf32, #tpu.memory_space<hbm>>
    %dma_wait3A_74 = arith.constant 0 : i32
    %dma_wait3A_75 = arith.constant 0 : i32
    %dma_wait3A_76 = arith.constant 0 : i32
    %dma_wait3A_77 = tpu.memref_slice %arg8[%dma_wait3A, %dma_wait3A_74, %dma_wait3A_75, %dma_wait3A_76] : memref<3x8x8x128xf32, #tpu.memory_space<vmem>> -> memref<1x8x8x128xf32, #tpu.memory_space<vmem>>
    %dma_wait3A_78 = tpu.memref_squeeze %dma_wait3A_77 : memref<1x8x8x128xf32, #tpu.memory_space<vmem>> -> memref<8x8x128xf32, #tpu.memory_space<vmem>>
    tpu.wait_dma2 semaphore(%dma_wait3A_68 : memref<!tpu.dma_semaphore, #tpu.memory_space<semaphore_mem>>) src(%dma_wait3A_78 : memref<8x8x128xf32, #tpu.memory_space<vmem>>) dst(%dma_wait3A_73 : memref<8x8x128xf32, #tpu.memory_space<hbm>>)
    %dma_wait3A_79 = arith.constant 1 : i32
    %dma_wait3A_80 = arith.constant 0 : i32
    %dma_wait3A_81 = arith.constant 0 : i32
    %dma_wait3A_82 = arith.constant 1 : i32
    %dma_wait3A_83 = arith.constant 0 : i32
    %dma_wait3A_84 = arith.constant 0 : i32
    %dma_wait3A_85 = arith.constant 0 : i32
    %dma_wait3A_86 = tpu.memref_slice %arg8[%dma_wait3A_79, %dma_wait3A_83, %dma_wait3A_84, %dma_wait3A_85] : memref<3x8x8x128xf32, #tpu.memory_space<vmem>> -> memref<1x8x8x128xf32, #tpu.memory_space<vmem>>
    %dma_wait3A_87 = tpu.memref_squeeze %dma_wait3A_86 : memref<1x8x8x128xf32, #tpu.memory_space<vmem>> -> memref<8x8x128xf32, #tpu.memory_space<vmem>>
    %dma_wait3A_88 = arith.constant 0 : i32
    %dma_wait3A_89 = arith.constant 0 : i32
    %dma_wait3A_90 = arith.constant 0 : i32
    %dma_wait3A_91 = tpu.memref_slice %arg4[%dma_wait3A_80, %dma_wait3A_88, %dma_wait3A_81, %dma_wait3A_89, %dma_wait3A_90] : memref<200x8x32x8x128xf32, #tpu.memory_space<hbm>> -> memref<1x8x1x8x128xf32, #tpu.memory_space<hbm>>
    %dma_wait3A_92 = tpu.memref_squeeze %dma_wait3A_91 : memref<1x8x1x8x128xf32, #tpu.memory_space<hbm>> -> memref<8x8x128xf32, #tpu.memory_space<hbm>>
    %dma_wait3A_93 = tpu.memref_slice %arg10[%dma_wait3A_82] : memref<3x!tpu.dma_semaphore, #tpu.memory_space<semaphore_mem>> -> memref<1x!tpu.dma_semaphore, #tpu.memory_space<semaphore_mem>>
    %dma_wait3A_94 = tpu.memref_squeeze %dma_wait3A_93 : memref<1x!tpu.dma_semaphore, #tpu.memory_space<semaphore_mem>> -> memref<!tpu.dma_semaphore, #tpu.memory_space<semaphore_mem>>
    %dma_wait3A_95 = arith.constant 0 : i32
    %dma_wait3A_96 = arith.constant 0 : i32
    %dma_wait3A_97 = arith.constant 0 : i32
    %dma_wait3A_98 = tpu.memref_slice %arg4[%dma_wait3A_80, %dma_wait3A_95, %dma_wait3A_81, %dma_wait3A_96, %dma_wait3A_97] : memref<200x8x32x8x128xf32, #tpu.memory_space<hbm>> -> memref<1x8x1x8x128xf32, #tpu.memory_space<hbm>>
    %dma_wait3A_99 = tpu.memref_squeeze %dma_wait3A_98 : memref<1x8x1x8x128xf32, #tpu.memory_space<hbm>> -> memref<8x8x128xf32, #tpu.memory_space<hbm>>
    %dma_wait3A_100 = arith.constant 0 : i32
    %dma_wait3A_101 = arith.constant 0 : i32
    %dma_wait3A_102 = arith.constant 0 : i32
    %dma_wait3A_103 = tpu.memref_slice %arg8[%dma_wait3A_79, %dma_wait3A_100, %dma_wait3A_101, %dma_wait3A_102] : memref<3x8x8x128xf32, #tpu.memory_space<vmem>> -> memref<1x8x8x128xf32, #tpu.memory_space<vmem>>
    %dma_wait3A_104 = tpu.memref_squeeze %dma_wait3A_103 : memref<1x8x8x128xf32, #tpu.memory_space<vmem>> -> memref<8x8x128xf32, #tpu.memory_space<vmem>>
    tpu.wait_dma2 semaphore(%dma_wait3A_94 : memref<!tpu.dma_semaphore, #tpu.memory_space<semaphore_mem>>) src(%dma_wait3A_104 : memref<8x8x128xf32, #tpu.memory_space<vmem>>) dst(%dma_wait3A_99 : memref<8x8x128xf32, #tpu.memory_space<hbm>>)
    %dma_wait3A_105 = arith.constant 2 : i32
    %dma_wait3A_106 = arith.constant 0 : i32
    %dma_wait3A_107 = arith.constant 0 : i32
    %dma_wait3A_108 = arith.constant 2 : i32
    %dma_wait3A_109 = arith.constant 0 : i32
    %dma_wait3A_110 = arith.constant 0 : i32
    %dma_wait3A_111 = arith.constant 0 : i32
    %dma_wait3A_112 = tpu.memref_slice %arg8[%dma_wait3A_105, %dma_wait3A_109, %dma_wait3A_110, %dma_wait3A_111] : memref<3x8x8x128xf32, #tpu.memory_space<vmem>> -> memref<1x8x8x128xf32, #tpu.memory_space<vmem>>
    %dma_wait3A_113 = tpu.memref_squeeze %dma_wait3A_112 : memref<1x8x8x128xf32, #tpu.memory_space<vmem>> -> memref<8x8x128xf32, #tpu.memory_space<vmem>>
    %dma_wait3A_114 = arith.constant 0 : i32
    %dma_wait3A_115 = arith.constant 0 : i32
    %dma_wait3A_116 = arith.constant 0 : i32
    %dma_wait3A_117 = tpu.memref_slice %arg4[%dma_wait3A_106, %dma_wait3A_114, %dma_wait3A_107, %dma_wait3A_115, %dma_wait3A_116] : memref<200x8x32x8x128xf32, #tpu.memory_space<hbm>> -> memref<1x8x1x8x128xf32, #tpu.memory_space<hbm>>
    %dma_wait3A_118 = tpu.memref_squeeze %dma_wait3A_117 : memref<1x8x1x8x128xf32, #tpu.memory_space<hbm>> -> memref<8x8x128xf32, #tpu.memory_space<hbm>>
    %dma_wait3A_119 = tpu.memref_slice %arg10[%dma_wait3A_108] : memref<3x!tpu.dma_semaphore, #tpu.memory_space<semaphore_mem>> -> memref<1x!tpu.dma_semaphore, #tpu.memory_space<semaphore_mem>>
    %dma_wait3A_120 = tpu.memref_squeeze %dma_wait3A_119 : memref<1x!tpu.dma_semaphore, #tpu.memory_space<semaphore_mem>> -> memref<!tpu.dma_semaphore, #tpu.memory_space<semaphore_mem>>
    %dma_wait3A_121 = arith.constant 0 : i32
    %dma_wait3A_122 = arith.constant 0 : i32
    %dma_wait3A_123 = arith.constant 0 : i32
    %dma_wait3A_124 = tpu.memref_slice %arg4[%dma_wait3A_106, %dma_wait3A_121, %dma_wait3A_107, %dma_wait3A_122, %dma_wait3A_123] : memref<200x8x32x8x128xf32, #tpu.memory_space<hbm>> -> memref<1x8x1x8x128xf32, #tpu.memory_space<hbm>>
    %dma_wait3A_125 = tpu.memref_squeeze %dma_wait3A_124 : memref<1x8x1x8x128xf32, #tpu.memory_space<hbm>> -> memref<8x8x128xf32, #tpu.memory_space<hbm>>
    %dma_wait3A_126 = arith.constant 0 : i32
    %dma_wait3A_127 = arith.constant 0 : i32
    %dma_wait3A_128 = arith.constant 0 : i32
    %dma_wait3A_129 = tpu.memref_slice %arg8[%dma_wait3A_105, %dma_wait3A_126, %dma_wait3A_127, %dma_wait3A_128] : memref<3x8x8x128xf32, #tpu.memory_space<vmem>> -> memref<1x8x8x128xf32, #tpu.memory_space<vmem>>
    %dma_wait3A_130 = tpu.memref_squeeze %dma_wait3A_129 : memref<1x8x8x128xf32, #tpu.memory_space<vmem>> -> memref<8x8x128xf32, #tpu.memory_space<vmem>>
    tpu.wait_dma2 semaphore(%dma_wait3A_120 : memref<!tpu.dma_semaphore, #tpu.memory_space<semaphore_mem>>) src(%dma_wait3A_130 : memref<8x8x128xf32, #tpu.memory_space<vmem>>) dst(%dma_wait3A_125 : memref<8x8x128xf32, #tpu.memory_space<hbm>>)
    return
  }
}

#map = affine_map<(d0, d1) -> (0, 0)>
module attributes {stable_mosaic.version = 14 : i64} {
  func.func @_table_transpose(%arg0: i32, %arg1: i32, %arg2: memref<64x1000000xf32, #tpu.memory_space<hbm>>, %arg3: memref<64x64xf32, #tpu.memory_space<hbm>>, %arg4: memref<500032x128xf32, #tpu.memory_space<hbm>>, %arg5: memref<2x64x384xf32, #tpu.memory_space<vmem>>, %arg6: memref<2x192x128xf32, #tpu.memory_space<vmem>>, %arg7: memref<64x64xf32, #tpu.memory_space<vmem>>, %arg8: memref<2x!tpu.dma_semaphore, #tpu.memory_space<semaphore_mem>>, %arg9: memref<2x!tpu.dma_semaphore, #tpu.memory_space<semaphore_mem>>) attributes {dimension_semantics = [#tpu.dimension_semantics<core_parallel>, #tpu.dimension_semantics<subcore_parallel>], iteration_bounds = array<i64: 2, 16>, scalar_prefetch = 0 : i64, scratch_operands = 5 : i64, tpu.core_type = #tpu.core_type<sc_vector_subcore>, window_params = [{transform_indices = #map}, {transform_indices = #map}, {transform_indices = #map}]} {
    %mul3A = arith.constant 2 : i32
    %mul3A_0 = arith.muli %arg1, %mul3A : i32
    %add3A = arith.addi %mul3A_0, %arg0 : i32
    %mul3A_1 = arith.constant 82 : i32
    %mul3A_2 = arith.muli %add3A, %mul3A_1 : i32
    %iota3A = tpu.iota {dimensions = array<i32: 0>} : vector<16xi32>
    %add3A_3 = arith.constant 0 : i32
    %add3A_4 = vector.broadcast %add3A_3 : i32 to vector<16xi32>
    %add3A_5 = arith.addi %add3A_4, %iota3A : vector<16xi32>
    %add3A_6 = arith.constant 16 : i32
    %add3A_7 = vector.broadcast %add3A_6 : i32 to vector<16xi32>
    %add3A_8 = arith.addi %add3A_7, %iota3A : vector<16xi32>
    %add3A_9 = arith.constant 32 : i32
    %add3A_10 = vector.broadcast %add3A_9 : i32 to vector<16xi32>
    %add3A_11 = arith.addi %add3A_10, %iota3A : vector<16xi32>
    %add3A_12 = arith.constant 48 : i32
    %add3A_13 = vector.broadcast %add3A_12 : i32 to vector<16xi32>
    %add3A_14 = arith.addi %add3A_13, %iota3A : vector<16xi32>
    %add3A_15 = arith.constant 0 : i32
    %add3A_16 = arith.addi %mul3A_2, %add3A_15 : i32
    %lt3A = arith.constant 2604 : i32
    %lt3A_17 = arith.cmpi slt, %add3A_16, %lt3A : i32
    %and3A = arith.constant true
    %and3A_18 = arith.andi %and3A, %lt3A_17 : i1
    %convert_element_type3A = arith.extui %and3A_18 : i1 to i32
    %cond3A = arith.constant 0 : i32
    %cond3A_19 = arith.cmpi ne, %convert_element_type3A, %cond3A : i32
    scf.if %cond3A_19 {
      %mul3A_49 = arith.constant 384 : i32
      %mul3A_50 = arith.muli %add3A_16, %mul3A_49 : i32
      %dma_start3A = arith.constant 0 : i32
      %dma_start3A_51 = arith.constant 0 : i32
      %dma_start3A_52 = arith.constant 0 : i32
      %dma_start3A_53 = arith.constant 0 : i32
      %dma_start3A_54 = tpu.memref_slice %arg5[%dma_start3A, %dma_start3A_52, %dma_start3A_53] : memref<2x64x384xf32, #tpu.memory_space<vmem>> -> memref<1x64x384xf32, #tpu.memory_space<vmem>>
      %dma_start3A_55 = tpu.memref_squeeze %dma_start3A_54 : memref<1x64x384xf32, #tpu.memory_space<vmem>> -> memref<64x384xf32, #tpu.memory_space<vmem>>
      %dma_start3A_56 = arith.constant 0 : i32
      %dma_start3A_57 = tpu.memref_slice %arg2[%dma_start3A_56, %mul3A_50] : memref<64x1000000xf32, #tpu.memory_space<hbm>> -> memref<64x384xf32, #tpu.memory_space<hbm>>
      %dma_start3A_58 = tpu.memref_slice %arg8[%dma_start3A_51] : memref<2x!tpu.dma_semaphore, #tpu.memory_space<semaphore_mem>> -> memref<1x!tpu.dma_semaphore, #tpu.memory_space<semaphore_mem>>
      %dma_start3A_59 = tpu.memref_squeeze %dma_start3A_58 : memref<1x!tpu.dma_semaphore, #tpu.memory_space<semaphore_mem>> -> memref<!tpu.dma_semaphore, #tpu.memory_space<semaphore_mem>>
      %dma_start3A_60 = arith.constant 0 : i32
      %dma_start3A_61 = arith.constant 0 : i32
      %dma_start3A_62 = tpu.memref_slice %arg5[%dma_start3A, %dma_start3A_60, %dma_start3A_61] : memref<2x64x384xf32, #tpu.memory_space<vmem>> -> memref<1x64x384xf32, #tpu.memory_space<vmem>>
      %dma_start3A_63 = tpu.memref_squeeze %dma_start3A_62 : memref<1x64x384xf32, #tpu.memory_space<vmem>> -> memref<64x384xf32, #tpu.memory_space<vmem>>
      %dma_start3A_64 = arith.constant 0 : i32
      %dma_start3A_65 = tpu.memref_slice %arg2[%dma_start3A_64, %mul3A_50] : memref<64x1000000xf32, #tpu.memory_space<hbm>> -> memref<64x384xf32, #tpu.memory_space<hbm>>
      tpu.enqueue_dma source(%dma_start3A_65 : memref<64x384xf32, #tpu.memory_space<hbm>>) target(%dma_start3A_63 : memref<64x384xf32, #tpu.memory_space<vmem>>) target_semaphore(%dma_start3A_59 : memref<!tpu.dma_semaphore, #tpu.memory_space<semaphore_mem>>)
    } else {
    }
    %add3A_20 = arith.constant 1 : i32
    %add3A_21 = arith.addi %mul3A_2, %add3A_20 : i32
    %lt3A_22 = arith.constant 2604 : i32
    %lt3A_23 = arith.cmpi slt, %add3A_21, %lt3A_22 : i32
    %and3A_24 = arith.constant true
    %and3A_25 = arith.andi %and3A_24, %lt3A_23 : i1
    %convert_element_type3A_26 = arith.extui %and3A_25 : i1 to i32
    %cond3A_27 = arith.constant 0 : i32
    %cond3A_28 = arith.cmpi ne, %convert_element_type3A_26, %cond3A_27 : i32
    scf.if %cond3A_28 {
      %mul3A_49 = arith.constant 384 : i32
      %mul3A_50 = arith.muli %add3A_21, %mul3A_49 : i32
      %dma_start3A = arith.constant 1 : i32
      %dma_start3A_51 = arith.constant 1 : i32
      %dma_start3A_52 = arith.constant 0 : i32
      %dma_start3A_53 = arith.constant 0 : i32
      %dma_start3A_54 = tpu.memref_slice %arg5[%dma_start3A, %dma_start3A_52, %dma_start3A_53] : memref<2x64x384xf32, #tpu.memory_space<vmem>> -> memref<1x64x384xf32, #tpu.memory_space<vmem>>
      %dma_start3A_55 = tpu.memref_squeeze %dma_start3A_54 : memref<1x64x384xf32, #tpu.memory_space<vmem>> -> memref<64x384xf32, #tpu.memory_space<vmem>>
      %dma_start3A_56 = arith.constant 0 : i32
      %dma_start3A_57 = tpu.memref_slice %arg2[%dma_start3A_56, %mul3A_50] : memref<64x1000000xf32, #tpu.memory_space<hbm>> -> memref<64x384xf32, #tpu.memory_space<hbm>>
      %dma_start3A_58 = tpu.memref_slice %arg8[%dma_start3A_51] : memref<2x!tpu.dma_semaphore, #tpu.memory_space<semaphore_mem>> -> memref<1x!tpu.dma_semaphore, #tpu.memory_space<semaphore_mem>>
      %dma_start3A_59 = tpu.memref_squeeze %dma_start3A_58 : memref<1x!tpu.dma_semaphore, #tpu.memory_space<semaphore_mem>> -> memref<!tpu.dma_semaphore, #tpu.memory_space<semaphore_mem>>
      %dma_start3A_60 = arith.constant 0 : i32
      %dma_start3A_61 = arith.constant 0 : i32
      %dma_start3A_62 = tpu.memref_slice %arg5[%dma_start3A, %dma_start3A_60, %dma_start3A_61] : memref<2x64x384xf32, #tpu.memory_space<vmem>> -> memref<1x64x384xf32, #tpu.memory_space<vmem>>
      %dma_start3A_63 = tpu.memref_squeeze %dma_start3A_62 : memref<1x64x384xf32, #tpu.memory_space<vmem>> -> memref<64x384xf32, #tpu.memory_space<vmem>>
      %dma_start3A_64 = arith.constant 0 : i32
      %dma_start3A_65 = tpu.memref_slice %arg2[%dma_start3A_64, %mul3A_50] : memref<64x1000000xf32, #tpu.memory_space<hbm>> -> memref<64x384xf32, #tpu.memory_space<hbm>>
      tpu.enqueue_dma source(%dma_start3A_65 : memref<64x384xf32, #tpu.memory_space<hbm>>) target(%dma_start3A_63 : memref<64x384xf32, #tpu.memory_space<vmem>>) target_semaphore(%dma_start3A_59 : memref<!tpu.dma_semaphore, #tpu.memory_space<semaphore_mem>>)
    } else {
    }
    %scan3A = arith.constant 0 : i32
    %scan3A_29 = arith.constant 0 : i32
    %scan3A_30 = arith.constant 41 : i32
    %scan3A_31 = arith.addi %scan3A_29, %scan3A_30 : i32
    %scan3A_32 = arith.constant 1 : i32
    scf.for %scan3A_49 = %scan3A_29 to %scan3A_31 step %scan3A_32  : i32 {
      %mul3A_50 = arith.constant 2 : i32
      %mul3A_51 = arith.muli %scan3A_49, %mul3A_50 : i32
      %add3A_52 = arith.constant 0 : i32
      %add3A_53 = arith.addi %mul3A_51, %add3A_52 : i32
      %add3A_54 = arith.addi %mul3A_2, %add3A_53 : i32
      %lt3A_55 = arith.constant 82 : i32
      %lt3A_56 = arith.cmpi slt, %add3A_53, %lt3A_55 : i32
      %lt3A_57 = arith.constant 2604 : i32
      %lt3A_58 = arith.cmpi slt, %add3A_54, %lt3A_57 : i32
      %and3A_59 = arith.andi %lt3A_56, %lt3A_58 : i1
      %convert_element_type3A_60 = arith.extui %and3A_59 : i1 to i32
      %cond3A_61 = arith.constant 0 : i32
      %cond3A_62 = arith.cmpi ne, %convert_element_type3A_60, %cond3A_61 : i32
      scf.if %cond3A_62 {
        %dma_wait3A = arith.constant 0 : i32
        %dma_wait3A_76 = arith.constant 0 : i32
        %dma_wait3A_77 = arith.constant 0 : i32
        %dma_wait3A_78 = arith.constant 0 : i32
        %dma_wait3A_79 = tpu.memref_slice %arg5[%dma_wait3A, %dma_wait3A_77, %dma_wait3A_78] : memref<2x64x384xf32, #tpu.memory_space<vmem>> -> memref<1x64x384xf32, #tpu.memory_space<vmem>>
        %dma_wait3A_80 = tpu.memref_squeeze %dma_wait3A_79 : memref<1x64x384xf32, #tpu.memory_space<vmem>> -> memref<64x384xf32, #tpu.memory_space<vmem>>
        %dma_wait3A_81 = arith.constant 0 : i32
        %dma_wait3A_82 = arith.constant 0 : i32
        %dma_wait3A_83 = tpu.memref_slice %arg2[%dma_wait3A_81, %dma_wait3A_82] : memref<64x1000000xf32, #tpu.memory_space<hbm>> -> memref<64x384xf32, #tpu.memory_space<hbm>>
        %dma_wait3A_84 = tpu.memref_slice %arg8[%dma_wait3A_76] : memref<2x!tpu.dma_semaphore, #tpu.memory_space<semaphore_mem>> -> memref<1x!tpu.dma_semaphore, #tpu.memory_space<semaphore_mem>>
        %dma_wait3A_85 = tpu.memref_squeeze %dma_wait3A_84 : memref<1x!tpu.dma_semaphore, #tpu.memory_space<semaphore_mem>> -> memref<!tpu.dma_semaphore, #tpu.memory_space<semaphore_mem>>
        %dma_wait3A_86 = arith.constant 0 : i32
        %dma_wait3A_87 = arith.constant 0 : i32
        %dma_wait3A_88 = tpu.memref_slice %arg5[%dma_wait3A, %dma_wait3A_86, %dma_wait3A_87] : memref<2x64x384xf32, #tpu.memory_space<vmem>> -> memref<1x64x384xf32, #tpu.memory_space<vmem>>
        %dma_wait3A_89 = tpu.memref_squeeze %dma_wait3A_88 : memref<1x64x384xf32, #tpu.memory_space<vmem>> -> memref<64x384xf32, #tpu.memory_space<vmem>>
        %dma_wait3A_90 = arith.constant 0 : i32
        %dma_wait3A_91 = arith.constant 0 : i32
        %dma_wait3A_92 = tpu.memref_slice %arg2[%dma_wait3A_90, %dma_wait3A_91] : memref<64x1000000xf32, #tpu.memory_space<hbm>> -> memref<64x384xf32, #tpu.memory_space<hbm>>
        tpu.wait_dma2 semaphore(%dma_wait3A_85 : memref<!tpu.dma_semaphore, #tpu.memory_space<semaphore_mem>>) src(%dma_wait3A_92 : memref<64x384xf32, #tpu.memory_space<hbm>>) dst(%dma_wait3A_89 : memref<64x384xf32, #tpu.memory_space<vmem>>)
        %ge3A = arith.constant 2 : i32
        %ge3A_93 = arith.cmpi sge, %add3A_53, %ge3A : i32
        %convert_element_type3A_94 = arith.extui %ge3A_93 : i1 to i32
        %cond3A_95 = arith.constant 0 : i32
        %cond3A_96 = arith.cmpi ne, %convert_element_type3A_94, %cond3A_95 : i32
        scf.if %cond3A_96 {
          %dma_wait3A_128 = arith.constant 0 : i32
          %dma_wait3A_129 = arith.constant 0 : i32
          %dma_wait3A_130 = arith.constant 0 : i32
          %dma_wait3A_131 = arith.constant 0 : i32
          %dma_wait3A_132 = tpu.memref_slice %arg6[%dma_wait3A_128, %dma_wait3A_130, %dma_wait3A_131] : memref<2x192x128xf32, #tpu.memory_space<vmem>> -> memref<1x192x128xf32, #tpu.memory_space<vmem>>
          %dma_wait3A_133 = tpu.memref_squeeze %dma_wait3A_132 : memref<1x192x128xf32, #tpu.memory_space<vmem>> -> memref<192x128xf32, #tpu.memory_space<vmem>>
          %dma_wait3A_134 = arith.constant 0 : i32
          %dma_wait3A_135 = arith.constant 0 : i32
          %dma_wait3A_136 = tpu.memref_slice %arg4[%dma_wait3A_134, %dma_wait3A_135] : memref<500032x128xf32, #tpu.memory_space<hbm>> -> memref<192x128xf32, #tpu.memory_space<hbm>>
          %dma_wait3A_137 = tpu.memref_slice %arg9[%dma_wait3A_129] : memref<2x!tpu.dma_semaphore, #tpu.memory_space<semaphore_mem>> -> memref<1x!tpu.dma_semaphore, #tpu.memory_space<semaphore_mem>>
          %dma_wait3A_138 = tpu.memref_squeeze %dma_wait3A_137 : memref<1x!tpu.dma_semaphore, #tpu.memory_space<semaphore_mem>> -> memref<!tpu.dma_semaphore, #tpu.memory_space<semaphore_mem>>
          %dma_wait3A_139 = arith.constant 0 : i32
          %dma_wait3A_140 = arith.constant 0 : i32
          %dma_wait3A_141 = tpu.memref_slice %arg4[%dma_wait3A_139, %dma_wait3A_140] : memref<500032x128xf32, #tpu.memory_space<hbm>> -> memref<192x128xf32, #tpu.memory_space<hbm>>
          %dma_wait3A_142 = arith.constant 0 : i32
          %dma_wait3A_143 = arith.constant 0 : i32
          %dma_wait3A_144 = tpu.memref_slice %arg6[%dma_wait3A_128, %dma_wait3A_142, %dma_wait3A_143] : memref<2x192x128xf32, #tpu.memory_space<vmem>> -> memref<1x192x128xf32, #tpu.memory_space<vmem>>
          %dma_wait3A_145 = tpu.memref_squeeze %dma_wait3A_144 : memref<1x192x128xf32, #tpu.memory_space<vmem>> -> memref<192x128xf32, #tpu.memory_space<vmem>>
          tpu.wait_dma2 semaphore(%dma_wait3A_138 : memref<!tpu.dma_semaphore, #tpu.memory_space<semaphore_mem>>) src(%dma_wait3A_145 : memref<192x128xf32, #tpu.memory_space<vmem>>) dst(%dma_wait3A_141 : memref<192x128xf32, #tpu.memory_space<hbm>>)
        } else {
        }
        %parallel_loop3A = arith.constant 0 : i32
        %parallel_loop3A_97 = arith.constant 384 : i32
        %parallel_loop3A_98 = arith.constant 1 : i32
        %parallel_loop3A_99 = arith.constant 0 : i32
        scf.for %parallel_loop3A_128 = %parallel_loop3A to %parallel_loop3A_97 step %parallel_loop3A_98  : i32 {
          %parallel_loop3A_129 = vector.broadcast %parallel_loop3A_128 : i32 to vector<16xi32>
          %parallel_loop3A_130 = arith.addi %parallel_loop3A_129, %iota3A : vector<16xi32>
          %parallel_loop3A_131 = arith.constant 384 : i32
          %parallel_loop3A_132 = vector.broadcast %parallel_loop3A_131 : i32 to vector<16xi32>
          %parallel_loop3A_133 = arith.cmpi sge, %parallel_loop3A_130, %parallel_loop3A_132 : vector<16xi32>
          %parallel_loop3A_134 = arith.constant 384 : i32
          %parallel_loop3A_135 = vector.broadcast %parallel_loop3A_134 : i32 to vector<16xi32>
          %parallel_loop3A_136 = arith.subi %parallel_loop3A_130, %parallel_loop3A_135 : vector<16xi32>
          %parallel_loop3A_137 = arith.select %parallel_loop3A_133, %parallel_loop3A_136, %parallel_loop3A_130 : vector<16xi1>, vector<16xi32>
          %parallel_loop3A_138 = arith.constant 1 : i32
          %parallel_loop3A_139 = vector.broadcast %parallel_loop3A_138 : i32 to vector<16xi32>
          %parallel_loop3A_140 = arith.shrui %parallel_loop3A_137, %parallel_loop3A_139 : vector<16xi32>
          %parallel_loop3A_141 = arith.constant 1 : i32
          %parallel_loop3A_142 = vector.broadcast %parallel_loop3A_141 : i32 to vector<16xi32>
          %parallel_loop3A_143 = arith.andi %parallel_loop3A_137, %parallel_loop3A_142 : vector<16xi32>
          %parallel_loop3A_144 = arith.constant 6 : i32
          %parallel_loop3A_145 = vector.broadcast %parallel_loop3A_144 : i32 to vector<16xi32>
          %parallel_loop3A_146 = arith.shli %parallel_loop3A_143, %parallel_loop3A_145 : vector<16xi32>
          %parallel_loop3A_147 = arith.constant 0 : i32
          %parallel_loop3A_148 = arith.constant 0 : i32
          %parallel_loop3A_149 = tpu.memref_slice %arg5[%parallel_loop3A_99, %parallel_loop3A_147, %parallel_loop3A_148] : memref<2x64x384xf32, #tpu.memory_space<vmem>> -> memref<1x64x384xf32, #tpu.memory_space<vmem>>
          %parallel_loop3A_150 = tpu.memref_squeeze %parallel_loop3A_149 : memref<1x64x384xf32, #tpu.memory_space<vmem>> -> memref<64x384xf32, #tpu.memory_space<vmem>>
          %parallel_loop3A_151 = tpu.vector_load_idx %parallel_loop3A_150[%add3A_5, %parallel_loop3A_137] : memref<64x384xf32, #tpu.memory_space<vmem>>[vector<16xi32>, vector<16xi32>], vector<16xf32>,
          %parallel_loop3A_152 = arith.addi %parallel_loop3A_146, %add3A_5 : vector<16xi32>
          %parallel_loop3A_153 = arith.constant 0 : i32
          %parallel_loop3A_154 = arith.constant 0 : i32
          %parallel_loop3A_155 = arith.constant 0 : i32
          %parallel_loop3A_156 = tpu.memref_slice %arg6[%parallel_loop3A_153, %parallel_loop3A_154, %parallel_loop3A_155] : memref<2x192x128xf32, #tpu.memory_space<vmem>> -> memref<1x192x128xf32, #tpu.memory_space<vmem>>
          %parallel_loop3A_157 = tpu.memref_squeeze %parallel_loop3A_156 : memref<1x192x128xf32, #tpu.memory_space<vmem>> -> memref<192x128xf32, #tpu.memory_space<vmem>>
          tpu.vector_store_idx %parallel_loop3A_157[%parallel_loop3A_140, %parallel_loop3A_152], %parallel_loop3A_151 : memref<192x128xf32, #tpu.memory_space<vmem>>[vector<16xi32>, vector<16xi32>], vector<16xf32>,
          %parallel_loop3A_158 = arith.constant 0 : i32
          %parallel_loop3A_159 = arith.constant 0 : i32
          %parallel_loop3A_160 = tpu.memref_slice %arg5[%parallel_loop3A_99, %parallel_loop3A_158, %parallel_loop3A_159] : memref<2x64x384xf32, #tpu.memory_space<vmem>> -> memref<1x64x384xf32, #tpu.memory_space<vmem>>
          %parallel_loop3A_161 = tpu.memref_squeeze %parallel_loop3A_160 : memref<1x64x384xf32, #tpu.memory_space<vmem>> -> memref<64x384xf32, #tpu.memory_space<vmem>>
          %parallel_loop3A_162 = tpu.vector_load_idx %parallel_loop3A_161[%add3A_8, %parallel_loop3A_137] : memref<64x384xf32, #tpu.memory_space<vmem>>[vector<16xi32>, vector<16xi32>], vector<16xf32>,
          %parallel_loop3A_163 = arith.addi %parallel_loop3A_146, %add3A_8 : vector<16xi32>
          %parallel_loop3A_164 = arith.constant 0 : i32
          %parallel_loop3A_165 = arith.constant 0 : i32
          %parallel_loop3A_166 = arith.constant 0 : i32
          %parallel_loop3A_167 = tpu.memref_slice %arg6[%parallel_loop3A_164, %parallel_loop3A_165, %parallel_loop3A_166] : memref<2x192x128xf32, #tpu.memory_space<vmem>> -> memref<1x192x128xf32, #tpu.memory_space<vmem>>
          %parallel_loop3A_168 = tpu.memref_squeeze %parallel_loop3A_167 : memref<1x192x128xf32, #tpu.memory_space<vmem>> -> memref<192x128xf32, #tpu.memory_space<vmem>>
          tpu.vector_store_idx %parallel_loop3A_168[%parallel_loop3A_140, %parallel_loop3A_163], %parallel_loop3A_162 : memref<192x128xf32, #tpu.memory_space<vmem>>[vector<16xi32>, vector<16xi32>], vector<16xf32>,
          %parallel_loop3A_169 = arith.constant 0 : i32
          %parallel_loop3A_170 = arith.constant 0 : i32
          %parallel_loop3A_171 = tpu.memref_slice %arg5[%parallel_loop3A_99, %parallel_loop3A_169, %parallel_loop3A_170] : memref<2x64x384xf32, #tpu.memory_space<vmem>> -> memref<1x64x384xf32, #tpu.memory_space<vmem>>
          %parallel_loop3A_172 = tpu.memref_squeeze %parallel_loop3A_171 : memref<1x64x384xf32, #tpu.memory_space<vmem>> -> memref<64x384xf32, #tpu.memory_space<vmem>>
          %parallel_loop3A_173 = tpu.vector_load_idx %parallel_loop3A_172[%add3A_11, %parallel_loop3A_137] : memref<64x384xf32, #tpu.memory_space<vmem>>[vector<16xi32>, vector<16xi32>], vector<16xf32>,
          %parallel_loop3A_174 = arith.addi %parallel_loop3A_146, %add3A_11 : vector<16xi32>
          %parallel_loop3A_175 = arith.constant 0 : i32
          %parallel_loop3A_176 = arith.constant 0 : i32
          %parallel_loop3A_177 = arith.constant 0 : i32
          %parallel_loop3A_178 = tpu.memref_slice %arg6[%parallel_loop3A_175, %parallel_loop3A_176, %parallel_loop3A_177] : memref<2x192x128xf32, #tpu.memory_space<vmem>> -> memref<1x192x128xf32, #tpu.memory_space<vmem>>
          %parallel_loop3A_179 = tpu.memref_squeeze %parallel_loop3A_178 : memref<1x192x128xf32, #tpu.memory_space<vmem>> -> memref<192x128xf32, #tpu.memory_space<vmem>>
          tpu.vector_store_idx %parallel_loop3A_179[%parallel_loop3A_140, %parallel_loop3A_174], %parallel_loop3A_173 : memref<192x128xf32, #tpu.memory_space<vmem>>[vector<16xi32>, vector<16xi32>], vector<16xf32>,
          %parallel_loop3A_180 = arith.constant 0 : i32
          %parallel_loop3A_181 = arith.constant 0 : i32
          %parallel_loop3A_182 = tpu.memref_slice %arg5[%parallel_loop3A_99, %parallel_loop3A_180, %parallel_loop3A_181] : memref<2x64x384xf32, #tpu.memory_space<vmem>> -> memref<1x64x384xf32, #tpu.memory_space<vmem>>
          %parallel_loop3A_183 = tpu.memref_squeeze %parallel_loop3A_182 : memref<1x64x384xf32, #tpu.memory_space<vmem>> -> memref<64x384xf32, #tpu.memory_space<vmem>>
          %parallel_loop3A_184 = tpu.vector_load_idx %parallel_loop3A_183[%add3A_14, %parallel_loop3A_137] : memref<64x384xf32, #tpu.memory_space<vmem>>[vector<16xi32>, vector<16xi32>], vector<16xf32>,
          %parallel_loop3A_185 = arith.addi %parallel_loop3A_146, %add3A_14 : vector<16xi32>
          %parallel_loop3A_186 = arith.constant 0 : i32
          %parallel_loop3A_187 = arith.constant 0 : i32
          %parallel_loop3A_188 = arith.constant 0 : i32
          %parallel_loop3A_189 = tpu.memref_slice %arg6[%parallel_loop3A_186, %parallel_loop3A_187, %parallel_loop3A_188] : memref<2x192x128xf32, #tpu.memory_space<vmem>> -> memref<1x192x128xf32, #tpu.memory_space<vmem>>
          %parallel_loop3A_190 = tpu.memref_squeeze %parallel_loop3A_189 : memref<1x192x128xf32, #tpu.memory_space<vmem>> -> memref<192x128xf32, #tpu.memory_space<vmem>>
          tpu.vector_store_idx %parallel_loop3A_190[%parallel_loop3A_140, %parallel_loop3A_185], %parallel_loop3A_184 : memref<192x128xf32, #tpu.memory_space<vmem>>[vector<16xi32>, vector<16xi32>], vector<16xf32>,
        } {sc.loop_unroll_factor = 8 : i64, sc.parallel_access}
        %add3A_100 = arith.constant 2 : i32
        %add3A_101 = arith.addi %add3A_53, %add3A_100 : i32
        %add3A_102 = arith.addi %mul3A_2, %add3A_101 : i32
        %lt3A_103 = arith.constant 82 : i32
        %lt3A_104 = arith.cmpi slt, %add3A_101, %lt3A_103 : i32
        %lt3A_105 = arith.constant 2604 : i32
        %lt3A_106 = arith.cmpi slt, %add3A_102, %lt3A_105 : i32
        %and3A_107 = arith.andi %lt3A_104, %lt3A_106 : i1
        %convert_element_type3A_108 = arith.extui %and3A_107 : i1 to i32
        %cond3A_109 = arith.constant 0 : i32
        %cond3A_110 = arith.cmpi ne, %convert_element_type3A_108, %cond3A_109 : i32
        scf.if %cond3A_110 {
          %mul3A_128 = arith.constant 384 : i32
          %mul3A_129 = arith.muli %add3A_102, %mul3A_128 : i32
          %dma_start3A_130 = arith.constant 0 : i32
          %dma_start3A_131 = arith.constant 0 : i32
          %dma_start3A_132 = arith.constant 0 : i32
          %dma_start3A_133 = arith.constant 0 : i32
          %dma_start3A_134 = tpu.memref_slice %arg5[%dma_start3A_130, %dma_start3A_132, %dma_start3A_133] : memref<2x64x384xf32, #tpu.memory_space<vmem>> -> memref<1x64x384xf32, #tpu.memory_space<vmem>>
          %dma_start3A_135 = tpu.memref_squeeze %dma_start3A_134 : memref<1x64x384xf32, #tpu.memory_space<vmem>> -> memref<64x384xf32, #tpu.memory_space<vmem>>
          %dma_start3A_136 = arith.constant 0 : i32
          %dma_start3A_137 = tpu.memref_slice %arg2[%dma_start3A_136, %mul3A_129] : memref<64x1000000xf32, #tpu.memory_space<hbm>> -> memref<64x384xf32, #tpu.memory_space<hbm>>
          %dma_start3A_138 = tpu.memref_slice %arg8[%dma_start3A_131] : memref<2x!tpu.dma_semaphore, #tpu.memory_space<semaphore_mem>> -> memref<1x!tpu.dma_semaphore, #tpu.memory_space<semaphore_mem>>
          %dma_start3A_139 = tpu.memref_squeeze %dma_start3A_138 : memref<1x!tpu.dma_semaphore, #tpu.memory_space<semaphore_mem>> -> memref<!tpu.dma_semaphore, #tpu.memory_space<semaphore_mem>>
          %dma_start3A_140 = arith.constant 0 : i32
          %dma_start3A_141 = arith.constant 0 : i32
          %dma_start3A_142 = tpu.memref_slice %arg5[%dma_start3A_130, %dma_start3A_140, %dma_start3A_141] : memref<2x64x384xf32, #tpu.memory_space<vmem>> -> memref<1x64x384xf32, #tpu.memory_space<vmem>>
          %dma_start3A_143 = tpu.memref_squeeze %dma_start3A_142 : memref<1x64x384xf32, #tpu.memory_space<vmem>> -> memref<64x384xf32, #tpu.memory_space<vmem>>
          %dma_start3A_144 = arith.constant 0 : i32
          %dma_start3A_145 = tpu.memref_slice %arg2[%dma_start3A_144, %mul3A_129] : memref<64x1000000xf32, #tpu.memory_space<hbm>> -> memref<64x384xf32, #tpu.memory_space<hbm>>
          tpu.enqueue_dma source(%dma_start3A_145 : memref<64x384xf32, #tpu.memory_space<hbm>>) target(%dma_start3A_143 : memref<64x384xf32, #tpu.memory_space<vmem>>) target_semaphore(%dma_start3A_139 : memref<!tpu.dma_semaphore, #tpu.memory_space<semaphore_mem>>)
        } else {
        }
        %mul3A_111 = arith.constant 192 : i32
        %mul3A_112 = arith.muli %add3A_54, %mul3A_111 : i32
        %dma_start3A = arith.constant 0 : i32
        %dma_start3A_113 = arith.constant 0 : i32
        %dma_start3A_114 = arith.constant 0 : i32
        %dma_start3A_115 = arith.constant 0 : i32
        %dma_start3A_116 = tpu.memref_slice %arg6[%dma_start3A, %dma_start3A_114, %dma_start3A_115] : memref<2x192x128xf32, #tpu.memory_space<vmem>> -> memref<1x192x128xf32, #tpu.memory_space<vmem>>
        %dma_start3A_117 = tpu.memref_squeeze %dma_start3A_116 : memref<1x192x128xf32, #tpu.memory_space<vmem>> -> memref<192x128xf32, #tpu.memory_space<vmem>>
        %dma_start3A_118 = arith.constant 0 : i32
        %dma_start3A_119 = tpu.memref_slice %arg4[%mul3A_112, %dma_start3A_118] : memref<500032x128xf32, #tpu.memory_space<hbm>> -> memref<192x128xf32, #tpu.memory_space<hbm>>
        %dma_start3A_120 = tpu.memref_slice %arg9[%dma_start3A_113] : memref<2x!tpu.dma_semaphore, #tpu.memory_space<semaphore_mem>> -> memref<1x!tpu.dma_semaphore, #tpu.memory_space<semaphore_mem>>
        %dma_start3A_121 = tpu.memref_squeeze %dma_start3A_120 : memref<1x!tpu.dma_semaphore, #tpu.memory_space<semaphore_mem>> -> memref<!tpu.dma_semaphore, #tpu.memory_space<semaphore_mem>>
        %dma_start3A_122 = arith.constant 0 : i32
        %dma_start3A_123 = tpu.memref_slice %arg4[%mul3A_112, %dma_start3A_122] : memref<500032x128xf32, #tpu.memory_space<hbm>> -> memref<192x128xf32, #tpu.memory_space<hbm>>
        %dma_start3A_124 = arith.constant 0 : i32
        %dma_start3A_125 = arith.constant 0 : i32
        %dma_start3A_126 = tpu.memref_slice %arg6[%dma_start3A, %dma_start3A_124, %dma_start3A_125] : memref<2x192x128xf32, #tpu.memory_space<vmem>> -> memref<1x192x128xf32, #tpu.memory_space<vmem>>
        %dma_start3A_127 = tpu.memref_squeeze %dma_start3A_126 : memref<1x192x128xf32, #tpu.memory_space<vmem>> -> memref<192x128xf32, #tpu.memory_space<vmem>>
        tpu.enqueue_dma source(%dma_start3A_127 : memref<192x128xf32, #tpu.memory_space<vmem>>) target(%dma_start3A_123 : memref<192x128xf32, #tpu.memory_space<hbm>>) target_semaphore(%dma_start3A_121 : memref<!tpu.dma_semaphore, #tpu.memory_space<semaphore_mem>>)
      } else {
      }
      %mul3A_63 = arith.constant 2 : i32
      %mul3A_64 = arith.muli %scan3A_49, %mul3A_63 : i32
      %add3A_65 = arith.constant 1 : i32
      %add3A_66 = arith.addi %mul3A_64, %add3A_65 : i32
      %add3A_67 = arith.addi %mul3A_2, %add3A_66 : i32
      %lt3A_68 = arith.constant 82 : i32
      %lt3A_69 = arith.cmpi slt, %add3A_66, %lt3A_68 : i32
      %lt3A_70 = arith.constant 2604 : i32
      %lt3A_71 = arith.cmpi slt, %add3A_67, %lt3A_70 : i32
      %and3A_72 = arith.andi %lt3A_69, %lt3A_71 : i1
      %convert_element_type3A_73 = arith.extui %and3A_72 : i1 to i32
      %cond3A_74 = arith.constant 0 : i32
      %cond3A_75 = arith.cmpi ne, %convert_element_type3A_73, %cond3A_74 : i32
      scf.if %cond3A_75 {
        %dma_wait3A = arith.constant 1 : i32
        %dma_wait3A_76 = arith.constant 1 : i32
        %dma_wait3A_77 = arith.constant 0 : i32
        %dma_wait3A_78 = arith.constant 0 : i32
        %dma_wait3A_79 = tpu.memref_slice %arg5[%dma_wait3A, %dma_wait3A_77, %dma_wait3A_78] : memref<2x64x384xf32, #tpu.memory_space<vmem>> -> memref<1x64x384xf32, #tpu.memory_space<vmem>>
        %dma_wait3A_80 = tpu.memref_squeeze %dma_wait3A_79 : memref<1x64x384xf32, #tpu.memory_space<vmem>> -> memref<64x384xf32, #tpu.memory_space<vmem>>
        %dma_wait3A_81 = arith.constant 0 : i32
        %dma_wait3A_82 = arith.constant 0 : i32
        %dma_wait3A_83 = tpu.memref_slice %arg2[%dma_wait3A_81, %dma_wait3A_82] : memref<64x1000000xf32, #tpu.memory_space<hbm>> -> memref<64x384xf32, #tpu.memory_space<hbm>>
        %dma_wait3A_84 = tpu.memref_slice %arg8[%dma_wait3A_76] : memref<2x!tpu.dma_semaphore, #tpu.memory_space<semaphore_mem>> -> memref<1x!tpu.dma_semaphore, #tpu.memory_space<semaphore_mem>>
        %dma_wait3A_85 = tpu.memref_squeeze %dma_wait3A_84 : memref<1x!tpu.dma_semaphore, #tpu.memory_space<semaphore_mem>> -> memref<!tpu.dma_semaphore, #tpu.memory_space<semaphore_mem>>
        %dma_wait3A_86 = arith.constant 0 : i32
        %dma_wait3A_87 = arith.constant 0 : i32
        %dma_wait3A_88 = tpu.memref_slice %arg5[%dma_wait3A, %dma_wait3A_86, %dma_wait3A_87] : memref<2x64x384xf32, #tpu.memory_space<vmem>> -> memref<1x64x384xf32, #tpu.memory_space<vmem>>
        %dma_wait3A_89 = tpu.memref_squeeze %dma_wait3A_88 : memref<1x64x384xf32, #tpu.memory_space<vmem>> -> memref<64x384xf32, #tpu.memory_space<vmem>>
        %dma_wait3A_90 = arith.constant 0 : i32
        %dma_wait3A_91 = arith.constant 0 : i32
        %dma_wait3A_92 = tpu.memref_slice %arg2[%dma_wait3A_90, %dma_wait3A_91] : memref<64x1000000xf32, #tpu.memory_space<hbm>> -> memref<64x384xf32, #tpu.memory_space<hbm>>
        tpu.wait_dma2 semaphore(%dma_wait3A_85 : memref<!tpu.dma_semaphore, #tpu.memory_space<semaphore_mem>>) src(%dma_wait3A_92 : memref<64x384xf32, #tpu.memory_space<hbm>>) dst(%dma_wait3A_89 : memref<64x384xf32, #tpu.memory_space<vmem>>)
        %ge3A = arith.constant 2 : i32
        %ge3A_93 = arith.cmpi sge, %add3A_66, %ge3A : i32
        %convert_element_type3A_94 = arith.extui %ge3A_93 : i1 to i32
        %cond3A_95 = arith.constant 0 : i32
        %cond3A_96 = arith.cmpi ne, %convert_element_type3A_94, %cond3A_95 : i32
        scf.if %cond3A_96 {
          %dma_wait3A_128 = arith.constant 1 : i32
          %dma_wait3A_129 = arith.constant 1 : i32
          %dma_wait3A_130 = arith.constant 0 : i32
          %dma_wait3A_131 = arith.constant 0 : i32
          %dma_wait3A_132 = tpu.memref_slice %arg6[%dma_wait3A_128, %dma_wait3A_130, %dma_wait3A_131] : memref<2x192x128xf32, #tpu.memory_space<vmem>> -> memref<1x192x128xf32, #tpu.memory_space<vmem>>
          %dma_wait3A_133 = tpu.memref_squeeze %dma_wait3A_132 : memref<1x192x128xf32, #tpu.memory_space<vmem>> -> memref<192x128xf32, #tpu.memory_space<vmem>>
          %dma_wait3A_134 = arith.constant 0 : i32
          %dma_wait3A_135 = arith.constant 0 : i32
          %dma_wait3A_136 = tpu.memref_slice %arg4[%dma_wait3A_134, %dma_wait3A_135] : memref<500032x128xf32, #tpu.memory_space<hbm>> -> memref<192x128xf32, #tpu.memory_space<hbm>>
          %dma_wait3A_137 = tpu.memref_slice %arg9[%dma_wait3A_129] : memref<2x!tpu.dma_semaphore, #tpu.memory_space<semaphore_mem>> -> memref<1x!tpu.dma_semaphore, #tpu.memory_space<semaphore_mem>>
          %dma_wait3A_138 = tpu.memref_squeeze %dma_wait3A_137 : memref<1x!tpu.dma_semaphore, #tpu.memory_space<semaphore_mem>> -> memref<!tpu.dma_semaphore, #tpu.memory_space<semaphore_mem>>
          %dma_wait3A_139 = arith.constant 0 : i32
          %dma_wait3A_140 = arith.constant 0 : i32
          %dma_wait3A_141 = tpu.memref_slice %arg4[%dma_wait3A_139, %dma_wait3A_140] : memref<500032x128xf32, #tpu.memory_space<hbm>> -> memref<192x128xf32, #tpu.memory_space<hbm>>
          %dma_wait3A_142 = arith.constant 0 : i32
          %dma_wait3A_143 = arith.constant 0 : i32
          %dma_wait3A_144 = tpu.memref_slice %arg6[%dma_wait3A_128, %dma_wait3A_142, %dma_wait3A_143] : memref<2x192x128xf32, #tpu.memory_space<vmem>> -> memref<1x192x128xf32, #tpu.memory_space<vmem>>
          %dma_wait3A_145 = tpu.memref_squeeze %dma_wait3A_144 : memref<1x192x128xf32, #tpu.memory_space<vmem>> -> memref<192x128xf32, #tpu.memory_space<vmem>>
          tpu.wait_dma2 semaphore(%dma_wait3A_138 : memref<!tpu.dma_semaphore, #tpu.memory_space<semaphore_mem>>) src(%dma_wait3A_145 : memref<192x128xf32, #tpu.memory_space<vmem>>) dst(%dma_wait3A_141 : memref<192x128xf32, #tpu.memory_space<hbm>>)
        } else {
        }
        %parallel_loop3A = arith.constant 0 : i32
        %parallel_loop3A_97 = arith.constant 384 : i32
        %parallel_loop3A_98 = arith.constant 1 : i32
        %parallel_loop3A_99 = arith.constant 1 : i32
        scf.for %parallel_loop3A_128 = %parallel_loop3A to %parallel_loop3A_97 step %parallel_loop3A_98  : i32 {
          %parallel_loop3A_129 = vector.broadcast %parallel_loop3A_128 : i32 to vector<16xi32>
          %parallel_loop3A_130 = arith.addi %parallel_loop3A_129, %iota3A : vector<16xi32>
          %parallel_loop3A_131 = arith.constant 384 : i32
          %parallel_loop3A_132 = vector.broadcast %parallel_loop3A_131 : i32 to vector<16xi32>
          %parallel_loop3A_133 = arith.cmpi sge, %parallel_loop3A_130, %parallel_loop3A_132 : vector<16xi32>
          %parallel_loop3A_134 = arith.constant 384 : i32
          %parallel_loop3A_135 = vector.broadcast %parallel_loop3A_134 : i32 to vector<16xi32>
          %parallel_loop3A_136 = arith.subi %parallel_loop3A_130, %parallel_loop3A_135 : vector<16xi32>
          %parallel_loop3A_137 = arith.select %parallel_loop3A_133, %parallel_loop3A_136, %parallel_loop3A_130 : vector<16xi1>, vector<16xi32>
          %parallel_loop3A_138 = arith.constant 1 : i32
          %parallel_loop3A_139 = vector.broadcast %parallel_loop3A_138 : i32 to vector<16xi32>
          %parallel_loop3A_140 = arith.shrui %parallel_loop3A_137, %parallel_loop3A_139 : vector<16xi32>
          %parallel_loop3A_141 = arith.constant 1 : i32
          %parallel_loop3A_142 = vector.broadcast %parallel_loop3A_141 : i32 to vector<16xi32>
          %parallel_loop3A_143 = arith.andi %parallel_loop3A_137, %parallel_loop3A_142 : vector<16xi32>
          %parallel_loop3A_144 = arith.constant 6 : i32
          %parallel_loop3A_145 = vector.broadcast %parallel_loop3A_144 : i32 to vector<16xi32>
          %parallel_loop3A_146 = arith.shli %parallel_loop3A_143, %parallel_loop3A_145 : vector<16xi32>
          %parallel_loop3A_147 = arith.constant 0 : i32
          %parallel_loop3A_148 = arith.constant 0 : i32
          %parallel_loop3A_149 = tpu.memref_slice %arg5[%parallel_loop3A_99, %parallel_loop3A_147, %parallel_loop3A_148] : memref<2x64x384xf32, #tpu.memory_space<vmem>> -> memref<1x64x384xf32, #tpu.memory_space<vmem>>
          %parallel_loop3A_150 = tpu.memref_squeeze %parallel_loop3A_149 : memref<1x64x384xf32, #tpu.memory_space<vmem>> -> memref<64x384xf32, #tpu.memory_space<vmem>>
          %parallel_loop3A_151 = tpu.vector_load_idx %parallel_loop3A_150[%add3A_5, %parallel_loop3A_137] : memref<64x384xf32, #tpu.memory_space<vmem>>[vector<16xi32>, vector<16xi32>], vector<16xf32>,
          %parallel_loop3A_152 = arith.addi %parallel_loop3A_146, %add3A_5 : vector<16xi32>
          %parallel_loop3A_153 = arith.constant 1 : i32
          %parallel_loop3A_154 = arith.constant 0 : i32
          %parallel_loop3A_155 = arith.constant 0 : i32
          %parallel_loop3A_156 = tpu.memref_slice %arg6[%parallel_loop3A_153, %parallel_loop3A_154, %parallel_loop3A_155] : memref<2x192x128xf32, #tpu.memory_space<vmem>> -> memref<1x192x128xf32, #tpu.memory_space<vmem>>
          %parallel_loop3A_157 = tpu.memref_squeeze %parallel_loop3A_156 : memref<1x192x128xf32, #tpu.memory_space<vmem>> -> memref<192x128xf32, #tpu.memory_space<vmem>>
          tpu.vector_store_idx %parallel_loop3A_157[%parallel_loop3A_140, %parallel_loop3A_152], %parallel_loop3A_151 : memref<192x128xf32, #tpu.memory_space<vmem>>[vector<16xi32>, vector<16xi32>], vector<16xf32>,
          %parallel_loop3A_158 = arith.constant 0 : i32
          %parallel_loop3A_159 = arith.constant 0 : i32
          %parallel_loop3A_160 = tpu.memref_slice %arg5[%parallel_loop3A_99, %parallel_loop3A_158, %parallel_loop3A_159] : memref<2x64x384xf32, #tpu.memory_space<vmem>> -> memref<1x64x384xf32, #tpu.memory_space<vmem>>
          %parallel_loop3A_161 = tpu.memref_squeeze %parallel_loop3A_160 : memref<1x64x384xf32, #tpu.memory_space<vmem>> -> memref<64x384xf32, #tpu.memory_space<vmem>>
          %parallel_loop3A_162 = tpu.vector_load_idx %parallel_loop3A_161[%add3A_8, %parallel_loop3A_137] : memref<64x384xf32, #tpu.memory_space<vmem>>[vector<16xi32>, vector<16xi32>], vector<16xf32>,
          %parallel_loop3A_163 = arith.addi %parallel_loop3A_146, %add3A_8 : vector<16xi32>
          %parallel_loop3A_164 = arith.constant 1 : i32
          %parallel_loop3A_165 = arith.constant 0 : i32
          %parallel_loop3A_166 = arith.constant 0 : i32
          %parallel_loop3A_167 = tpu.memref_slice %arg6[%parallel_loop3A_164, %parallel_loop3A_165, %parallel_loop3A_166] : memref<2x192x128xf32, #tpu.memory_space<vmem>> -> memref<1x192x128xf32, #tpu.memory_space<vmem>>
          %parallel_loop3A_168 = tpu.memref_squeeze %parallel_loop3A_167 : memref<1x192x128xf32, #tpu.memory_space<vmem>> -> memref<192x128xf32, #tpu.memory_space<vmem>>
          tpu.vector_store_idx %parallel_loop3A_168[%parallel_loop3A_140, %parallel_loop3A_163], %parallel_loop3A_162 : memref<192x128xf32, #tpu.memory_space<vmem>>[vector<16xi32>, vector<16xi32>], vector<16xf32>,
          %parallel_loop3A_169 = arith.constant 0 : i32
          %parallel_loop3A_170 = arith.constant 0 : i32
          %parallel_loop3A_171 = tpu.memref_slice %arg5[%parallel_loop3A_99, %parallel_loop3A_169, %parallel_loop3A_170] : memref<2x64x384xf32, #tpu.memory_space<vmem>> -> memref<1x64x384xf32, #tpu.memory_space<vmem>>
          %parallel_loop3A_172 = tpu.memref_squeeze %parallel_loop3A_171 : memref<1x64x384xf32, #tpu.memory_space<vmem>> -> memref<64x384xf32, #tpu.memory_space<vmem>>
          %parallel_loop3A_173 = tpu.vector_load_idx %parallel_loop3A_172[%add3A_11, %parallel_loop3A_137] : memref<64x384xf32, #tpu.memory_space<vmem>>[vector<16xi32>, vector<16xi32>], vector<16xf32>,
          %parallel_loop3A_174 = arith.addi %parallel_loop3A_146, %add3A_11 : vector<16xi32>
          %parallel_loop3A_175 = arith.constant 1 : i32
          %parallel_loop3A_176 = arith.constant 0 : i32
          %parallel_loop3A_177 = arith.constant 0 : i32
          %parallel_loop3A_178 = tpu.memref_slice %arg6[%parallel_loop3A_175, %parallel_loop3A_176, %parallel_loop3A_177] : memref<2x192x128xf32, #tpu.memory_space<vmem>> -> memref<1x192x128xf32, #tpu.memory_space<vmem>>
          %parallel_loop3A_179 = tpu.memref_squeeze %parallel_loop3A_178 : memref<1x192x128xf32, #tpu.memory_space<vmem>> -> memref<192x128xf32, #tpu.memory_space<vmem>>
          tpu.vector_store_idx %parallel_loop3A_179[%parallel_loop3A_140, %parallel_loop3A_174], %parallel_loop3A_173 : memref<192x128xf32, #tpu.memory_space<vmem>>[vector<16xi32>, vector<16xi32>], vector<16xf32>,
          %parallel_loop3A_180 = arith.constant 0 : i32
          %parallel_loop3A_181 = arith.constant 0 : i32
          %parallel_loop3A_182 = tpu.memref_slice %arg5[%parallel_loop3A_99, %parallel_loop3A_180, %parallel_loop3A_181] : memref<2x64x384xf32, #tpu.memory_space<vmem>> -> memref<1x64x384xf32, #tpu.memory_space<vmem>>
          %parallel_loop3A_183 = tpu.memref_squeeze %parallel_loop3A_182 : memref<1x64x384xf32, #tpu.memory_space<vmem>> -> memref<64x384xf32, #tpu.memory_space<vmem>>
          %parallel_loop3A_184 = tpu.vector_load_idx %parallel_loop3A_183[%add3A_14, %parallel_loop3A_137] : memref<64x384xf32, #tpu.memory_space<vmem>>[vector<16xi32>, vector<16xi32>], vector<16xf32>,
          %parallel_loop3A_185 = arith.addi %parallel_loop3A_146, %add3A_14 : vector<16xi32>
          %parallel_loop3A_186 = arith.constant 1 : i32
          %parallel_loop3A_187 = arith.constant 0 : i32
          %parallel_loop3A_188 = arith.constant 0 : i32
          %parallel_loop3A_189 = tpu.memref_slice %arg6[%parallel_loop3A_186, %parallel_loop3A_187, %parallel_loop3A_188] : memref<2x192x128xf32, #tpu.memory_space<vmem>> -> memref<1x192x128xf32, #tpu.memory_space<vmem>>
          %parallel_loop3A_190 = tpu.memref_squeeze %parallel_loop3A_189 : memref<1x192x128xf32, #tpu.memory_space<vmem>> -> memref<192x128xf32, #tpu.memory_space<vmem>>
          tpu.vector_store_idx %parallel_loop3A_190[%parallel_loop3A_140, %parallel_loop3A_185], %parallel_loop3A_184 : memref<192x128xf32, #tpu.memory_space<vmem>>[vector<16xi32>, vector<16xi32>], vector<16xf32>,
        } {sc.loop_unroll_factor = 8 : i64, sc.parallel_access}
        %add3A_100 = arith.constant 2 : i32
        %add3A_101 = arith.addi %add3A_66, %add3A_100 : i32
        %add3A_102 = arith.addi %mul3A_2, %add3A_101 : i32
        %lt3A_103 = arith.constant 82 : i32
        %lt3A_104 = arith.cmpi slt, %add3A_101, %lt3A_103 : i32
        %lt3A_105 = arith.constant 2604 : i32
        %lt3A_106 = arith.cmpi slt, %add3A_102, %lt3A_105 : i32
        %and3A_107 = arith.andi %lt3A_104, %lt3A_106 : i1
        %convert_element_type3A_108 = arith.extui %and3A_107 : i1 to i32
        %cond3A_109 = arith.constant 0 : i32
        %cond3A_110 = arith.cmpi ne, %convert_element_type3A_108, %cond3A_109 : i32
        scf.if %cond3A_110 {
          %mul3A_128 = arith.constant 384 : i32
          %mul3A_129 = arith.muli %add3A_102, %mul3A_128 : i32
          %dma_start3A_130 = arith.constant 1 : i32
          %dma_start3A_131 = arith.constant 1 : i32
          %dma_start3A_132 = arith.constant 0 : i32
          %dma_start3A_133 = arith.constant 0 : i32
          %dma_start3A_134 = tpu.memref_slice %arg5[%dma_start3A_130, %dma_start3A_132, %dma_start3A_133] : memref<2x64x384xf32, #tpu.memory_space<vmem>> -> memref<1x64x384xf32, #tpu.memory_space<vmem>>
          %dma_start3A_135 = tpu.memref_squeeze %dma_start3A_134 : memref<1x64x384xf32, #tpu.memory_space<vmem>> -> memref<64x384xf32, #tpu.memory_space<vmem>>
          %dma_start3A_136 = arith.constant 0 : i32
          %dma_start3A_137 = tpu.memref_slice %arg2[%dma_start3A_136, %mul3A_129] : memref<64x1000000xf32, #tpu.memory_space<hbm>> -> memref<64x384xf32, #tpu.memory_space<hbm>>
          %dma_start3A_138 = tpu.memref_slice %arg8[%dma_start3A_131] : memref<2x!tpu.dma_semaphore, #tpu.memory_space<semaphore_mem>> -> memref<1x!tpu.dma_semaphore, #tpu.memory_space<semaphore_mem>>
          %dma_start3A_139 = tpu.memref_squeeze %dma_start3A_138 : memref<1x!tpu.dma_semaphore, #tpu.memory_space<semaphore_mem>> -> memref<!tpu.dma_semaphore, #tpu.memory_space<semaphore_mem>>
          %dma_start3A_140 = arith.constant 0 : i32
          %dma_start3A_141 = arith.constant 0 : i32
          %dma_start3A_142 = tpu.memref_slice %arg5[%dma_start3A_130, %dma_start3A_140, %dma_start3A_141] : memref<2x64x384xf32, #tpu.memory_space<vmem>> -> memref<1x64x384xf32, #tpu.memory_space<vmem>>
          %dma_start3A_143 = tpu.memref_squeeze %dma_start3A_142 : memref<1x64x384xf32, #tpu.memory_space<vmem>> -> memref<64x384xf32, #tpu.memory_space<vmem>>
          %dma_start3A_144 = arith.constant 0 : i32
          %dma_start3A_145 = tpu.memref_slice %arg2[%dma_start3A_144, %mul3A_129] : memref<64x1000000xf32, #tpu.memory_space<hbm>> -> memref<64x384xf32, #tpu.memory_space<hbm>>
          tpu.enqueue_dma source(%dma_start3A_145 : memref<64x384xf32, #tpu.memory_space<hbm>>) target(%dma_start3A_143 : memref<64x384xf32, #tpu.memory_space<vmem>>) target_semaphore(%dma_start3A_139 : memref<!tpu.dma_semaphore, #tpu.memory_space<semaphore_mem>>)
        } else {
        }
        %mul3A_111 = arith.constant 192 : i32
        %mul3A_112 = arith.muli %add3A_67, %mul3A_111 : i32
        %dma_start3A = arith.constant 1 : i32
        %dma_start3A_113 = arith.constant 1 : i32
        %dma_start3A_114 = arith.constant 0 : i32
        %dma_start3A_115 = arith.constant 0 : i32
        %dma_start3A_116 = tpu.memref_slice %arg6[%dma_start3A, %dma_start3A_114, %dma_start3A_115] : memref<2x192x128xf32, #tpu.memory_space<vmem>> -> memref<1x192x128xf32, #tpu.memory_space<vmem>>
        %dma_start3A_117 = tpu.memref_squeeze %dma_start3A_116 : memref<1x192x128xf32, #tpu.memory_space<vmem>> -> memref<192x128xf32, #tpu.memory_space<vmem>>
        %dma_start3A_118 = arith.constant 0 : i32
        %dma_start3A_119 = tpu.memref_slice %arg4[%mul3A_112, %dma_start3A_118] : memref<500032x128xf32, #tpu.memory_space<hbm>> -> memref<192x128xf32, #tpu.memory_space<hbm>>
        %dma_start3A_120 = tpu.memref_slice %arg9[%dma_start3A_113] : memref<2x!tpu.dma_semaphore, #tpu.memory_space<semaphore_mem>> -> memref<1x!tpu.dma_semaphore, #tpu.memory_space<semaphore_mem>>
        %dma_start3A_121 = tpu.memref_squeeze %dma_start3A_120 : memref<1x!tpu.dma_semaphore, #tpu.memory_space<semaphore_mem>> -> memref<!tpu.dma_semaphore, #tpu.memory_space<semaphore_mem>>
        %dma_start3A_122 = arith.constant 0 : i32
        %dma_start3A_123 = tpu.memref_slice %arg4[%mul3A_112, %dma_start3A_122] : memref<500032x128xf32, #tpu.memory_space<hbm>> -> memref<192x128xf32, #tpu.memory_space<hbm>>
        %dma_start3A_124 = arith.constant 0 : i32
        %dma_start3A_125 = arith.constant 0 : i32
        %dma_start3A_126 = tpu.memref_slice %arg6[%dma_start3A, %dma_start3A_124, %dma_start3A_125] : memref<2x192x128xf32, #tpu.memory_space<vmem>> -> memref<1x192x128xf32, #tpu.memory_space<vmem>>
        %dma_start3A_127 = tpu.memref_squeeze %dma_start3A_126 : memref<1x192x128xf32, #tpu.memory_space<vmem>> -> memref<192x128xf32, #tpu.memory_space<vmem>>
        tpu.enqueue_dma source(%dma_start3A_127 : memref<192x128xf32, #tpu.memory_space<vmem>>) target(%dma_start3A_123 : memref<192x128xf32, #tpu.memory_space<hbm>>) target_semaphore(%dma_start3A_121 : memref<!tpu.dma_semaphore, #tpu.memory_space<semaphore_mem>>)
      } else {
      }
    }
    %scan3A_33 = arith.constant 41 : i32
    %sub3A = arith.constant 2604 : i32
    %sub3A_34 = arith.subi %sub3A, %mul3A_2 : i32
    %min3A = arith.constant 82 : i32
    %min3A_35 = arith.minsi %sub3A_34, %min3A : i32
    %gt3A = arith.constant 0 : i32
    %gt3A_36 = arith.cmpi sgt, %min3A_35, %gt3A : i32
    %convert_element_type3A_37 = arith.extui %gt3A_36 : i1 to i32
    %cond3A_38 = arith.constant 0 : i32
    %cond3A_39 = arith.cmpi ne, %convert_element_type3A_37, %cond3A_38 : i32
    scf.if %cond3A_39 {
      %dma_wait3A = arith.constant 0 : i32
      %dma_wait3A_49 = arith.constant 0 : i32
      %dma_wait3A_50 = arith.constant 0 : i32
      %dma_wait3A_51 = arith.constant 0 : i32
      %dma_wait3A_52 = tpu.memref_slice %arg6[%dma_wait3A, %dma_wait3A_50, %dma_wait3A_51] : memref<2x192x128xf32, #tpu.memory_space<vmem>> -> memref<1x192x128xf32, #tpu.memory_space<vmem>>
      %dma_wait3A_53 = tpu.memref_squeeze %dma_wait3A_52 : memref<1x192x128xf32, #tpu.memory_space<vmem>> -> memref<192x128xf32, #tpu.memory_space<vmem>>
      %dma_wait3A_54 = arith.constant 0 : i32
      %dma_wait3A_55 = arith.constant 0 : i32
      %dma_wait3A_56 = tpu.memref_slice %arg4[%dma_wait3A_54, %dma_wait3A_55] : memref<500032x128xf32, #tpu.memory_space<hbm>> -> memref<192x128xf32, #tpu.memory_space<hbm>>
      %dma_wait3A_57 = tpu.memref_slice %arg9[%dma_wait3A_49] : memref<2x!tpu.dma_semaphore, #tpu.memory_space<semaphore_mem>> -> memref<1x!tpu.dma_semaphore, #tpu.memory_space<semaphore_mem>>
      %dma_wait3A_58 = tpu.memref_squeeze %dma_wait3A_57 : memref<1x!tpu.dma_semaphore, #tpu.memory_space<semaphore_mem>> -> memref<!tpu.dma_semaphore, #tpu.memory_space<semaphore_mem>>
      %dma_wait3A_59 = arith.constant 0 : i32
      %dma_wait3A_60 = arith.constant 0 : i32
      %dma_wait3A_61 = tpu.memref_slice %arg4[%dma_wait3A_59, %dma_wait3A_60] : memref<500032x128xf32, #tpu.memory_space<hbm>> -> memref<192x128xf32, #tpu.memory_space<hbm>>
      %dma_wait3A_62 = arith.constant 0 : i32
      %dma_wait3A_63 = arith.constant 0 : i32
      %dma_wait3A_64 = tpu.memref_slice %arg6[%dma_wait3A, %dma_wait3A_62, %dma_wait3A_63] : memref<2x192x128xf32, #tpu.memory_space<vmem>> -> memref<1x192x128xf32, #tpu.memory_space<vmem>>
      %dma_wait3A_65 = tpu.memref_squeeze %dma_wait3A_64 : memref<1x192x128xf32, #tpu.memory_space<vmem>> -> memref<192x128xf32, #tpu.memory_space<vmem>>
      tpu.wait_dma2 semaphore(%dma_wait3A_58 : memref<!tpu.dma_semaphore, #tpu.memory_space<semaphore_mem>>) src(%dma_wait3A_65 : memref<192x128xf32, #tpu.memory_space<vmem>>) dst(%dma_wait3A_61 : memref<192x128xf32, #tpu.memory_space<hbm>>)
    } else {
    }
    %gt3A_40 = arith.constant 1 : i32
    %gt3A_41 = arith.cmpi sgt, %min3A_35, %gt3A_40 : i32
    %convert_element_type3A_42 = arith.extui %gt3A_41 : i1 to i32
    %cond3A_43 = arith.constant 0 : i32
    %cond3A_44 = arith.cmpi ne, %convert_element_type3A_42, %cond3A_43 : i32
    scf.if %cond3A_44 {
      %dma_wait3A = arith.constant 1 : i32
      %dma_wait3A_49 = arith.constant 1 : i32
      %dma_wait3A_50 = arith.constant 0 : i32
      %dma_wait3A_51 = arith.constant 0 : i32
      %dma_wait3A_52 = tpu.memref_slice %arg6[%dma_wait3A, %dma_wait3A_50, %dma_wait3A_51] : memref<2x192x128xf32, #tpu.memory_space<vmem>> -> memref<1x192x128xf32, #tpu.memory_space<vmem>>
      %dma_wait3A_53 = tpu.memref_squeeze %dma_wait3A_52 : memref<1x192x128xf32, #tpu.memory_space<vmem>> -> memref<192x128xf32, #tpu.memory_space<vmem>>
      %dma_wait3A_54 = arith.constant 0 : i32
      %dma_wait3A_55 = arith.constant 0 : i32
      %dma_wait3A_56 = tpu.memref_slice %arg4[%dma_wait3A_54, %dma_wait3A_55] : memref<500032x128xf32, #tpu.memory_space<hbm>> -> memref<192x128xf32, #tpu.memory_space<hbm>>
      %dma_wait3A_57 = tpu.memref_slice %arg9[%dma_wait3A_49] : memref<2x!tpu.dma_semaphore, #tpu.memory_space<semaphore_mem>> -> memref<1x!tpu.dma_semaphore, #tpu.memory_space<semaphore_mem>>
      %dma_wait3A_58 = tpu.memref_squeeze %dma_wait3A_57 : memref<1x!tpu.dma_semaphore, #tpu.memory_space<semaphore_mem>> -> memref<!tpu.dma_semaphore, #tpu.memory_space<semaphore_mem>>
      %dma_wait3A_59 = arith.constant 0 : i32
      %dma_wait3A_60 = arith.constant 0 : i32
      %dma_wait3A_61 = tpu.memref_slice %arg4[%dma_wait3A_59, %dma_wait3A_60] : memref<500032x128xf32, #tpu.memory_space<hbm>> -> memref<192x128xf32, #tpu.memory_space<hbm>>
      %dma_wait3A_62 = arith.constant 0 : i32
      %dma_wait3A_63 = arith.constant 0 : i32
      %dma_wait3A_64 = tpu.memref_slice %arg6[%dma_wait3A, %dma_wait3A_62, %dma_wait3A_63] : memref<2x192x128xf32, #tpu.memory_space<vmem>> -> memref<1x192x128xf32, #tpu.memory_space<vmem>>
      %dma_wait3A_65 = tpu.memref_squeeze %dma_wait3A_64 : memref<1x192x128xf32, #tpu.memory_space<vmem>> -> memref<192x128xf32, #tpu.memory_space<vmem>>
      tpu.wait_dma2 semaphore(%dma_wait3A_58 : memref<!tpu.dma_semaphore, #tpu.memory_space<semaphore_mem>>) src(%dma_wait3A_65 : memref<192x128xf32, #tpu.memory_space<vmem>>) dst(%dma_wait3A_61 : memref<192x128xf32, #tpu.memory_space<hbm>>)
    } else {
    }
    %eq3A = arith.constant 31 : i32
    %eq3A_45 = arith.cmpi eq, %add3A, %eq3A : i32
    %convert_element_type3A_46 = arith.extui %eq3A_45 : i1 to i32
    %cond3A_47 = arith.constant 0 : i32
    %cond3A_48 = arith.cmpi ne, %convert_element_type3A_46, %cond3A_47 : i32
    scf.if %cond3A_48 {
      "tpu.region"() ({
        %run_scoped3A_51 = tpu.sem_alloc : memref<!tpu.dma_semaphore, #tpu.memory_space<semaphore_mem>>
        tpu.enqueue_dma source(%arg3 : memref<64x64xf32, #tpu.memory_space<hbm>>) target(%arg7 : memref<64x64xf32, #tpu.memory_space<vmem>>) target_semaphore(%run_scoped3A_51 : memref<!tpu.dma_semaphore, #tpu.memory_space<semaphore_mem>>)
        tpu.wait_dma2 semaphore(%run_scoped3A_51 : memref<!tpu.dma_semaphore, #tpu.memory_space<semaphore_mem>>) src(%arg3 : memref<64x64xf32, #tpu.memory_space<hbm>>) dst(%arg7 : memref<64x64xf32, #tpu.memory_space<vmem>>)
        tpu.yield
      }) : () -> ()
      %parallel_loop3A = arith.constant 0 : i32
      %parallel_loop3A_49 = arith.constant 64 : i32
      %parallel_loop3A_50 = arith.constant 1 : i32
      scf.for %parallel_loop3A_51 = %parallel_loop3A to %parallel_loop3A_49 step %parallel_loop3A_50  : i32 {
        %parallel_loop3A_52 = vector.broadcast %parallel_loop3A_51 : i32 to vector<16xi32>
        %parallel_loop3A_53 = arith.addi %parallel_loop3A_52, %iota3A : vector<16xi32>
        %parallel_loop3A_54 = arith.constant 64 : i32
        %parallel_loop3A_55 = vector.broadcast %parallel_loop3A_54 : i32 to vector<16xi32>
        %parallel_loop3A_56 = arith.cmpi sge, %parallel_loop3A_53, %parallel_loop3A_55 : vector<16xi32>
        %parallel_loop3A_57 = arith.constant 64 : i32
        %parallel_loop3A_58 = vector.broadcast %parallel_loop3A_57 : i32 to vector<16xi32>
        %parallel_loop3A_59 = arith.subi %parallel_loop3A_53, %parallel_loop3A_58 : vector<16xi32>
        %parallel_loop3A_60 = arith.select %parallel_loop3A_56, %parallel_loop3A_59, %parallel_loop3A_53 : vector<16xi1>, vector<16xi32>
        %parallel_loop3A_61 = arith.constant 1 : i32
        %parallel_loop3A_62 = vector.broadcast %parallel_loop3A_61 : i32 to vector<16xi32>
        %parallel_loop3A_63 = arith.shrui %parallel_loop3A_60, %parallel_loop3A_62 : vector<16xi32>
        %parallel_loop3A_64 = arith.constant 1 : i32
        %parallel_loop3A_65 = vector.broadcast %parallel_loop3A_64 : i32 to vector<16xi32>
        %parallel_loop3A_66 = arith.andi %parallel_loop3A_60, %parallel_loop3A_65 : vector<16xi32>
        %parallel_loop3A_67 = arith.constant 6 : i32
        %parallel_loop3A_68 = vector.broadcast %parallel_loop3A_67 : i32 to vector<16xi32>
        %parallel_loop3A_69 = arith.shli %parallel_loop3A_66, %parallel_loop3A_68 : vector<16xi32>
        %parallel_loop3A_70 = tpu.vector_load_idx %arg7[%add3A_5, %parallel_loop3A_60] : memref<64x64xf32, #tpu.memory_space<vmem>>[vector<16xi32>, vector<16xi32>], vector<16xf32>,
        %parallel_loop3A_71 = arith.addi %parallel_loop3A_69, %add3A_5 : vector<16xi32>
        %parallel_loop3A_72 = arith.constant 0 : i32
        %parallel_loop3A_73 = arith.constant 0 : i32
        %parallel_loop3A_74 = arith.constant 0 : i32
        %parallel_loop3A_75 = tpu.memref_slice %arg6[%parallel_loop3A_72, %parallel_loop3A_73, %parallel_loop3A_74] : memref<2x192x128xf32, #tpu.memory_space<vmem>> -> memref<1x192x128xf32, #tpu.memory_space<vmem>>
        %parallel_loop3A_76 = tpu.memref_squeeze %parallel_loop3A_75 : memref<1x192x128xf32, #tpu.memory_space<vmem>> -> memref<192x128xf32, #tpu.memory_space<vmem>>
        tpu.vector_store_idx %parallel_loop3A_76[%parallel_loop3A_63, %parallel_loop3A_71], %parallel_loop3A_70 : memref<192x128xf32, #tpu.memory_space<vmem>>[vector<16xi32>, vector<16xi32>], vector<16xf32>,
        %parallel_loop3A_77 = tpu.vector_load_idx %arg7[%add3A_8, %parallel_loop3A_60] : memref<64x64xf32, #tpu.memory_space<vmem>>[vector<16xi32>, vector<16xi32>], vector<16xf32>,
        %parallel_loop3A_78 = arith.addi %parallel_loop3A_69, %add3A_8 : vector<16xi32>
        %parallel_loop3A_79 = arith.constant 0 : i32
        %parallel_loop3A_80 = arith.constant 0 : i32
        %parallel_loop3A_81 = arith.constant 0 : i32
        %parallel_loop3A_82 = tpu.memref_slice %arg6[%parallel_loop3A_79, %parallel_loop3A_80, %parallel_loop3A_81] : memref<2x192x128xf32, #tpu.memory_space<vmem>> -> memref<1x192x128xf32, #tpu.memory_space<vmem>>
        %parallel_loop3A_83 = tpu.memref_squeeze %parallel_loop3A_82 : memref<1x192x128xf32, #tpu.memory_space<vmem>> -> memref<192x128xf32, #tpu.memory_space<vmem>>
        tpu.vector_store_idx %parallel_loop3A_83[%parallel_loop3A_63, %parallel_loop3A_78], %parallel_loop3A_77 : memref<192x128xf32, #tpu.memory_space<vmem>>[vector<16xi32>, vector<16xi32>], vector<16xf32>,
        %parallel_loop3A_84 = tpu.vector_load_idx %arg7[%add3A_11, %parallel_loop3A_60] : memref<64x64xf32, #tpu.memory_space<vmem>>[vector<16xi32>, vector<16xi32>], vector<16xf32>,
        %parallel_loop3A_85 = arith.addi %parallel_loop3A_69, %add3A_11 : vector<16xi32>
        %parallel_loop3A_86 = arith.constant 0 : i32
        %parallel_loop3A_87 = arith.constant 0 : i32
        %parallel_loop3A_88 = arith.constant 0 : i32
        %parallel_loop3A_89 = tpu.memref_slice %arg6[%parallel_loop3A_86, %parallel_loop3A_87, %parallel_loop3A_88] : memref<2x192x128xf32, #tpu.memory_space<vmem>> -> memref<1x192x128xf32, #tpu.memory_space<vmem>>
        %parallel_loop3A_90 = tpu.memref_squeeze %parallel_loop3A_89 : memref<1x192x128xf32, #tpu.memory_space<vmem>> -> memref<192x128xf32, #tpu.memory_space<vmem>>
        tpu.vector_store_idx %parallel_loop3A_90[%parallel_loop3A_63, %parallel_loop3A_85], %parallel_loop3A_84 : memref<192x128xf32, #tpu.memory_space<vmem>>[vector<16xi32>, vector<16xi32>], vector<16xf32>,
        %parallel_loop3A_91 = tpu.vector_load_idx %arg7[%add3A_14, %parallel_loop3A_60] : memref<64x64xf32, #tpu.memory_space<vmem>>[vector<16xi32>, vector<16xi32>], vector<16xf32>,
        %parallel_loop3A_92 = arith.addi %parallel_loop3A_69, %add3A_14 : vector<16xi32>
        %parallel_loop3A_93 = arith.constant 0 : i32
        %parallel_loop3A_94 = arith.constant 0 : i32
        %parallel_loop3A_95 = arith.constant 0 : i32
        %parallel_loop3A_96 = tpu.memref_slice %arg6[%parallel_loop3A_93, %parallel_loop3A_94, %parallel_loop3A_95] : memref<2x192x128xf32, #tpu.memory_space<vmem>> -> memref<1x192x128xf32, #tpu.memory_space<vmem>>
        %parallel_loop3A_97 = tpu.memref_squeeze %parallel_loop3A_96 : memref<1x192x128xf32, #tpu.memory_space<vmem>> -> memref<192x128xf32, #tpu.memory_space<vmem>>
        tpu.vector_store_idx %parallel_loop3A_97[%parallel_loop3A_63, %parallel_loop3A_92], %parallel_loop3A_91 : memref<192x128xf32, #tpu.memory_space<vmem>>[vector<16xi32>, vector<16xi32>], vector<16xf32>,
      } {sc.loop_unroll_factor = 8 : i64, sc.parallel_access}
      %run_scoped3A = arith.constant 0 : i32
      "tpu.region"() ({
        %run_scoped3A_51 = tpu.sem_alloc : memref<!tpu.dma_semaphore, #tpu.memory_space<semaphore_mem>>
        %dma_start3A = arith.constant 0 : i32
        %dma_start3A_52 = arith.constant 0 : i32
        %dma_start3A_53 = tpu.memref_slice %arg6[%run_scoped3A, %dma_start3A, %dma_start3A_52] : memref<2x192x128xf32, #tpu.memory_space<vmem>> -> memref<1x32x128xf32, #tpu.memory_space<vmem>>
        %dma_start3A_54 = tpu.memref_squeeze %dma_start3A_53 : memref<1x32x128xf32, #tpu.memory_space<vmem>> -> memref<32x128xf32, #tpu.memory_space<vmem>>
        %dma_start3A_55 = arith.constant 499968 : i32
        %dma_start3A_56 = arith.constant 0 : i32
        %dma_start3A_57 = tpu.memref_slice %arg4[%dma_start3A_55, %dma_start3A_56] : memref<500032x128xf32, #tpu.memory_space<hbm>> -> memref<32x128xf32, #tpu.memory_space<hbm>>
        %dma_start3A_58 = arith.constant 499968 : i32
        %dma_start3A_59 = arith.constant 0 : i32
        %dma_start3A_60 = tpu.memref_slice %arg4[%dma_start3A_58, %dma_start3A_59] : memref<500032x128xf32, #tpu.memory_space<hbm>> -> memref<32x128xf32, #tpu.memory_space<hbm>>
        %dma_start3A_61 = arith.constant 0 : i32
        %dma_start3A_62 = arith.constant 0 : i32
        %dma_start3A_63 = tpu.memref_slice %arg6[%run_scoped3A, %dma_start3A_61, %dma_start3A_62] : memref<2x192x128xf32, #tpu.memory_space<vmem>> -> memref<1x32x128xf32, #tpu.memory_space<vmem>>
        %dma_start3A_64 = tpu.memref_squeeze %dma_start3A_63 : memref<1x32x128xf32, #tpu.memory_space<vmem>> -> memref<32x128xf32, #tpu.memory_space<vmem>>
        tpu.enqueue_dma source(%dma_start3A_64 : memref<32x128xf32, #tpu.memory_space<vmem>>) target(%dma_start3A_60 : memref<32x128xf32, #tpu.memory_space<hbm>>) target_semaphore(%run_scoped3A_51 : memref<!tpu.dma_semaphore, #tpu.memory_space<semaphore_mem>>)
        %dma_wait3A = arith.constant 0 : i32
        %dma_wait3A_65 = arith.constant 0 : i32
        %dma_wait3A_66 = tpu.memref_slice %arg6[%run_scoped3A, %dma_wait3A, %dma_wait3A_65] : memref<2x192x128xf32, #tpu.memory_space<vmem>> -> memref<1x32x128xf32, #tpu.memory_space<vmem>>
        %dma_wait3A_67 = tpu.memref_squeeze %dma_wait3A_66 : memref<1x32x128xf32, #tpu.memory_space<vmem>> -> memref<32x128xf32, #tpu.memory_space<vmem>>
        %dma_wait3A_68 = arith.constant 499968 : i32
        %dma_wait3A_69 = arith.constant 0 : i32
        %dma_wait3A_70 = tpu.memref_slice %arg4[%dma_wait3A_68, %dma_wait3A_69] : memref<500032x128xf32, #tpu.memory_space<hbm>> -> memref<32x128xf32, #tpu.memory_space<hbm>>
        %dma_wait3A_71 = arith.constant 499968 : i32
        %dma_wait3A_72 = arith.constant 0 : i32
        %dma_wait3A_73 = tpu.memref_slice %arg4[%dma_wait3A_71, %dma_wait3A_72] : memref<500032x128xf32, #tpu.memory_space<hbm>> -> memref<32x128xf32, #tpu.memory_space<hbm>>
        %dma_wait3A_74 = arith.constant 0 : i32
        %dma_wait3A_75 = arith.constant 0 : i32
        %dma_wait3A_76 = tpu.memref_slice %arg6[%run_scoped3A, %dma_wait3A_74, %dma_wait3A_75] : memref<2x192x128xf32, #tpu.memory_space<vmem>> -> memref<1x32x128xf32, #tpu.memory_space<vmem>>
        %dma_wait3A_77 = tpu.memref_squeeze %dma_wait3A_76 : memref<1x32x128xf32, #tpu.memory_space<vmem>> -> memref<32x128xf32, #tpu.memory_space<vmem>>
        tpu.wait_dma2 semaphore(%run_scoped3A_51 : memref<!tpu.dma_semaphore, #tpu.memory_space<semaphore_mem>>) src(%dma_wait3A_77 : memref<32x128xf32, #tpu.memory_space<vmem>>) dst(%dma_wait3A_73 : memref<32x128xf32, #tpu.memory_space<hbm>>)
        tpu.yield
      }) : () -> ()
    } else {
    }
    return
  }
}

</mosaic_0001>

<sc_bundles>
// kernel: kernel.4.cloned.1.call-start
scs
__scs_entry_jumppad:
0x0: {  	(pc) =	sbr.rel $0x88, $3  }
0x1: {  	(tag) =	ssettag $0x0;
	lr =	simm.s32 $0x1  }
0x2: {  	[smem:$0x3F9F] =	sst lr;
	_ =	strace $0xD0000000  }
0x3: {  	_ = 	snop  }
0x4: {  	_ = 	snop  }
0x5: {  	_ = 	snop  }
0x6: {  	_ = 	snop  }
0x7: {  	_ = 	snop  }
__scs_overlays_trampoline_lowered:
0x8: {  	[smem:$0x3FAE] =	sst s0  }
0x9: {  	[smem:$0x3FAF] =	sst s1  }
0xa: {  	[smem:$0x3FB0] =	sst s2  }
0xb: {  	[smem:$0x3FB1] =	sst s3  }
0xc: {  	[smem:$0x3FB2] =	sst s4  }
0xd: {  	[smem:$0x3FB3] =	sst s5  }
0xe: {  	[smem:$0x3FB4] =	sst s6  }
0xf: {  	[smem:$0x3FB5] =	sst s7  }
0x10: {  	[smem:$0x3FB6] =	sst s8  }
0x11: {  	[smem:$0x3FB7] =	sst s9;
	s0 =	simm.s32 @!p0 $0x0  }
0x12: {  	s1 =	sld [smem:$0x3F9D];
	s0 =	simm.s32 @p0 $0x1  }
0x13: {  	[smem:$0x3FB8] =	sst s0;
	s0 =	simm.s32 @!p1 $0x0  }
0x14: {  	s2 =	sld [smem:$0x3F9C];
	s0 =	simm.s32 @p1 $0x1  }
0x15: {  	[smem:$0x3FB9] =	sst s0;
	s0 =	simm.s32 @!p2 $0x0  }
0x16: {  	s3 =	sld [smem:$0x3FDB];
	s0 =	simm.s32 @p2 $0x1  }
0x17: {  	s4 =	simm.s32 $0x1BF5;
	[smem:$0x3FBB] =	sst s0  }
0x18: {  	s0 =	sld [smem:$0x3F9E];
	_ =	swait.ge [sflag:s4], $0x0  }
0x19: {  	s7 =	sld [smem:$0x3F9F]  }
0x1a: {  	s8 =	sadd.s32 $0xFFFFE003, lr  }
0x1b: {  	s9 =	sadd.s32 $0xFFFFFEF7, lr;
	s5 =	simm.s32 $0xFFFFFFFF;
	p2 =	slt.u32 s8, $0xFFFFF086  }
0x1c: {  	p1 =	slt.u32 s9, $0xF7A;
	s5 =	simm.s32 @!p2 $0x0  }
0x1d: {  	s5 =	simm.s32 @p1 $0x1;
	p0 =	seq.s32 s7, s2  }
0x1e: {  	s7 =	smul.u32 @!p0 $0xF7A, s2;
	p2 =	seq.s32 @!p0 s5, $0x0  }
0x1f: {  	s9 =	smul.u32 $0xF7A, s1;
	s8 =	simm.s32 @!p0 $0x1BF5;
	p2 =	por !p2, p0  }
0x20: {  	[sflag:s8] =	ssyncset.s32 @!p0 $0xFFFFF086;
	s6 =	sadd.s32 @!p0 s3, s7;
	s7 =	simm.s32 @!p0 $0x108  }
0x21: {  	s3 =	sadd.s32 s3, s9;
	s6 =	sadd.s32 @!p0 $0x88, s6;
	s7 =	simm.s32 @p2 $0x1082  }
0x22: {  	[simem:s7], [sflag:s8] =	dma.local @!p0 [hbm:s6], $0xF7A  }
0x23: {  	s9 =	sor.u32 $0xD0000000, s2;
	s6 =	simm.s32 $0x108;
	_ =	swait.ge @!p0 [sflag:s8], $0x0  }
0x24: {  	s3 =	sadd.s32 $0x88, s3;
	s6 =	simm.s32 @!p1 $0x1082;
	[sflag:s4] =	ssyncset.s32 $0xFFFFF086  }
0x25: {  	[simem:s6], [sflag:s4] =	dma.local [hbm:s3], $0xF7A  }
0x26: {  	[smem:$0x3F9F] =	sst s1;
	(tag) =	ssettag s2;
	_ =	strace s9  }
0x27: {  	s1 =	sld [smem:$0x3FAF]  }
0x28: {  	s2 =	sld [smem:$0x3FB0]  }
0x29: {  	s4 =	sld [smem:$0x3FB2]  }
0x2a: {  	p0 =	seq.s32 s5, $0x0;
	s5 =	sld [smem:$0x3FB3]  }
0x2b: {  	s6 =	sld [smem:$0x3FB4]  }
0x2c: {  	s7 =	sld [smem:$0x3FB5]  }
0x2d: {  	s3 =	simm.s32 $0x108;
	s8 =	sld [smem:$0x3FB6]  }
0x2e: {  	s3 =	simm.s32 @!p0 $0x1082;
	s9 =	sld [smem:$0x3FB7]  }
0x2f: {  	lr =	sadd.s32 s0, s3;
	s0 =	sld [smem:$0x3FAE]  }
0x30: {  	s3 =	sld [smem:$0x3FB1]  }
0x31: {  	[smem:$0x3FBA] =	sst s10  }
0x32: {  	s10 =	sld [smem:$0x3FB8];
	_ =	sdelay $0x3  }
0x33: {  	p0 =	seq.s32 s10, $0x1;
	s10 =	sld [smem:$0x3FBA];
	_ =	sdelay $0x3  }
0x34: {  	[smem:$0x3FBA] =	sst s10  }
0x35: {  	s10 =	sld [smem:$0x3FB9];
	_ =	sdelay $0x3  }
0x36: {  	p1 =	seq.s32 s10, $0x1;
	s10 =	sld [smem:$0x3FBA];
	_ =	sdelay $0x3  }
0x37: {  	[smem:$0x3FBA] =	sst s10  }
0x38: {  	s10 =	sld [smem:$0x3FBB]  }
0x39: {  	_ = 	snop;
	(pc) =	sbr.ind lr, $3  }
0x3a: {  	_ = 	snop  }
0x3b: {  	_ = 	snop  }
0x3c: {  	p2 =	seq.s32 s10, $0x1;
	s10 =	sld [smem:$0x3FBA]  }
0x3d: {  	_ =	shalt  }
0x3e: {  	_ =	shalt  }
0x3f: {  	_ =	shalt  }
0x40: {  	_ =	shalt  }
0x41: {  	_ =	shalt  }
0x42: {  	_ =	shalt  }
0x43: {  	_ =	shalt  }
0x44: {  	_ =	shalt  }
0x45: {  	_ =	shalt  }
0x46: {  	_ =	shalt  }
0x47: {  	_ =	shalt  }
0x48: {  	_ =	shalt  }
0x49: {  	_ =	shalt  }
0x4a: {  	_ =	shalt  }
0x4b: {  	_ =	shalt  }
0x4c: {  	_ =	shalt  }
0x4d: {  	_ =	shalt  }
0x4e: {  	_ =	shalt  }
0x4f: {  	_ =	shalt  }
0x50: {  	_ =	shalt  }
0x51: {  	_ =	shalt  }
0x52: {  	_ =	shalt  }
0x53: {  	_ =	shalt  }
0x54: {  	_ =	shalt  }
0x55: {  	_ =	shalt  }
0x56: {  	_ =	shalt  }
0x57: {  	_ =	shalt  }
0x58: {  	_ =	shalt  }
0x59: {  	_ =	shalt  }
0x5a: {  	_ =	shalt  }
0x5b: {  	_ =	shalt  }
0x5c: {  	_ =	shalt  }
0x5d: {  	_ =	shalt  }
0x5e: {  	_ =	shalt  }
0x5f: {  	_ =	shalt  }
0x60: {  	_ =	shalt  }
0x61: {  	_ =	shalt  }
0x62: {  	_ =	shalt  }
0x63: {  	_ =	shalt  }
0x64: {  	_ =	shalt  }
0x65: {  	_ =	shalt  }
0x66: {  	_ =	shalt  }
0x67: {  	_ =	shalt  }
0x68: {  	_ =	shalt  }
0x69: {  	_ =	shalt  }
0x6a: {  	_ =	shalt  }
0x6b: {  	_ =	shalt  }
0x6c: {  	_ =	shalt  }
0x6d: {  	_ =	shalt  }
0x6e: {  	_ =	shalt  }
0x6f: {  	_ =	shalt  }
0x70: {  	_ =	shalt  }
0x71: {  	_ =	shalt  }
0x72: {  	_ =	shalt  }
0x73: {  	_ =	shalt  }
0x74: {  	_ =	shalt  }
0x75: {  	_ =	shalt  }
0x76: {  	_ =	shalt  }
0x77: {  	_ =	shalt  }
0x78: {  	_ =	shalt  }
0x79: {  	_ =	shalt  }
0x7a: {  	_ =	shalt  }
0x7b: {  	_ =	shalt  }
0x7c: {  	_ =	shalt  }
0x7d: {  	_ =	shalt  }
0x7e: {  	_ =	shalt  }
0x7f: {  	_ =	shalt  }
0x80: {  	_ =	shalt  }
0x81: {  	_ =	shalt  }
0x82: {  	_ =	shalt  }
0x83: {  	_ =	shalt  }
0x84: {  	_ =	shalt  }
0x85: {  	_ =	shalt  }
0x86: {  	_ =	shalt  }
0x87: {  	_ =	shalt  }
.Lfunc_end0:
.L_simem_size_0:
called_computation_lowered:
.L_overlay_start_0:
0x88: {  	s2 =	sld [smem:$0x3FD9]  }
0x89: {  	s3 =	sld [smem:$0x3FFE];
	_ =	sdelay $0x1  }
0x8a: {  	s1 =	srdreg.scid  }
0x8b: {  	s0 =	sand.u32 $0x1, s1  }
0x8c: {  	s17 =	sshll.u32 s0, $0xA;
	s2 =	sadd.s32 s3, s2  }
0x8d: {  	s2 =	sadd.s32 s2, s17  }
0x8e: {  	[smem:$0x3FC6] =	sst s2  }
0x8f: {  	_ = 	snop  }
0x90: {  	s2 =	sld [smem:$0x3FC8]  }
0x91: {  	s18 =	sld [smem:$0x3FD0];
	(tm) =	ssettm $0x1  }
0x92: {  	s4 =	sld [smem:$0x3FFB];
	_ =	sdelay $0x3  }
0x93: {  	_ =	strace s4  }
0x94: {  	s4 =	sld [smem:$0x3FFC];
	_ =	sdelay $0x3  }
0x95: {  	_ =	strace s4  }
0x96: {  	s4 =	sld [smem:$0x3FFD];
	_ =	sdelay $0x3  }
0x97: {  	_ =	strace s4  }
0x98: {  	_ =	strace $0x8FFFFFFF  }
0x99: {  	s19 =	sld [smem:$0x3FDB];
	_ =	sdelay $0x1  }
0x9a: {  	s5 =	simm.s32 $_scs_section_size  }
0x9b: {  	s6 =	simm.s32 $_size__tile_overlayer_lowered;
	s7 =	simm.s32 $_tile_overlayer_lowered  }
0x9c: {  	s22 =	simm.s32 $0x1BFF;
	s21 =	sshll.u32 s7, $0x1;
	s4 =	sadd.s32 s5, s19  }
0x9d: {  	s8 =	simm.s32 $0x0;
	s20 =	sshll.u32 s6, $0x1;
	s6 =	sadd.s32 s21, s4  }
0x9e: {  	[timem:s8], [sflag:s22] =	dma.local [hbm:s6], s20  }
0x9f: {  	_ =	swait.ge [sflag:s22], s20  }
0xa0: {  	s5 =	ssub.s32 $0x0, s20;
	[sflag:s22] =	ssyncset.done $0x0  }
0xa1: {  	[sflag:s22] =	ssyncadd.s32 s5;
	_ =	sdelay $0x1  }
0xa2: {  	s23 =	simm.s32 $0x1B8B  }
0xa3: {  	_ =	swait.ge [sflag:s23], $0x1  }
0xa4: {  	[sflag:s23] =	ssyncset.done $0x0  }
0xa5: {  	s25 =	simm.s32 $0x1B8E;
	s24 =	sld [smem:$0x3FFE];
	[sflag:s23] =	ssyncadd.s32 $0xFFFFFFFF  }
0xa6: {  	s26 =	simm.s32 $execute0_lowered;
	[smem:$0x3FD2] =	sst s25  }
0xa7: {  	s6 =	sshll.u32 s26, $0x1;
	_ =	strace $0x80000046;
	[dreg:$0x1] =	wrdreg $0xFFFFFFFF  }
0xa8: {  	s28 =	simm.s32 $_size_execute0_lowered;
	s4 =	sadd.s32 s4, s6;
	[dreg:$0x0] =	wrdreg $0x0  }
0xa9: {  	s6 =	sshll.u32 s28, $0x1;
	[dreg:$0x2] =	wrdreg s4  }
0xaa: {  	[dreg:$0x3] =	wrdreg s6  }
0xab: {  	[dreg:$0x4] =	wrdreg $0xC0  }
0xac: {  	_ =	task [dreg:s8], $0x5FFFF  }
0xad: {  	[dreg:$0x1] =	wrdreg $0xFFFFFFFF  }
0xae: {  	[dreg:$0x0] =	wrdreg $0x60  }
0xaf: {  	[dreg:$0x2] =	wrdreg s2  }
0xb0: {  	[dreg:$0x3] =	wrdreg s18  }
0xb1: {  	[dreg:$0x4] =	wrdreg s24  }
0xb2: {  	[dreg:$0x5] =	wrdreg $0x9  }
0xb3: {  	_ =	task.clear_ibuf [dreg:s8], $0x6FFFF;
	_ =	strace $0x90000046  }
0xb4: {  	s29 =	simm.s32 $0x9;
	_ =	strace $0x80000048  }
0xb5: {  	_ =	swait.ge [sflag:s29], $0x1  }
0xb6: {  	[sflag:s29] =	ssyncadd.s32 $0xFFFFFFFF  }
0xb7: {  	_ =	strace $0x90000048  }
0xb8: {  	_ =	sfence  }
0xb9: {  	s30 =	sld [smem:$0x0];
	_ =	sdelay $0x2  }
0xba: {  	s31 =	sshll.u32 s1, $0xD;
	s1 =	sshrl.u32 s1, $0x2  }
0xbb: {  	s3 =	sand.u32 $0x4000, s31;
	s1 =	sadd.s32 s1, s30  }
0xbc: {  	s0 =	sor.u32 s3, s0;
	s1 =	sshll.u32 s1, $0x11  }
0xbd: {  	s0 =	sor.u32 s1, s0  }
0xbe: {  	s0 =	sadd.s32 $0x8F2B, s0  }
0xbf: {  	[sflag:s0] =	ssyncadd.remote.s32 $0x1  }
0xc0: {  	_ =	sfence.sel $0xFFFF  }
0xc1: {  	[dreg:$0x0] =	wrdreg $0xFFFFFFFF;
	(pc) =	sbr.abs _section_cstart, $3  }
0xc2: {  	[dreg:$0x1] =	wrdreg $0xFFFFFFFF  }
0xc3: {  	_ =	task.clear_ibuf [dreg:s8], $0x2FFFF;
	_ =	strace $0x9FFFFFFF  }
0xc4: {  	(tm) =	ssettm $0x7FFFFFFF  }
0xc5: {  	_ =	shalt  }
tec
execute0_lowered:
.L_overlay_start_1:
0x0: {  	(tag) =	ssettag $0x1  }
0x1: {  	v0 =	vimm.s32 $0xF80;
	vm14 =	vcmask $0x300;
	vm13 =	vcmask $0x704  }
0x2: {  	vm12 =	vcmask $0xB08;
	vm11 =	vcmask $0xF0C;
	vm10 =	vcmask $0x1310  }
0x3: {  	vm9 =	vcmask $0x1714;
	vm8 =	vcmask $0x1B18;
	vm7 =	vcmask $0x1F1C  }
0x4: {  	vm6 =	vcmask $0x2320;
	vm5 =	vcmask $0x2724;
	vm4 =	vcmask $0x2B28  }
0x5: {  	vm3 =	vcmask $0x2F2C;
	vm2 =	vcmask $0x3330;
	vm1 =	vcmask $0x3734  }
0x6: {  	vm0 =	vcmask $0x3B38;
	v3 =	vimm.s32 $0x2780;
	v4 =	vimm.s32 $0x3F80  }
0x7: {  	v5 =	vimm.s32 $0x5780;
	v0 =	vsel vm14, $0x0, v0;
	v3 =	vsel vm14, $0x1800, v3  }
0x8: {  	v4 =	vsel vm14, $0x3000, v4;
	v5 =	vsel vm14, $0x4800, v5;
	v0 =	vsel vm13, $0x80, v0  }
0x9: {  	v3 =	vsel vm13, $0x1880, v3;
	v4 =	vsel vm13, $0x3080, v4;
	v5 =	vsel vm13, $0x4880, v5  }
0xa: {  	v0 =	vsel vm12, $0x100, v0;
	v3 =	vsel vm12, $0x1900, v3;
	v4 =	vsel vm12, $0x3100, v4  }
0xb: {  	v5 =	vsel vm12, $0x4900, v5;
	v0 =	vsel vm11, $0x180, v0;
	v3 =	vsel vm11, $0x1980, v3  }
0xc: {  	v4 =	vsel vm11, $0x3180, v4;
	v5 =	vsel vm11, $0x4980, v5;
	v0 =	vsel vm10, $0x200, v0  }
0xd: {  	v3 =	vsel vm10, $0x1A00, v3;
	v4 =	vsel vm10, $0x3200, v4;
	v5 =	vsel vm10, $0x4A00, v5  }
0xe: {  	s0 =	rddreg [dreg:$0x0];
	v0 =	vsel vm9, $0x280, v0;
	v3 =	vsel vm9, $0x1A80, v3;
	v4 =	vsel vm9, $0x3280, v4  }
0xf: {  	s11 =	rddreg [dreg:$0x2];
	v5 =	vsel vm9, $0x4A80, v5;
	v0 =	vsel vm8, $0x300, v0;
	v3 =	vsel vm8, $0x1B00, v3  }
0x10: {  	s5 =	srdreg.scid;
	s1 =	stileid.u32;
	v4 =	vsel vm8, $0x3300, v4;
	v5 =	vsel vm8, $0x4B00, v5;
	v0 =	vsel vm7, $0x380, v0  }
0x11: {  	s4 =	simm.s32 $0x0;
	s14 =	simm.s32 $0x7A1400;
	s15 =	simm.s32 $0x6000;
	v3 =	vsel vm7, $0x1B80, v3;
	v4 =	vsel vm7, $0x3380, v4;
	v5 =	vsel vm7, $0x4B80, v5  }
0x12: {  	s16 =	simm.s32 $0x1;
	s17 =	simm.s32 $0xC000;
	s18 =	simm.s32 $0x2;
	v0 =	vsel vm6, $0xC00, v0;
	v3 =	vsel vm6, $0x2400, v3;
	v4 =	vsel vm6, $0x3C00, v4  }
0x13: {  	s19 =	simm.s32 $0x12000;
	s21 =	simm.s32 $0x4;
	s22 =	simm.s32 $0x18000;
	v5 =	vsel vm6, $0x5400, v5;
	v0 =	vsel vm5, $0xC80, v0;
	v3 =	vsel vm5, $0x2480, v3  }
0x14: {  	s23 =	simm.s32 $0x5;
	s6 =	sand.u32 $0x1, s5;
	s29 =	sshll.u32 s1, $0x1;
	v4 =	vsel vm5, $0x3C80, v4;
	v5 =	vsel vm5, $0x5480, v5;
	v1 =	vsel vm4, $0xD00, v0  }
0x15: {  	[smem:$0x7FF] =	sst s4;
	s5 =	sadd.s32 $0xA00, s11;
	s20 =	sor.u32 s6, s29;
	v0 =	vlaneseq.u32;
	v3 =	vsel vm4, $0x2500, v3;
	v4 =	vsel vm4, $0x3D00, v4  }
0x16: {  	s24 =	simm.s32 $0x0;
	s31 =	sadd.s32 $0x7A1A00, s11;
	s7 =	smul.u32 $0x3D800, s20;
	v5 =	vsel vm4, $0x5500, v5;
	v2 =	vsel vm3, $0xD80, v1;
	v1 =	vor.u32 $0xFFFFFE80, v0  }
0x17: {  	_ =	strace $0x80000047;
	s8 =	ssub.s32 $0x2, s6;
	s9 =	smul.u32 $0x7B00, s20;
	v3 =	vsel vm3, $0x2580, v3;
	v4 =	vsel vm3, $0x3D80, v4;
	v5 =	vsel vm3, $0x5580, v5  }
.Ltmp0:
0x18: {  	[dreg:$0x4] =	wrdreg s31;
	s10 =	sshrl.u32 s8, $0x1;
	v8 =	vor.u32 $0x30, v0;
	v2 =	vsel vm2, $0xE00, v2;
	v3 =	vsel vm2, $0x2600, v3;
	(pc) =	sbr.rel .LBB2_1-.Ltmp0, $4  }
0x19: {  	s6 =	smul.u32 $0x52, s20;
	p0 =	sne.s32 s20, $0x1F;
	s20 =	simm.s32 $0x3;
	v4 =	vsel vm2, $0x3E00, v4;
	v7 =	vsel vm2, $0x5600, v5;
	v2 =	vsel vm1, $0xE80, v2  }
0x1a: {  	s13 =	ssub.s32 s8, s10;
	s12 =	sshrl.u32 s7, $0x3;
	s7 =	sadd.s32 s0, s9;
	v3 =	vsel vm1, $0x2680, v3;
	v6 =	vsel vm1, $0x3E80, v4;
	v4 =	vor.u32 $0x10, v0  }
0x1b: {  	s9 =	sadd.s32 $0x2, s6;
	s10 =	sadd.s32 $0x3, s6;
	s30 =	sadd.s32 s0, s12;
	v7 =	vsel vm1, $0x5680, v7;
	v2 =	vsel vm0, $0xF00, v2;
	v3 =	vsel vm0, $0x2700, v3  }
0x1c: {  	s12 =	smax.u32 s13, $0x1;
	s13 =	simm.s32 $0xC00;
	s8 =	sadd.s32 $0x180, s30;
	v5 =	vsel vm0, $0x3F00, v6;
	v6 =	vor.u32 $0x20, v0;
	v7 =	vsel vm0, $0x5700, v7  }
.LBB2_15:
0x1d: {  	s24 =	sadd.s32 $0x1, s24  }
0x1e: {  	p1 =	sne.s32 s24, s12  }
.Ltmp1:
0x1f: {  	_ = 	snop;
	(pc) =	sbr.rel @!p1 .LBB2_16-.Ltmp1, $1  }
0x20: {  	_ =	sdelay $0x3  }
.LBB2_1:
.Ltmp2:
0x21: {  	(pc) =	sbr.rel .LBB2_2-.Ltmp2, $4  }
0x22: {  	_ = 	snop  }
0x23: {  	[tilespmem:s4], [sflag:$0x1] =	stream.strided.gather [hbm4b:s7+s13], $0x6000, s14, s13, $0x38;
	[tilespmem:$0x1A000] =	vst v63  }
0x24: {  	s25 =	simm.s32 $0x0  }
0x25: {  	[tilespmem:s15], [sflag:$0x2] =	stream.strided.gather [hbm4b:s8+s13], $0x6000, s14, s13, $0x38;
	[tilespmem:$0x1A000] =	vst v63  }
.LBB2_10:
0x26: {  	s25 =	sadd.s32 $0x1, s25  }
0x27: {  	p1 =	sne.s32 s25, $0x29  }
.Ltmp3:
0x28: {  	_ = 	snop;
	(pc) =	sbr.rel @!p1 .LBB2_11-.Ltmp3, $1  }
0x29: {  	_ =	sdelay $0x3  }
.LBB2_2:
0x2a: {  	s26 =	sshll.u32 s25, $0x1  }
0x2b: {  	s28 =	sadd.s32 s6, s26  }
0x2c: {  	p2 =	sgt.u32 s28, $0xA2B  }
.Ltmp4:
0x2d: {  	_ = 	snop;
	(pc) =	sbr.rel @p2 .LBB2_6-.Ltmp4, $2  }
0x2e: {  	_ =	sdelay $0x2  }
0x2f: {  	p1 =	seq.s32 s25, $0x0  }
0x30: {  	s29 =	simm.s32 $0x0  }
0x31: {  	s30 =	simm.s32 $0x1;
	s2 =	simm.s32 $0x5;
	s3 =	simm.s32 $0x7;
	v9 =	vadd.s32 s29, v0;
	v10 =	vadd.s32 s29, v1  }
0x32: {  	s1 =	simm.s32 $0x6;
	v11 =	vadd.s32 s30, v0;
	v15 =	vadd.s32 s2, v0;
	v19 =	vadd.s32 s3, v1  }
0x33: {  	v20 =	vadd.s32 s30, v1;
	v21 =	vadd.s32 s1, v0;
	vm0 =	vgt.u32 v9, $0x17F  }
0x34: {  	vm12 =	vgt.u32 v11, $0x17F;
	v18 =	vsel vm0, v10, v9;
	v9 =	vadd.s32 s3, v0  }
0x35: {  	vm2 =	vgt.u32 v15, $0x17F;
	vm3 =	vgt.u32 v21, $0x17F;
	vm1 =	vgt.u32 v9, $0x17F  }
0x36: {  	v20 =	vsel vm12, v20, v11;
	v19 =	vsel vm1, v19, v9;
	v9 =	vadd.s32 s2, v1  }
0x37: {  	v10 =	vshll.u32 v18, $0x3;
	v15 =	vsel vm2, v9, v15;
	v9 =	vadd.s32 s1, v1  }
0x38: {  	v11 =	vand.u32 $0x7F, v18;
	v10 =	vand.u32 $0xFFFFFC00, v10;
	v9 =	vsel vm3, v9, v21  }
0x39: {  	v45 =	vor.u32 v11, v10;
	v23 =	vshll.u32 v9, $0x3  }
0x3a: {  	v22 =	vshll.u32 v15, $0x3;
	v11 =	vand.u32 $0xFFFFFC00, v23;
	v23 =	vand.u32 $0x7F, v9  }
0x3b: {  	v10 =	vand.u32 $0x7F, v15;
	v22 =	vand.u32 $0xFFFFFC00, v22;
	v23 =	vor.u32 v23, v11  }
0x3c: {  	s31 =	simm.s32 $0x4;
	s29 =	simm.s32 $0x2;
	v29 =	vor.u32 v10, v22;
	v10 =	vadd.s32 v7, v23  }
0x3d: {  	v14 =	vadd.s32 s31, v0;
	v12 =	vadd.s32 s29, v0;
	v13 =	vadd.s32 s29, v1;
	s29 =	simm.s32 $0x3;
	[tilespmem:$0x1FFD0] =	vst v10  }
0x3e: {  	vm13 =	vgt.u32 v14, $0x17F;
	v16 =	vadd.s32 s29, v0;
	v42 =	vshll.u32 v9, $0x6;
	_ =	swait.ge [sflag:s16], $0x6000  }
0x3f: {  	v17 =	vadd.s32 s29, v1;
	v9 =	vor.u32 v8, v42;
	v22 =	vadd.s32 v2, v29;
	[sflag:s16] =	ssyncset.done $0x0  }
0x40: {  	vm14 =	vgt.u32 v12, $0x17F;
	vm15 =	vgt.u32 v16, $0x17F;
	v25 =	vshll.u32 v20, $0x3;
	s1 =	simm.s32 @!p1 $0x3;
	[tilespmem:$0x1FFE0] =	vst v9;
	[sflag:s16] =	ssyncadd.s32 $0xFFFFA000  }
0x41: {  	v13 =	vsel vm14, v13, v12;
	v63 =	vshll.u32 v18, $0x6;
	v16 =	vsel vm15, v17, v16;
	_ =	swait.ge @!p1 [sflag:s1], $0x6000  }
0x42: {  	v17 =	vand.u32 $0x7F, v20;
	v25 =	vand.u32 $0xFFFFFC00, v25;
	v33 =	vshll.u32 v15, $0x6;
	[sflag:s1] =	ssyncset.done @!p1 $0x0  }
0x43: {  	v46 =	vshll.u32 v13, $0x6;
	v34 =	vor.u32 v0, v33;
	v11 =	vshll.u32 v16, $0x3;
	[sflag:s1] =	ssyncadd.s32 @!p1 $0xFFFFA000  }
0x44: {  	v26 =	vadd.s32 v2, v23;
	v30 =	vand.u32 $0xFFFFFC00, v11;
	v35 =	vld.idx.msk [tilespmem:v22+s4+$0x0], $0xffff;
	v22 =	vand.u32 $0x7F, v16  }
0x45: {  	v57 =	vor.u32 v0, v63;
	v37 =	vadd.s32 v3, v29;
	v22 =	vor.u32 v22, v30  }
0x46: {  	v24 =	vshll.u32 v19, $0x3;
	v50 =	vor.u32 v17, v25;
	v25 =	vadd.s32 v2, v22  }
0x47: {  	v28 =	vand.u32 $0x7F, v19;
	v17 =	vand.u32 $0x7F, v13;
	v21 =	vadd.s32 s31, v1  }
0x48: {  	v47 =	vshll.u32 v16, $0x6;
	v24 =	vand.u32 $0xFFFFFC00, v24;
	v14 =	vsel vm13, v21, v14  }
0x49: {  	v40 =	vor.u32 v28, v24;
	v21 =	vor.u32 v0, v42;
	v24 =	vld.idx.msk [tilespmem:v26+s4+$0x0], $0xffff;
	[tilespmem:v34+s17+$0x0] =	vst.idx.msk $0xffff, v35  }
0x4a: {  	v48 =	vshll.u32 v19, $0x6;
	v19 =	vor.u32 v6, v63;
	v28 =	vor.u32 v4, v33;
	v26 =	vld.idx.msk [tilespmem:v37+s4+$0x0], $0xffff  }
0x4b: {  	v27 =	vor.u32 v0, v46;
	v32 =	vadd.s32 v2, v45;
	v12 =	vadd.s32 v7, v45;
	v10 =	vld.idx.msk [tilespmem:v25+s4+$0x0], $0xffff  }
0x4c: {  	v15 =	vshll.u32 v13, $0x3;
	v49 =	vadd.s32 v2, v50;
	v55 =	vor.u32 v0, v47  }
0x4d: {  	v59 =	vadd.s32 v3, v45;
	v15 =	vand.u32 $0xFFFFFC00, v15;
	v51 =	vor.u32 v6, v33  }
0x4e: {  	v52 =	vor.u32 v17, v15;
	v62 =	vadd.s32 v5, v29;
	[tilespmem:v21+s17+$0x0] =	vst.idx.msk $0xffff, v24  }
0x4f: {  	v36 =	vshll.u32 v14, $0x6;
	v38 =	vand.u32 $0x7F, v14;
	v24 =	vadd.s32 v2, v52;
	[tilespmem:v28+s17+$0x0] =	vst.idx.msk $0xffff, v26  }
0x50: {  	v14 =	vshll.u32 v14, $0x3;
	v41 =	vadd.s32 v2, v40;
	v15 =	vor.u32 v8, v46;
	[tilespmem:$0x1FFF0] =	vst v10  }
0x51: {  	v53 =	vadd.s32 v3, v40;
	v14 =	vand.u32 $0xFFFFFC00, v14;
	v21 =	vshll.u32 v20, $0x6;
	v56 =	vld.idx.msk [tilespmem:v32+s4+$0x0], $0xffff  }
0x52: {  	v17 =	vadd.s32 v7, v52;
	v13 =	vor.u32 v8, v36;
	v39 =	vor.u32 v0, v21;
	v61 =	vld.idx.msk [tilespmem:v49+s4+$0x0], $0xffff  }
0x53: {  	v60 =	vadd.s32 v7, v29;
	v31 =	vadd.s32 v3, v52;
	v54 =	vor.u32 v0, v36;
	v58 =	vld.idx.msk [tilespmem:v62+s4+$0x0], $0xffff  }
0x54: {  	v11 =	vor.u32 v6, v42;
	v43 =	vadd.s32 v3, v23;
	v37 =	vor.u32 v38, v14;
	v49 =	vld.idx.msk [tilespmem:v24+s4+$0x0], $0xffff  }
0x55: {  	v42 =	vor.u32 v4, v42;
	v9 =	vor.u32 v0, v48;
	v44 =	vadd.s32 v2, v37;
	v62 =	vld.idx.msk [tilespmem:v41+s4+$0x0], $0xffff  }
0x56: {  	v16 =	vor.u32 v6, v47;
	v30 =	vor.u32 v4, v63;
	[tilespmem:v57+s17+$0x0] =	vst.idx.msk $0xffff, v56  }
0x57: {  	v20 =	vor.u32 v6, v36;
	v35 =	vadd.s32 v5, v50;
	[tilespmem:v39+s17+$0x0] =	vst.idx.msk $0xffff, v61  }
0x58: {  	v14 =	vor.u32 v8, v63;
	v63 =	vadd.s32 v3, v50;
	[tilespmem:v51+s17+$0x0] =	vst.idx.msk $0xffff, v58  }
0x59: {  	v34 =	vor.u32 v4, v48;
	v52 =	vadd.s32 v5, v52;
	v43 =	vld.idx.msk [tilespmem:v43+s4+$0x0], $0xffff;
	[tilespmem:v27+s17+$0x0] =	vst.idx.msk $0xffff, v49  }
0x5a: {  	v38 =	vor.u32 v4, v47;
	v18 =	vadd.s32 v7, v37;
	v56 =	vld.idx.msk [tilespmem:v44+s4+$0x0], $0xffff;
	[tilespmem:v9+s17+$0x0] =	vst.idx.msk $0xffff, v62  }
0x5b: {  	v29 =	vadd.s32 v5, v37;
	v25 =	vadd.s32 v7, v40;
	v28 =	vor.u32 v8, v33;
	v9 =	vld [tilespmem:$0x1FFF0]  }
0x5c: {  	v26 =	vor.u32 v6, v21;
	v33 =	vadd.s32 v5, v23;
	v10 =	vadd.s32 v3, v22;
	v44 =	vld.idx.msk [tilespmem:v59+s4+$0x0], $0xffff  }
0x5d: {  	v23 =	vor.u32 v8, v21;
	v32 =	vor.u32 v4, v36;
	v36 =	vadd.s32 v5, v45;
	v45 =	vld.idx.msk [tilespmem:v63+s4+$0x0], $0xffff  }
0x5e: {  	v41 =	vor.u32 v4, v21;
	v24 =	vor.u32 v8, v48;
	v21 =	vor.u32 v8, v47;
	v27 =	vld.idx.msk [tilespmem:v60+s4+$0x0], $0xffff  }
0x5f: {  	v39 =	vadd.s32 v5, v22;
	v51 =	vadd.s32 v3, v37;
	v37 =	vor.u32 v6, v46;
	v47 =	vld.idx.msk [tilespmem:v31+s4+$0x0], $0xffff  }
0x60: {  	v49 =	vor.u32 v4, v46;
	v31 =	vor.u32 v6, v48;
	v48 =	vld.idx.msk [tilespmem:v53+s4+$0x0], $0xffff;
	[tilespmem:v55+s17+$0x0] =	vst.idx.msk $0xffff, v9  }
0x61: {  	s29 =	simm.s32 $0x8;
	v46 =	vadd.s32 v5, v40;
	v40 =	vadd.s32 v7, v50;
	[tilespmem:v54+s17+$0x0] =	vst.idx.msk $0xffff, v56;
	v50 =	vld.idx.msk [tilespmem:v10+s4+$0x0], $0xffff  }
.LBB2_4:
0x62: {  	v53 =	vadd.s32 s29, v0;
	v54 =	vadd.s32 s29, v1;
	s1 =	sadd.s32 $0x1, s29;
	s2 =	sadd.s32 $0x2, s29;
	v22 =	vadd.s32 v7, v22;
	[tilespmem:v42+s17+$0x0] =	vst.idx.msk $0xffff, v43  }
0x63: {  	s30 =	sadd.s32 $0x4, s29;
	s31 =	sadd.s32 $0x5, s29;
	vm0 =	vgt.u32 v53, $0x17F;
	v42 =	vadd.s32 s1, v0;
	v43 =	vadd.s32 s2, v0;
	[tilespmem:v30+s17+$0x0] =	vst.idx.msk $0xffff, v44  }
0x64: {  	s11 =	sadd.s32 $0x6, s29;
	v55 =	vadd.s32 s30, v0;
	v56 =	vadd.s32 s31, v0;
	v62 =	vadd.s32 s1, v1;
	[tilespmem:v41+s17+$0x0] =	vst.idx.msk $0xffff, v45  }
0x65: {  	v63 =	vadd.s32 s11, v0;
	vm12 =	vgt.u32 v42, $0x17F;
	vm13 =	vgt.u32 v55, $0x17F;
	v44 =	vld.idx.msk [tilespmem:v51+s4+$0x0], $0xffff;
	[tilespmem:v49+s17+$0x0] =	vst.idx.msk $0xffff, v47  }
0x66: {  	s3 =	sadd.s32 $0x3, s29;
	vm2 =	vgt.u32 v56, $0x17F;
	vm3 =	vgt.u32 v63, $0x17F;
	vm14 =	vgt.u32 v43, $0x17F;
	[tilespmem:v34+s17+$0x0] =	vst.idx.msk $0xffff, v48;
	v35 =	vld.idx.msk [tilespmem:v35+s4+$0x0], $0xffff  }
0x67: {  	v51 =	vadd.s32 s2, v1;
	v30 =	vsel vm0, v54, v53;
	v47 =	vadd.s32 s3, v0;
	[tilespmem:v38+s17+$0x0] =	vst.idx.msk $0xffff, v50;
	v49 =	vld.idx.msk [tilespmem:v52+s4+$0x0], $0xffff  }
0x68: {  	s2 =	sadd.s32 $0x7, s29;
	v45 =	vadd.s32 s3, v1;
	[tilespmem:v28+s17+$0x0] =	vst.idx.msk $0xffff, v27;
	v28 =	vsel vm12, v62, v42;
	v53 =	vadd.s32 s30, v1;
	v61 =	vld.idx.msk [tilespmem:v46+s4+$0x0], $0xffff  }
0x69: {  	v57 =	vadd.s32 s2, v0;
	v58 =	vshll.u32 v30, $0x3;
	v60 =	vadd.s32 s2, v1;
	v39 =	vld.idx.msk [tilespmem:v39+s4+$0x0], $0xffff  }
0x6a: {  	v36 =	vld.idx.msk [tilespmem:v36+s4+$0x0], $0xffff;
	v27 =	vshll.u32 v28, $0x6;
	v46 =	vadd.s32 s11, v1;
	v48 =	vand.u32 $0x7F, v30;
	[tilespmem:v32+s17+$0x0] =	vst.idx.msk $0xffff, v44  }
0x6b: {  	vm15 =	vgt.u32 v47, $0x17F;
	vm1 =	vgt.u32 v57, $0x17F;
	v42 =	vsel vm3, v46, v63;
	[tilespmem:v26+s17+$0x0] =	vst.idx.msk $0xffff, v35  }
0x6c: {  	v59 =	vand.u32 $0xFFFFFC00, v58;
	v41 =	vsel vm1, v60, v57;
	v54 =	vshll.u32 v42, $0x3;
	[tilespmem:v37+s17+$0x0] =	vst.idx.msk $0xffff, v49  }
0x6d: {  	v9 =	vld [tilespmem:$0x1FFD0];
	v57 =	vand.u32 $0xFFFFFC00, v54;
	v58 =	vshll.u32 v41, $0x3;
	v44 =	vadd.s32 s31, v1;
	[tilespmem:v31+s17+$0x0] =	vst.idx.msk $0xffff, v61  }
0x6e: {  	v29 =	vld.idx.msk [tilespmem:v29+s4+$0x0], $0xffff;
	v32 =	vsel vm2, v44, v56;
	v31 =	vor.u32 v48, v59;
	[tilespmem:v16+s17+$0x0] =	vst.idx.msk $0xffff, v39  }
0x6f: {  	v26 =	vld.idx.msk [tilespmem:v33+s4+$0x0], $0xffff;
	v16 =	vand.u32 $0x7F, v42;
	[tilespmem:v19+s17+$0x0] =	vst.idx.msk $0xffff, v36;
	v36 =	vshll.u32 v42, $0x6;
	v59 =	vand.u32 $0x7F, v41  }
0x70: {  	v37 =	vsel vm13, v53, v55;
	v49 =	vshll.u32 v41, $0x6;
	v52 =	vshll.u32 v32, $0x3;
	v17 =	vld.idx.msk [tilespmem:v17+s4+$0x0], $0xffff  }
0x71: {  	v56 =	vand.u32 $0x7F, v32;
	v19 =	vld.idx.msk [tilespmem:v25+s4+$0x0], $0xffff;
	v25 =	vshll.u32 v28, $0x3;
	v33 =	vor.u32 v16, v57  }
0x72: {  	v60 =	vld.idx.msk [tilespmem:v12+s4+$0x0], $0xffff;
	v42 =	vor.u32 v8, v36;
	v62 =	vor.u32 v0, v36;
	v12 =	vadd.s32 v7, v31  }
0x73: {  	v54 =	vor.u32 v0, v49;
	v44 =	vadd.s32 v3, v31;
	v35 =	vand.u32 $0xFFFFFC00, v52  }
0x74: {  	v40 =	vld.idx.msk [tilespmem:v40+s4+$0x0], $0xffff;
	v34 =	vadd.s32 v2, v33;
	v46 =	vadd.s32 v3, v33;
	v35 =	vor.u32 v56, v35  }
0x75: {  	v28 =	vand.u32 $0x7F, v28;
	v16 =	vadd.s32 v2, v35;
	v63 =	vadd.s32 v3, v35;
	[tilespmem:v20+s17+$0x0] =	vst.idx.msk $0xffff, v29  }
0x76: {  	v20 =	vadd.s32 v7, v33;
	v29 =	vand.u32 $0xFFFFFC00, v58;
	[tilespmem:v11+s17+$0x0] =	vst.idx.msk $0xffff, v26;
	v26 =	vsel vm15, v45, v47  }
0x77: {  	v11 =	vor.u32 v6, v36;
	v33 =	vadd.s32 v5, v33;
	v18 =	vld.idx.msk [tilespmem:v18+s4+$0x0], $0xffff;
	[tilespmem:v15+s17+$0x0] =	vst.idx.msk $0xffff, v17  }
0x78: {  	v10 =	vshll.u32 v26, $0x3;
	v17 =	vsel vm14, v51, v43;
	[tilespmem:v24+s17+$0x0] =	vst.idx.msk $0xffff, v19;
	v24 =	vadd.s32 v2, v31  }
0x79: {  	v61 =	vld.idx.msk [tilespmem:v9+s4+$0x0], $0xffff;
	v19 =	vand.u32 $0xFFFFFC00, v25;
	v25 =	vshll.u32 v32, $0x6;
	v9 =	vmovc v20;
	v20 =	vand.u32 $0x7F, v26  }
0x7a: {  	[tilespmem:v23+s17+$0x0] =	vst.idx.msk $0xffff, v40;
	v40 =	vshll.u32 v37, $0x6;
	v50 =	vor.u32 v59, v29;
	v59 =	vadd.s32 v7, v35  }
0x7b: {  	v15 =	vld.idx.msk [tilespmem:v22+s4+$0x0], $0xffff;
	v22 =	vand.u32 $0xFFFFFC00, v10;
	v23 =	vshll.u32 v17, $0x3;
	v32 =	vor.u32 v0, v25  }
0x7c: {  	[tilespmem:v14+s17+$0x0] =	vst.idx.msk $0xffff, v60;
	v52 =	vor.u32 v28, v19;
	v19 =	vshll.u32 v37, $0x3;
	v48 =	vshll.u32 v17, $0x6  }
0x7d: {  	[tilespmem:$0x1FFD0] =	vst v9;
	v51 =	vor.u32 v6, v25;
	v28 =	vshll.u32 v30, $0x6;
	v22 =	vor.u32 v20, v22  }
0x7e: {  	v29 =	vadd.s32 v2, v52;
	v30 =	vor.u32 v4, v28;
	v38 =	vor.u32 v0, v28;
	v16 =	vld.idx.msk [tilespmem:v16+s4+$0x0], $0xffff  }
0x7f: {  	v9 =	vld [tilespmem:$0x1FFE0];
	v19 =	vand.u32 $0xFFFFFC00, v19;
	v14 =	vadd.s32 v2, v22;
	v57 =	vadd.s32 v3, v22;
	[tilespmem:v13+s17+$0x0] =	vst.idx.msk $0xffff, v18  }
0x80: {  	v13 =	vand.u32 $0x7F, v37;
	v18 =	vand.u32 $0xFFFFFC00, v23;
	[tilespmem:v21+s17+$0x0] =	vst.idx.msk $0xffff, v15;
	v15 =	vand.u32 $0x7F, v17  }
0x81: {  	v21 =	vadd.s32 v2, v50;
	v37 =	vshll.u32 v26, $0x6;
	v23 =	vor.u32 v4, v25  }
0x82: {  	v34 =	vld.idx.msk [tilespmem:v34+s4+$0x0], $0xffff;
	v26 =	vadd.s32 v5, v35;
	v35 =	vadd.s32 v5, v52;
	v53 =	vor.u32 v15, v18  }
0x83: {  	v24 =	vld.idx.msk [tilespmem:v24+s4+$0x0], $0xffff;
	v15 =	vor.u32 v8, v48;
	v47 =	vor.u32 v13, v19;
	[tilespmem:v32+s17+$0x0] =	vst.idx.msk $0xffff, v16  }
0x84: {  	v13 =	vor.u32 v8, v40;
	v19 =	vor.u32 v6, v28;
	v56 =	vor.u32 v0, v37;
	v20 =	vld.idx.msk [tilespmem:v63+s4+$0x0], $0xffff  }
0x85: {  	v17 =	vadd.s32 v7, v53;
	v39 =	vadd.s32 v2, v47;
	v41 =	vadd.s32 v2, v53;
	v45 =	vld.idx.msk [tilespmem:v29+s4+$0x0], $0xffff  }
0x86: {  	v18 =	vadd.s32 v7, v47;
	v29 =	vadd.s32 v5, v47;
	v16 =	vor.u32 v6, v37;
	v55 =	vld.idx.msk [tilespmem:v14+s4+$0x0], $0xffff  }
0x87: {  	v14 =	vor.u32 v8, v28;
	v28 =	vor.u32 v8, v25;
	[tilespmem:v9+s17+$0x0] =	vst.idx.msk $0xffff, v61;
	v9 =	vmov v42  }
0x88: {  	v32 =	vor.u32 v4, v40;
	v25 =	vadd.s32 v7, v50;
	[tilespmem:$0x1FFE0] =	vst v9;
	v60 =	vld.idx.msk [tilespmem:v21+s4+$0x0], $0xffff  }
0x89: {  	v42 =	vor.u32 v4, v36;
	[tilespmem:v23+s17+$0x0] =	vst.idx.msk $0xffff, v20;
	v23 =	vor.u32 v0, v27  }
0x8a: {  	[tilespmem:v62+s17+$0x0] =	vst.idx.msk $0xffff, v34;
	v21 =	vadd.s32 v3, v52;
	v62 =	vor.u32 v0, v48;
	v61 =	vld.idx.msk [tilespmem:v41+s4+$0x0], $0xffff  }
0x8b: {  	v63 =	vadd.s32 v3, v53;
	v36 =	vadd.s32 v5, v31;
	[tilespmem:v38+s17+$0x0] =	vst.idx.msk $0xffff, v24;
	v58 =	vld.idx.msk [tilespmem:v26+s4+$0x0], $0xffff  }
0x8c: {  	v31 =	vor.u32 v6, v49;
	v43 =	vld.idx.msk [tilespmem:v46+s4+$0x0], $0xffff;
	v46 =	vadd.s32 v3, v50;
	[tilespmem:v56+s17+$0x0] =	vst.idx.msk $0xffff, v55  }
0x8d: {  	v34 =	vor.u32 v4, v49;
	v9 =	vor.u32 v0, v40;
	v44 =	vld.idx.msk [tilespmem:v44+s4+$0x0], $0xffff;
	[tilespmem:v54+s17+$0x0] =	vst.idx.msk $0xffff, v60  }
0x8e: {  	p2 =	slt.u32 s29, $0x178;
	v38 =	vor.u32 v4, v37;
	v24 =	vor.u32 v8, v49;
	v10 =	vld.idx.msk [tilespmem:v39+s4+$0x0], $0xffff;
	[tilespmem:v23+s17+$0x0] =	vst.idx.msk $0xffff, v45  }
.Ltmp5:
0x8f: {  	v49 =	vor.u32 v4, v48;
	v41 =	vor.u32 v4, v27;
	[tilespmem:v62+s17+$0x0] =	vst.idx.msk $0xffff, v61;
	v45 =	vld.idx.msk [tilespmem:v21+s4+$0x0], $0xffff;
	(pc) =	sbr.rel @p2 .LBB2_4-.Ltmp5, $4  }
0x90: {  	v39 =	vadd.s32 v5, v22;
	[tilespmem:v51+s17+$0x0] =	vst.idx.msk $0xffff, v58;
	v51 =	vadd.s32 v3, v47;
	v47 =	vld.idx.msk [tilespmem:v63+s4+$0x0], $0xffff  }
0x91: {  	v20 =	vor.u32 v6, v40;
	v21 =	vor.u32 v8, v37;
	v37 =	vor.u32 v6, v48;
	v48 =	vld.idx.msk [tilespmem:v46+s4+$0x0], $0xffff  }
0x92: {  	v40 =	vadd.s32 v7, v52;
	v52 =	vadd.s32 v5, v53;
	v46 =	vadd.s32 v5, v50;
	v50 =	vld.idx.msk [tilespmem:v57+s4+$0x0], $0xffff  }
0x93: {  	s29 =	sadd.s32 $0x8, s29;
	v26 =	vor.u32 v6, v27;
	[tilespmem:v9+s17+$0x0] =	vst.idx.msk $0xffff, v10;
	v23 =	vor.u32 v8, v27;
	v27 =	vld.idx.msk [tilespmem:v59+s4+$0x0], $0xffff  }
0x94: {  	_ =	sdelay $0x3  }
0x95: {  	[tilespmem:v42+s17+$0x0] =	vst.idx.msk $0xffff, v43  }
0x96: {  	[tilespmem:v30+s17+$0x0] =	vst.idx.msk $0xffff, v44  }
0x97: {  	v9 =	vld.idx.msk [tilespmem:v51+s4+$0x0], $0xffff;
	[tilespmem:v41+s17+$0x0] =	vst.idx.msk $0xffff, v45  }
0x98: {  	v10 =	vld.idx.msk [tilespmem:v35+s4+$0x0], $0xffff;
	[tilespmem:v49+s17+$0x0] =	vst.idx.msk $0xffff, v47  }
0x99: {  	v61 =	vld.idx.msk [tilespmem:v36+s4+$0x0], $0xffff;
	[tilespmem:v34+s17+$0x0] =	vst.idx.msk $0xffff, v48  }
0x9a: {  	v59 =	vld.idx.msk [tilespmem:v52+s4+$0x0], $0xffff;
	[tilespmem:v38+s17+$0x0] =	vst.idx.msk $0xffff, v50  }
0x9b: {  	v34 =	vld.idx.msk [tilespmem:v46+s4+$0x0], $0xffff;
	[tilespmem:v28+s17+$0x0] =	vst.idx.msk $0xffff, v27  }
0x9c: {  	v60 =	vld.idx.msk [tilespmem:v39+s4+$0x0], $0xffff;
	[tilespmem:v32+s17+$0x0] =	vst.idx.msk $0xffff, v9  }
0x9d: {  	v9 =	vld.idx.msk [tilespmem:v29+s4+$0x0], $0xffff;
	[tilespmem:v26+s17+$0x0] =	vst.idx.msk $0xffff, v10  }
0x9e: {  	v10 =	vld.idx.msk [tilespmem:v33+s4+$0x0], $0xffff;
	[tilespmem:v19+s17+$0x0] =	vst.idx.msk $0xffff, v61  }
0x9f: {  	[tilespmem:v37+s17+$0x0] =	vst.idx.msk $0xffff, v59  }
0xa0: {  	v63 =	vld.idx.msk [tilespmem:v40+s4+$0x0], $0xffff;
	[tilespmem:v31+s17+$0x0] =	vst.idx.msk $0xffff, v34  }
0xa1: {  	v17 =	vld.idx.msk [tilespmem:v17+s4+$0x0], $0xffff;
	[tilespmem:v16+s17+$0x0] =	vst.idx.msk $0xffff, v60  }
0xa2: {  	v62 =	vld.idx.msk [tilespmem:v25+s4+$0x0], $0xffff;
	[tilespmem:v20+s17+$0x0] =	vst.idx.msk $0xffff, v9  }
0xa3: {  	[tilespmem:v11+s17+$0x0] =	vst.idx.msk $0xffff, v10;
	v9 =	vld.idx.msk [tilespmem:v18+s4+$0x0], $0xffff  }
0xa4: {  	v10 =	vld [tilespmem:$0x1FFD0]  }
0xa5: {  	v22 =	vadd.s32 v7, v22;
	[tilespmem:v23+s17+$0x0] =	vst.idx.msk $0xffff, v63  }
0xa6: {  	[tilespmem:v15+s17+$0x0] =	vst.idx.msk $0xffff, v17  }
0xa7: {  	[tilespmem:v24+s17+$0x0] =	vst.idx.msk $0xffff, v62  }
0xa8: {  	[tilespmem:v13+s17+$0x0] =	vst.idx.msk $0xffff, v9  }
0xa9: {  	v9 =	vld [tilespmem:$0x1FFE0]  }
0xaa: {  	v11 =	vld.idx.msk [tilespmem:v22+s4+$0x0], $0xffff  }
0xab: {  	v12 =	vld.idx.msk [tilespmem:v12+s4+$0x0], $0xffff  }
0xac: {  	s1 =	sadd.s32 s26, s9;
	p2 =	seq.s32 s25, $0x28;
	v10 =	vld.idx.msk [tilespmem:v10+s4+$0x0], $0xffff  }
0xad: {  	p3 =	sgt.u32 @!p2 s1, $0xA2B  }
0xae: {  	p2 =	por p3, p2  }
0xaf: {  	s1 =	smul.u32 @!p2 $0x180, s1;
	[tilespmem:v21+s17+$0x0] =	vst.idx.msk $0xffff, v11  }
0xb0: {  	s28 =	smul.u32 $0xC00, s28;
	s2 =	simm.s32 @!p2 $0xC00;
	[tilespmem:v14+s17+$0x0] =	vst.idx.msk $0xffff, v12  }
0xb1: {  	s3 =	simm.s32 @!p2 $0x7A1400;
	s11 =	simm.s32 @!p2 $0x0;
	s1 =	sadd.s32 @!p2 s0, s1;
	[tilespmem:v9+s17+$0x0] =	vst.idx.msk $0xffff, v10  }
0xb2: {  	[tilespmem:s11], [sflag:$0x1] =	stream.strided.gather @!p2 [hbm4b:s1+s2], $0x6000, s3, s2, $0x38;
	[tilespmem:$0x1A000] =	vst v63  }
0xb3: {  	s31 =	sadd.s32 s5, s28  }
0xb4: {  	[hbm4b:s31+s4] =	stream.linear.scatter [tilespmem:s17], [sflag:$0x3], $0x6000, $0x38;
	[tilespmem:$0x1A000] =	vst v63  }
.LBB2_6:
0xb5: {  	s1 =	sadd.s32 s26, s6  }
0xb6: {  	s28 =	sadd.s32 $0x1, s1  }
0xb7: {  	p2 =	sgt.u32 s28, $0xA2B  }
.Ltmp6:
0xb8: {  	_ = 	snop;
	(pc) =	sbr.rel @p2 .LBB2_10-.Ltmp6, $1  }
0xb9: {  	_ =	sdelay $0x3  }
0xba: {  	s1 =	simm.s32 $0x0  }
0xbb: {  	s2 =	simm.s32 $0x1;
	s30 =	simm.s32 $0x2;
	v9 =	vadd.s32 s1, v0  }
0xbc: {  	s11 =	simm.s32 $0x5;
	s29 =	simm.s32 $0x7;
	v10 =	vadd.s32 s1, v1;
	v11 =	vadd.s32 s2, v0;
	v12 =	vadd.s32 s30, v0  }
0xbd: {  	v13 =	vadd.s32 s30, v1;
	v15 =	vadd.s32 s11, v0;
	v19 =	vadd.s32 s29, v1  }
0xbe: {  	s30 =	simm.s32 $0x6;
	v20 =	vadd.s32 s2, v1;
	vm0 =	vgt.u32 v9, $0x17F;
	vm12 =	vgt.u32 v11, $0x17F  }
0xbf: {  	v21 =	vadd.s32 s30, v0;
	v18 =	vsel vm0, v10, v9;
	v9 =	vadd.s32 s29, v0  }
0xc0: {  	vm2 =	vgt.u32 v15, $0x17F;
	v20 =	vsel vm12, v20, v11;
	vm1 =	vgt.u32 v9, $0x17F  }
0xc1: {  	vm3 =	vgt.u32 v21, $0x17F;
	v19 =	vsel vm1, v19, v9;
	v9 =	vadd.s32 s11, v1  }
0xc2: {  	v10 =	vshll.u32 v18, $0x3;
	v15 =	vsel vm2, v9, v15;
	v9 =	vadd.s32 s30, v1  }
0xc3: {  	v11 =	vand.u32 $0x7F, v18;
	v10 =	vand.u32 $0xFFFFFC00, v10;
	v9 =	vsel vm3, v9, v21  }
0xc4: {  	v45 =	vor.u32 v11, v10;
	v23 =	vshll.u32 v9, $0x3  }
0xc5: {  	v22 =	vshll.u32 v15, $0x3;
	v11 =	vand.u32 $0xFFFFFC00, v23;
	v23 =	vand.u32 $0x7F, v9  }
0xc6: {  	v10 =	vand.u32 $0x7F, v15;
	v22 =	vand.u32 $0xFFFFFC00, v22;
	v23 =	vor.u32 v23, v11  }
0xc7: {  	s3 =	simm.s32 $0x4;
	v29 =	vor.u32 v10, v22;
	v10 =	vadd.s32 v7, v23  }
0xc8: {  	s31 =	simm.s32 $0x3;
	v14 =	vadd.s32 s3, v0;
	[tilespmem:$0x1FFA0] =	vst v10  }
0xc9: {  	v16 =	vadd.s32 s31, v0;
	v17 =	vadd.s32 s31, v1;
	v42 =	vshll.u32 v9, $0x6;
	_ =	swait.ge [sflag:s18], $0x6000  }
0xca: {  	vm15 =	vgt.u32 v16, $0x17F;
	v9 =	vor.u32 v8, v42;
	v22 =	vadd.s32 v2, v29;
	[sflag:s18] =	ssyncset.done $0x0  }
0xcb: {  	s1 =	simm.s32 @!p1 $0x4;
	vm13 =	vgt.u32 v14, $0x17F;
	vm14 =	vgt.u32 v12, $0x17F;
	v16 =	vsel vm15, v17, v16;
	[tilespmem:$0x1FFB0] =	vst v9;
	[sflag:s18] =	ssyncadd.s32 $0xFFFFA000  }
0xcc: {  	v13 =	vsel vm14, v13, v12;
	v25 =	vshll.u32 v20, $0x3;
	v17 =	vand.u32 $0x7F, v20;
	_ =	swait.ge @!p1 [sflag:s1], $0x6000  }
0xcd: {  	v46 =	vshll.u32 v13, $0x6;
	v47 =	vshll.u32 v16, $0x6;
	v33 =	vshll.u32 v15, $0x6;
	[sflag:s1] =	ssyncset.done @!p1 $0x0  }
0xce: {  	v63 =	vshll.u32 v18, $0x6;
	v34 =	vor.u32 v0, v33;
	v11 =	vshll.u32 v16, $0x3;
	[sflag:s1] =	ssyncadd.s32 @!p1 $0xFFFFA000  }
0xcf: {  	v26 =	vadd.s32 v2, v23;
	v30 =	vand.u32 $0xFFFFFC00, v11;
	v35 =	vld.idx.msk [tilespmem:v22+s15+$0x0], $0xffff;
	v22 =	vand.u32 $0x7F, v16  }
0xd0: {  	v25 =	vand.u32 $0xFFFFFC00, v25;
	v37 =	vadd.s32 v3, v29;
	v22 =	vor.u32 v22, v30  }
0xd1: {  	v55 =	vor.u32 v0, v47;
	v50 =	vor.u32 v17, v25;
	v25 =	vadd.s32 v2, v22  }
0xd2: {  	v57 =	vor.u32 v0, v63;
	v24 =	vshll.u32 v19, $0x3;
	v21 =	vadd.s32 s3, v1  }
0xd3: {  	v28 =	vand.u32 $0x7F, v19;
	v24 =	vand.u32 $0xFFFFFC00, v24;
	v14 =	vsel vm13, v21, v14  }
0xd4: {  	v40 =	vor.u32 v28, v24;
	v21 =	vor.u32 v0, v42;
	v24 =	vld.idx.msk [tilespmem:v26+s15+$0x0], $0xffff;
	[tilespmem:v34+s19+$0x0] =	vst.idx.msk $0xffff, v35  }
0xd5: {  	v27 =	vor.u32 v0, v46;
	v17 =	vand.u32 $0x7F, v13;
	v28 =	vor.u32 v4, v33;
	v26 =	vld.idx.msk [tilespmem:v37+s15+$0x0], $0xffff  }
0xd6: {  	v48 =	vshll.u32 v19, $0x6;
	v19 =	vor.u32 v6, v63;
	v32 =	vadd.s32 v2, v45;
	v10 =	vld.idx.msk [tilespmem:v25+s15+$0x0], $0xffff  }
0xd7: {  	v12 =	vadd.s32 v7, v45;
	v15 =	vshll.u32 v13, $0x3;
	v49 =	vadd.s32 v2, v50  }
0xd8: {  	v59 =	vadd.s32 v3, v45;
	v15 =	vand.u32 $0xFFFFFC00, v15;
	v51 =	vor.u32 v6, v33  }
0xd9: {  	v52 =	vor.u32 v17, v15;
	v62 =	vadd.s32 v5, v29;
	[tilespmem:v21+s19+$0x0] =	vst.idx.msk $0xffff, v24  }
0xda: {  	v36 =	vshll.u32 v14, $0x6;
	v38 =	vand.u32 $0x7F, v14;
	v24 =	vadd.s32 v2, v52;
	[tilespmem:v28+s19+$0x0] =	vst.idx.msk $0xffff, v26  }
0xdb: {  	v14 =	vshll.u32 v14, $0x3;
	v41 =	vadd.s32 v2, v40;
	v15 =	vor.u32 v8, v46;
	[tilespmem:$0x1FFC0] =	vst v10  }
0xdc: {  	v53 =	vadd.s32 v3, v40;
	v14 =	vand.u32 $0xFFFFFC00, v14;
	v21 =	vshll.u32 v20, $0x6;
	v56 =	vld.idx.msk [tilespmem:v32+s15+$0x0], $0xffff  }
0xdd: {  	v17 =	vadd.s32 v7, v52;
	v13 =	vor.u32 v8, v36;
	v39 =	vor.u32 v0, v21;
	v61 =	vld.idx.msk [tilespmem:v49+s15+$0x0], $0xffff  }
0xde: {  	v60 =	vadd.s32 v7, v29;
	v31 =	vadd.s32 v3, v52;
	v54 =	vor.u32 v0, v36;
	v58 =	vld.idx.msk [tilespmem:v62+s15+$0x0], $0xffff  }
0xdf: {  	v11 =	vor.u32 v6, v42;
	v43 =	vadd.s32 v3, v23;
	v37 =	vor.u32 v38, v14;
	v49 =	vld.idx.msk [tilespmem:v24+s15+$0x0], $0xffff  }
0xe0: {  	v42 =	vor.u32 v4, v42;
	v9 =	vor.u32 v0, v48;
	v44 =	vadd.s32 v2, v37;
	v62 =	vld.idx.msk [tilespmem:v41+s15+$0x0], $0xffff  }
0xe1: {  	v16 =	vor.u32 v6, v47;
	v30 =	vor.u32 v4, v63;
	[tilespmem:v57+s19+$0x0] =	vst.idx.msk $0xffff, v56  }
0xe2: {  	v20 =	vor.u32 v6, v36;
	v35 =	vadd.s32 v5, v50;
	[tilespmem:v39+s19+$0x0] =	vst.idx.msk $0xffff, v61  }
0xe3: {  	v14 =	vor.u32 v8, v63;
	v63 =	vadd.s32 v3, v50;
	[tilespmem:v51+s19+$0x0] =	vst.idx.msk $0xffff, v58  }
0xe4: {  	v34 =	vor.u32 v4, v48;
	v52 =	vadd.s32 v5, v52;
	v43 =	vld.idx.msk [tilespmem:v43+s15+$0x0], $0xffff;
	[tilespmem:v27+s19+$0x0] =	vst.idx.msk $0xffff, v49  }
0xe5: {  	v38 =	vor.u32 v4, v47;
	v18 =	vadd.s32 v7, v37;
	v56 =	vld.idx.msk [tilespmem:v44+s15+$0x0], $0xffff;
	[tilespmem:v9+s19+$0x0] =	vst.idx.msk $0xffff, v62  }
0xe6: {  	v29 =	vadd.s32 v5, v37;
	v25 =	vadd.s32 v7, v40;
	v28 =	vor.u32 v8, v33;
	v9 =	vld [tilespmem:$0x1FFC0]  }
0xe7: {  	v26 =	vor.u32 v6, v21;
	v33 =	vadd.s32 v5, v23;
	v10 =	vadd.s32 v3, v22;
	v44 =	vld.idx.msk [tilespmem:v59+s15+$0x0], $0xffff  }
0xe8: {  	v23 =	vor.u32 v8, v21;
	v32 =	vor.u32 v4, v36;
	v36 =	vadd.s32 v5, v45;
	v45 =	vld.idx.msk [tilespmem:v63+s15+$0x0], $0xffff  }
0xe9: {  	v41 =	vor.u32 v4, v21;
	v24 =	vor.u32 v8, v48;
	v21 =	vor.u32 v8, v47;
	v27 =	vld.idx.msk [tilespmem:v60+s15+$0x0], $0xffff  }
0xea: {  	v39 =	vadd.s32 v5, v22;
	v51 =	vadd.s32 v3, v37;
	v37 =	vor.u32 v6, v46;
	v47 =	vld.idx.msk [tilespmem:v31+s15+$0x0], $0xffff  }
0xeb: {  	v49 =	vor.u32 v4, v46;
	v31 =	vor.u32 v6, v48;
	v48 =	vld.idx.msk [tilespmem:v53+s15+$0x0], $0xffff;
	[tilespmem:v55+s19+$0x0] =	vst.idx.msk $0xffff, v9  }
0xec: {  	s29 =	simm.s32 $0x8;
	v46 =	vadd.s32 v5, v40;
	v40 =	vadd.s32 v7, v50;
	[tilespmem:v54+s19+$0x0] =	vst.idx.msk $0xffff, v56;
	v50 =	vld.idx.msk [tilespmem:v10+s15+$0x0], $0xffff  }
.LBB2_8:
0xed: {  	v53 =	vadd.s32 s29, v0;
	v54 =	vadd.s32 s29, v1;
	s1 =	sadd.s32 $0x1, s29;
	s2 =	sadd.s32 $0x2, s29;
	v22 =	vadd.s32 v7, v22;
	[tilespmem:v42+s19+$0x0] =	vst.idx.msk $0xffff, v43  }
0xee: {  	s11 =	sadd.s32 $0x4, s29;
	s30 =	sadd.s32 $0x5, s29;
	vm0 =	vgt.u32 v53, $0x17F;
	v42 =	vadd.s32 s1, v0;
	v43 =	vadd.s32 s2, v0;
	[tilespmem:v30+s19+$0x0] =	vst.idx.msk $0xffff, v44  }
0xef: {  	s31 =	sadd.s32 $0x6, s29;
	v55 =	vadd.s32 s11, v0;
	v56 =	vadd.s32 s30, v0;
	v62 =	vadd.s32 s1, v1;
	[tilespmem:v41+s19+$0x0] =	vst.idx.msk $0xffff, v45  }
0xf0: {  	v63 =	vadd.s32 s31, v0;
	vm12 =	vgt.u32 v42, $0x17F;
	vm13 =	vgt.u32 v55, $0x17F;
	v44 =	vld.idx.msk [tilespmem:v51+s15+$0x0], $0xffff;
	[tilespmem:v49+s19+$0x0] =	vst.idx.msk $0xffff, v47  }
0xf1: {  	s3 =	sadd.s32 $0x3, s29;
	vm2 =	vgt.u32 v56, $0x17F;
	vm3 =	vgt.u32 v63, $0x17F;
	vm14 =	vgt.u32 v43, $0x17F;
	[tilespmem:v34+s19+$0x0] =	vst.idx.msk $0xffff, v48;
	v35 =	vld.idx.msk [tilespmem:v35+s15+$0x0], $0xffff  }
0xf2: {  	v51 =	vadd.s32 s2, v1;
	v30 =	vsel vm0, v54, v53;
	v47 =	vadd.s32 s3, v0;
	[tilespmem:v38+s19+$0x0] =	vst.idx.msk $0xffff, v50;
	v49 =	vld.idx.msk [tilespmem:v52+s15+$0x0], $0xffff  }
0xf3: {  	s2 =	sadd.s32 $0x7, s29;
	v45 =	vadd.s32 s3, v1;
	[tilespmem:v28+s19+$0x0] =	vst.idx.msk $0xffff, v27;
	v28 =	vsel vm12, v62, v42;
	v53 =	vadd.s32 s11, v1;
	v61 =	vld.idx.msk [tilespmem:v46+s15+$0x0], $0xffff  }
0xf4: {  	v57 =	vadd.s32 s2, v0;
	v58 =	vshll.u32 v30, $0x3;
	v60 =	vadd.s32 s2, v1;
	v39 =	vld.idx.msk [tilespmem:v39+s15+$0x0], $0xffff  }
0xf5: {  	v36 =	vld.idx.msk [tilespmem:v36+s15+$0x0], $0xffff;
	v27 =	vshll.u32 v28, $0x6;
	v46 =	vadd.s32 s31, v1;
	v48 =	vand.u32 $0x7F, v30;
	[tilespmem:v32+s19+$0x0] =	vst.idx.msk $0xffff, v44  }
0xf6: {  	vm15 =	vgt.u32 v47, $0x17F;
	vm1 =	vgt.u32 v57, $0x17F;
	v42 =	vsel vm3, v46, v63;
	[tilespmem:v26+s19+$0x0] =	vst.idx.msk $0xffff, v35  }
0xf7: {  	v59 =	vand.u32 $0xFFFFFC00, v58;
	v41 =	vsel vm1, v60, v57;
	v54 =	vshll.u32 v42, $0x3;
	[tilespmem:v37+s19+$0x0] =	vst.idx.msk $0xffff, v49  }
0xf8: {  	v9 =	vld [tilespmem:$0x1FFA0];
	v57 =	vand.u32 $0xFFFFFC00, v54;
	v58 =	vshll.u32 v41, $0x3;
	v44 =	vadd.s32 s30, v1;
	[tilespmem:v31+s19+$0x0] =	vst.idx.msk $0xffff, v61  }
0xf9: {  	v29 =	vld.idx.msk [tilespmem:v29+s15+$0x0], $0xffff;
	v32 =	vsel vm2, v44, v56;
	v31 =	vor.u32 v48, v59;
	[tilespmem:v16+s19+$0x0] =	vst.idx.msk $0xffff, v39  }
0xfa: {  	v26 =	vld.idx.msk [tilespmem:v33+s15+$0x0], $0xffff;
	v16 =	vand.u32 $0x7F, v42;
	[tilespmem:v19+s19+$0x0] =	vst.idx.msk $0xffff, v36;
	v36 =	vshll.u32 v42, $0x6;
	v59 =	vand.u32 $0x7F, v41  }
0xfb: {  	v37 =	vsel vm13, v53, v55;
	v49 =	vshll.u32 v41, $0x6;
	v52 =	vshll.u32 v32, $0x3;
	v17 =	vld.idx.msk [tilespmem:v17+s15+$0x0], $0xffff  }
0xfc: {  	v56 =	vand.u32 $0x7F, v32;
	v19 =	vld.idx.msk [tilespmem:v25+s15+$0x0], $0xffff;
	v25 =	vshll.u32 v28, $0x3;
	v33 =	vor.u32 v16, v57  }
0xfd: {  	v60 =	vld.idx.msk [tilespmem:v12+s15+$0x0], $0xffff;
	v42 =	vor.u32 v8, v36;
	v62 =	vor.u32 v0, v36;
	v12 =	vadd.s32 v7, v31  }
0xfe: {  	v54 =	vor.u32 v0, v49;
	v44 =	vadd.s32 v3, v31;
	v35 =	vand.u32 $0xFFFFFC00, v52  }
0xff: {  	v40 =	vld.idx.msk [tilespmem:v40+s15+$0x0], $0xffff;
	v34 =	vadd.s32 v2, v33;
	v46 =	vadd.s32 v3, v33;
	v35 =	vor.u32 v56, v35  }
0x100: {  	v28 =	vand.u32 $0x7F, v28;
	v16 =	vadd.s32 v2, v35;
	v63 =	vadd.s32 v3, v35;
	[tilespmem:v20+s19+$0x0] =	vst.idx.msk $0xffff, v29  }
0x101: {  	v20 =	vadd.s32 v7, v33;
	v29 =	vand.u32 $0xFFFFFC00, v58;
	[tilespmem:v11+s19+$0x0] =	vst.idx.msk $0xffff, v26;
	v26 =	vsel vm15, v45, v47  }
0x102: {  	v11 =	vor.u32 v6, v36;
	v33 =	vadd.s32 v5, v33;
	v18 =	vld.idx.msk [tilespmem:v18+s15+$0x0], $0xffff;
	[tilespmem:v15+s19+$0x0] =	vst.idx.msk $0xffff, v17  }
0x103: {  	v10 =	vshll.u32 v26, $0x3;
	v17 =	vsel vm14, v51, v43;
	[tilespmem:v24+s19+$0x0] =	vst.idx.msk $0xffff, v19;
	v24 =	vadd.s32 v2, v31  }
0x104: {  	v61 =	vld.idx.msk [tilespmem:v9+s15+$0x0], $0xffff;
	v19 =	vand.u32 $0xFFFFFC00, v25;
	v25 =	vshll.u32 v32, $0x6;
	v9 =	vmovc v20;
	v20 =	vand.u32 $0x7F, v26  }
0x105: {  	[tilespmem:v23+s19+$0x0] =	vst.idx.msk $0xffff, v40;
	v40 =	vshll.u32 v37, $0x6;
	v50 =	vor.u32 v59, v29;
	v59 =	vadd.s32 v7, v35  }
0x106: {  	v15 =	vld.idx.msk [tilespmem:v22+s15+$0x0], $0xffff;
	v22 =	vand.u32 $0xFFFFFC00, v10;
	v23 =	vshll.u32 v17, $0x3;
	v32 =	vor.u32 v0, v25  }
0x107: {  	[tilespmem:v14+s19+$0x0] =	vst.idx.msk $0xffff, v60;
	v52 =	vor.u32 v28, v19;
	v19 =	vshll.u32 v37, $0x3;
	v48 =	vshll.u32 v17, $0x6  }
0x108: {  	[tilespmem:$0x1FFA0] =	vst v9;
	v51 =	vor.u32 v6, v25;
	v28 =	vshll.u32 v30, $0x6;
	v22 =	vor.u32 v20, v22  }
0x109: {  	v29 =	vadd.s32 v2, v52;
	v30 =	vor.u32 v4, v28;
	v38 =	vor.u32 v0, v28;
	v16 =	vld.idx.msk [tilespmem:v16+s15+$0x0], $0xffff  }
0x10a: {  	v9 =	vld [tilespmem:$0x1FFB0];
	v19 =	vand.u32 $0xFFFFFC00, v19;
	v14 =	vadd.s32 v2, v22;
	v57 =	vadd.s32 v3, v22;
	[tilespmem:v13+s19+$0x0] =	vst.idx.msk $0xffff, v18  }
0x10b: {  	v13 =	vand.u32 $0x7F, v37;
	v18 =	vand.u32 $0xFFFFFC00, v23;
	[tilespmem:v21+s19+$0x0] =	vst.idx.msk $0xffff, v15;
	v15 =	vand.u32 $0x7F, v17  }
0x10c: {  	v21 =	vadd.s32 v2, v50;
	v37 =	vshll.u32 v26, $0x6;
	v23 =	vor.u32 v4, v25  }
0x10d: {  	v34 =	vld.idx.msk [tilespmem:v34+s15+$0x0], $0xffff;
	v26 =	vadd.s32 v5, v35;
	v35 =	vadd.s32 v5, v52;
	v53 =	vor.u32 v15, v18  }
0x10e: {  	v24 =	vld.idx.msk [tilespmem:v24+s15+$0x0], $0xffff;
	v15 =	vor.u32 v8, v48;
	v47 =	vor.u32 v13, v19;
	[tilespmem:v32+s19+$0x0] =	vst.idx.msk $0xffff, v16  }
0x10f: {  	v13 =	vor.u32 v8, v40;
	v19 =	vor.u32 v6, v28;
	v56 =	vor.u32 v0, v37;
	v20 =	vld.idx.msk [tilespmem:v63+s15+$0x0], $0xffff  }
0x110: {  	v17 =	vadd.s32 v7, v53;
	v39 =	vadd.s32 v2, v47;
	v41 =	vadd.s32 v2, v53;
	v45 =	vld.idx.msk [tilespmem:v29+s15+$0x0], $0xffff  }
0x111: {  	v18 =	vadd.s32 v7, v47;
	v29 =	vadd.s32 v5, v47;
	v16 =	vor.u32 v6, v37;
	v55 =	vld.idx.msk [tilespmem:v14+s15+$0x0], $0xffff  }
0x112: {  	v14 =	vor.u32 v8, v28;
	v28 =	vor.u32 v8, v25;
	[tilespmem:v9+s19+$0x0] =	vst.idx.msk $0xffff, v61;
	v9 =	vmov v42  }
0x113: {  	v32 =	vor.u32 v4, v40;
	v25 =	vadd.s32 v7, v50;
	[tilespmem:$0x1FFB0] =	vst v9;
	v60 =	vld.idx.msk [tilespmem:v21+s15+$0x0], $0xffff  }
0x114: {  	v42 =	vor.u32 v4, v36;
	[tilespmem:v23+s19+$0x0] =	vst.idx.msk $0xffff, v20;
	v23 =	vor.u32 v0, v27  }
0x115: {  	[tilespmem:v62+s19+$0x0] =	vst.idx.msk $0xffff, v34;
	v21 =	vadd.s32 v3, v52;
	v62 =	vor.u32 v0, v48;
	v61 =	vld.idx.msk [tilespmem:v41+s15+$0x0], $0xffff  }
0x116: {  	v63 =	vadd.s32 v3, v53;
	v36 =	vadd.s32 v5, v31;
	[tilespmem:v38+s19+$0x0] =	vst.idx.msk $0xffff, v24;
	v58 =	vld.idx.msk [tilespmem:v26+s15+$0x0], $0xffff  }
0x117: {  	v31 =	vor.u32 v6, v49;
	v43 =	vld.idx.msk [tilespmem:v46+s15+$0x0], $0xffff;
	v46 =	vadd.s32 v3, v50;
	[tilespmem:v56+s19+$0x0] =	vst.idx.msk $0xffff, v55  }
0x118: {  	v34 =	vor.u32 v4, v49;
	v9 =	vor.u32 v0, v40;
	v44 =	vld.idx.msk [tilespmem:v44+s15+$0x0], $0xffff;
	[tilespmem:v54+s19+$0x0] =	vst.idx.msk $0xffff, v60  }
0x119: {  	p1 =	slt.u32 s29, $0x178;
	v38 =	vor.u32 v4, v37;
	v24 =	vor.u32 v8, v49;
	v10 =	vld.idx.msk [tilespmem:v39+s15+$0x0], $0xffff;
	[tilespmem:v23+s19+$0x0] =	vst.idx.msk $0xffff, v45  }
.Ltmp7:
0x11a: {  	v49 =	vor.u32 v4, v48;
	v41 =	vor.u32 v4, v27;
	[tilespmem:v62+s19+$0x0] =	vst.idx.msk $0xffff, v61;
	v45 =	vld.idx.msk [tilespmem:v21+s15+$0x0], $0xffff;
	(pc) =	sbr.rel @p1 .LBB2_8-.Ltmp7, $4  }
0x11b: {  	v39 =	vadd.s32 v5, v22;
	[tilespmem:v51+s19+$0x0] =	vst.idx.msk $0xffff, v58;
	v51 =	vadd.s32 v3, v47;
	v47 =	vld.idx.msk [tilespmem:v63+s15+$0x0], $0xffff  }
0x11c: {  	v20 =	vor.u32 v6, v40;
	v21 =	vor.u32 v8, v37;
	v37 =	vor.u32 v6, v48;
	v48 =	vld.idx.msk [tilespmem:v46+s15+$0x0], $0xffff  }
0x11d: {  	v40 =	vadd.s32 v7, v52;
	v52 =	vadd.s32 v5, v53;
	v46 =	vadd.s32 v5, v50;
	v50 =	vld.idx.msk [tilespmem:v57+s15+$0x0], $0xffff  }
0x11e: {  	s29 =	sadd.s32 $0x8, s29;
	v26 =	vor.u32 v6, v27;
	[tilespmem:v9+s19+$0x0] =	vst.idx.msk $0xffff, v10;
	v23 =	vor.u32 v8, v27;
	v27 =	vld.idx.msk [tilespmem:v59+s15+$0x0], $0xffff  }
0x11f: {  	_ =	sdelay $0x3  }
0x120: {  	[tilespmem:v42+s19+$0x0] =	vst.idx.msk $0xffff, v43  }
0x121: {  	[tilespmem:v30+s19+$0x0] =	vst.idx.msk $0xffff, v44  }
0x122: {  	v9 =	vld.idx.msk [tilespmem:v51+s15+$0x0], $0xffff;
	[tilespmem:v41+s19+$0x0] =	vst.idx.msk $0xffff, v45  }
0x123: {  	v10 =	vld.idx.msk [tilespmem:v35+s15+$0x0], $0xffff;
	[tilespmem:v49+s19+$0x0] =	vst.idx.msk $0xffff, v47  }
0x124: {  	v61 =	vld.idx.msk [tilespmem:v36+s15+$0x0], $0xffff;
	[tilespmem:v34+s19+$0x0] =	vst.idx.msk $0xffff, v48  }
0x125: {  	v59 =	vld.idx.msk [tilespmem:v52+s15+$0x0], $0xffff;
	[tilespmem:v38+s19+$0x0] =	vst.idx.msk $0xffff, v50  }
0x126: {  	v34 =	vld.idx.msk [tilespmem:v46+s15+$0x0], $0xffff;
	[tilespmem:v28+s19+$0x0] =	vst.idx.msk $0xffff, v27  }
0x127: {  	v60 =	vld.idx.msk [tilespmem:v39+s15+$0x0], $0xffff;
	[tilespmem:v32+s19+$0x0] =	vst.idx.msk $0xffff, v9  }
0x128: {  	v9 =	vld.idx.msk [tilespmem:v29+s15+$0x0], $0xffff;
	[tilespmem:v26+s19+$0x0] =	vst.idx.msk $0xffff, v10  }
0x129: {  	v10 =	vld.idx.msk [tilespmem:v33+s15+$0x0], $0xffff;
	[tilespmem:v19+s19+$0x0] =	vst.idx.msk $0xffff, v61  }
0x12a: {  	[tilespmem:v37+s19+$0x0] =	vst.idx.msk $0xffff, v59  }
0x12b: {  	v63 =	vld.idx.msk [tilespmem:v40+s15+$0x0], $0xffff;
	[tilespmem:v31+s19+$0x0] =	vst.idx.msk $0xffff, v34  }
0x12c: {  	v17 =	vld.idx.msk [tilespmem:v17+s15+$0x0], $0xffff;
	[tilespmem:v16+s19+$0x0] =	vst.idx.msk $0xffff, v60  }
0x12d: {  	v62 =	vld.idx.msk [tilespmem:v25+s15+$0x0], $0xffff;
	[tilespmem:v20+s19+$0x0] =	vst.idx.msk $0xffff, v9  }
0x12e: {  	[tilespmem:v11+s19+$0x0] =	vst.idx.msk $0xffff, v10;
	v9 =	vld.idx.msk [tilespmem:v18+s15+$0x0], $0xffff  }
0x12f: {  	v10 =	vld [tilespmem:$0x1FFA0]  }
0x130: {  	v22 =	vadd.s32 v7, v22;
	[tilespmem:v23+s19+$0x0] =	vst.idx.msk $0xffff, v63  }
0x131: {  	[tilespmem:v15+s19+$0x0] =	vst.idx.msk $0xffff, v17  }
0x132: {  	[tilespmem:v24+s19+$0x0] =	vst.idx.msk $0xffff, v62  }
0x133: {  	[tilespmem:v13+s19+$0x0] =	vst.idx.msk $0xffff, v9  }
0x134: {  	v9 =	vld [tilespmem:$0x1FFB0]  }
0x135: {  	v11 =	vld.idx.msk [tilespmem:v22+s15+$0x0], $0xffff  }
0x136: {  	v12 =	vld.idx.msk [tilespmem:v12+s15+$0x0], $0xffff  }
0x137: {  	s1 =	sadd.s32 s26, s10;
	p1 =	seq.s32 s25, $0x28;
	v10 =	vld.idx.msk [tilespmem:v10+s15+$0x0], $0xffff  }
0x138: {  	p2 =	sgt.u32 @!p1 s1, $0xA2B  }
0x139: {  	s30 =	smul.u32 $0xC00, s28;
	p1 =	por p2, p1  }
0x13a: {  	s1 =	smul.u32 @!p1 $0x180, s1;
	[tilespmem:v21+s19+$0x0] =	vst.idx.msk $0xffff, v11  }
.Ltmp8:
0x13b: {  	s2 =	simm.s32 @!p1 $0xC00;
	[tilespmem:v14+s19+$0x0] =	vst.idx.msk $0xffff, v12;
	(pc) =	sbr.rel .LBB2_10-.Ltmp8, $4  }
0x13c: {  	s3 =	simm.s32 @!p1 $0x7A1400;
	s11 =	simm.s32 @!p1 $0x6000;
	s1 =	sadd.s32 @!p1 s0, s1;
	[tilespmem:v9+s19+$0x0] =	vst.idx.msk $0xffff, v10  }
0x13d: {  	[tilespmem:s11], [sflag:$0x2] =	stream.strided.gather @!p1 [hbm4b:s1+s2], $0x6000, s3, s2, $0x38;
	[tilespmem:$0x1A000] =	vst v63  }
0x13e: {  	s31 =	sadd.s32 s5, s30  }
0x13f: {  	[hbm4b:s31+s4] =	stream.linear.scatter [tilespmem:s19], [sflag:$0x4], $0x6000, $0x38;
	[tilespmem:$0x1A000] =	vst v63  }
.LBB2_11:
0x140: {  	_ =	swait.ge [sflag:s20], $0x6000  }
.Ltmp9:
0x141: {  	[sflag:s20] =	ssyncset.done $0x0;
	(pc) =	sbr.rel @p0 .LBB2_15-.Ltmp9, $4  }
0x142: {  	[sflag:s20] =	ssyncadd.s32 $0xFFFFA000  }
0x143: {  	_ =	swait.ge [sflag:s21], $0x6000  }
0x144: {  	[sflag:s21] =	ssyncset.done $0x0  }
0x145: {  	[sflag:s21] =	ssyncadd.s32 $0xFFFFA000  }
0x146: {  	s1 =	simm.s32 $0x0;
	v10 =	vmul.u32 $0x80, v0;
	s2 =	simm.s32 $0x4  }
0x147: {  	v11 =	vor.u32 $0xFFFFFFC0, v0;
	s3 =	simm.s32 $0x5;
	s11 =	simm.s32 $0x1;
	s25 =	simm.s32 $0x2;
	v15 =	vadd.s32 s1, v0;
	v14 =	vadd.s32 s2, v0  }
0x148: {  	s26 =	simm.s32 $0x6;
	v16 =	vadd.s32 s3, v0;
	v13 =	vadd.s32 s11, v0;
	v17 =	vadd.s32 s25, v0  }
0x149: {  	s28 =	simm.s32 $0x3;
	s30 =	simm.s32 $0x7;
	v18 =	vadd.s32 s11, v11;
	v19 =	vadd.s32 s25, v11;
	v20 =	vadd.s32 s26, v0  }
0x14a: {  	v22 =	vadd.s32 s26, v11;
	v24 =	vadd.s32 s28, v11;
	v25 =	vadd.s32 s30, v11  }
0x14b: {  	v26 =	vadd.s32 s1, v11;
	v27 =	vadd.s32 s2, v11;
	v29 =	vadd.s32 s3, v11  }
0x14c: {  	v30 =	vadd.s32 s30, v0;
	vm0 =	vgt.u32 v15, $0x3F;
	v12 =	vor.u32 $0x800, v10  }
0x14d: {  	v9 =	vor.u32 $0x1800, v10;
	vm1 =	vgt.u32 v13, $0x3F;
	vm2 =	vgt.u32 v17, $0x3F  }
0x14e: {  	vm3 =	vgt.u32 v14, $0x3F;
	vm4 =	vgt.u32 v16, $0x3F;
	vm14 =	vgt.u32 v20, $0x3F  }
0x14f: {  	vm15 =	vgt.u32 v30, $0x3F;
	v21 =	vsel vm1, v18, v13;
	v18 =	vadd.s32 s28, v0  }
0x150: {  	v28 =	vsel vm2, v19, v17;
	v32 =	vsel vm3, v27, v14;
	v19 =	vsel vm0, v26, v15  }
0x151: {  	v26 =	vsel vm4, v29, v16;
	v20 =	vsel vm14, v22, v20;
	v44 =	vsel vm15, v25, v30  }
0x152: {  	v13 =	vadd.s32 v9, v21;
	vm13 =	vgt.u32 v18, $0x3F;
	v23 =	vadd.s32 v10, v21  }
0x153: {  	s31 =	rddreg [dreg:$0x1];
	v14 =	vadd.s32 v9, v28;
	v27 =	vadd.s32 v10, v32;
	v34 =	vshll.u32 v21, $0x6  }
0x154: {  	[tilespmem:s22], [sflag:$0x5] =	stream.linear.gather [hbm4b:s31+s1], $0x2000, $0x38;
	v36 =	vshll.u32 v32, $0x6;
	v31 =	vadd.s32 v10, v28;
	v17 =	vshll.u32 v28, $0x6;
	[tilespmem:$0x1A000] =	vst v63  }
0x155: {  	_ =	swait.ge [sflag:s23], $0x2000;
	v16 =	vshll.u32 v19, $0x6;
	v33 =	vadd.s32 v10, v20;
	v38 =	vsel vm13, v24, v18  }
0x156: {  	[sflag:s23] =	ssyncset.done $0x0;
	v35 =	vadd.s32 v10, v19;
	v37 =	vadd.s32 v12, v32;
	v15 =	vadd.s32 v10, v38  }
0x157: {  	[sflag:s23] =	ssyncadd.s32 $0xFFFFE000;
	v49 =	vshll.u32 v20, $0x6;
	v39 =	vadd.s32 v12, v19;
	v30 =	vadd.s32 v12, v21  }
0x158: {  	v43 =	vadd.s32 v12, v28;
	v45 =	vadd.s32 v10, v44;
	v24 =	vor.u32 v0, v34;
	v23 =	vld.idx.msk [tilespmem:v23+s22+$0x0], $0xffff  }
0x159: {  	v47 =	vadd.s32 v12, v26;
	v50 =	vadd.s32 v12, v44;
	v29 =	vor.u32 v0, v36;
	v22 =	vld.idx.msk [tilespmem:v27+s22+$0x0], $0xffff  }
0x15a: {  	v40 =	vor.u32 v0, v17;
	v41 =	vor.u32 v0, v16;
	v18 =	vshll.u32 v38, $0x6;
	v31 =	vld.idx.msk [tilespmem:v31+s22+$0x0], $0xffff  }
0x15b: {  	v63 =	vor.u32 v0, v49;
	v51 =	vor.u32 v4, v36;
	v42 =	vor.u32 v0, v18;
	v25 =	vld.idx.msk [tilespmem:v15+s22+$0x0], $0xffff  }
0x15c: {  	v56 =	vor.u32 v4, v17;
	v61 =	vor.u32 v4, v49;
	v27 =	vadd.s32 v10, v26  }
0x15d: {  	v46 =	vadd.s32 v12, v38;
	v55 =	vld.idx.msk [tilespmem:v35+s22+$0x0], $0xffff;
	v15 =	vor.u32 $0x1000, v10;
	[tilespmem:v24+s17+$0x0] =	vst.idx.msk $0xffff, v23  }
0x15e: {  	v58 =	vor.u32 v4, v18;
	v52 =	vadd.s32 v15, v32;
	[tilespmem:v29+s17+$0x0] =	vst.idx.msk $0xffff, v22;
	v29 =	vld.idx.msk [tilespmem:v33+s22+$0x0], $0xffff  }
0x15f: {  	v54 =	vadd.s32 v15, v21;
	v24 =	vshll.u32 v26, $0x6;
	[tilespmem:v40+s17+$0x0] =	vst.idx.msk $0xffff, v31;
	v53 =	vld.idx.msk [tilespmem:v37+s22+$0x0], $0xffff  }
0x160: {  	v37 =	vadd.s32 v12, v20;
	v40 =	vld.idx.msk [tilespmem:v30+s22+$0x0], $0xffff;
	[tilespmem:v42+s17+$0x0] =	vst.idx.msk $0xffff, v25;
	v42 =	vor.u32 v4, v34  }
0x161: {  	v59 =	vadd.s32 v15, v38;
	v23 =	vshll.u32 v44, $0x6;
	v48 =	vld.idx.msk [tilespmem:v27+s22+$0x0], $0xffff;
	v25 =	vor.u32 v0, v24  }
0x162: {  	v45 =	vld.idx.msk [tilespmem:v45+s22+$0x0], $0xffff;
	v21 =	vor.u32 v8, v49;
	v22 =	vor.u32 v8, v34;
	v57 =	vor.u32 v0, v23  }
0x163: {  	v27 =	vor.u32 v4, v16;
	v31 =	vadd.s32 v15, v44;
	[tilespmem:v41+s17+$0x0] =	vst.idx.msk $0xffff, v55;
	v43 =	vld.idx.msk [tilespmem:v43+s22+$0x0], $0xffff  }
0x164: {  	v33 =	vadd.s32 v15, v19;
	v30 =	vadd.s32 v15, v26;
	v60 =	vld.idx.msk [tilespmem:v46+s22+$0x0], $0xffff;
	[tilespmem:v63+s17+$0x0] =	vst.idx.msk $0xffff, v29  }
0x165: {  	v35 =	vor.u32 v4, v23;
	v26 =	vadd.s32 v9, v26;
	v62 =	vld.idx.msk [tilespmem:v37+s22+$0x0], $0xffff;
	[tilespmem:v42+s17+$0x0] =	vst.idx.msk $0xffff, v40  }
0x166: {  	v46 =	vor.u32 v6, v34;
	v34 =	vor.u32 v6, v16;
	[tilespmem:v25+s17+$0x0] =	vst.idx.msk $0xffff, v48;
	v41 =	vld.idx.msk [tilespmem:v54+s22+$0x0], $0xffff  }
0x167: {  	v29 =	vor.u32 v6, v36;
	[tilespmem:v57+s17+$0x0] =	vst.idx.msk $0xffff, v45;
	v40 =	vld.idx.msk [tilespmem:v47+s22+$0x0], $0xffff;
	v47 =	vadd.s32 v15, v20  }
0x168: {  	v37 =	vadd.s32 v15, v28;
	[tilespmem:v56+s17+$0x0] =	vst.idx.msk $0xffff, v43;
	v48 =	vor.u32 v4, v24;
	v45 =	vld.idx.msk [tilespmem:v50+s22+$0x0], $0xffff  }
0x169: {  	v28 =	vadd.s32 v9, v32;
	[tilespmem:v51+s17+$0x0] =	vst.idx.msk $0xffff, v53;
	v32 =	vadd.s32 v9, v44;
	v42 =	vld.idx.msk [tilespmem:v39+s22+$0x0], $0xffff  }
0x16a: {  	v25 =	vor.u32 v8, v36;
	v39 =	vor.u32 v6, v18;
	v44 =	vld.idx.msk [tilespmem:v52+s22+$0x0], $0xffff;
	[tilespmem:v58+s17+$0x0] =	vst.idx.msk $0xffff, v60  }
0x16b: {  	s25 =	simm.s32 $0x8;
	v36 =	vadd.s32 v9, v38;
	v38 =	vor.u32 v6, v49;
	v43 =	vld.idx.msk [tilespmem:v59+s22+$0x0], $0xffff;
	[tilespmem:v61+s17+$0x0] =	vst.idx.msk $0xffff, v62  }
.LBB2_13:
0x16c: {  	p1 =	slt.u32 s25, $0x38;
	v19 =	vadd.s32 v9, v19;
	[tilespmem:v46+s17+$0x0] =	vst.idx.msk $0xffff, v41;
	v41 =	vor.u32 v8, v24;
	v46 =	vld.idx.msk [tilespmem:v47+s22+$0x0], $0xffff;
	s26 =	smov.u32 s25;
	s25 =	sadd.s32 $0x8, s25  }
0x16d: {  	v47 =	vor.u32 v6, v17;
	v17 =	vor.u32 v8, v17;
	v37 =	vld.idx.msk [tilespmem:v37+s22+$0x0], $0xffff;
	[tilespmem:v48+s17+$0x0] =	vst.idx.msk $0xffff, v40  }
0x16e: {  	v24 =	vor.u32 v6, v24;
	v30 =	vld.idx.msk [tilespmem:v30+s22+$0x0], $0xffff;
	[tilespmem:v35+s17+$0x0] =	vst.idx.msk $0xffff, v45;
	v35 =	vor.u32 v8, v23  }
0x16f: {  	v16 =	vor.u32 v8, v16;
	v18 =	vor.u32 v8, v18;
	[tilespmem:v27+s17+$0x0] =	vst.idx.msk $0xffff, v42;
	v27 =	vld.idx.msk [tilespmem:v31+s22+$0x0], $0xffff  }
0x170: {  	v20 =	vadd.s32 v9, v20;
	v23 =	vor.u32 v6, v23;
	v31 =	vld.idx.msk [tilespmem:v33+s22+$0x0], $0xffff;
	[tilespmem:v39+s17+$0x0] =	vst.idx.msk $0xffff, v43  }
0x171: {  	s1 =	sadd.s32 $0x4, s26;
	s2 =	sadd.s32 $0x5, s26;
	s3 =	sadd.s32 $0x6, s26;
	v33 =	vadd.s32 s26, v0;
	v36 =	vld.idx.msk [tilespmem:v36+s22+$0x0], $0xffff;
	[tilespmem:v29+s17+$0x0] =	vst.idx.msk $0xffff, v44  }
0x172: {  	s11 =	sadd.s32 $0x1, s26;
	s28 =	sadd.s32 $0x2, s26;
	s29 =	sadd.s32 $0x3, s26;
	v39 =	vadd.s32 s2, v0;
	vm0 =	vgt.u32 v33, $0x3F;
	v29 =	vadd.s32 s1, v0;
	v40 =	vld.idx.msk [tilespmem:v13+s22+$0x0], $0xffff;
	[tilespmem:v38+s17+$0x0] =	vst.idx.msk $0xffff, v46  }
0x173: {  	s30 =	sadd.s32 $0x7, s26;
	v13 =	vadd.s32 s11, v0;
	v38 =	vadd.s32 s28, v0;
	[tilespmem:v47+s17+$0x0] =	vst.idx.msk $0xffff, v37;
	v28 =	vld.idx.msk [tilespmem:v28+s22+$0x0], $0xffff  }
0x174: {  	vm2 =	vgt.u32 v13, $0x3F;
	vm1 =	vgt.u32 v38, $0x3F;
	v14 =	vld.idx.msk [tilespmem:v14+s22+$0x0], $0xffff;
	[tilespmem:v24+s17+$0x0] =	vst.idx.msk $0xffff, v30  }
0x175: {  	v37 =	vadd.s32 s3, v0;
	v24 =	vadd.s32 s11, v11;
	v30 =	vadd.s32 s28, v11;
	[tilespmem:v23+s17+$0x0] =	vst.idx.msk $0xffff, v27  }
0x176: {  	v27 =	vsel vm2, v24, v13;
	v23 =	vadd.s32 s29, v0;
	v24 =	vadd.s32 s3, v11;
	[tilespmem:v34+s17+$0x0] =	vst.idx.msk $0xffff, v31;
	v31 =	vld.idx.msk [tilespmem:v32+s22+$0x0], $0xffff  }
0x177: {  	vm3 =	vgt.u32 v29, $0x3F;
	v13 =	vadd.s32 v9, v27;
	vm2 =	vgt.u32 v23, $0x3F;
	[tilespmem:v18+s17+$0x0] =	vst.idx.msk $0xffff, v36;
	v18 =	vld.idx.msk [tilespmem:v20+s22+$0x0], $0xffff  }
0x178: {  	v32 =	vadd.s32 s29, v11;
	v34 =	vadd.s32 s30, v11;
	v20 =	vadd.s32 v10, v27;
	[tilespmem:v22+s17+$0x0] =	vst.idx.msk $0xffff, v40;
	v22 =	vld.idx.msk [tilespmem:v26+s22+$0x0], $0xffff  }
0x179: {  	vm4 =	vgt.u32 v39, $0x3F;
	v36 =	vadd.s32 s1, v11;
	v26 =	vadd.s32 s26, v11;
	v40 =	vld.idx.msk [tilespmem:v19+s22+$0x0], $0xffff;
	[tilespmem:v25+s17+$0x0] =	vst.idx.msk $0xffff, v28  }
0x17a: {  	v25 =	vsel vm1, v30, v38;
	v28 =	vsel vm3, v36, v29;
	vm1 =	vgt.u32 v37, $0x3F;
	[tilespmem:v17+s17+$0x0] =	vst.idx.msk $0xffff, v14  }
0x17b: {  	v30 =	vadd.s32 s2, v11;
	v14 =	vadd.s32 v9, v25;
	v29 =	vadd.s32 v10, v28  }
0x17c: {  	v42 =	vadd.s32 s30, v0;
	v36 =	vshll.u32 v27, $0x6;
	v38 =	vshll.u32 v28, $0x6;
	[tilespmem:v35+s17+$0x0] =	vst.idx.msk $0xffff, v31  }
0x17d: {  	v32 =	vsel vm2, v32, v23;
	vm2 =	vgt.u32 v42, $0x3F;
	v31 =	vadd.s32 v10, v25;
	[tilespmem:v21+s17+$0x0] =	vst.idx.msk $0xffff, v18  }
0x17e: {  	v23 =	vadd.s32 v10, v32;
	v19 =	vsel vm0, v26, v33;
	v21 =	vor.u32 v0, v36  }
0x17f: {  	v17 =	vshll.u32 v25, $0x6;
	v44 =	vsel vm4, v30, v39;
	v18 =	vshll.u32 v32, $0x6;
	v26 =	vld.idx.msk [tilespmem:v20+s22+$0x0], $0xffff;
	[tilespmem:v16+s17+$0x0] =	vst.idx.msk $0xffff, v40  }
0x180: {  	v30 =	vadd.s32 v10, v44;
	v16 =	vshll.u32 v19, $0x6;
	v20 =	vsel vm1, v24, v37;
	v29 =	vld.idx.msk [tilespmem:v29+s22+$0x0], $0xffff  }
0x181: {  	v24 =	vor.u32 v0, v38;
	v33 =	vadd.s32 v10, v20;
	[tilespmem:v41+s17+$0x0] =	vst.idx.msk $0xffff, v22  }
0x182: {  	v35 =	vadd.s32 v12, v28;
	v49 =	vshll.u32 v20, $0x6;
	v22 =	vadd.s32 v10, v19;
	v31 =	vld.idx.msk [tilespmem:v31+s22+$0x0], $0xffff  }
0x183: {  	v34 =	vsel vm2, v34, v42;
	v39 =	vadd.s32 v12, v19;
	v37 =	vor.u32 v0, v17;
	v40 =	vld.idx.msk [tilespmem:v23+s22+$0x0], $0xffff  }
0x184: {  	v42 =	vadd.s32 v12, v27;
	v43 =	vor.u32 v0, v18;
	v41 =	vor.u32 v0, v16  }
0x185: {  	[tilespmem:v21+s17+$0x0] =	vst.idx.msk $0xffff, v26;
	v21 =	vadd.s32 v12, v25;
	v26 =	vadd.s32 v10, v34  }
0x186: {  	v45 =	vadd.s32 v12, v32;
	v23 =	vshll.u32 v34, $0x6;
	[tilespmem:v24+s17+$0x0] =	vst.idx.msk $0xffff, v29;
	v24 =	vshll.u32 v44, $0x6;
	v29 =	vld.idx.msk [tilespmem:v33+s22+$0x0], $0xffff  }
0x187: {  	v50 =	vadd.s32 v12, v34;
	v47 =	vadd.s32 v12, v44;
	v46 =	vor.u32 v0, v49;
	v33 =	vld.idx.msk [tilespmem:v30+s22+$0x0], $0xffff  }
0x188: {  	v53 =	vadd.s32 v15, v28;
	v52 =	vor.u32 v4, v38;
	[tilespmem:v37+s17+$0x0] =	vst.idx.msk $0xffff, v31;
	v51 =	vld.idx.msk [tilespmem:v35+s22+$0x0], $0xffff  }
0x189: {  	v35 =	vor.u32 v0, v24;
	v37 =	vld.idx.msk [tilespmem:v42+s22+$0x0], $0xffff;
	[tilespmem:v43+s17+$0x0] =	vst.idx.msk $0xffff, v40;
	v40 =	vadd.s32 v12, v20  }
0x18a: {  	v48 =	vadd.s32 v15, v27;
	v43 =	vor.u32 v4, v36;
	v42 =	vld.idx.msk [tilespmem:v22+s22+$0x0], $0xffff;
	v22 =	vor.u32 v8, v36  }
0x18b: {  	v54 =	vor.u32 v4, v17;
	v27 =	vor.u32 v4, v16;
	v55 =	vor.u32 v0, v23;
	v26 =	vld.idx.msk [tilespmem:v26+s22+$0x0], $0xffff  }
0x18c: {  	v57 =	vor.u32 v4, v18;
	v30 =	vadd.s32 v15, v44;
	v56 =	vld.idx.msk [tilespmem:v21+s22+$0x0], $0xffff;
	[tilespmem:v46+s17+$0x0] =	vst.idx.msk $0xffff, v29  }
0x18d: {  	v59 =	vadd.s32 v15, v32;
	v31 =	vadd.s32 v15, v34;
	v21 =	vor.u32 v8, v49;
	v58 =	vld.idx.msk [tilespmem:v45+s22+$0x0], $0xffff  }
0x18e: {  	v60 =	vor.u32 v4, v49;
	[tilespmem:v35+s17+$0x0] =	vst.idx.msk $0xffff, v33;
	v35 =	vor.u32 v4, v23  }
0x18f: {  	v29 =	vor.u32 v6, v38;
	v33 =	vadd.s32 v15, v19;
	[tilespmem:v43+s17+$0x0] =	vst.idx.msk $0xffff, v37;
	v61 =	vld.idx.msk [tilespmem:v40+s22+$0x0], $0xffff  }
0x190: {  	v28 =	vadd.s32 v9, v28;
	v37 =	vadd.s32 v15, v25;
	[tilespmem:v41+s17+$0x0] =	vst.idx.msk $0xffff, v42;
	v41 =	vld.idx.msk [tilespmem:v48+s22+$0x0], $0xffff  }
.Ltmp10:
0x191: {  	v46 =	vor.u32 v6, v36;
	v40 =	vld.idx.msk [tilespmem:v47+s22+$0x0], $0xffff;
	v47 =	vadd.s32 v15, v20;
	[tilespmem:v55+s17+$0x0] =	vst.idx.msk $0xffff, v26;
	(pc) =	sbr.rel @p1 .LBB2_13-.Ltmp10, $4  }
0x192: {  	v25 =	vor.u32 v8, v38;
	v48 =	vor.u32 v4, v24;
	[tilespmem:v54+s17+$0x0] =	vst.idx.msk $0xffff, v56;
	v45 =	vld.idx.msk [tilespmem:v50+s22+$0x0], $0xffff  }
0x193: {  	v36 =	vadd.s32 v9, v32;
	v42 =	vld.idx.msk [tilespmem:v39+s22+$0x0], $0xffff;
	[tilespmem:v57+s17+$0x0] =	vst.idx.msk $0xffff, v58;
	v39 =	vor.u32 v6, v18  }
0x194: {  	v32 =	vadd.s32 v9, v34;
	v26 =	vadd.s32 v9, v44;
	v43 =	vld.idx.msk [tilespmem:v59+s22+$0x0], $0xffff;
	[tilespmem:v52+s17+$0x0] =	vst.idx.msk $0xffff, v51  }
0x195: {  	v34 =	vor.u32 v6, v16;
	v38 =	vor.u32 v6, v49;
	v44 =	vld.idx.msk [tilespmem:v53+s22+$0x0], $0xffff;
	[tilespmem:v60+s17+$0x0] =	vst.idx.msk $0xffff, v61  }
0x196: {  	_ =	sdelay $0x3  }
0x197: {  	[tilespmem:v46+s17+$0x0] =	vst.idx.msk $0xffff, v41  }
0x198: {  	v10 =	vld.idx.msk [tilespmem:v47+s22+$0x0], $0xffff;
	[tilespmem:v48+s17+$0x0] =	vst.idx.msk $0xffff, v40  }
0x199: {  	v11 =	vld.idx.msk [tilespmem:v37+s22+$0x0], $0xffff;
	v12 =	vor.u32 v6, v17;
	[tilespmem:v35+s17+$0x0] =	vst.idx.msk $0xffff, v45  }
0x19a: {  	v54 =	vor.u32 v6, v24;
	v15 =	vld.idx.msk [tilespmem:v30+s22+$0x0], $0xffff;
	[tilespmem:v27+s17+$0x0] =	vst.idx.msk $0xffff, v42  }
0x19b: {  	v56 =	vor.u32 v6, v23;
	v55 =	vld.idx.msk [tilespmem:v31+s22+$0x0], $0xffff;
	[tilespmem:v39+s17+$0x0] =	vst.idx.msk $0xffff, v43  }
0x19c: {  	v20 =	vadd.s32 v9, v20;
	v33 =	vld.idx.msk [tilespmem:v33+s22+$0x0], $0xffff;
	[tilespmem:v29+s17+$0x0] =	vst.idx.msk $0xffff, v44  }
0x19d: {  	v18 =	vor.u32 v8, v18;
	v57 =	vld.idx.msk [tilespmem:v36+s22+$0x0], $0xffff;
	[tilespmem:v38+s17+$0x0] =	vst.idx.msk $0xffff, v10  }
0x19e: {  	v9 =	vadd.s32 v9, v19;
	v10 =	vld.idx.msk [tilespmem:v13+s22+$0x0], $0xffff;
	[tilespmem:v12+s17+$0x0] =	vst.idx.msk $0xffff, v11  }
0x19f: {  	v11 =	vld.idx.msk [tilespmem:v28+s22+$0x0], $0xffff;
	[tilespmem:v54+s17+$0x0] =	vst.idx.msk $0xffff, v15  }
0x1a0: {  	v58 =	vor.u32 v8, v17;
	v59 =	vld.idx.msk [tilespmem:v14+s22+$0x0], $0xffff;
	[tilespmem:v56+s17+$0x0] =	vst.idx.msk $0xffff, v55  }
0x1a1: {  	v62 =	vld.idx.msk [tilespmem:v20+s22+$0x0], $0xffff;
	[tilespmem:v34+s17+$0x0] =	vst.idx.msk $0xffff, v33  }
0x1a2: {  	v60 =	vor.u32 v8, v23;
	v61 =	vld.idx.msk [tilespmem:v32+s22+$0x0], $0xffff;
	[tilespmem:v18+s17+$0x0] =	vst.idx.msk $0xffff, v57  }
0x1a3: {  	v16 =	vor.u32 v8, v16;
	v9 =	vld.idx.msk [tilespmem:v9+s22+$0x0], $0xffff;
	[tilespmem:v22+s17+$0x0] =	vst.idx.msk $0xffff, v10  }
0x1a4: {  	v63 =	vld.idx.msk [tilespmem:v26+s22+$0x0], $0xffff;
	v10 =	vor.u32 v8, v24;
	[tilespmem:v25+s17+$0x0] =	vst.idx.msk $0xffff, v11  }
0x1a5: {  	[tilespmem:v58+s17+$0x0] =	vst.idx.msk $0xffff, v59  }
0x1a6: {  	[tilespmem:v21+s17+$0x0] =	vst.idx.msk $0xffff, v62  }
0x1a7: {  	[tilespmem:v60+s17+$0x0] =	vst.idx.msk $0xffff, v61  }
0x1a8: {  	[tilespmem:v16+s17+$0x0] =	vst.idx.msk $0xffff, v9  }
0x1a9: {  	[tilespmem:v10+s17+$0x0] =	vst.idx.msk $0xffff, v63  }
.Ltmp11:
0x1aa: {  	s1 =	rddreg [dreg:$0x4];
	(pc) =	sbr.rel .LBB2_15-.Ltmp11, $4  }
0x1ab: {  	[hbm4b:s1+s4] =	stream.linear.scatter [tilespmem:s17], [sflag:$0x5], $0x1000, $0x38;
	[tilespmem:$0x1A000] =	vst v63  }
0x1ac: {  	_ =	swait.ge [sflag:s23], $0x1000  }
0x1ad: {  	[sflag:s23] =	ssyncset.done $0x0  }
0x1ae: {  	[sflag:s23] =	ssyncadd.s32 $0xFFFFF000  }
.LBB2_16:
0x1af: {  	_ =	sfence.sel $0x180000  }
0x1b0: {  	[bflag:$0x0] =	sbarrier.arrive $0xFFFF  }
0x1b1: {  	_ =	strace $0x90000047  }
0x1b2: {  	s0 =	stileid.u32;
	[bflag:$0x2] =	sbarrier.arrive $0xFFFF  }
0x1b3: {  	p0 =	sne.s32 s0, $0x0;
	s0 =	rddreg [dreg:$0x3]  }
0x1b4: {  	s0 =	sadd.s32 @!p0 $0x100000, s0  }
0x1b5: {  	[sflag:s0] =	ssyncadd.tile.s32 @!p0 $0x1;
	_ =	shalt  }
.Lfunc_end2:
_tile_overlayer_lowered:
.L_overlay_start_2:
0x1b6: {  	(tag) =	ssettag $0x2  }
0x1b7: {  	s0 =	rddreg [dreg:$0x0];
	s2 =	stileid.u32  }
0x1b8: {  	s1 =	rddreg [dreg:$0x1];
	p0 =	sne.s32 s2, $0x0  }
0x1b9: {  	s3 =	rddreg [dreg:$0x2];
	[bflag:$0x3] =	sbarrier.arrive $0xFFFF;
	s2 =	simm.s32 @!p0 $0x1C05  }
0x1ba: {  	[timem:s3], [sflag:s2] =	dma.local @!p0 [hbm:s0], s1  }
0x1bb: {  	s0 =	simm.s32 @!p0 $0x5  }
0x1bc: {  	_ =	swait.ge @!p0 [sflag:s0], s1  }
0x1bd: {  	s1 =	ssub.s32 @!p0 $0x0, s1;
	[sflag:s0] =	ssyncset.done @!p0 $0x0  }
0x1be: {  	[sflag:s0] =	ssyncadd.s32 @!p0 s1  }
0x1bf: {  	[bflag:$0x3] =	sbarrier.arrive $0xFFFF  }
0x1c0: {  	_ =	shalt  }

// kernel: kernel.7.cloned.1.call-start
scs
__scs_entry_jumppad:
0x0: {  	(pc) =	sbr.rel $0x88, $3  }
0x1: {  	(tag) =	ssettag $0x0;
	lr =	simm.s32 $0x1  }
0x2: {  	[smem:$0x3F9F] =	sst lr;
	_ =	strace $0xD0000000  }
0x3: {  	_ = 	snop  }
0x4: {  	_ = 	snop  }
0x5: {  	_ = 	snop  }
0x6: {  	_ = 	snop  }
0x7: {  	_ = 	snop  }
__scs_overlays_trampoline_lowered:
0x8: {  	[smem:$0x3FAE] =	sst s0  }
0x9: {  	[smem:$0x3FAF] =	sst s1  }
0xa: {  	[smem:$0x3FB0] =	sst s2  }
0xb: {  	[smem:$0x3FB1] =	sst s3  }
0xc: {  	[smem:$0x3FB2] =	sst s4  }
0xd: {  	[smem:$0x3FB3] =	sst s5  }
0xe: {  	[smem:$0x3FB4] =	sst s6  }
0xf: {  	[smem:$0x3FB5] =	sst s7  }
0x10: {  	[smem:$0x3FB6] =	sst s8  }
0x11: {  	[smem:$0x3FB7] =	sst s9;
	s0 =	simm.s32 @!p0 $0x0  }
0x12: {  	s1 =	sld [smem:$0x3F9D];
	s0 =	simm.s32 @p0 $0x1  }
0x13: {  	[smem:$0x3FB8] =	sst s0;
	s0 =	simm.s32 @!p1 $0x0  }
0x14: {  	s2 =	sld [smem:$0x3F9C];
	s0 =	simm.s32 @p1 $0x1  }
0x15: {  	[smem:$0x3FB9] =	sst s0;
	s0 =	simm.s32 @!p2 $0x0  }
0x16: {  	s3 =	sld [smem:$0x3FDB];
	s0 =	simm.s32 @p2 $0x1  }
0x17: {  	s4 =	simm.s32 $0x1BF5;
	[smem:$0x3FBB] =	sst s0  }
0x18: {  	s0 =	sld [smem:$0x3F9E];
	_ =	swait.ge [sflag:s4], $0x0  }
0x19: {  	s7 =	sld [smem:$0x3F9F]  }
0x1a: {  	s8 =	sadd.s32 $0xFFFFE003, lr  }
0x1b: {  	s9 =	sadd.s32 $0xFFFFFEF7, lr;
	s5 =	simm.s32 $0xFFFFFFFF;
	p2 =	slt.u32 s8, $0xFFFFF086  }
0x1c: {  	p1 =	slt.u32 s9, $0xF7A;
	s5 =	simm.s32 @!p2 $0x0  }
0x1d: {  	s5 =	simm.s32 @p1 $0x1;
	p0 =	seq.s32 s7, s2  }
0x1e: {  	s7 =	smul.u32 @!p0 $0xF7A, s2;
	p2 =	seq.s32 @!p0 s5, $0x0  }
0x1f: {  	s9 =	smul.u32 $0xF7A, s1;
	s8 =	simm.s32 @!p0 $0x1BF5;
	p2 =	por !p2, p0  }
0x20: {  	[sflag:s8] =	ssyncset.s32 @!p0 $0xFFFFF086;
	s6 =	sadd.s32 @!p0 s3, s7;
	s7 =	simm.s32 @!p0 $0x108  }
0x21: {  	s3 =	sadd.s32 s3, s9;
	s6 =	sadd.s32 @!p0 $0x88, s6;
	s7 =	simm.s32 @p2 $0x1082  }
0x22: {  	[simem:s7], [sflag:s8] =	dma.local @!p0 [hbm:s6], $0xF7A  }
0x23: {  	s9 =	sor.u32 $0xD0000000, s2;
	s6 =	simm.s32 $0x108;
	_ =	swait.ge @!p0 [sflag:s8], $0x0  }
0x24: {  	s3 =	sadd.s32 $0x88, s3;
	s6 =	simm.s32 @!p1 $0x1082;
	[sflag:s4] =	ssyncset.s32 $0xFFFFF086  }
0x25: {  	[simem:s6], [sflag:s4] =	dma.local [hbm:s3], $0xF7A  }
0x26: {  	[smem:$0x3F9F] =	sst s1;
	(tag) =	ssettag s2;
	_ =	strace s9  }
0x27: {  	s1 =	sld [smem:$0x3FAF]  }
0x28: {  	s2 =	sld [smem:$0x3FB0]  }
0x29: {  	s4 =	sld [smem:$0x3FB2]  }
0x2a: {  	p0 =	seq.s32 s5, $0x0;
	s5 =	sld [smem:$0x3FB3]  }
0x2b: {  	s6 =	sld [smem:$0x3FB4]  }
0x2c: {  	s7 =	sld [smem:$0x3FB5]  }
0x2d: {  	s3 =	simm.s32 $0x108;
	s8 =	sld [smem:$0x3FB6]  }
0x2e: {  	s3 =	simm.s32 @!p0 $0x1082;
	s9 =	sld [smem:$0x3FB7]  }
0x2f: {  	lr =	sadd.s32 s0, s3;
	s0 =	sld [smem:$0x3FAE]  }
0x30: {  	s3 =	sld [smem:$0x3FB1]  }
0x31: {  	[smem:$0x3FBA] =	sst s10  }
0x32: {  	s10 =	sld [smem:$0x3FB8];
	_ =	sdelay $0x3  }
0x33: {  	p0 =	seq.s32 s10, $0x1;
	s10 =	sld [smem:$0x3FBA];
	_ =	sdelay $0x3  }
0x34: {  	[smem:$0x3FBA] =	sst s10  }
0x35: {  	s10 =	sld [smem:$0x3FB9];
	_ =	sdelay $0x3  }
0x36: {  	p1 =	seq.s32 s10, $0x1;
	s10 =	sld [smem:$0x3FBA];
	_ =	sdelay $0x3  }
0x37: {  	[smem:$0x3FBA] =	sst s10  }
0x38: {  	s10 =	sld [smem:$0x3FBB]  }
0x39: {  	_ = 	snop;
	(pc) =	sbr.ind lr, $3  }
0x3a: {  	_ = 	snop  }
0x3b: {  	_ = 	snop  }
0x3c: {  	p2 =	seq.s32 s10, $0x1;
	s10 =	sld [smem:$0x3FBA]  }
0x3d: {  	_ =	shalt  }
0x3e: {  	_ =	shalt  }
0x3f: {  	_ =	shalt  }
0x40: {  	_ =	shalt  }
0x41: {  	_ =	shalt  }
0x42: {  	_ =	shalt  }
0x43: {  	_ =	shalt  }
0x44: {  	_ =	shalt  }
0x45: {  	_ =	shalt  }
0x46: {  	_ =	shalt  }
0x47: {  	_ =	shalt  }
0x48: {  	_ =	shalt  }
0x49: {  	_ =	shalt  }
0x4a: {  	_ =	shalt  }
0x4b: {  	_ =	shalt  }
0x4c: {  	_ =	shalt  }
0x4d: {  	_ =	shalt  }
0x4e: {  	_ =	shalt  }
0x4f: {  	_ =	shalt  }
0x50: {  	_ =	shalt  }
0x51: {  	_ =	shalt  }
0x52: {  	_ =	shalt  }
0x53: {  	_ =	shalt  }
0x54: {  	_ =	shalt  }
0x55: {  	_ =	shalt  }
0x56: {  	_ =	shalt  }
0x57: {  	_ =	shalt  }
0x58: {  	_ =	shalt  }
0x59: {  	_ =	shalt  }
0x5a: {  	_ =	shalt  }
0x5b: {  	_ =	shalt  }
0x5c: {  	_ =	shalt  }
0x5d: {  	_ =	shalt  }
0x5e: {  	_ =	shalt  }
0x5f: {  	_ =	shalt  }
0x60: {  	_ =	shalt  }
0x61: {  	_ =	shalt  }
0x62: {  	_ =	shalt  }
0x63: {  	_ =	shalt  }
0x64: {  	_ =	shalt  }
0x65: {  	_ =	shalt  }
0x66: {  	_ =	shalt  }
0x67: {  	_ =	shalt  }
0x68: {  	_ =	shalt  }
0x69: {  	_ =	shalt  }
0x6a: {  	_ =	shalt  }
0x6b: {  	_ =	shalt  }
0x6c: {  	_ =	shalt  }
0x6d: {  	_ =	shalt  }
0x6e: {  	_ =	shalt  }
0x6f: {  	_ =	shalt  }
0x70: {  	_ =	shalt  }
0x71: {  	_ =	shalt  }
0x72: {  	_ =	shalt  }
0x73: {  	_ =	shalt  }
0x74: {  	_ =	shalt  }
0x75: {  	_ =	shalt  }
0x76: {  	_ =	shalt  }
0x77: {  	_ =	shalt  }
0x78: {  	_ =	shalt  }
0x79: {  	_ =	shalt  }
0x7a: {  	_ =	shalt  }
0x7b: {  	_ =	shalt  }
0x7c: {  	_ =	shalt  }
0x7d: {  	_ =	shalt  }
0x7e: {  	_ =	shalt  }
0x7f: {  	_ =	shalt  }
0x80: {  	_ =	shalt  }
0x81: {  	_ =	shalt  }
0x82: {  	_ =	shalt  }
0x83: {  	_ =	shalt  }
0x84: {  	_ =	shalt  }
0x85: {  	_ =	shalt  }
0x86: {  	_ =	shalt  }
0x87: {  	_ =	shalt  }
.Lfunc_end0:
.L_simem_size_0:
called_computation.1_lowered:
.L_overlay_start_0:
0x88: {  	s2 =	sld [smem:$0x3FD9]  }
0x89: {  	s3 =	sld [smem:$0x3FFE];
	_ =	sdelay $0x1  }
0x8a: {  	s1 =	srdreg.scid  }
0x8b: {  	s0 =	sand.u32 $0x1, s1  }
0x8c: {  	s17 =	sshll.u32 s0, $0xA;
	s2 =	sadd.s32 s3, s2  }
0x8d: {  	s2 =	sadd.s32 s2, s17  }
0x8e: {  	[smem:$0x3FC6] =	sst s2  }
0x8f: {  	_ = 	snop  }
0x90: {  	s2 =	sld [smem:$0x3FD0];
	(tm) =	ssettm $0x1  }
0x91: {  	s18 =	sld [smem:$0x3FFB];
	_ =	sdelay $0x3  }
0x92: {  	_ =	strace s18  }
0x93: {  	s3 =	sld [smem:$0x3FFC];
	_ =	sdelay $0x3  }
0x94: {  	_ =	strace s3  }
0x95: {  	s3 =	sld [smem:$0x3FFD];
	_ =	sdelay $0x3  }
0x96: {  	_ =	strace s3  }
0x97: {  	_ =	strace $0x8FFFFFFF  }
0x98: {  	s19 =	sld [smem:$0x3FDB];
	_ =	sdelay $0x1  }
0x99: {  	s4 =	simm.s32 $_scs_section_size  }
0x9a: {  	s5 =	simm.s32 $_size__tile_overlayer_lowered;
	s6 =	simm.s32 $_tile_overlayer_lowered  }
0x9b: {  	s22 =	simm.s32 $0x1BFF;
	s21 =	sshll.u32 s6, $0x1;
	s3 =	sadd.s32 s4, s19  }
0x9c: {  	s7 =	simm.s32 $0x0;
	s20 =	sshll.u32 s5, $0x1;
	s5 =	sadd.s32 s21, s3  }
0x9d: {  	[timem:s7], [sflag:s22] =	dma.local [hbm:s5], s20  }
0x9e: {  	_ =	swait.ge [sflag:s22], s20  }
0x9f: {  	s4 =	ssub.s32 $0x0, s20;
	[sflag:s22] =	ssyncset.done $0x0  }
0xa0: {  	[sflag:s22] =	ssyncadd.s32 s4;
	_ =	sdelay $0x1  }
0xa1: {  	s23 =	simm.s32 $0x1B8B  }
0xa2: {  	_ =	swait.ge [sflag:s23], $0x1  }
0xa3: {  	[sflag:s23] =	ssyncset.done $0x0  }
0xa4: {  	s25 =	simm.s32 $0x1B8E;
	s24 =	sld [smem:$0x3FFE];
	[sflag:s23] =	ssyncadd.s32 $0xFFFFFFFF  }
0xa5: {  	s26 =	simm.s32 $execute0_lowered;
	[smem:$0x3FD2] =	sst s25  }
0xa6: {  	s5 =	sshll.u32 s26, $0x1;
	_ =	strace $0x80000049;
	[dreg:$0x1] =	wrdreg $0xFFFFFFFF  }
0xa7: {  	s28 =	simm.s32 $_size_execute0_lowered;
	s3 =	sadd.s32 s3, s5;
	[dreg:$0x0] =	wrdreg $0x0  }
0xa8: {  	s5 =	sshll.u32 s28, $0x1;
	[dreg:$0x2] =	wrdreg s3  }
0xa9: {  	[dreg:$0x3] =	wrdreg s5  }
0xaa: {  	[dreg:$0x4] =	wrdreg $0xC0  }
0xab: {  	_ =	task [dreg:s7], $0x5FFFF  }
0xac: {  	[dreg:$0x1] =	wrdreg $0xFFFFFFFF  }
0xad: {  	[dreg:$0x0] =	wrdreg $0x60  }
0xae: {  	[dreg:$0x2] =	wrdreg s24  }
0xaf: {  	[dreg:$0x3] =	wrdreg s2  }
0xb0: {  	[dreg:$0x4] =	wrdreg $0x9  }
0xb1: {  	_ =	task.clear_ibuf [dreg:s7], $0x5FFFF;
	_ =	strace $0x90000049  }
0xb2: {  	s29 =	simm.s32 $0x9;
	_ =	strace $0x8000004B  }
0xb3: {  	_ =	swait.ge [sflag:s29], $0x1  }
0xb4: {  	[sflag:s29] =	ssyncadd.s32 $0xFFFFFFFF  }
0xb5: {  	_ =	strace $0x9000004B  }
0xb6: {  	_ =	sfence  }
0xb7: {  	s30 =	sld [smem:$0x0];
	_ =	sdelay $0x2  }
0xb8: {  	s31 =	sshll.u32 s1, $0xD;
	s1 =	sshrl.u32 s1, $0x2  }
0xb9: {  	s3 =	sand.u32 $0x4000, s31;
	s1 =	sadd.s32 s1, s30  }
0xba: {  	s0 =	sor.u32 s3, s0;
	s1 =	sshll.u32 s1, $0x11  }
0xbb: {  	s0 =	sor.u32 s1, s0  }
0xbc: {  	s0 =	sadd.s32 $0x8F2B, s0  }
0xbd: {  	[sflag:s0] =	ssyncadd.remote.s32 $0x1  }
0xbe: {  	_ =	sfence.sel $0xFFFF  }
0xbf: {  	[dreg:$0x0] =	wrdreg $0xFFFFFFFF;
	(pc) =	sbr.abs _section_cstart, $3  }
0xc0: {  	[dreg:$0x1] =	wrdreg $0xFFFFFFFF  }
0xc1: {  	_ =	task.clear_ibuf [dreg:s7], $0x2FFFF;
	_ =	strace $0x9FFFFFFF  }
0xc2: {  	(tm) =	ssettm $0x7FFFFFFF  }
0xc3: {  	_ =	shalt  }
tec
execute0_lowered:
.L_overlay_start_1:
0x0: {  	(tag) =	ssettag $0x1  }
0x1: {  	s0 =	srdreg.scid;
	s2 =	stileid.u32  }
0x2: {  	s0 =	sand.u32 $0x1, s0;
	s3 =	sshll.u32 s2, $0x1  }
0x3: {  	s1 =	rddreg [dreg:$0x0];
	v0 =	vlaneseq.u32;
	s6 =	sor.u32 s0, s3;
	s3 =	simm.s32 $0x0  }
0x4: {  	v7 =	vmul.u32 $0xC8, v0;
	v1 =	vadd.s32 $0xFFFFFF38, v0;
	[smem:$0x7FF] =	sst s3  }
0x5: {  	s2 =	rddreg [dreg:$0x1];
	_ =	strace $0x8000004A;
	[tilespmem:$0x1FF10] =	vst v1  }
0x6: {  	v5 =	vadd.s32 $0xC80, v7;
	[tilespmem:$0x1FF20] =	vst v7  }
0x7: {  	v3 =	vadd.s32 $0x2580, v7;
	[tilespmem:$0x1FF30] =	vst v5  }
0x8: {  	s12 =	simm.s32 $0x6400;
	s13 =	simm.s32 $0x80;
	v2 =	vadd.s32 $0x3200, v7;
	[tilespmem:$0x1FF50] =	vst v3  }
0x9: {  	s14 =	simm.s32 $0xC800;
	s16 =	simm.s32 $0xE800;
	s18 =	simm.s32 $0x10800;
	v13 =	vmul.u32 $0x40, v0;
	v14 =	vadd.s32 $0x3E80, v7;
	[tilespmem:$0x1FF60] =	vst v2  }
0xa: {  	s19 =	simm.s32 $0x1;
	s20 =	simm.s32 $0x12800;
	s21 =	simm.s32 $0x400;
	[tilespmem:$0x1FF70] =	vst v14  }
0xb: {  	s22 =	simm.s32 $0x8000;
	s23 =	simm.s32 $0x2;
	s24 =	simm.s32 $0x14800;
	v18 =	vadd.s32 $0x4B00, v7;
	[tilespmem:$0x1FF80] =	vst v13  }
0xc: {  	s25 =	simm.s32 $0x4;
	s28 =	simm.s32 $0x6;
	s29 =	simm.s32 $0x3;
	v16 =	vor.u32 $0xFFFFFFC0, v0;
	[tilespmem:$0x1FF90] =	vst v18  }
0xd: {  	s30 =	simm.s32 $0x16800;
	s31 =	simm.s32 $0x0;
	s0 =	ssub.s32 $0x2, s0;
	v19 =	vor.u32 $0x400, v13;
	[tilespmem:$0x1FFB0] =	vst v16  }
0xe: {  	s4 =	smul.u32 $0xC80, s6;
	s7 =	sshrl.u32 s0, $0x1;
	s26 =	sshll.u32 s6, $0x7;
	v20 =	vor.u32 $0x800, v13;
	[tilespmem:$0x1FFC0] =	vst v19  }
.Ltmp0:
0xf: {  	v4 =	vor.u32 $0x10, v0;
	v6 =	vor.u32 $0x20, v0;
	s6 =	sshll.u32 s6, $0xA;
	s0 =	ssub.s32 s0, s7;
	[tilespmem:$0x1FFD0] =	vst v20;
	(pc) =	sbr.rel .LBB2_1-.Ltmp0, $4  }
0x10: {  	v8 =	vor.u32 $0x30, v0;
	v10 =	vor.u32 $0x40, v0;
	v12 =	vor.u32 $0x50, v0;
	[tilespmem:$0x1FFE0] =	vst v4;
	s5 =	sadd.s32 s4, s1;
	s4 =	sadd.s32 $0xA00, s1;
	s0 =	smax.u32 s0, $0x1  }
0x11: {  	v15 =	vor.u32 $0x60, v0;
	v17 =	vor.u32 $0x70, v0;
	v1 =	vadd.s32 $0x1900, v7;
	[tilespmem:$0x1FFF0] =	vst v10;
	s1 =	sadd.s32 s26, s2;
	s5 =	sadd.s32 $0x7A1E00, s5;
	[dreg:$0x5] =	wrdreg s0  }
0x12: {  	v21 =	vor.u32 $0xC00, v13;
	v22 =	vor.u32 $0x1000, v13;
	s7 =	sor.u32 $0x40000, s6;
	v7 =	vadd.s32 $0x5780, v7;
	[tilespmem:$0x1FF40] =	vst v1;
	s1 =	sadd.s32 $0x638000, s1;
	[dreg:$0x3] =	wrdreg s5  }
0x13: {  	v23 =	vor.u32 $0x1400, v13;
	v24 =	vor.u32 $0x1800, v13;
	v25 =	vor.u32 $0x1C00, v13;
	s8 =	sor.u32 $0x80000, s6;
	s26 =	simm.s32 $0x5;
	[tilespmem:$0x1FFA0] =	vst v7;
	[dreg:$0x4] =	wrdreg s1  }
.LBB2_14:
0x14: {  	v19 =	vld [tilespmem:$0x1FFC0]  }
0x15: {  	v20 =	vld [tilespmem:$0x1FFD0]  }
0x16: {  	s0 =	rddreg [dreg:$0x4];
	v22 =	vmov v23;
	v23 =	vmov v4;
	v4 =	vld [tilespmem:$0x1FFE0]  }
0x17: {  	v0 =	vlaneseq.u32;
	v8 =	vmov v10;
	v10 =	vld [tilespmem:$0x1FFF0];
	[hbm4b:s0+s21] =	stream.strided.scatter [tilespmem:s24], [sflag:$0x5], $0x2000, s22, s21, $0x38  }
.LBB2_12:
0x18: {  	_ =	swait.ge [sflag:s25], $0x2000  }
0x19: {  	[sflag:s25] =	ssyncset.done $0x0  }
0x1a: {  	[sflag:s25] =	ssyncadd.s32 $0xFFFFE000  }
0x1b: {  	_ =	swait.ge [sflag:s26], $0x2000  }
0x1c: {  	[sflag:s26] =	ssyncset.done $0x0  }
0x1d: {  	[sflag:s26] =	ssyncadd.s32 $0xFFFFE000  }
0x1e: {  	_ =	swait.ge [sflag:s28], $0x2000  }
0x1f: {  	s31 =	sadd.s32 $0x1, s31;
	s0 =	rddreg [dreg:$0x5]  }
0x20: {  	v1 =	vld [tilespmem:$0x1FF40];
	p0 =	sne.s32 s31, s0  }
.Ltmp1:
0x21: {  	v3 =	vld [tilespmem:$0x1FF50];
	(pc) =	sbr.rel @!p0 .LBB2_13-.Ltmp1, $4  }
0x22: {  	v2 =	vld [tilespmem:$0x1FF60]  }
0x23: {  	v14 =	vld [tilespmem:$0x1FF70]  }
0x24: {  	[sflag:s28] =	ssyncset.done $0x0;
	v7 =	vld [tilespmem:$0x1FFA0]  }
0x25: {  	v5 =	vld [tilespmem:$0x1FF30];
	[sflag:s28] =	ssyncadd.s32 $0xFFFFE000  }
.LBB2_1:
0x26: {  	v11 =	vld [tilespmem:$0x1FF10];
	_ =	sdelay $0x1  }
0x27: {  	v9 =	vld [tilespmem:$0x1FF20]  }
0x28: {  	v26 =	vadd.s32 s3, v0;
	s1 =	simm.s32 $0x2  }
0x29: {  	s9 =	simm.s32 $0x3;
	vm0 =	vgt.u32 v26, $0xC7;
	v28 =	vadd.s32 s1, v0  }
0x2a: {  	vm2 =	vgt.u32 v28, $0xC7;
	v27 =	vadd.s32 s3, v11;
	v30 =	vadd.s32 s9, v11  }
0x2b: {  	s0 =	simm.s32 $0x1;
	s5 =	rddreg [dreg:$0x3];
	v45 =	vsel vm0, v27, v26;
	v26 =	vadd.s32 s1, v11;
	v27 =	vadd.s32 s9, v0  }
0x2c: {  	[tilespmem:s3], [sflag:$0x7] =	stream.linear.gather [hbm4b:s5+s3], $0x6400, $0x38;
	v31 =	vadd.s32 v9, v45;
	v46 =	vsel vm2, v26, v28;
	vm11 =	vgt.u32 v27, $0xC7;
	[tilespmem:$0x18800] =	vst v63  }
0x2d: {  	v29 =	vadd.s32 s0, v0;
	s9 =	simm.s32 $0x7;
	v32 =	vadd.s32 v9, v46;
	v28 =	vsel vm11, v30, v27  }
0x2e: {  	vm1 =	vgt.u32 v29, $0xC7;
	v26 =	vadd.s32 s0, v11;
	_ =	swait.ge [sflag:s9], $0x6400;
	v30 =	vadd.s32 v9, v28  }
0x2f: {  	v29 =	vsel vm1, v26, v29;
	[sflag:s9] =	ssyncset.done $0x0  }
0x30: {  	v27 =	vshll.u32 v45, $0x7;
	v33 =	vadd.s32 v9, v29;
	[sflag:s9] =	ssyncadd.s32 $0xFFFF9C00  }
0x31: {  	v26 =	vshll.u32 v46, $0x7;
	v35 =	vor.u32 v0, v27;
	v34 =	vld.idx.msk [tilespmem:v31+s3+$0x0], $0xffff  }
0x32: {  	v36 =	vadd.s32 v5, v45;
	v37 =	vor.u32 v0, v26;
	v31 =	vshll.u32 v28, $0x7;
	v32 =	vld.idx.msk [tilespmem:v32+s3+$0x0], $0xffff  }
0x33: {  	v38 =	vadd.s32 v5, v46;
	v39 =	vor.u32 v0, v31;
	v30 =	vld.idx.msk [tilespmem:v30+s3+$0x0], $0xffff  }
0x34: {  	v47 =	vshll.u32 v29, $0x7;
	v41 =	vadd.s32 v5, v28  }
0x35: {  	v40 =	vor.u32 v0, v47;
	v33 =	vld.idx.msk [tilespmem:v33+s3+$0x0], $0xffff  }
0x36: {  	v42 =	vadd.s32 v5, v29;
	[tilespmem:v35+s12+$0x0] =	vst.idx.msk $0xffff, v34  }
0x37: {  	v62 =	vor.u32 v4, v27;
	v34 =	vld.idx.msk [tilespmem:v36+s3+$0x0], $0xffff;
	[tilespmem:v37+s12+$0x0] =	vst.idx.msk $0xffff, v32  }
0x38: {  	v44 =	vld.idx.msk [tilespmem:v38+s3+$0x0], $0xffff;
	[tilespmem:v39+s12+$0x0] =	vst.idx.msk $0xffff, v30;
	v30 =	vor.u32 v4, v26  }
0x39: {  	v49 =	vor.u32 v4, v31;
	v48 =	vld.idx.msk [tilespmem:v41+s3+$0x0], $0xffff  }
0x3a: {  	v63 =	vadd.s32 v1, v45;
	[tilespmem:v40+s12+$0x0] =	vst.idx.msk $0xffff, v33  }
0x3b: {  	v51 =	vor.u32 v4, v47;
	v50 =	vld.idx.msk [tilespmem:v42+s3+$0x0], $0xffff  }
0x3c: {  	v52 =	vadd.s32 v1, v29;
	[tilespmem:v62+s12+$0x0] =	vst.idx.msk $0xffff, v34  }
0x3d: {  	[tilespmem:v30+s12+$0x0] =	vst.idx.msk $0xffff, v44  }
0x3e: {  	v53 =	vadd.s32 v1, v46;
	v13 =	vadd.s32 v7, v46;
	[tilespmem:v49+s12+$0x0] =	vst.idx.msk $0xffff, v48  }
0x3f: {  	v55 =	vadd.s32 v1, v28;
	v35 =	vld.idx.msk [tilespmem:v63+s3+$0x0], $0xffff;
	[tilespmem:$0x1FEF0] =	vst v13  }
0x40: {  	v54 =	vor.u32 v6, v27;
	[tilespmem:v51+s12+$0x0] =	vst.idx.msk $0xffff, v50  }
0x41: {  	v56 =	vadd.s32 v3, v45;
	v58 =	vor.u32 v6, v47;
	v57 =	vld.idx.msk [tilespmem:v52+s3+$0x0], $0xffff  }
0x42: {  	s10 =	simm.s32 $0x4;
	v61 =	vadd.s32 v3, v46;
	v59 =	vadd.s32 v3, v29;
	v43 =	vor.u32 v6, v26  }
0x43: {  	v39 =	vor.u32 v6, v31;
	v40 =	vadd.s32 v3, v28;
	v62 =	vadd.s32 s10, v0;
	v34 =	vld.idx.msk [tilespmem:v53+s3+$0x0], $0xffff  }
0x44: {  	s15 =	simm.s32 $0x6;
	v63 =	vadd.s32 s10, v11;
	vm12 =	vgt.u32 v62, $0xC7;
	v48 =	vadd.s32 v2, v28;
	v60 =	vld.idx.msk [tilespmem:v55+s3+$0x0], $0xffff  }
0x45: {  	v49 =	vadd.s32 v2, v46;
	v38 =	vsel vm12, v63, v62;
	v62 =	vadd.s32 s15, v11;
	[tilespmem:v54+s12+$0x0] =	vst.idx.msk $0xffff, v35  }
0x46: {  	v37 =	vadd.s32 v9, v38;
	v52 =	vor.u32 v8, v27;
	v44 =	vld.idx.msk [tilespmem:v56+s3+$0x0], $0xffff;
	[tilespmem:v58+s12+$0x0] =	vst.idx.msk $0xffff, v57  }
0x47: {  	s11 =	simm.s32 $0x5;
	v50 =	vadd.s32 v2, v45;
	v51 =	vor.u32 v8, v31;
	v54 =	vor.u32 v8, v47;
	v42 =	vld.idx.msk [tilespmem:v59+s3+$0x0], $0xffff  }
0x48: {  	s17 =	simm.s32 $0x7;
	v53 =	vor.u32 v8, v26;
	v55 =	vadd.s32 s11, v0;
	v35 =	vadd.s32 v2, v29;
	[tilespmem:v43+s12+$0x0] =	vst.idx.msk $0xffff, v34  }
0x49: {  	vm13 =	vgt.u32 v55, $0xC7;
	v56 =	vadd.s32 s15, v0;
	[tilespmem:v39+s12+$0x0] =	vst.idx.msk $0xffff, v60;
	v36 =	vld.idx.msk [tilespmem:v61+s3+$0x0], $0xffff;
	v61 =	vadd.s32 s17, v0  }
0x4a: {  	v60 =	vadd.s32 s11, v11;
	v40 =	vld.idx.msk [tilespmem:v40+s3+$0x0], $0xffff;
	v59 =	vadd.s32 s17, v11;
	vm15 =	vgt.u32 v61, $0xC7  }
0x4b: {  	vm14 =	vgt.u32 v56, $0xC7;
	v33 =	vsel vm13, v60, v55;
	[tilespmem:v52+s12+$0x0] =	vst.idx.msk $0xffff, v44;
	v34 =	vsel vm15, v59, v61  }
0x4c: {  	v55 =	vor.u32 v10, v27;
	v63 =	vadd.s32 v9, v34;
	v50 =	vld.idx.msk [tilespmem:v50+s3+$0x0], $0xffff;
	[tilespmem:v54+s12+$0x0] =	vst.idx.msk $0xffff, v42  }
0x4d: {  	v57 =	vadd.s32 v14, v45;
	v58 =	vor.u32 v10, v47;
	v44 =	vsel vm14, v62, v56;
	v56 =	vld.idx.msk [tilespmem:v35+s3+$0x0], $0xffff  }
0x4e: {  	v16 =	vld.idx.msk [tilespmem:v37+s3+$0x0], $0xffff;
	[tilespmem:v53+s12+$0x0] =	vst.idx.msk $0xffff, v36;
	v54 =	vadd.s32 v9, v44  }
0x4f: {  	[tilespmem:v51+s12+$0x0] =	vst.idx.msk $0xffff, v40;
	v40 =	vor.u32 v10, v26;
	v42 =	vshll.u32 v38, $0x7;
	v53 =	vld.idx.msk [tilespmem:v49+s3+$0x0], $0xffff  }
0x50: {  	v11 =	vadd.s32 v9, v33;
	v59 =	vadd.s32 v14, v29;
	v32 =	vld.idx.msk [tilespmem:v48+s3+$0x0], $0xffff;
	v51 =	vor.u32 v0, v42  }
0x51: {  	v39 =	vshll.u32 v33, $0x7;
	v43 =	vshll.u32 v44, $0x7;
	v13 =	vld.idx.msk [tilespmem:v63+s3+$0x0], $0xffff;
	[tilespmem:v55+s12+$0x0] =	vst.idx.msk $0xffff, v50;
	v50 =	vor.u32 v10, v31  }
0x52: {  	v9 =	vor.u32 v0, v39;
	v49 =	vor.u32 v12, v27;
	v57 =	vld.idx.msk [tilespmem:v57+s3+$0x0], $0xffff;
	[tilespmem:v58+s12+$0x0] =	vst.idx.msk $0xffff, v56  }
0x53: {  	v35 =	vshll.u32 v34, $0x7;
	v55 =	vor.u32 v0, v43;
	v54 =	vld.idx.msk [tilespmem:v54+s3+$0x0], $0xffff;
	[tilespmem:$0x1FF00] =	vst v9  }
0x54: {  	v41 =	vadd.s32 v14, v46;
	v58 =	vor.u32 v0, v35;
	[tilespmem:v40+s12+$0x0] =	vst.idx.msk $0xffff, v53  }
0x55: {  	[tilespmem:v51+s12+$0x0] =	vst.idx.msk $0xffff, v16  }
0x56: {  	v62 =	vadd.s32 v5, v38;
	[tilespmem:v50+s12+$0x0] =	vst.idx.msk $0xffff, v32  }
0x57: {  	v61 =	vadd.s32 v14, v28;
	v9 =	vld.idx.msk [tilespmem:v59+s3+$0x0], $0xffff;
	[tilespmem:v49+s12+$0x0] =	vst.idx.msk $0xffff, v57  }
0x58: {  	v48 =	vadd.s32 v18, v45;
	v59 =	vld.idx.msk [tilespmem:v11+s3+$0x0], $0xffff;
	[tilespmem:v55+s12+$0x0] =	vst.idx.msk $0xffff, v54  }
0x59: {  	v63 =	vadd.s32 v5, v44;
	v49 =	vor.u32 v12, v47;
	v60 =	vld.idx.msk [tilespmem:v41+s3+$0x0], $0xffff;
	[tilespmem:v58+s12+$0x0] =	vst.idx.msk $0xffff, v13  }
0x5a: {  	v30 =	vor.u32 v15, v47;
	v56 =	vadd.s32 v5, v34;
	v51 =	vor.u32 v12, v26;
	v13 =	vld [tilespmem:$0x1FF00]  }
0x5b: {  	v52 =	vadd.s32 v1, v38;
	v50 =	vor.u32 v4, v42;
	v32 =	vadd.s32 v18, v29;
	v53 =	vld.idx.msk [tilespmem:v62+s3+$0x0], $0xffff  }
0x5c: {  	v37 =	vadd.s32 v7, v44;
	v16 =	vor.u32 v12, v31;
	v11 =	vld.idx.msk [tilespmem:v61+s3+$0x0], $0xffff;
	v54 =	vadd.s32 v18, v46  }
0x5d: {  	v36 =	vor.u32 v15, v39;
	v40 =	vor.u32 v17, v47;
	v47 =	vor.u32 v4, v43;
	v48 =	vld.idx.msk [tilespmem:v48+s3+$0x0], $0xffff  }
0x5e: {  	v41 =	vor.u32 v17, v31;
	v62 =	vadd.s32 v5, v33;
	v55 =	vld.idx.msk [tilespmem:v63+s3+$0x0], $0xffff;
	[tilespmem:v49+s12+$0x0] =	vst.idx.msk $0xffff, v9  }
0x5f: {  	v61 =	vadd.s32 v1, v44;
	v46 =	vadd.s32 v18, v28;
	v57 =	vld.idx.msk [tilespmem:v56+s3+$0x0], $0xffff;
	[tilespmem:v51+s12+$0x0] =	vst.idx.msk $0xffff, v60  }
0x60: {  	v58 =	vor.u32 v4, v39;
	v49 =	vadd.s32 v7, v45;
	[tilespmem:v50+s12+$0x0] =	vst.idx.msk $0xffff, v53;
	v50 =	vld.idx.msk [tilespmem:v32+s3+$0x0], $0xffff  }
0x61: {  	v60 =	vadd.s32 v1, v33;
	v53 =	vor.u32 v15, v26;
	[tilespmem:v16+s12+$0x0] =	vst.idx.msk $0xffff, v11;
	v51 =	vld.idx.msk [tilespmem:v54+s3+$0x0], $0xffff  }
0x62: {  	v16 =	vmov v1;
	v32 =	vmov v18;
	v54 =	vld.idx.msk [tilespmem:v52+s3+$0x0], $0xffff;
	v52 =	vor.u32 v15, v27;
	[tilespmem:v13+s12+$0x0] =	vst.idx.msk $0xffff, v59  }
0x63: {  	s0 =	simm.s32 $0x8;
	v18 =	vmovc v5;
	v59 =	vadd.s32 v1, v34;
	v13 =	vmov v2;
	v56 =	vld.idx.msk [tilespmem:v62+s3+$0x0], $0xffff;
	v62 =	vor.u32 v4, v35  }
.LBB2_2:
0x64: {  	v2 =	vld [tilespmem:$0x1FEF0];
	_ =	sdelay $0x2  }
0x65: {  	[tilespmem:v47+s12+$0x0] =	vst.idx.msk $0xffff, v55  }
0x66: {  	v55 =	vor.u32 v17, v27;
	v63 =	vor.u32 v17, v26;
	v1 =	vld.idx.msk [tilespmem:v46+s3+$0x0], $0xffff;
	v45 =	vmov v38  }
0x67: {  	v47 =	vmovc v44;
	v46 =	vmov v39;
	v27 =	vmov v42;
	v26 =	vmov v43;
	[tilespmem:v58+s12+$0x0] =	vst.idx.msk $0xffff, v56;
	v38 =	vld.idx.msk [tilespmem:v61+s3+$0x0], $0xffff  }
0x68: {  	v29 =	vadd.s32 v7, v29;
	v31 =	vor.u32 v15, v31;
	v44 =	vld.idx.msk [tilespmem:v60+s3+$0x0], $0xffff;
	[tilespmem:v52+s12+$0x0] =	vst.idx.msk $0xffff, v48  }
0x69: {  	v28 =	vadd.s32 v7, v28;
	v39 =	vor.u32 v6, v27;
	v49 =	vld.idx.msk [tilespmem:v49+s3+$0x0], $0xffff;
	[tilespmem:v53+s12+$0x0] =	vst.idx.msk $0xffff, v51  }
0x6a: {  	v56 =	vor.u32 v8, v35;
	v60 =	vor.u32 v6, v46;
	[tilespmem:v30+s12+$0x0] =	vst.idx.msk $0xffff, v50;
	v50 =	vld.idx.msk [tilespmem:v2+s3+$0x0], $0xffff  }
0x6b: {  	v48 =	vor.u32 v8, v26;
	[tilespmem:v62+s12+$0x0] =	vst.idx.msk $0xffff, v57;
	v43 =	vadd.s32 v3, v45;
	v2 =	vld [tilespmem:$0x1FF10]  }
0x6c: {  	v62 =	vor.u32 v6, v35;
	v61 =	vadd.s32 v3, v34;
	v30 =	vor.u32 v6, v26  }
0x6d: {  	v51 =	vadd.s32 v3, v33;
	v53 =	vadd.s32 v13, v34;
	v42 =	vld.idx.msk [tilespmem:v59+s3+$0x0], $0xffff;
	[tilespmem:v31+s12+$0x0] =	vst.idx.msk $0xffff, v1  }
0x6e: {  	s1 =	smov.u32 s0;
	v58 =	vld.idx.msk [tilespmem:v29+s3+$0x0], $0xffff;
	v1 =	vadd.s32 v13, v33;
	v59 =	vadd.s32 v13, v45;
	[tilespmem:v39+s12+$0x0] =	vst.idx.msk $0xffff, v54  }
0x6f: {  	s15 =	sadd.s32 $0x2, s1;
	v39 =	vadd.s32 v3, v47;
	v54 =	vld.idx.msk [tilespmem:v28+s3+$0x0], $0xffff;
	[tilespmem:v60+s12+$0x0] =	vst.idx.msk $0xffff, v44;
	v44 =	vadd.s32 s1, v0  }
0x70: {  	s9 =	sadd.s32 $0x1, s1;
	v29 =	vmovc v33;
	vm0 =	vgt.u32 v44, $0xC7;
	v43 =	vld.idx.msk [tilespmem:v43+s3+$0x0], $0xffff;
	[tilespmem:v55+s12+$0x0] =	vst.idx.msk $0xffff, v49;
	v60 =	vadd.s32 s1, v2;
	s1 =	sadd.s32 $0x3, s1;
	v55 =	vadd.s32 s15, v2  }
0x71: {  	v31 =	vmovc v35;
	[tilespmem:v30+s12+$0x0] =	vst.idx.msk $0xffff, v38;
	v35 =	vadd.s32 s1, v2;
	v38 =	vsel vm0, v60, v44;
	v44 =	vadd.s32 s9, v2;
	v2 =	vld [tilespmem:$0x1FF20]  }
0x72: {  	v28 =	vmov v34;
	v51 =	vld.idx.msk [tilespmem:v51+s3+$0x0], $0xffff;
	[tilespmem:v62+s12+$0x0] =	vst.idx.msk $0xffff, v42;
	v42 =	vor.u32 v8, v27;
	v62 =	vadd.s32 s9, v0  }
0x73: {  	v34 =	vadd.s32 s15, v0;
	[tilespmem:v40+s12+$0x0] =	vst.idx.msk $0xffff, v58;
	v52 =	vld.idx.msk [tilespmem:v61+s3+$0x0], $0xffff;
	v61 =	vor.u32 v8, v46;
	vm1 =	vgt.u32 v62, $0xC7  }
0x74: {  	v30 =	vmov v36;
	v36 =	vld.idx.msk [tilespmem:v39+s3+$0x0], $0xffff;
	[tilespmem:v41+s12+$0x0] =	vst.idx.msk $0xffff, v54;
	v33 =	vsel vm1, v44, v62;
	v62 =	vadd.s32 s1, v0  }
0x75: {  	v57 =	vadd.s32 v13, v47;
	vm2 =	vgt.u32 v34, $0xC7;
	[tilespmem:v63+s12+$0x0] =	vst.idx.msk $0xffff, v50;
	vm15 =	vgt.u32 v62, $0xC7  }
0x76: {  	v44 =	vsel vm2, v55, v34;
	v34 =	vsel vm15, v35, v62;
	v60 =	vadd.s32 v2, v38  }
0x77: {  	[tilespmem:v42+s12+$0x0] =	vst.idx.msk $0xffff, v43;
	v63 =	vadd.s32 v2, v34  }
0x78: {  	v54 =	vld.idx.msk [tilespmem:v59+s3+$0x0], $0xffff;
	[tilespmem:v61+s12+$0x0] =	vst.idx.msk $0xffff, v51;
	v51 =	vor.u32 v10, v27;
	v41 =	vadd.s32 v2, v44  }
0x79: {  	v55 =	vor.u32 v10, v46;
	[tilespmem:v48+s12+$0x0] =	vst.idx.msk $0xffff, v36;
	v1 =	vld.idx.msk [tilespmem:v1+s3+$0x0], $0xffff  }
0x7a: {  	v5 =	vor.u32 v12, v27;
	v49 =	vadd.s32 v14, v45;
	v58 =	vadd.s32 v14, v29;
	v57 =	vld.idx.msk [tilespmem:v57+s3+$0x0], $0xffff  }
0x7b: {  	v3 =	vmov v37;
	v42 =	vshll.u32 v38, $0x7;
	[tilespmem:v56+s12+$0x0] =	vst.idx.msk $0xffff, v52;
	v52 =	vor.u32 v10, v26;
	v48 =	vld.idx.msk [tilespmem:v60+s3+$0x0], $0xffff  }
0x7c: {  	[tilespmem:$0x1FEF0] =	vst v3;
	v43 =	vshll.u32 v44, $0x7;
	v56 =	vor.u32 v0, v42;
	v50 =	vadd.s32 v2, v33;
	v59 =	vld.idx.msk [tilespmem:v63+s3+$0x0], $0xffff  }
0x7d: {  	v60 =	vadd.s32 v14, v47;
	v63 =	vld.idx.msk [tilespmem:v41+s3+$0x0], $0xffff;
	[tilespmem:v51+s12+$0x0] =	vst.idx.msk $0xffff, v54;
	v54 =	vor.u32 v0, v43  }
0x7e: {  	v9 =	vadd.s32 v32, v45;
	v53 =	vld.idx.msk [tilespmem:v53+s3+$0x0], $0xffff;
	v2 =	vadd.s32 v18, v44;
	[tilespmem:v55+s12+$0x0] =	vst.idx.msk $0xffff, v1  }
0x7f: {  	v37 =	vadd.s32 v7, v44;
	v62 =	vadd.s32 v18, v38;
	v7 =	vld.idx.msk [tilespmem:v58+s3+$0x0], $0xffff;
	v51 =	vor.u32 v10, v31  }
0x80: {  	v39 =	vshll.u32 v33, $0x7;
	v61 =	vadd.s32 v14, v28;
	[tilespmem:v52+s12+$0x0] =	vst.idx.msk $0xffff, v57;
	v49 =	vld.idx.msk [tilespmem:v49+s3+$0x0], $0xffff  }
0x81: {  	v35 =	vshll.u32 v34, $0x7;
	v1 =	vor.u32 v0, v39;
	v50 =	vld.idx.msk [tilespmem:v50+s3+$0x0], $0xffff;
	[tilespmem:v56+s12+$0x0] =	vst.idx.msk $0xffff, v48  }
0x82: {  	v3 =	vor.u32 v0, v35;
	v52 =	vld.idx.msk [tilespmem:v60+s3+$0x0], $0xffff;
	v56 =	vadd.s32 v18, v33;
	[tilespmem:v54+s12+$0x0] =	vst.idx.msk $0xffff, v63  }
0x83: {  	v55 =	vld.idx.msk [tilespmem:v2+s3+$0x0], $0xffff;
	v2 =	vor.u32 v12, v46  }
0x84: {  	v11 =	vor.u32 v12, v26;
	v58 =	vadd.s32 v18, v34;
	[tilespmem:v51+s12+$0x0] =	vst.idx.msk $0xffff, v53;
	v60 =	vld.idx.msk [tilespmem:v62+s3+$0x0], $0xffff  }
0x85: {  	v51 =	vor.u32 v4, v42;
	v53 =	vadd.s32 v32, v47;
	v63 =	vld.idx.msk [tilespmem:v61+s3+$0x0], $0xffff;
	[tilespmem:v5+s12+$0x0] =	vst.idx.msk $0xffff, v49  }
0x86: {  	v54 =	vadd.s32 v16, v38;
	[tilespmem:v1+s12+$0x0] =	vst.idx.msk $0xffff, v50;
	v48 =	vld.idx.msk [tilespmem:v9+s3+$0x0], $0xffff  }
0x87: {  	[tilespmem:v3+s12+$0x0] =	vst.idx.msk $0xffff, v59;
	v3 =	vadd.s32 v32, v29;
	v56 =	vld.idx.msk [tilespmem:v56+s3+$0x0], $0xffff  }
0x88: {  	p0 =	slt.u32 s0, $0xC4;
	v40 =	vor.u32 v17, v46;
	v5 =	vor.u32 v12, v31;
	[tilespmem:v2+s12+$0x0] =	vst.idx.msk $0xffff, v7;
	v7 =	vld [tilespmem:$0x1FFA0]  }
.Ltmp2:
0x89: {  	v36 =	vor.u32 v15, v39;
	v41 =	vor.u32 v17, v31;
	v57 =	vld.idx.msk [tilespmem:v58+s3+$0x0], $0xffff;
	[tilespmem:v11+s12+$0x0] =	vst.idx.msk $0xffff, v52;
	(pc) =	sbr.rel @p0 .LBB2_2-.Ltmp2, $4  }
0x8a: {  	v47 =	vor.u32 v4, v43;
	v46 =	vadd.s32 v32, v28;
	[tilespmem:v51+s12+$0x0] =	vst.idx.msk $0xffff, v60;
	v51 =	vld.idx.msk [tilespmem:v53+s3+$0x0], $0xffff  }
0x8b: {  	v61 =	vadd.s32 v16, v44;
	v62 =	vor.u32 v4, v35;
	v59 =	vadd.s32 v16, v34;
	v54 =	vld.idx.msk [tilespmem:v54+s3+$0x0], $0xffff  }
0x8c: {  	v58 =	vor.u32 v4, v39;
	v52 =	vor.u32 v15, v27;
	v60 =	vadd.s32 v16, v33;
	v50 =	vld.idx.msk [tilespmem:v3+s3+$0x0], $0xffff  }
0x8d: {  	s0 =	sadd.s32 $0x4, s0;
	v53 =	vor.u32 v15, v26;
	[tilespmem:v5+s12+$0x0] =	vst.idx.msk $0xffff, v63;
	v3 =	vld [tilespmem:$0x1FF50];
	v49 =	vadd.s32 v7, v45  }
0x8e: {  	_ =	sdelay $0x3  }
0x8f: {  	[tilespmem:v47+s12+$0x0] =	vst.idx.msk $0xffff, v55  }
0x90: {  	v1 =	vor.u32 v6, v42;
	[tilespmem:v62+s12+$0x0] =	vst.idx.msk $0xffff, v57;
	v5 =	vor.u32 v6, v43  }
0x91: {  	[tilespmem:v58+s12+$0x0] =	vst.idx.msk $0xffff, v56;
	v2 =	vld.idx.msk [tilespmem:v61+s3+$0x0], $0xffff;
	v16 =	vmov v3;
	v3 =	vadd.s32 v3, v38  }
0x92: {  	v57 =	vmov v7;
	v9 =	vor.u32 v6, v35;
	v7 =	vld.idx.msk [tilespmem:v59+s3+$0x0], $0xffff;
	v11 =	vadd.s32 v16, v44  }
0x93: {  	v45 =	vld.idx.msk [tilespmem:v60+s3+$0x0], $0xffff;
	v61 =	vor.u32 v6, v39;
	v62 =	vadd.s32 v16, v34  }
0x94: {  	v63 =	vadd.s32 v16, v33  }
0x95: {  	[tilespmem:v1+s12+$0x0] =	vst.idx.msk $0xffff, v54  }
0x96: {  	[tilespmem:v5+s12+$0x0] =	vst.idx.msk $0xffff, v2;
	v1 =	vld.idx.msk [tilespmem:v3+s3+$0x0], $0xffff;
	v3 =	vor.u32 v8, v42  }
0x97: {  	v2 =	vadd.s32 v13, v38;
	[tilespmem:v9+s12+$0x0] =	vst.idx.msk $0xffff, v7;
	v5 =	vor.u32 v8, v43;
	v7 =	vld.idx.msk [tilespmem:v11+s3+$0x0], $0xffff  }
0x98: {  	v9 =	vadd.s32 v13, v44;
	[tilespmem:v61+s12+$0x0] =	vst.idx.msk $0xffff, v45;
	v11 =	vor.u32 v8, v35;
	v45 =	vld.idx.msk [tilespmem:v62+s3+$0x0], $0xffff  }
0x99: {  	[tilespmem:v52+s12+$0x0] =	vst.idx.msk $0xffff, v48;
	v60 =	vadd.s32 v13, v34;
	v61 =	vld.idx.msk [tilespmem:v63+s3+$0x0], $0xffff;
	v62 =	vor.u32 v8, v39  }
0x9a: {  	[tilespmem:v53+s12+$0x0] =	vst.idx.msk $0xffff, v51;
	v63 =	vadd.s32 v13, v33  }
0x9b: {  	v46 =	vld.idx.msk [tilespmem:v46+s3+$0x0], $0xffff;
	v31 =	vor.u32 v15, v31;
	[tilespmem:v3+s12+$0x0] =	vst.idx.msk $0xffff, v1  }
0x9c: {  	v1 =	vld.idx.msk [tilespmem:v2+s3+$0x0], $0xffff;
	[tilespmem:v5+s12+$0x0] =	vst.idx.msk $0xffff, v7;
	v2 =	vor.u32 v10, v42  }
0x9d: {  	[tilespmem:v11+s12+$0x0] =	vst.idx.msk $0xffff, v45;
	v7 =	vor.u32 v10, v43;
	v5 =	vld.idx.msk [tilespmem:v9+s3+$0x0], $0xffff  }
0x9e: {  	[tilespmem:v62+s12+$0x0] =	vst.idx.msk $0xffff, v61;
	v9 =	vld.idx.msk [tilespmem:v60+s3+$0x0], $0xffff;
	v60 =	vor.u32 v10, v35  }
0x9f: {  	[tilespmem:v30+s12+$0x0] =	vst.idx.msk $0xffff, v50;
	v62 =	vor.u32 v10, v39;
	v61 =	vld.idx.msk [tilespmem:v63+s3+$0x0], $0xffff  }
0xa0: {  	[tilespmem:v31+s12+$0x0] =	vst.idx.msk $0xffff, v46  }
0xa1: {  	[tilespmem:v2+s12+$0x0] =	vst.idx.msk $0xffff, v1  }
0xa2: {  	[tilespmem:v7+s12+$0x0] =	vst.idx.msk $0xffff, v5  }
0xa3: {  	v3 =	vadd.s32 v14, v38;
	[tilespmem:v60+s12+$0x0] =	vst.idx.msk $0xffff, v9  }
0xa4: {  	v11 =	vadd.s32 v14, v44;
	[tilespmem:v62+s12+$0x0] =	vst.idx.msk $0xffff, v61  }
0xa5: {  	v54 =	vadd.s32 v14, v33;
	v63 =	vadd.s32 v14, v34;
	v14 =	vld [tilespmem:$0x1FEF0];
	_ =	sdelay $0x2  }
0xa6: {  	v2 =	vor.u32 v12, v42;
	v1 =	vld.idx.msk [tilespmem:v3+s3+$0x0], $0xffff  }
0xa7: {  	v3 =	vadd.s32 v32, v38;
	v7 =	vor.u32 v12, v43;
	v5 =	vld.idx.msk [tilespmem:v11+s3+$0x0], $0xffff  }
0xa8: {  	v55 =	vor.u32 v12, v35;
	v9 =	vadd.s32 v32, v44;
	v11 =	vld.idx.msk [tilespmem:v63+s3+$0x0], $0xffff  }
0xa9: {  	v56 =	vor.u32 v12, v39;
	v58 =	vadd.s32 v32, v34;
	v13 =	vld.idx.msk [tilespmem:v54+s3+$0x0], $0xffff  }
0xaa: {  	v27 =	vor.u32 v17, v27;
	v59 =	vld.idx.msk [tilespmem:v49+s3+$0x0], $0xffff;
	v60 =	vadd.s32 v32, v33  }
0xab: {  	v26 =	vor.u32 v17, v26;
	v28 =	vadd.s32 v57, v28;
	[tilespmem:v2+s12+$0x0] =	vst.idx.msk $0xffff, v1;
	v61 =	vld.idx.msk [tilespmem:v14+s3+$0x0], $0xffff  }
0xac: {  	v1 =	vadd.s32 v57, v29;
	v2 =	vld.idx.msk [tilespmem:v3+s3+$0x0], $0xffff;
	[tilespmem:v7+s12+$0x0] =	vst.idx.msk $0xffff, v5;
	v3 =	vor.u32 v15, v42  }
0xad: {  	v7 =	vadd.s32 v57, v38;
	[tilespmem:v55+s12+$0x0] =	vst.idx.msk $0xffff, v11;
	v5 =	vld.idx.msk [tilespmem:v9+s3+$0x0], $0xffff;
	v9 =	vor.u32 v15, v43  }
0xae: {  	v62 =	vor.u32 v15, v35;
	[tilespmem:v56+s12+$0x0] =	vst.idx.msk $0xffff, v13;
	v11 =	vld.idx.msk [tilespmem:v58+s3+$0x0], $0xffff  }
0xaf: {  	[tilespmem:v27+s12+$0x0] =	vst.idx.msk $0xffff, v59;
	v63 =	vadd.s32 v57, v34;
	v27 =	vld.idx.msk [tilespmem:v60+s3+$0x0], $0xffff  }
0xb0: {  	v28 =	vld.idx.msk [tilespmem:v28+s3+$0x0], $0xffff;
	[tilespmem:v26+s12+$0x0] =	vst.idx.msk $0xffff, v61;
	v26 =	vadd.s32 v57, v33  }
0xb1: {  	v1 =	vld.idx.msk [tilespmem:v1+s3+$0x0], $0xffff;
	[tilespmem:v3+s12+$0x0] =	vst.idx.msk $0xffff, v2  }
0xb2: {  	v2 =	vor.u32 v17, v42;
	v3 =	vld.idx.msk [tilespmem:v7+s3+$0x0], $0xffff;
	[tilespmem:v9+s12+$0x0] =	vst.idx.msk $0xffff, v5  }
0xb3: {  	v5 =	vor.u32 v17, v43;
	[tilespmem:v62+s12+$0x0] =	vst.idx.msk $0xffff, v11;
	v7 =	vld.idx.msk [tilespmem:v37+s3+$0x0], $0xffff  }
0xb4: {  	v9 =	vor.u32 v17, v35;
	[tilespmem:v36+s12+$0x0] =	vst.idx.msk $0xffff, v27;
	v11 =	vld.idx.msk [tilespmem:v63+s3+$0x0], $0xffff  }
0xb5: {  	[tilespmem:v41+s12+$0x0] =	vst.idx.msk $0xffff, v28;
	v27 =	vor.u32 v17, v39;
	v26 =	vld.idx.msk [tilespmem:v26+s3+$0x0], $0xffff  }
0xb6: {  	[tilespmem:v40+s12+$0x0] =	vst.idx.msk $0xffff, v1  }
0xb7: {  	[tilespmem:v2+s12+$0x0] =	vst.idx.msk $0xffff, v3  }
0xb8: {  	[tilespmem:v5+s12+$0x0] =	vst.idx.msk $0xffff, v7  }
0xb9: {  	[tilespmem:v9+s12+$0x0] =	vst.idx.msk $0xffff, v11  }
0xba: {  	[tilespmem:v27+s12+$0x0] =	vst.idx.msk $0xffff, v26  }
0xbb: {  	[tilespmem:s14], [sflag:$0x1] =	stream.indirect.gather [hbm4b:s4+s13], $0x40, s12, s13, $0xb8;
	[tilespmem:$0x18800] =	vst v63  }
0xbc: {  	s0 =	simm.s32 $0x6480  }
0xbd: {  	[tilespmem:s16], [sflag:$0x2] =	stream.indirect.gather [hbm4b:s4+s13], $0x40, s0, s13, $0xb8;
	[tilespmem:$0x18800] =	vst v63  }
0xbe: {  	s17 =	simm.s32 $0x6500;
	s1 =	simm.s32 $0x0;
	v13 =	vld [tilespmem:$0x1FF80];
	s0 =	simm.s32 $0x0  }
0xbf: {  	v18 =	vmov v32;
	v16 =	vld [tilespmem:$0x1FFB0];
	[tilespmem:s18], [sflag:$0x3] =	stream.indirect.gather [hbm4b:s4+s13], $0x40, s17, s13, $0xb8  }
.LBB2_4:
0xc0: {  	_ = 	snop  }
0xc1: {  	s9 =	simm.s32 $0x1  }
0xc2: {  	v1 =	vadd.s32 s1, v0;
	s15 =	simm.s32 $0x2;
	v3 =	vadd.s32 s9, v0  }
0xc3: {  	s17 =	simm.s32 $0x3;
	vm0 =	vgt.u32 v1, $0x3F;
	v5 =	vadd.s32 s15, v0;
	vm1 =	vgt.u32 v3, $0x3F  }
0xc4: {  	vm2 =	vgt.u32 v5, $0x3F;
	v2 =	vadd.s32 s1, v16;
	v7 =	vadd.s32 s17, v16  }
0xc5: {  	_ =	swait.ge [sflag:s19], $0x2000;
	v45 =	vsel vm0, v2, v1;
	v1 =	vadd.s32 s15, v16;
	v2 =	vadd.s32 s17, v0  }
0xc6: {  	p0 =	seq.s32 s0, $0x0;
	[sflag:s19] =	ssyncset.done $0x0;
	v9 =	vadd.s32 v13, v45;
	v46 =	vsel vm2, v1, v5;
	vm11 =	vgt.u32 v2, $0x3F  }
0xc7: {  	[sflag:s19] =	ssyncadd.s32 $0xFFFFE000;
	s15 =	simm.s32 @!p0 $0x4;
	v1 =	vadd.s32 s9, v16;
	v5 =	vadd.s32 v13, v46;
	v28 =	vsel vm11, v7, v2  }
0xc8: {  	_ =	swait.ge @!p0 [sflag:s15], $0x2000;
	v29 =	vsel vm1, v1, v3;
	v1 =	vadd.s32 v13, v28  }
0xc9: {  	[sflag:s15] =	ssyncset.done @!p0 $0x0;
	v2 =	vadd.s32 v13, v29  }
0xca: {  	v27 =	vshll.u32 v45, $0x7;
	[sflag:s15] =	ssyncadd.s32 @!p0 $0xFFFFE000  }
0xcb: {  	v26 =	vshll.u32 v46, $0x7;
	v7 =	vor.u32 v0, v27;
	v3 =	vld.idx.msk [tilespmem:v9+s14+$0x0], $0xffff  }
0xcc: {  	v31 =	vshll.u32 v28, $0x7;
	v11 =	vor.u32 v0, v26;
	v5 =	vld.idx.msk [tilespmem:v5+s14+$0x0], $0xffff  }
0xcd: {  	v47 =	vshll.u32 v29, $0x7;
	v32 =	vor.u32 v0, v31;
	v9 =	vadd.s32 v19, v45;
	v1 =	vld.idx.msk [tilespmem:v1+s14+$0x0], $0xffff  }
0xce: {  	v30 =	vadd.s32 v19, v46;
	v33 =	vor.u32 v0, v47;
	v2 =	vld.idx.msk [tilespmem:v2+s14+$0x0], $0xffff  }
0xcf: {  	v35 =	vadd.s32 v19, v29  }
0xd0: {  	v34 =	vadd.s32 v19, v28;
	[tilespmem:v7+s20+$0x0] =	vst.idx.msk $0xffff, v3  }
0xd1: {  	[tilespmem:v11+s20+$0x0] =	vst.idx.msk $0xffff, v5  }
0xd2: {  	v7 =	vor.u32 v4, v27;
	v3 =	vld.idx.msk [tilespmem:v9+s14+$0x0], $0xffff;
	[tilespmem:v32+s20+$0x0] =	vst.idx.msk $0xffff, v1  }
0xd3: {  	v5 =	vadd.s32 v20, v45;
	v9 =	vld.idx.msk [tilespmem:v30+s14+$0x0], $0xffff;
	v1 =	vor.u32 v4, v26;
	[tilespmem:v33+s20+$0x0] =	vst.idx.msk $0xffff, v2  }
0xd4: {  	v51 =	vor.u32 v4, v47;
	v33 =	vld.idx.msk [tilespmem:v35+s14+$0x0], $0xffff  }
0xd5: {  	s5 =	simm.s32 $0x5;
	s10 =	simm.s32 $0x6;
	v52 =	vadd.s32 v20, v29;
	v11 =	vor.u32 v4, v31;
	v2 =	vld.idx.msk [tilespmem:v34+s14+$0x0], $0xffff  }
0xd6: {  	v56 =	vadd.s32 s5, v0;
	v44 =	vadd.s32 s10, v0  }
0xd7: {  	vm14 =	vgt.u32 v44, $0x3F;
	v58 =	vadd.s32 s10, v16;
	[tilespmem:v7+s20+$0x0] =	vst.idx.msk $0xffff, v3;
	v3 =	vadd.s32 v20, v46  }
0xd8: {  	s17 =	simm.s32 $0x4;
	v7 =	vadd.s32 v20, v28;
	v5 =	vld.idx.msk [tilespmem:v5+s14+$0x0], $0xffff;
	[tilespmem:v1+s20+$0x0] =	vst.idx.msk $0xffff, v9;
	v1 =	vor.u32 v6, v27  }
0xd9: {  	v44 =	vsel vm14, v58, v44;
	v41 =	vadd.s32 v22, v45;
	v38 =	vadd.s32 s17, v0;
	[tilespmem:v51+s20+$0x0] =	vst.idx.msk $0xffff, v33  }
0xda: {  	v53 =	vor.u32 v6, v47;
	[tilespmem:v11+s20+$0x0] =	vst.idx.msk $0xffff, v2;
	v2 =	vadd.s32 v21, v45;
	v9 =	vld.idx.msk [tilespmem:v52+s14+$0x0], $0xffff  }
0xdb: {  	v60 =	vadd.s32 v24, v45;
	v37 =	vadd.s32 v22, v46;
	v55 =	vadd.s32 v21, v29  }
0xdc: {  	v39 =	vor.u32 v8, v27;
	vm12 =	vgt.u32 v38, $0x3F;
	v36 =	vor.u32 v6, v26;
	v3 =	vld.idx.msk [tilespmem:v3+s14+$0x0], $0xffff  }
0xdd: {  	v11 =	vor.u32 v6, v31;
	[tilespmem:v1+s20+$0x0] =	vst.idx.msk $0xffff, v5;
	v5 =	vld.idx.msk [tilespmem:v7+s14+$0x0], $0xffff;
	v7 =	vadd.s32 v21, v46  }
0xde: {  	v59 =	vor.u32 v10, v27;
	v58 =	vor.u32 v12, v27;
	v54 =	vadd.s32 v21, v28  }
0xdf: {  	v40 =	vadd.s32 v22, v28;
	v43 =	vor.u32 v8, v26;
	v2 =	vld.idx.msk [tilespmem:v2+s14+$0x0], $0xffff;
	[tilespmem:v53+s20+$0x0] =	vst.idx.msk $0xffff, v9  }
0xe0: {  	v50 =	vadd.s32 v23, v29;
	v42 =	vor.u32 v8, v47;
	v9 =	vadd.s32 s17, v16;
	v35 =	vld.idx.msk [tilespmem:v55+s14+$0x0], $0xffff  }
0xe1: {  	vm13 =	vgt.u32 v56, $0x3F;
	v1 =	vadd.s32 v22, v29;
	v38 =	vsel vm12, v9, v38;
	[tilespmem:v36+s20+$0x0] =	vst.idx.msk $0xffff, v3  }
0xe2: {  	s11 =	simm.s32 $0x7;
	v63 =	vor.u32 v12, v26;
	v9 =	vadd.s32 v13, v38;
	[tilespmem:v11+s20+$0x0] =	vst.idx.msk $0xffff, v5;
	v5 =	vld.idx.msk [tilespmem:v7+s14+$0x0], $0xffff  }
0xe3: {  	v48 =	vor.u32 v8, v31;
	v7 =	vadd.s32 s5, v16;
	v11 =	vadd.s32 s11, v0;
	v57 =	vld.idx.msk [tilespmem:v54+s14+$0x0], $0xffff  }
0xe4: {  	v3 =	vadd.s32 s11, v16;
	v33 =	vsel vm13, v7, v56;
	[tilespmem:v39+s20+$0x0] =	vst.idx.msk $0xffff, v2;
	vm15 =	vgt.u32 v11, $0x3F  }
0xe5: {  	v34 =	vsel vm15, v3, v11;
	v7 =	vld.idx.msk [tilespmem:v41+s14+$0x0], $0xffff;
	v11 =	vadd.s32 v13, v44;
	[tilespmem:v42+s20+$0x0] =	vst.idx.msk $0xffff, v35  }
0xe6: {  	v49 =	vor.u32 v10, v47;
	v32 =	vor.u32 v15, v47;
	v3 =	vadd.s32 v13, v34;
	v1 =	vld.idx.msk [tilespmem:v1+s14+$0x0], $0xffff  }
0xe7: {  	v2 =	vadd.s32 v13, v33;
	v42 =	vshll.u32 v38, $0x7;
	[tilespmem:v43+s20+$0x0] =	vst.idx.msk $0xffff, v5;
	v5 =	vld.idx.msk [tilespmem:v9+s14+$0x0], $0xffff  }
0xe8: {  	v9 =	vadd.s32 v23, v45;
	v51 =	vld.idx.msk [tilespmem:v37+s14+$0x0], $0xffff;
	[tilespmem:v48+s20+$0x0] =	vst.idx.msk $0xffff, v57;
	v48 =	vor.u32 v10, v26  }
0xe9: {  	v30 =	vadd.s32 v25, v46;
	v53 =	vadd.s32 v23, v46;
	v52 =	vld.idx.msk [tilespmem:v40+s14+$0x0], $0xffff;
	v40 =	vor.u32 v0, v42  }
0xea: {  	v43 =	vshll.u32 v44, $0x7;
	v11 =	vld.idx.msk [tilespmem:v11+s14+$0x0], $0xffff;
	[tilespmem:v59+s20+$0x0] =	vst.idx.msk $0xffff, v7;
	v7 =	vor.u32 v10, v31  }
0xeb: {  	v55 =	vadd.s32 v19, v38;
	v35 =	vshll.u32 v34, $0x7;
	v56 =	vor.u32 v0, v43;
	v61 =	vld.idx.msk [tilespmem:v3+s14+$0x0], $0xffff  }
0xec: {  	v54 =	vadd.s32 v23, v28;
	v3 =	vld.idx.msk [tilespmem:v2+s14+$0x0], $0xffff;
	[tilespmem:v49+s20+$0x0] =	vst.idx.msk $0xffff, v1;
	v49 =	vor.u32 v0, v35  }
0xed: {  	v39 =	vshll.u32 v33, $0x7;
	v57 =	vadd.s32 v19, v44;
	v9 =	vld.idx.msk [tilespmem:v9+s14+$0x0], $0xffff;
	[tilespmem:v48+s20+$0x0] =	vst.idx.msk $0xffff, v51  }
0xee: {  	v41 =	vor.u32 v17, v31;
	v59 =	vadd.s32 v19, v34;
	v50 =	vld.idx.msk [tilespmem:v50+s14+$0x0], $0xffff;
	[tilespmem:v40+s20+$0x0] =	vst.idx.msk $0xffff, v5  }
0xef: {  	v36 =	vor.u32 v15, v39;
	v62 =	vor.u32 v0, v39;
	v5 =	vld.idx.msk [tilespmem:v53+s14+$0x0], $0xffff;
	[tilespmem:v7+s20+$0x0] =	vst.idx.msk $0xffff, v52  }
0xf0: {  	v37 =	vadd.s32 v25, v44;
	v53 =	vadd.s32 v19, v33;
	[tilespmem:v56+s20+$0x0] =	vst.idx.msk $0xffff, v11;
	v51 =	vld.idx.msk [tilespmem:v55+s14+$0x0], $0xffff  }
0xf1: {  	v7 =	vor.u32 v4, v42;
	v11 =	vadd.s32 v24, v46;
	v14 =	vld.idx.msk [tilespmem:v54+s14+$0x0], $0xffff;
	[tilespmem:v49+s20+$0x0] =	vst.idx.msk $0xffff, v61  }
0xf2: {  	v52 =	vadd.s32 v20, v38;
	v55 =	vld.idx.msk [tilespmem:v57+s14+$0x0], $0xffff;
	[tilespmem:v58+s20+$0x0] =	vst.idx.msk $0xffff, v9;
	v9 =	vor.u32 v12, v47  }
0xf3: {  	v2 =	vor.u32 v12, v31;
	v1 =	vadd.s32 v24, v29;
	v40 =	vor.u32 v17, v47;
	v57 =	vld.idx.msk [tilespmem:v59+s14+$0x0], $0xffff  }
0xf4: {  	v46 =	vadd.s32 v24, v28;
	[tilespmem:v62+s20+$0x0] =	vst.idx.msk $0xffff, v3;
	v47 =	vor.u32 v4, v43;
	v48 =	vld.idx.msk [tilespmem:v60+s14+$0x0], $0xffff  }
0xf5: {  	v62 =	vor.u32 v4, v35;
	v61 =	vadd.s32 v20, v44;
	v56 =	vld.idx.msk [tilespmem:v53+s14+$0x0], $0xffff;
	[tilespmem:v63+s20+$0x0] =	vst.idx.msk $0xffff, v5  }
0xf6: {  	v49 =	vadd.s32 v25, v45;
	v58 =	vor.u32 v4, v39;
	[tilespmem:v7+s20+$0x0] =	vst.idx.msk $0xffff, v51;
	v51 =	vld.idx.msk [tilespmem:v11+s14+$0x0], $0xffff  }
0xf7: {  	v59 =	vadd.s32 v20, v34;
	v60 =	vadd.s32 v20, v33;
	v54 =	vld.idx.msk [tilespmem:v52+s14+$0x0], $0xffff;
	[tilespmem:v9+s20+$0x0] =	vst.idx.msk $0xffff, v50  }
0xf8: {  	s15 =	simm.s32 $0x8;
	v53 =	vor.u32 v15, v26;
	[tilespmem:v2+s20+$0x0] =	vst.idx.msk $0xffff, v14;
	v52 =	vor.u32 v15, v27;
	v50 =	vld.idx.msk [tilespmem:v1+s14+$0x0], $0xffff  }
.LBB2_5:
0xf9: {  	[tilespmem:v47+s20+$0x0] =	vst.idx.msk $0xffff, v55;
	v1 =	vor.u32 v17, v27;
	v2 =	vor.u32 v17, v26  }
0xfa: {  	p1 =	slt.u32 s15, $0x3C;
	v3 =	vld.idx.msk [tilespmem:v46+s14+$0x0], $0xffff;
	v45 =	vmovc v38;
	v47 =	vmovc v44;
	v46 =	vmov v39;
	v27 =	vmov v42;
	v26 =	vmov v43;
	s9 =	smov.u32 s15;
	s15 =	sadd.s32 $0x4, s15  }
0xfb: {  	v7 =	vadd.s32 v25, v29;
	v9 =	vor.u32 v15, v31;
	v5 =	vld.idx.msk [tilespmem:v61+s14+$0x0], $0xffff;
	[tilespmem:v62+s20+$0x0] =	vst.idx.msk $0xffff, v57  }
0xfc: {  	v28 =	vadd.s32 v25, v28;
	v11 =	vor.u32 v6, v27;
	[tilespmem:v58+s20+$0x0] =	vst.idx.msk $0xffff, v56;
	v29 =	vld.idx.msk [tilespmem:v59+s14+$0x0], $0xffff  }
0xfd: {  	v39 =	vor.u32 v6, v35;
	v31 =	vadd.s32 v21, v45;
	v38 =	vld.idx.msk [tilespmem:v60+s14+$0x0], $0xffff;
	[tilespmem:v52+s20+$0x0] =	vst.idx.msk $0xffff, v48  }
0xfe: {  	v43 =	vadd.s32 v21, v34;
	v42 =	vor.u32 v6, v46;
	v44 =	vld.idx.msk [tilespmem:v49+s14+$0x0], $0xffff;
	[tilespmem:v53+s20+$0x0] =	vst.idx.msk $0xffff, v51  }
0xff: {  	v48 =	vadd.s32 v21, v33;
	v49 =	vadd.s32 v22, v34;
	[tilespmem:v32+s20+$0x0] =	vst.idx.msk $0xffff, v50;
	v50 =	vld.idx.msk [tilespmem:v30+s14+$0x0], $0xffff  }
0x100: {  	v51 =	vadd.s32 v22, v47;
	v30 =	vor.u32 v6, v26;
	v7 =	vld.idx.msk [tilespmem:v7+s14+$0x0], $0xffff;
	[tilespmem:v9+s20+$0x0] =	vst.idx.msk $0xffff, v3  }
0x101: {  	v3 =	vadd.s32 v22, v33;
	v9 =	vadd.s32 v21, v47;
	[tilespmem:v11+s20+$0x0] =	vst.idx.msk $0xffff, v54;
	v11 =	vld.idx.msk [tilespmem:v28+s14+$0x0], $0xffff  }
0x102: {  	v53 =	vadd.s32 v22, v45;
	v54 =	vor.u32 v8, v35;
	v52 =	vld.idx.msk [tilespmem:v31+s14+$0x0], $0xffff;
	[tilespmem:v39+s20+$0x0] =	vst.idx.msk $0xffff, v29  }
0x103: {  	v55 =	vor.u32 v8, v26;
	v39 =	vor.u32 v8, v27;
	[tilespmem:v42+s20+$0x0] =	vst.idx.msk $0xffff, v38;
	v56 =	vld.idx.msk [tilespmem:v43+s14+$0x0], $0xffff  }
0x104: {  	s17 =	sadd.s32 $0x1, s9;
	s5 =	sadd.s32 $0x2, s9;
	v57 =	vor.u32 v8, v46;
	v28 =	vmovc v34;
	v29 =	vmovc v33;
	v38 =	vadd.s32 s9, v0;
	v42 =	vadd.s32 s9, v16;
	s9 =	sadd.s32 $0x3, s9;
	v48 =	vld.idx.msk [tilespmem:v48+s14+$0x0], $0xffff  }
0x105: {  	v32 =	vmovc v36;
	v34 =	vadd.s32 s5, v0;
	v33 =	vadd.s32 s17, v0;
	v31 =	vmovc v35;
	vm0 =	vgt.u32 v38, $0x3F;
	[tilespmem:v30+s20+$0x0] =	vst.idx.msk $0xffff, v5  }
0x106: {  	vm2 =	vgt.u32 v34, $0x3F;
	vm1 =	vgt.u32 v33, $0x3F;
	v5 =	vadd.s32 s9, v16;
	v30 =	vmovc v37;
	v9 =	vld.idx.msk [tilespmem:v9+s14+$0x0], $0xffff;
	[tilespmem:v1+s20+$0x0] =	vst.idx.msk $0xffff, v44  }
0x107: {  	v35 =	vadd.s32 s5, v16;
	v38 =	vsel vm0, v42, v38;
	v1 =	vadd.s32 s17, v16;
	[tilespmem:v2+s20+$0x0] =	vst.idx.msk $0xffff, v50  }
0x108: {  	v2 =	vadd.s32 v13, v38;
	v33 =	vsel vm1, v1, v33;
	v1 =	vadd.s32 s9, v0;
	[tilespmem:v39+s20+$0x0] =	vst.idx.msk $0xffff, v52  }
0x109: {  	v44 =	vsel vm2, v35, v34;
	v50 =	vadd.s32 v13, v33;
	vm0 =	vgt.u32 v1, $0x3F;
	[tilespmem:v41+s20+$0x0] =	vst.idx.msk $0xffff, v11  }
0x10a: {  	v39 =	vshll.u32 v33, $0x7;
	v11 =	vadd.s32 v13, v44;
	v34 =	vsel vm0, v5, v1;
	[tilespmem:v40+s20+$0x0] =	vst.idx.msk $0xffff, v7  }
0x10b: {  	v42 =	vshll.u32 v38, $0x7;
	v43 =	vshll.u32 v44, $0x7;
	v1 =	vadd.s32 v13, v34;
	v5 =	vld.idx.msk [tilespmem:v53+s14+$0x0], $0xffff;
	[tilespmem:v57+s20+$0x0] =	vst.idx.msk $0xffff, v48  }
0x10c: {  	v35 =	vshll.u32 v34, $0x7;
	v7 =	vor.u32 v10, v27;
	v3 =	vld.idx.msk [tilespmem:v3+s14+$0x0], $0xffff;
	[tilespmem:v55+s20+$0x0] =	vst.idx.msk $0xffff, v9  }
0x10d: {  	v36 =	vor.u32 v15, v39;
	v40 =	vor.u32 v10, v46;
	v9 =	vadd.s32 v23, v45;
	v2 =	vld.idx.msk [tilespmem:v2+s14+$0x0], $0xffff  }
0x10e: {  	v37 =	vadd.s32 v25, v44;
	v41 =	vadd.s32 v23, v29;
	v48 =	vld.idx.msk [tilespmem:v51+s14+$0x0], $0xffff;
	[tilespmem:v54+s20+$0x0] =	vst.idx.msk $0xffff, v56  }
0x10f: {  	v51 =	vor.u32 v10, v26;
	v49 =	vld.idx.msk [tilespmem:v49+s14+$0x0], $0xffff  }
0x110: {  	v52 =	vor.u32 v0, v42;
	v53 =	vadd.s32 v23, v47;
	v54 =	vadd.s32 v23, v28;
	v1 =	vld.idx.msk [tilespmem:v1+s14+$0x0], $0xffff  }
0x111: {  	v55 =	vadd.s32 v19, v38;
	v11 =	vld.idx.msk [tilespmem:v11+s14+$0x0], $0xffff;
	[tilespmem:v7+s20+$0x0] =	vst.idx.msk $0xffff, v5;
	v5 =	vor.u32 v10, v31  }
0x112: {  	v56 =	vadd.s32 v19, v44;
	v7 =	vor.u32 v0, v43;
	v9 =	vld.idx.msk [tilespmem:v9+s14+$0x0], $0xffff;
	[tilespmem:v40+s20+$0x0] =	vst.idx.msk $0xffff, v3  }
0x113: {  	v58 =	vor.u32 v12, v27;
	v57 =	vor.u32 v0, v35;
	v3 =	vor.u32 v0, v39;
	v63 =	vld.idx.msk [tilespmem:v41+s14+$0x0], $0xffff  }
0x114: {  	v60 =	vadd.s32 v24, v45;
	v59 =	vadd.s32 v19, v34;
	v50 =	vld.idx.msk [tilespmem:v50+s14+$0x0], $0xffff;
	[tilespmem:v51+s20+$0x0] =	vst.idx.msk $0xffff, v48  }
0x115: {  	v40 =	vor.u32 v17, v46;
	v41 =	vor.u32 v17, v31;
	[tilespmem:v52+s20+$0x0] =	vst.idx.msk $0xffff, v2;
	v2 =	vld.idx.msk [tilespmem:v53+s14+$0x0], $0xffff  }
0x116: {  	v52 =	vadd.s32 v19, v33;
	v53 =	vor.u32 v12, v26;
	v51 =	vld.idx.msk [tilespmem:v55+s14+$0x0], $0xffff;
	[tilespmem:v5+s20+$0x0] =	vst.idx.msk $0xffff, v49  }
0x117: {  	v5 =	vor.u32 v4, v42;
	[tilespmem:v7+s20+$0x0] =	vst.idx.msk $0xffff, v11;
	v7 =	vadd.s32 v24, v47;
	v11 =	vld.idx.msk [tilespmem:v54+s14+$0x0], $0xffff  }
0x118: {  	v49 =	vadd.s32 v20, v38;
	v55 =	vld.idx.msk [tilespmem:v56+s14+$0x0], $0xffff;
	[tilespmem:v58+s20+$0x0] =	vst.idx.msk $0xffff, v9;
	v9 =	vor.u32 v12, v46  }
0x119: {  	v14 =	vor.u32 v12, v31;
	[tilespmem:v57+s20+$0x0] =	vst.idx.msk $0xffff, v1;
	v48 =	vld.idx.msk [tilespmem:v60+s14+$0x0], $0xffff;
	v1 =	vadd.s32 v24, v29  }
.Ltmp3:
0x11a: {  	v47 =	vor.u32 v4, v43;
	v46 =	vadd.s32 v24, v28;
	[tilespmem:v3+s20+$0x0] =	vst.idx.msk $0xffff, v50;
	v57 =	vld.idx.msk [tilespmem:v59+s14+$0x0], $0xffff;
	(pc) =	sbr.rel @p1 .LBB2_5-.Ltmp3, $4  }
0x11b: {  	v61 =	vadd.s32 v20, v44;
	v62 =	vor.u32 v4, v35;
	v56 =	vld.idx.msk [tilespmem:v52+s14+$0x0], $0xffff;
	[tilespmem:v53+s20+$0x0] =	vst.idx.msk $0xffff, v2  }
0x11c: {  	v58 =	vor.u32 v4, v39;
	v59 =	vadd.s32 v20, v34;
	[tilespmem:v5+s20+$0x0] =	vst.idx.msk $0xffff, v51;
	v51 =	vld.idx.msk [tilespmem:v7+s14+$0x0], $0xffff  }
0x11d: {  	v60 =	vadd.s32 v20, v33;
	v52 =	vor.u32 v15, v27;
	v54 =	vld.idx.msk [tilespmem:v49+s14+$0x0], $0xffff;
	[tilespmem:v9+s20+$0x0] =	vst.idx.msk $0xffff, v63  }
0x11e: {  	v53 =	vor.u32 v15, v26;
	v49 =	vadd.s32 v25, v45;
	v50 =	vld.idx.msk [tilespmem:v1+s14+$0x0], $0xffff;
	[tilespmem:v14+s20+$0x0] =	vst.idx.msk $0xffff, v11  }
0x11f: {  	_ =	sdelay $0x3  }
0x120: {  	[tilespmem:v47+s20+$0x0] =	vst.idx.msk $0xffff, v55;
	v1 =	vor.u32 v6, v42  }
0x121: {  	[tilespmem:v62+s20+$0x0] =	vst.idx.msk $0xffff, v57;
	v3 =	vadd.s32 v21, v38;
	v5 =	vor.u32 v6, v43;
	v2 =	vld.idx.msk [tilespmem:v61+s14+$0x0], $0xffff  }
0x122: {  	v9 =	vor.u32 v6, v35;
	v11 =	vadd.s32 v21, v44;
	[tilespmem:v58+s20+$0x0] =	vst.idx.msk $0xffff, v56;
	v7 =	vld.idx.msk [tilespmem:v59+s14+$0x0], $0xffff  }
0x123: {  	v45 =	vor.u32 v6, v39;
	v61 =	vadd.s32 v21, v34;
	v14 =	vld.idx.msk [tilespmem:v60+s14+$0x0], $0xffff  }
0x124: {  	v62 =	vadd.s32 v21, v33  }
0x125: {  	[tilespmem:v1+s20+$0x0] =	vst.idx.msk $0xffff, v54  }
0x126: {  	v1 =	vld.idx.msk [tilespmem:v3+s14+$0x0], $0xffff;
	v3 =	vor.u32 v8, v42;
	[tilespmem:v5+s20+$0x0] =	vst.idx.msk $0xffff, v2  }
0x127: {  	v2 =	vadd.s32 v22, v38;
	[tilespmem:v9+s20+$0x0] =	vst.idx.msk $0xffff, v7;
	v5 =	vor.u32 v8, v43;
	v7 =	vld.idx.msk [tilespmem:v11+s14+$0x0], $0xffff  }
0x128: {  	v9 =	vadd.s32 v22, v44;
	v11 =	vor.u32 v8, v35;
	[tilespmem:v45+s20+$0x0] =	vst.idx.msk $0xffff, v14;
	v14 =	vld.idx.msk [tilespmem:v61+s14+$0x0], $0xffff  }
0x129: {  	v63 =	vadd.s32 v22, v34;
	v58 =	vor.u32 v8, v39;
	v57 =	vld.idx.msk [tilespmem:v62+s14+$0x0], $0xffff  }
0x12a: {  	v59 =	vadd.s32 v22, v33  }
0x12b: {  	[tilespmem:v3+s20+$0x0] =	vst.idx.msk $0xffff, v1  }
0x12c: {  	v1 =	vld.idx.msk [tilespmem:v2+s14+$0x0], $0xffff;
	v2 =	vor.u32 v10, v42;
	[tilespmem:v5+s20+$0x0] =	vst.idx.msk $0xffff, v7  }
0x12d: {  	v3 =	vadd.s32 v23, v38;
	[tilespmem:v11+s20+$0x0] =	vst.idx.msk $0xffff, v14;
	v7 =	vor.u32 v10, v43;
	v5 =	vld.idx.msk [tilespmem:v9+s14+$0x0], $0xffff  }
0x12e: {  	v11 =	vadd.s32 v23, v44;
	v14 =	vor.u32 v10, v35;
	[tilespmem:v58+s20+$0x0] =	vst.idx.msk $0xffff, v57;
	v9 =	vld.idx.msk [tilespmem:v63+s14+$0x0], $0xffff  }
0x12f: {  	[tilespmem:v52+s20+$0x0] =	vst.idx.msk $0xffff, v48;
	v61 =	vor.u32 v10, v39;
	v62 =	vadd.s32 v23, v34;
	v60 =	vld.idx.msk [tilespmem:v59+s14+$0x0], $0xffff  }
0x130: {  	[tilespmem:v53+s20+$0x0] =	vst.idx.msk $0xffff, v51;
	v63 =	vadd.s32 v23, v33  }
0x131: {  	v46 =	vld.idx.msk [tilespmem:v46+s14+$0x0], $0xffff;
	v31 =	vor.u32 v15, v31;
	[tilespmem:v2+s20+$0x0] =	vst.idx.msk $0xffff, v1  }
0x132: {  	v2 =	vor.u32 v12, v42;
	v1 =	vld.idx.msk [tilespmem:v3+s14+$0x0], $0xffff;
	[tilespmem:v7+s20+$0x0] =	vst.idx.msk $0xffff, v5  }
0x133: {  	v3 =	vadd.s32 v24, v38;
	v7 =	vor.u32 v12, v43;
	[tilespmem:v14+s20+$0x0] =	vst.idx.msk $0xffff, v9;
	v5 =	vld.idx.msk [tilespmem:v11+s14+$0x0], $0xffff  }
0x134: {  	v9 =	vadd.s32 v24, v44;
	v14 =	vor.u32 v12, v35;
	[tilespmem:v61+s20+$0x0] =	vst.idx.msk $0xffff, v60;
	v11 =	vld.idx.msk [tilespmem:v62+s14+$0x0], $0xffff  }
0x135: {  	v53 =	vor.u32 v12, v39;
	[tilespmem:v32+s20+$0x0] =	vst.idx.msk $0xffff, v50;
	v54 =	vadd.s32 v24, v34;
	v52 =	vld.idx.msk [tilespmem:v63+s14+$0x0], $0xffff  }
0x136: {  	v27 =	vor.u32 v17, v27;
	v55 =	vld.idx.msk [tilespmem:v49+s14+$0x0], $0xffff;
	[tilespmem:v31+s20+$0x0] =	vst.idx.msk $0xffff, v46;
	v31 =	vadd.s32 v24, v33  }
0x137: {  	v26 =	vor.u32 v17, v26;
	v28 =	vadd.s32 v25, v28;
	v30 =	vld.idx.msk [tilespmem:v30+s14+$0x0], $0xffff;
	[tilespmem:v2+s20+$0x0] =	vst.idx.msk $0xffff, v1  }
0x138: {  	v1 =	vadd.s32 v25, v29;
	v2 =	vld.idx.msk [tilespmem:v3+s14+$0x0], $0xffff;
	[tilespmem:v7+s20+$0x0] =	vst.idx.msk $0xffff, v5;
	v3 =	vor.u32 v15, v42  }
0x139: {  	v7 =	vadd.s32 v25, v38;
	[tilespmem:v14+s20+$0x0] =	vst.idx.msk $0xffff, v11;
	v5 =	vld.idx.msk [tilespmem:v9+s14+$0x0], $0xffff;
	v9 =	vor.u32 v15, v43  }
0x13a: {  	v14 =	vor.u32 v15, v35;
	[tilespmem:v53+s20+$0x0] =	vst.idx.msk $0xffff, v52;
	v11 =	vld.idx.msk [tilespmem:v54+s14+$0x0], $0xffff  }
0x13b: {  	[tilespmem:v27+s20+$0x0] =	vst.idx.msk $0xffff, v55;
	v29 =	vadd.s32 v25, v34;
	v27 =	vld.idx.msk [tilespmem:v31+s14+$0x0], $0xffff  }
0x13c: {  	v28 =	vld.idx.msk [tilespmem:v28+s14+$0x0], $0xffff;
	[tilespmem:v26+s20+$0x0] =	vst.idx.msk $0xffff, v30;
	v26 =	vadd.s32 v25, v33  }
0x13d: {  	v1 =	vld.idx.msk [tilespmem:v1+s14+$0x0], $0xffff;
	[tilespmem:v3+s20+$0x0] =	vst.idx.msk $0xffff, v2  }
0x13e: {  	v2 =	vor.u32 v17, v42;
	v3 =	vld.idx.msk [tilespmem:v7+s14+$0x0], $0xffff;
	[tilespmem:v9+s20+$0x0] =	vst.idx.msk $0xffff, v5  }
0x13f: {  	v5 =	vor.u32 v17, v43;
	[tilespmem:v14+s20+$0x0] =	vst.idx.msk $0xffff, v11;
	v7 =	vld.idx.msk [tilespmem:v37+s14+$0x0], $0xffff  }
0x140: {  	v9 =	vor.u32 v17, v35;
	[tilespmem:v36+s20+$0x0] =	vst.idx.msk $0xffff, v27;
	v11 =	vld.idx.msk [tilespmem:v29+s14+$0x0], $0xffff  }
0x141: {  	[tilespmem:v41+s20+$0x0] =	vst.idx.msk $0xffff, v28;
	v14 =	vor.u32 v17, v39;
	v26 =	vld.idx.msk [tilespmem:v26+s14+$0x0], $0xffff  }
0x142: {  	p1 =	seq.s32 s0, $0x42;
	[tilespmem:v40+s20+$0x0] =	vst.idx.msk $0xffff, v1  }
0x143: {  	s5 =	smul.u32 @!p1 $0x600, s0;
	[tilespmem:v2+s20+$0x0] =	vst.idx.msk $0xffff, v3  }
0x144: {  	[tilespmem:v5+s20+$0x0] =	vst.idx.msk $0xffff, v7  }
0x145: {  	s15 =	smul.u32 $0xC0000, s0;
	s5 =	sshra.s32 @!p1 s5, $0x2;
	[tilespmem:v9+s20+$0x0] =	vst.idx.msk $0xffff, v11  }
0x146: {  	s9 =	simm.s32 @!p1 $0x80;
	s17 =	simm.s32 @!p1 $0xC800;
	s5 =	sadd.s32 @!p1 $0x6580, s5;
	[tilespmem:v14+s20+$0x0] =	vst.idx.msk $0xffff, v26  }
0x147: {  	[tilespmem:s17], [sflag:$0x1] =	stream.indirect.gather @!p1 [hbm4b:s4+s9], $0x40, s5, s9, $0xb8;
	[tilespmem:$0x18800] =	vst v63  }
0x148: {  	s10 =	simm.s32 $0x0;
	s9 =	sor.u32 s6, s15  }
0x149: {  	s11 =	simm.s32 $0x2;
	v1 =	vadd.s32 s10, v0;
	v2 =	vadd.s32 s10, v16;
	s10 =	simm.s32 $0x3;
	s5 =	sshrl.u32 s9, $0x3  }
0x14a: {  	vm0 =	vgt.u32 v1, $0x3F;
	v5 =	vadd.s32 s11, v0;
	v7 =	vadd.s32 s10, v16;
	s5 =	sadd.s32 s2, s5  }
0x14b: {  	v45 =	vsel vm0, v2, v1;
	v1 =	vadd.s32 s11, v16;
	v2 =	vadd.s32 s10, v0;
	[hbm4b:s5+s21] =	stream.strided.scatter [tilespmem:s20], [sflag:$0x4], $0x2000, s22, s21, $0x38;
	[tilespmem:$0x18800] =	vst v63  }
0x14c: {  	vm2 =	vgt.u32 v5, $0x3F;
	v9 =	vadd.s32 v13, v45;
	vm11 =	vgt.u32 v2, $0x3F;
	s9 =	simm.s32 $0x1;
	_ =	swait.ge [sflag:s23], $0x2000  }
0x14d: {  	v46 =	vsel vm2, v1, v5;
	v28 =	vsel vm11, v7, v2;
	v3 =	vadd.s32 s9, v0;
	[sflag:s23] =	ssyncset.done $0x0  }
0x14e: {  	v5 =	vadd.s32 v13, v46;
	v1 =	vadd.s32 s9, v16;
	vm1 =	vgt.u32 v3, $0x3F;
	s5 =	simm.s32 @!p0 $0x5;
	[sflag:s23] =	ssyncadd.s32 $0xFFFFE000  }
0x14f: {  	v29 =	vsel vm1, v1, v3;
	v1 =	vadd.s32 v13, v28;
	_ =	swait.ge @!p0 [sflag:s5], $0x2000  }
0x150: {  	v2 =	vadd.s32 v13, v29;
	[sflag:s5] =	ssyncset.done @!p0 $0x0  }
0x151: {  	v27 =	vshll.u32 v45, $0x7;
	[sflag:s5] =	ssyncadd.s32 @!p0 $0xFFFFE000  }
0x152: {  	v7 =	vor.u32 v0, v27;
	v26 =	vshll.u32 v46, $0x7;
	v3 =	vld.idx.msk [tilespmem:v9+s16+$0x0], $0xffff  }
0x153: {  	v31 =	vshll.u32 v28, $0x7;
	v11 =	vor.u32 v0, v26;
	v5 =	vld.idx.msk [tilespmem:v5+s16+$0x0], $0xffff  }
0x154: {  	v30 =	vor.u32 v0, v31;
	v47 =	vshll.u32 v29, $0x7;
	v9 =	vadd.s32 v19, v45;
	v1 =	vld.idx.msk [tilespmem:v1+s16+$0x0], $0xffff  }
0x155: {  	v14 =	vadd.s32 v19, v46;
	v56 =	vor.u32 v0, v47;
	v2 =	vld.idx.msk [tilespmem:v2+s16+$0x0], $0xffff  }
0x156: {  	v58 =	vadd.s32 v19, v29  }
0x157: {  	v57 =	vadd.s32 v19, v28;
	[tilespmem:v7+s24+$0x0] =	vst.idx.msk $0xffff, v3  }
0x158: {  	[tilespmem:v11+s24+$0x0] =	vst.idx.msk $0xffff, v5  }
0x159: {  	v7 =	vor.u32 v4, v27;
	[tilespmem:v30+s24+$0x0] =	vst.idx.msk $0xffff, v1;
	v3 =	vld.idx.msk [tilespmem:v9+s16+$0x0], $0xffff  }
0x15a: {  	v1 =	vor.u32 v4, v26;
	[tilespmem:v56+s24+$0x0] =	vst.idx.msk $0xffff, v2;
	v9 =	vld.idx.msk [tilespmem:v14+s16+$0x0], $0xffff  }
0x15b: {  	v59 =	vor.u32 v4, v47;
	v5 =	vadd.s32 v20, v45;
	v14 =	vld.idx.msk [tilespmem:v58+s16+$0x0], $0xffff  }
0x15c: {  	v60 =	vadd.s32 v20, v29;
	v11 =	vor.u32 v4, v31;
	v2 =	vld.idx.msk [tilespmem:v57+s16+$0x0], $0xffff;
	_ =	sdelay $0x1  }
0x15d: {  	v53 =	vadd.s32 v22, v45;
	v54 =	vor.u32 v8, v27;
	[tilespmem:v7+s24+$0x0] =	vst.idx.msk $0xffff, v3  }
0x15e: {  	v61 =	vadd.s32 v21, v28;
	v3 =	vadd.s32 v20, v46;
	[tilespmem:v1+s24+$0x0] =	vst.idx.msk $0xffff, v9  }
0x15f: {  	v1 =	vor.u32 v6, v27;
	v7 =	vadd.s32 v20, v28;
	[tilespmem:v59+s24+$0x0] =	vst.idx.msk $0xffff, v14;
	v5 =	vld.idx.msk [tilespmem:v5+s16+$0x0], $0xffff  }
0x160: {  	[tilespmem:v11+s24+$0x0] =	vst.idx.msk $0xffff, v2;
	v2 =	vadd.s32 v21, v45;
	v14 =	vor.u32 v6, v47;
	v9 =	vld.idx.msk [tilespmem:v60+s16+$0x0], $0xffff  }
0x161: {  	v40 =	vadd.s32 v22, v28;
	v52 =	vadd.s32 v22, v46;
	v62 =	vadd.s32 v21, v29  }
0x162: {  	s10 =	simm.s32 $0x5;
	v63 =	vor.u32 v6, v26;
	s9 =	simm.s32 $0x4;
	v41 =	vor.u32 v8, v31;
	v55 =	vor.u32 v8, v26  }
0x163: {  	v32 =	vor.u32 v15, v47;
	v56 =	vadd.s32 s9, v0;
	v57 =	vadd.s32 s10, v0;
	v3 =	vld.idx.msk [tilespmem:v3+s16+$0x0], $0xffff  }
0x164: {  	v11 =	vor.u32 v6, v31;
	[tilespmem:v1+s24+$0x0] =	vst.idx.msk $0xffff, v5;
	v5 =	vld.idx.msk [tilespmem:v7+s16+$0x0], $0xffff;
	v7 =	vadd.s32 v21, v46  }
0x165: {  	s11 =	simm.s32 $0x6;
	v30 =	vadd.s32 v25, v46;
	vm12 =	vgt.u32 v56, $0x3F;
	vm13 =	vgt.u32 v57, $0x3F;
	[tilespmem:v14+s24+$0x0] =	vst.idx.msk $0xffff, v9;
	v2 =	vld.idx.msk [tilespmem:v2+s16+$0x0], $0xffff  }
0x166: {  	v59 =	vadd.s32 s11, v0;
	v9 =	vadd.s32 s9, v16;
	v14 =	vor.u32 v8, v47;
	v58 =	vld.idx.msk [tilespmem:v62+s16+$0x0], $0xffff  }
0x167: {  	vm14 =	vgt.u32 v59, $0x3F;
	v1 =	vadd.s32 v22, v29;
	v38 =	vsel vm12, v9, v56  }
0x168: {  	s17 =	simm.s32 $0x7;
	v62 =	vor.u32 v10, v47;
	v9 =	vadd.s32 v13, v38;
	v42 =	vshll.u32 v38, $0x7;
	[tilespmem:v63+s24+$0x0] =	vst.idx.msk $0xffff, v3  }
0x169: {  	v3 =	vadd.s32 s17, v16;
	v63 =	vadd.s32 v23, v29;
	[tilespmem:v11+s24+$0x0] =	vst.idx.msk $0xffff, v5;
	v5 =	vld.idx.msk [tilespmem:v7+s16+$0x0], $0xffff;
	v7 =	vadd.s32 s10, v16  }
0x16a: {  	v11 =	vadd.s32 s17, v0;
	v60 =	vld.idx.msk [tilespmem:v61+s16+$0x0], $0xffff;
	v61 =	vadd.s32 s11, v16;
	v33 =	vsel vm13, v7, v57;
	[tilespmem:v54+s24+$0x0] =	vst.idx.msk $0xffff, v2  }
0x16b: {  	vm15 =	vgt.u32 v11, $0x3F;
	[tilespmem:v14+s24+$0x0] =	vst.idx.msk $0xffff, v58;
	v14 =	vor.u32 v10, v27;
	v54 =	vadd.s32 v19, v38  }
0x16c: {  	v2 =	vadd.s32 v13, v33;
	v44 =	vsel vm14, v61, v59;
	v34 =	vsel vm15, v3, v11  }
0x16d: {  	v39 =	vshll.u32 v33, $0x7;
	v7 =	vld.idx.msk [tilespmem:v53+s16+$0x0], $0xffff;
	v53 =	vadd.s32 v23, v28;
	v3 =	vadd.s32 v13, v34  }
0x16e: {  	v1 =	vld.idx.msk [tilespmem:v1+s16+$0x0], $0xffff;
	v11 =	vadd.s32 v13, v44;
	v43 =	vshll.u32 v44, $0x7;
	v35 =	vshll.u32 v34, $0x7  }
0x16f: {  	v36 =	vor.u32 v15, v39;
	v37 =	vadd.s32 v25, v44;
	[tilespmem:v55+s24+$0x0] =	vst.idx.msk $0xffff, v5;
	v5 =	vld.idx.msk [tilespmem:v9+s16+$0x0], $0xffff  }
0x170: {  	v9 =	vadd.s32 v23, v45;
	v51 =	vld.idx.msk [tilespmem:v52+s16+$0x0], $0xffff;
	[tilespmem:v41+s24+$0x0] =	vst.idx.msk $0xffff, v60;
	v41 =	vor.u32 v10, v26  }
0x171: {  	v57 =	vadd.s32 v19, v34;
	v58 =	vor.u32 v4, v39;
	v49 =	vld.idx.msk [tilespmem:v40+s16+$0x0], $0xffff;
	v40 =	vor.u32 v0, v42  }
0x172: {  	v52 =	vadd.s32 v23, v46;
	[tilespmem:v14+s24+$0x0] =	vst.idx.msk $0xffff, v7;
	v7 =	vor.u32 v10, v31;
	v2 =	vld.idx.msk [tilespmem:v2+s16+$0x0], $0xffff  }
0x173: {  	v59 =	vadd.s32 v20, v34;
	[tilespmem:v62+s24+$0x0] =	vst.idx.msk $0xffff, v1;
	v1 =	vor.u32 v0, v39;
	v3 =	vld.idx.msk [tilespmem:v3+s16+$0x0], $0xffff  }
0x174: {  	v61 =	vor.u32 v0, v35;
	v60 =	vadd.s32 v19, v44;
	v14 =	vor.u32 v0, v43;
	v11 =	vld.idx.msk [tilespmem:v11+s16+$0x0], $0xffff  }
0x175: {  	v62 =	vor.u32 v12, v27;
	v10 =	vmov v8;
	v9 =	vld.idx.msk [tilespmem:v9+s16+$0x0], $0xffff;
	[tilespmem:v41+s24+$0x0] =	vst.idx.msk $0xffff, v51  }
0x176: {  	v8 =	vmov v6;
	v6 =	vmov v4;
	v50 =	vld.idx.msk [tilespmem:v63+s16+$0x0], $0xffff;
	v63 =	vadd.s32 v24, v45;
	[tilespmem:v40+s24+$0x0] =	vst.idx.msk $0xffff, v5  }
0x177: {  	v41 =	vor.u32 v17, v31;
	v40 =	vor.u32 v17, v47;
	v5 =	vld.idx.msk [tilespmem:v52+s16+$0x0], $0xffff;
	[tilespmem:v7+s24+$0x0] =	vst.idx.msk $0xffff, v49  }
0x178: {  	v52 =	vadd.s32 v19, v33;
	[tilespmem:v1+s24+$0x0] =	vst.idx.msk $0xffff, v2;
	v51 =	vld.idx.msk [tilespmem:v54+s16+$0x0], $0xffff;
	v54 =	vor.u32 v12, v26  }
0x179: {  	v7 =	vor.u32 v4, v42;
	[tilespmem:v14+s24+$0x0] =	vst.idx.msk $0xffff, v11;
	v11 =	vadd.s32 v24, v46;
	v14 =	vld.idx.msk [tilespmem:v53+s16+$0x0], $0xffff  }
0x17a: {  	v49 =	vadd.s32 v20, v38;
	v55 =	vld.idx.msk [tilespmem:v60+s16+$0x0], $0xffff;
	[tilespmem:v62+s24+$0x0] =	vst.idx.msk $0xffff, v9;
	v9 =	vor.u32 v12, v47  }
0x17b: {  	[tilespmem:v61+s24+$0x0] =	vst.idx.msk $0xffff, v3;
	v3 =	vadd.s32 v24, v29;
	v48 =	vld.idx.msk [tilespmem:v63+s16+$0x0], $0xffff;
	v63 =	vor.u32 v12, v31  }
0x17c: {  	v46 =	vadd.s32 v24, v28;
	v61 =	vadd.s32 v20, v44;
	v53 =	vor.u32 v15, v26;
	v57 =	vld.idx.msk [tilespmem:v57+s16+$0x0], $0xffff  }
0x17d: {  	v0 =	vmov v20;
	v60 =	vadd.s32 v20, v33;
	v20 =	vmov v19;
	v56 =	vld.idx.msk [tilespmem:v52+s16+$0x0], $0xffff;
	[tilespmem:v54+s24+$0x0] =	vst.idx.msk $0xffff, v5  }
0x17e: {  	v47 =	vor.u32 v4, v43;
	v62 =	vor.u32 v4, v35;
	[tilespmem:v7+s24+$0x0] =	vst.idx.msk $0xffff, v51;
	v51 =	vld.idx.msk [tilespmem:v11+s16+$0x0], $0xffff  }
0x17f: {  	v19 =	vmovc v16;
	v4 =	vmov v23;
	v23 =	vmov v22;
	v22 =	vmov v21;
	v54 =	vld.idx.msk [tilespmem:v49+s16+$0x0], $0xffff;
	[tilespmem:v9+s24+$0x0] =	vst.idx.msk $0xffff, v50  }
0x180: {  	s17 =	simm.s32 $0x8;
	v21 =	vlaneseq.u32;
	v52 =	vor.u32 v15, v27;
	v49 =	vadd.s32 v25, v45;
	v50 =	vld.idx.msk [tilespmem:v3+s16+$0x0], $0xffff;
	[tilespmem:v63+s24+$0x0] =	vst.idx.msk $0xffff, v14  }
.LBB2_7:
0x181: {  	v1 =	vor.u32 v17, v27  }
0x182: {  	v2 =	vor.u32 v17, v26;
	v3 =	vld.idx.msk [tilespmem:v46+s16+$0x0], $0xffff;
	v45 =	vmov v38;
	v7 =	vadd.s32 v25, v29  }
0x183: {  	v27 =	vmov v42;
	v9 =	vor.u32 v15, v31;
	v28 =	vadd.s32 v25, v28;
	[tilespmem:v47+s24+$0x0] =	vst.idx.msk $0xffff, v55  }
0x184: {  	v46 =	vmov v39;
	v16 =	vld [tilespmem:$0x1FFF0];
	v11 =	vor.u32 v8, v27;
	v29 =	vadd.s32 v22, v45;
	[tilespmem:v58+s24+$0x0] =	vst.idx.msk $0xffff, v56  }
0x185: {  	v39 =	vor.u32 v8, v46;
	v63 =	vor.u32 v10, v46;
	[tilespmem:v52+s24+$0x0] =	vst.idx.msk $0xffff, v48;
	v5 =	vld.idx.msk [tilespmem:v61+s16+$0x0], $0xffff  }
0x186: {  	v26 =	vmov v43;
	v47 =	vmov v44;
	v58 =	vor.u32 v8, v35;
	[tilespmem:v62+s24+$0x0] =	vst.idx.msk $0xffff, v57;
	v31 =	vld.idx.msk [tilespmem:v60+s16+$0x0], $0xffff  }
0x187: {  	v48 =	vadd.s32 v23, v34;
	v52 =	vadd.s32 v23, v45;
	v43 =	vld.idx.msk [tilespmem:v49+s16+$0x0], $0xffff;
	[tilespmem:v53+s24+$0x0] =	vst.idx.msk $0xffff, v51  }
0x188: {  	v60 =	vadd.s32 v22, v33;
	[tilespmem:v32+s24+$0x0] =	vst.idx.msk $0xffff, v50;
	v50 =	vadd.s32 v23, v47;
	v14 =	vld.idx.msk [tilespmem:v59+s16+$0x0], $0xffff  }
0x189: {  	s5 =	smov.u32 s17;
	v53 =	vor.u32 v10, v27;
	v49 =	vld.idx.msk [tilespmem:v30+s16+$0x0], $0xffff;
	v30 =	vor.u32 v8, v26;
	[tilespmem:v9+s24+$0x0] =	vst.idx.msk $0xffff, v3  }
0x18a: {  	v61 =	vadd.s32 s5, v21;
	v59 =	vadd.s32 v22, v34;
	v7 =	vld.idx.msk [tilespmem:v7+s16+$0x0], $0xffff;
	[tilespmem:v11+s24+$0x0] =	vst.idx.msk $0xffff, v54  }
0x18b: {  	v57 =	vor.u32 v12, v27;
	v9 =	vadd.s32 v22, v47;
	v11 =	vld.idx.msk [tilespmem:v28+s16+$0x0], $0xffff;
	[tilespmem:v39+s24+$0x0] =	vst.idx.msk $0xffff, v31  }
0x18c: {  	v62 =	vadd.s32 s5, v19;
	v3 =	vadd.s32 v23, v33;
	vm0 =	vgt.u32 v61, $0x3F;
	v51 =	vld.idx.msk [tilespmem:v29+s16+$0x0], $0xffff;
	[tilespmem:v1+s24+$0x0] =	vst.idx.msk $0xffff, v43  }
0x18d: {  	s10 =	sadd.s32 $0x2, s5;
	v54 =	vor.u32 v10, v26;
	v28 =	vmov v34;
	v38 =	vsel vm0, v62, v61;
	[tilespmem:v58+s24+$0x0] =	vst.idx.msk $0xffff, v14  }
0x18e: {  	s9 =	sadd.s32 $0x1, s5;
	v61 =	vadd.s32 s10, v19;
	v62 =	vor.u32 v16, v46;
	v42 =	vshll.u32 v38, $0x7;
	v56 =	vld.idx.msk [tilespmem:v60+s16+$0x0], $0xffff;
	[tilespmem:v30+s24+$0x0] =	vst.idx.msk $0xffff, v5  }
0x18f: {  	v1 =	vadd.s32 s9, v19;
	v14 =	vor.u32 v10, v35;
	[tilespmem:v40+s24+$0x0] =	vst.idx.msk $0xffff, v7;
	v55 =	vld.idx.msk [tilespmem:v59+s16+$0x0], $0xffff;
	v59 =	vadd.s32 s9, v21  }
0x190: {  	s5 =	sadd.s32 $0x3, s5;
	v60 =	vadd.s32 s10, v21;
	v9 =	vld.idx.msk [tilespmem:v9+s16+$0x0], $0xffff;
	[tilespmem:v2+s24+$0x0] =	vst.idx.msk $0xffff, v49;
	v2 =	vadd.s32 v13, v38;
	vm1 =	vgt.u32 v59, $0x3F  }
0x191: {  	v29 =	vmovc v33;
	vm2 =	vgt.u32 v60, $0x3F;
	[tilespmem:v41+s24+$0x0] =	vst.idx.msk $0xffff, v11;
	v33 =	vsel vm1, v1, v59;
	v1 =	vadd.s32 s5, v21  }
0x192: {  	v31 =	vmovc v35;
	v5 =	vadd.s32 s5, v19;
	[tilespmem:v53+s24+$0x0] =	vst.idx.msk $0xffff, v51;
	v44 =	vsel vm2, v61, v60;
	vm15 =	vgt.u32 v1, $0x3F  }
0x193: {  	v11 =	vadd.s32 v13, v44;
	v34 =	vsel vm15, v5, v1;
	v5 =	vld.idx.msk [tilespmem:v52+s16+$0x0], $0xffff;
	[tilespmem:v63+s24+$0x0] =	vst.idx.msk $0xffff, v56  }
0x194: {  	v7 =	vor.u32 v16, v27;
	v40 =	vor.u32 v17, v46;
	v1 =	vadd.s32 v13, v34;
	v3 =	vld.idx.msk [tilespmem:v3+s16+$0x0], $0xffff  }
0x195: {  	v41 =	vor.u32 v17, v31;
	[tilespmem:v54+s24+$0x0] =	vst.idx.msk $0xffff, v9;
	v2 =	vld.idx.msk [tilespmem:v2+s16+$0x0], $0xffff;
	v9 =	vadd.s32 v4, v45  }
0x196: {  	v51 =	vor.u32 v21, v42;
	v63 =	vadd.s32 v4, v29;
	[tilespmem:v14+s24+$0x0] =	vst.idx.msk $0xffff, v55;
	v50 =	vld.idx.msk [tilespmem:v50+s16+$0x0], $0xffff  }
0x197: {  	v53 =	vadd.s32 v4, v28;
	v61 =	vadd.s32 v24, v45;
	v49 =	vadd.s32 v13, v33;
	v48 =	vld.idx.msk [tilespmem:v48+s16+$0x0], $0xffff  }
0x198: {  	v30 =	vmovc v37;
	v43 =	vshll.u32 v44, $0x7;
	v14 =	vor.u32 v16, v26;
	v54 =	vadd.s32 v20, v38;
	v11 =	vld.idx.msk [tilespmem:v11+s16+$0x0], $0xffff  }
0x199: {  	v52 =	vadd.s32 v4, v47;
	[tilespmem:v7+s24+$0x0] =	vst.idx.msk $0xffff, v5;
	v5 =	vor.u32 v16, v31;
	v1 =	vld.idx.msk [tilespmem:v1+s16+$0x0], $0xffff  }
0x19a: {  	v37 =	vadd.s32 v25, v44;
	v7 =	vor.u32 v21, v43;
	v9 =	vld.idx.msk [tilespmem:v9+s16+$0x0], $0xffff;
	[tilespmem:v62+s24+$0x0] =	vst.idx.msk $0xffff, v3  }
0x19b: {  	v32 =	vmovc v36;
	v39 =	vshll.u32 v33, $0x7;
	v35 =	vshll.u32 v34, $0x7;
	v55 =	vadd.s32 v20, v44;
	v63 =	vld.idx.msk [tilespmem:v63+s16+$0x0], $0xffff  }
0x19c: {  	v36 =	vor.u32 v15, v39;
	v56 =	vor.u32 v21, v35;
	[tilespmem:v51+s24+$0x0] =	vst.idx.msk $0xffff, v2;
	v49 =	vld.idx.msk [tilespmem:v49+s16+$0x0], $0xffff  }
0x19d: {  	v60 =	vadd.s32 v20, v34;
	v3 =	vor.u32 v21, v39;
	[tilespmem:v14+s24+$0x0] =	vst.idx.msk $0xffff, v50;
	v14 =	vld.idx.msk [tilespmem:v54+s16+$0x0], $0xffff  }
0x19e: {  	v62 =	vadd.s32 v20, v33;
	v51 =	vor.u32 v12, v26;
	v2 =	vld.idx.msk [tilespmem:v52+s16+$0x0], $0xffff;
	[tilespmem:v5+s24+$0x0] =	vst.idx.msk $0xffff, v48  }
0x19f: {  	v5 =	vor.u32 v6, v42;
	[tilespmem:v7+s24+$0x0] =	vst.idx.msk $0xffff, v11;
	v7 =	vadd.s32 v24, v47;
	v11 =	vld.idx.msk [tilespmem:v53+s16+$0x0], $0xffff  }
0x1a0: {  	v52 =	vadd.s32 v0, v38;
	v55 =	vld.idx.msk [tilespmem:v55+s16+$0x0], $0xffff;
	[tilespmem:v57+s24+$0x0] =	vst.idx.msk $0xffff, v9;
	v9 =	vor.u32 v12, v46  }
0x1a1: {  	p2 =	slt.u32 s17, $0x3C;
	v16 =	vor.u32 v12, v31;
	[tilespmem:v56+s24+$0x0] =	vst.idx.msk $0xffff, v1;
	v1 =	vadd.s32 v24, v29;
	v48 =	vld.idx.msk [tilespmem:v61+s16+$0x0], $0xffff  }
.Ltmp4:
0x1a2: {  	v58 =	vor.u32 v6, v39;
	v59 =	vadd.s32 v0, v34;
	[tilespmem:v3+s24+$0x0] =	vst.idx.msk $0xffff, v49;
	v57 =	vld.idx.msk [tilespmem:v60+s16+$0x0], $0xffff;
	(pc) =	sbr.rel @p2 .LBB2_7-.Ltmp4, $4  }
0x1a3: {  	v47 =	vor.u32 v6, v43;
	v46 =	vadd.s32 v24, v28;
	v56 =	vld.idx.msk [tilespmem:v62+s16+$0x0], $0xffff;
	[tilespmem:v51+s24+$0x0] =	vst.idx.msk $0xffff, v2  }
0x1a4: {  	v53 =	vor.u32 v15, v26;
	v61 =	vadd.s32 v0, v44;
	[tilespmem:v5+s24+$0x0] =	vst.idx.msk $0xffff, v14;
	v51 =	vld.idx.msk [tilespmem:v7+s16+$0x0], $0xffff  }
0x1a5: {  	v60 =	vadd.s32 v0, v33;
	v49 =	vadd.s32 v25, v45;
	v54 =	vld.idx.msk [tilespmem:v52+s16+$0x0], $0xffff;
	[tilespmem:v9+s24+$0x0] =	vst.idx.msk $0xffff, v63  }
0x1a6: {  	s17 =	sadd.s32 $0x4, s17;
	v62 =	vor.u32 v6, v35;
	v52 =	vor.u32 v15, v27;
	[tilespmem:v16+s24+$0x0] =	vst.idx.msk $0xffff, v11;
	v50 =	vld.idx.msk [tilespmem:v1+s16+$0x0], $0xffff  }
0x1a7: {  	_ =	sdelay $0x3  }
0x1a8: {  	[tilespmem:v47+s24+$0x0] =	vst.idx.msk $0xffff, v55;
	v1 =	vor.u32 v8, v42  }
0x1a9: {  	[tilespmem:v62+s24+$0x0] =	vst.idx.msk $0xffff, v57;
	v3 =	vadd.s32 v22, v38;
	v5 =	vor.u32 v8, v43;
	v2 =	vld.idx.msk [tilespmem:v61+s16+$0x0], $0xffff  }
0x1aa: {  	v9 =	vor.u32 v8, v35;
	v11 =	vadd.s32 v22, v44;
	v7 =	vld.idx.msk [tilespmem:v59+s16+$0x0], $0xffff;
	_ =	sdelay $0x1  }
0x1ab: {  	[tilespmem:v58+s24+$0x0] =	vst.idx.msk $0xffff, v56  }
0x1ac: {  	v16 =	vor.u32 v8, v39;
	v14 =	vld.idx.msk [tilespmem:v60+s16+$0x0], $0xffff;
	[tilespmem:v1+s24+$0x0] =	vst.idx.msk $0xffff, v54  }
0x1ad: {  	v1 =	vld.idx.msk [tilespmem:v3+s16+$0x0], $0xffff;
	v3 =	vor.u32 v10, v42;
	[tilespmem:v5+s24+$0x0] =	vst.idx.msk $0xffff, v2  }
0x1ae: {  	[tilespmem:v9+s24+$0x0] =	vst.idx.msk $0xffff, v7;
	v5 =	vor.u32 v10, v43;
	v7 =	vld.idx.msk [tilespmem:v11+s16+$0x0], $0xffff;
	_ =	sdelay $0x1  }
0x1af: {  	v45 =	vadd.s32 v22, v34  }
0x1b0: {  	v58 =	vadd.s32 v22, v33;
	[tilespmem:v16+s24+$0x0] =	vst.idx.msk $0xffff, v14  }
0x1b1: {  	[tilespmem:v3+s24+$0x0] =	vst.idx.msk $0xffff, v1  }
0x1b2: {  	[tilespmem:v5+s24+$0x0] =	vst.idx.msk $0xffff, v7  }
0x1b3: {  	v59 =	vadd.s32 v23, v38;
	v0 =	vld [tilespmem:$0x1FFF0]  }
0x1b4: {  	v9 =	vadd.s32 v23, v44;
	v11 =	vor.u32 v10, v35;
	v14 =	vld.idx.msk [tilespmem:v45+s16+$0x0], $0xffff  }
0x1b5: {  	v61 =	vor.u32 v10, v39;
	v16 =	vadd.s32 v23, v34;
	v60 =	vld.idx.msk [tilespmem:v58+s16+$0x0], $0xffff  }
0x1b6: {  	v62 =	vadd.s32 v23, v33;
	_ =	sdelay $0x1  }
0x1b7: {  	v1 =	vld.idx.msk [tilespmem:v59+s16+$0x0], $0xffff;
	v63 =	vor.u32 v0, v42  }
0x1b8: {  	v3 =	vadd.s32 v4, v38;
	v5 =	vld.idx.msk [tilespmem:v9+s16+$0x0], $0xffff;
	[tilespmem:v11+s24+$0x0] =	vst.idx.msk $0xffff, v14;
	v7 =	vor.u32 v0, v43  }
0x1b9: {  	[tilespmem:v61+s24+$0x0] =	vst.idx.msk $0xffff, v60;
	v11 =	vadd.s32 v4, v44;
	v9 =	vld.idx.msk [tilespmem:v16+s16+$0x0], $0xffff;
	v14 =	vor.u32 v0, v35  }
0x1ba: {  	v55 =	vadd.s32 v4, v34;
	[tilespmem:v52+s24+$0x0] =	vst.idx.msk $0xffff, v48;
	v16 =	vld.idx.msk [tilespmem:v62+s16+$0x0], $0xffff;
	v54 =	vor.u32 v0, v39  }
0x1bb: {  	v56 =	vadd.s32 v4, v33;
	[tilespmem:v53+s24+$0x0] =	vst.idx.msk $0xffff, v51  }
0x1bc: {  	v46 =	vld.idx.msk [tilespmem:v46+s16+$0x0], $0xffff;
	v31 =	vor.u32 v15, v31;
	[tilespmem:v63+s24+$0x0] =	vst.idx.msk $0xffff, v1  }
0x1bd: {  	v57 =	vor.u32 v12, v42;
	[tilespmem:v7+s24+$0x0] =	vst.idx.msk $0xffff, v5;
	v1 =	vld.idx.msk [tilespmem:v3+s16+$0x0], $0xffff  }
0x1be: {  	v7 =	vor.u32 v12, v43;
	[tilespmem:v14+s24+$0x0] =	vst.idx.msk $0xffff, v9;
	v3 =	vadd.s32 v24, v38;
	v5 =	vld.idx.msk [tilespmem:v11+s16+$0x0], $0xffff  }
0x1bf: {  	[tilespmem:v54+s24+$0x0] =	vst.idx.msk $0xffff, v16;
	v9 =	vadd.s32 v24, v44;
	v14 =	vor.u32 v12, v35;
	v11 =	vld.idx.msk [tilespmem:v55+s16+$0x0], $0xffff  }
0x1c0: {  	v58 =	vor.u32 v12, v39;
	v59 =	vadd.s32 v24, v34;
	[tilespmem:v32+s24+$0x0] =	vst.idx.msk $0xffff, v50;
	v16 =	vld.idx.msk [tilespmem:v56+s16+$0x0], $0xffff  }
0x1c1: {  	v27 =	vor.u32 v17, v27;
	[tilespmem:v31+s24+$0x0] =	vst.idx.msk $0xffff, v46;
	v61 =	vadd.s32 v24, v33;
	v60 =	vld.idx.msk [tilespmem:v49+s16+$0x0], $0xffff  }
0x1c2: {  	v26 =	vor.u32 v17, v26;
	v28 =	vadd.s32 v25, v28;
	v30 =	vld.idx.msk [tilespmem:v30+s16+$0x0], $0xffff;
	[tilespmem:v57+s24+$0x0] =	vst.idx.msk $0xffff, v1  }
0x1c3: {  	v62 =	vadd.s32 v25, v29;
	[tilespmem:v7+s24+$0x0] =	vst.idx.msk $0xffff, v5;
	v2 =	vld.idx.msk [tilespmem:v3+s16+$0x0], $0xffff;
	v3 =	vor.u32 v15, v42  }
0x1c4: {  	v7 =	vadd.s32 v25, v38;
	[tilespmem:v14+s24+$0x0] =	vst.idx.msk $0xffff, v11;
	v5 =	vld.idx.msk [tilespmem:v9+s16+$0x0], $0xffff;
	v9 =	vor.u32 v15, v43  }
0x1c5: {  	[tilespmem:v58+s24+$0x0] =	vst.idx.msk $0xffff, v16;
	v14 =	vor.u32 v15, v35;
	v11 =	vld.idx.msk [tilespmem:v59+s16+$0x0], $0xffff  }
0x1c6: {  	[tilespmem:v27+s24+$0x0] =	vst.idx.msk $0xffff, v60;
	v27 =	vadd.s32 v25, v34;
	v16 =	vld.idx.msk [tilespmem:v61+s16+$0x0], $0xffff  }
0x1c7: {  	v28 =	vld.idx.msk [tilespmem:v28+s16+$0x0], $0xffff;
	[tilespmem:v26+s24+$0x0] =	vst.idx.msk $0xffff, v30;
	v26 =	vadd.s32 v25, v33  }
0x1c8: {  	v1 =	vld.idx.msk [tilespmem:v62+s16+$0x0], $0xffff;
	[tilespmem:v3+s24+$0x0] =	vst.idx.msk $0xffff, v2  }
0x1c9: {  	v63 =	vor.u32 v17, v42;
	[tilespmem:v9+s24+$0x0] =	vst.idx.msk $0xffff, v5;
	v3 =	vld.idx.msk [tilespmem:v7+s16+$0x0], $0xffff  }
0x1ca: {  	v5 =	vor.u32 v17, v43;
	[tilespmem:v14+s24+$0x0] =	vst.idx.msk $0xffff, v11;
	v7 =	vld.idx.msk [tilespmem:v37+s16+$0x0], $0xffff  }
0x1cb: {  	v9 =	vor.u32 v17, v35;
	[tilespmem:v36+s24+$0x0] =	vst.idx.msk $0xffff, v16;
	v11 =	vld.idx.msk [tilespmem:v27+s16+$0x0], $0xffff  }
0x1cc: {  	[tilespmem:v41+s24+$0x0] =	vst.idx.msk $0xffff, v28;
	v14 =	vor.u32 v17, v39;
	v16 =	vld.idx.msk [tilespmem:v26+s16+$0x0], $0xffff  }
.Ltmp5:
0x1cd: {  	[tilespmem:v40+s24+$0x0] =	vst.idx.msk $0xffff, v1;
	(pc) =	sbr.rel @p1 .LBB2_14-.Ltmp5, $4  }
0x1ce: {  	[tilespmem:v63+s24+$0x0] =	vst.idx.msk $0xffff, v3  }
0x1cf: {  	[tilespmem:v5+s24+$0x0] =	vst.idx.msk $0xffff, v7  }
0x1d0: {  	[tilespmem:v9+s24+$0x0] =	vst.idx.msk $0xffff, v11  }
0x1d1: {  	v21 =	vmov v22;
	v6 =	vmov v8;
	[tilespmem:v14+s24+$0x0] =	vst.idx.msk $0xffff, v16  }
0x1d2: {  	s5 =	smul.u32 $0x600, s0;
	_ =	sdelay $0x1  }
0x1d3: {  	v19 =	vld [tilespmem:$0x1FFB0];
	s17 =	sshra.s32 s5, $0x2  }
0x1d4: {  	s11 =	sadd.s32 s7, s15;
	s5 =	sadd.s32 $0x6600, s17  }
0x1d5: {  	[tilespmem:s16], [sflag:$0x2] =	stream.indirect.gather [hbm4b:s4+s13], $0x40, s5, s13, $0xb8;
	[tilespmem:$0x18800] =	vst v63  }
0x1d6: {  	s9 =	simm.s32 $0x0;
	v22 =	vmov v21;
	v21 =	vlaneseq.u32;
	s5 =	sshrl.u32 s11, $0x3  }
0x1d7: {  	s10 =	simm.s32 $0x2;
	v1 =	vadd.s32 s9, v21;
	s5 =	sadd.s32 s2, s5  }
0x1d8: {  	vm0 =	vgt.u32 v1, $0x3F;
	v2 =	vadd.s32 s9, v19;
	[hbm4b:s5+s21] =	stream.strided.scatter [tilespmem:s24], [sflag:$0x5], $0x2000, s22, s21, $0x38;
	[tilespmem:$0x18800] =	vst v63  }
0x1d9: {  	v5 =	vadd.s32 s10, v21;
	v45 =	vsel vm0, v2, v1;
	_ =	swait.ge [sflag:s29], $0x2000  }
0x1da: {  	vm2 =	vgt.u32 v5, $0x3F;
	s11 =	simm.s32 $0x3;
	v1 =	vadd.s32 s10, v19;
	v9 =	vadd.s32 v13, v45;
	[sflag:s29] =	ssyncset.done $0x0  }
0x1db: {  	s9 =	simm.s32 $0x1;
	s5 =	simm.s32 @!p0 $0x6;
	v46 =	vsel vm2, v1, v5;
	[sflag:s29] =	ssyncadd.s32 $0xFFFFE000  }
0x1dc: {  	v3 =	vadd.s32 s9, v21;
	v2 =	vadd.s32 s11, v21;
	v5 =	vadd.s32 v13, v46;
	_ =	swait.ge @!p0 [sflag:s5], $0x2000  }
0x1dd: {  	v7 =	vadd.s32 s11, v19;
	vm1 =	vgt.u32 v3, $0x3F;
	vm11 =	vgt.u32 v2, $0x3F;
	[sflag:s5] =	ssyncset.done @!p0 $0x0  }
0x1de: {  	v1 =	vadd.s32 s9, v19;
	v27 =	vshll.u32 v45, $0x7;
	v28 =	vsel vm11, v7, v2;
	[sflag:s5] =	ssyncadd.s32 @!p0 $0xFFFFE000  }
0x1df: {  	v29 =	vsel vm1, v1, v3;
	v7 =	vor.u32 v21, v27;
	v1 =	vadd.s32 v13, v28;
	v3 =	vld.idx.msk [tilespmem:v9+s18+$0x0], $0xffff  }
0x1e0: {  	v26 =	vshll.u32 v46, $0x7;
	v20 =	vld [tilespmem:$0x1FFC0]  }
0x1e1: {  	v2 =	vadd.s32 v13, v29;
	v11 =	vor.u32 v21, v26;
	v5 =	vld.idx.msk [tilespmem:v5+s18+$0x0], $0xffff;
	_ =	sdelay $0x2  }
0x1e2: {  	v31 =	vshll.u32 v28, $0x7;
	v1 =	vld.idx.msk [tilespmem:v1+s18+$0x0], $0xffff;
	[tilespmem:v7+s30+$0x0] =	vst.idx.msk $0xffff, v3  }
0x1e3: {  	v8 =	vmovc v6;
	v47 =	vshll.u32 v29, $0x7;
	v16 =	vor.u32 v21, v31;
	v9 =	vadd.s32 v20, v45;
	v6 =	vld [tilespmem:$0x1FFE0]  }
0x1e4: {  	v30 =	vor.u32 v21, v47;
	v2 =	vld.idx.msk [tilespmem:v2+s18+$0x0], $0xffff;
	v14 =	vadd.s32 v20, v46;
	[tilespmem:v11+s30+$0x0] =	vst.idx.msk $0xffff, v5  }
0x1e5: {  	v33 =	vadd.s32 v20, v29;
	v0 =	vld [tilespmem:$0x1FFD0]  }
0x1e6: {  	v32 =	vadd.s32 v20, v28;
	_ =	sdelay $0x1  }
0x1e7: {  	[tilespmem:v16+s30+$0x0] =	vst.idx.msk $0xffff, v1;
	v3 =	vld.idx.msk [tilespmem:v9+s18+$0x0], $0xffff;
	v7 =	vor.u32 v6, v27  }
0x1e8: {  	[tilespmem:v30+s30+$0x0] =	vst.idx.msk $0xffff, v2;
	v9 =	vld.idx.msk [tilespmem:v14+s18+$0x0], $0xffff;
	v1 =	vor.u32 v6, v26  }
0x1e9: {  	v14 =	vld.idx.msk [tilespmem:v33+s18+$0x0], $0xffff;
	v16 =	vor.u32 v6, v47;
	v5 =	vadd.s32 v0, v45  }
0x1ea: {  	v2 =	vld.idx.msk [tilespmem:v32+s18+$0x0], $0xffff;
	v11 =	vor.u32 v6, v31;
	v57 =	vadd.s32 v0, v29;
	_ =	sdelay $0x1  }
0x1eb: {  	[tilespmem:v7+s30+$0x0] =	vst.idx.msk $0xffff, v3  }
0x1ec: {  	v3 =	vadd.s32 v0, v46;
	[tilespmem:v1+s30+$0x0] =	vst.idx.msk $0xffff, v9  }
0x1ed: {  	v1 =	vor.u32 v8, v27;
	v7 =	vadd.s32 v0, v28;
	[tilespmem:v16+s30+$0x0] =	vst.idx.msk $0xffff, v14;
	v5 =	vld.idx.msk [tilespmem:v5+s18+$0x0], $0xffff  }
0x1ee: {  	[tilespmem:v11+s30+$0x0] =	vst.idx.msk $0xffff, v2;
	v2 =	vadd.s32 v22, v45;
	v14 =	vor.u32 v8, v47;
	v9 =	vld.idx.msk [tilespmem:v57+s18+$0x0], $0xffff  }
0x1ef: {  	v58 =	vadd.s32 v22, v29;
	_ =	sdelay $0x1  }
0x1f0: {  	v34 =	vor.u32 v8, v26;
	v3 =	vld.idx.msk [tilespmem:v3+s18+$0x0], $0xffff  }
0x1f1: {  	v11 =	vor.u32 v8, v31;
	[tilespmem:v1+s30+$0x0] =	vst.idx.msk $0xffff, v5;
	v5 =	vld.idx.msk [tilespmem:v7+s18+$0x0], $0xffff  }
0x1f2: {  	v39 =	vor.u32 v10, v27;
	[tilespmem:v14+s30+$0x0] =	vst.idx.msk $0xffff, v9;
	v2 =	vld.idx.msk [tilespmem:v2+s18+$0x0], $0xffff  }
0x1f3: {  	v14 =	vor.u32 v10, v47;
	v43 =	vld.idx.msk [tilespmem:v58+s18+$0x0], $0xffff  }
0x1f4: {  	s10 =	simm.s32 $0x5;
	v35 =	vadd.s32 v23, v45  }
0x1f5: {  	s9 =	simm.s32 $0x4;
	v42 =	vadd.s32 s10, v21;
	v61 =	vadd.s32 v24, v45;
	v7 =	vadd.s32 v22, v46;
	[tilespmem:v34+s30+$0x0] =	vst.idx.msk $0xffff, v3  }
0x1f6: {  	v36 =	vadd.s32 v23, v46;
	v38 =	vadd.s32 s9, v21;
	v16 =	vadd.s32 v22, v28;
	[tilespmem:v11+s30+$0x0] =	vst.idx.msk $0xffff, v5  }
0x1f7: {  	vm13 =	vgt.u32 v42, $0x3F;
	v51 =	vadd.s32 v4, v46;
	v40 =	vadd.s32 v23, v28;
	[tilespmem:v39+s30+$0x0] =	vst.idx.msk $0xffff, v2  }
0x1f8: {  	v41 =	vor.u32 v10, v26;
	vm12 =	vgt.u32 v38, $0x3F;
	v9 =	vadd.s32 s9, v19;
	[tilespmem:v14+s30+$0x0] =	vst.idx.msk $0xffff, v43  }
0x1f9: {  	v48 =	vadd.s32 v4, v29;
	s5 =	simm.s32 $0x6;
	v1 =	vadd.s32 v23, v29;
	v38 =	vsel vm12, v9, v38;
	v18 =	vld [tilespmem:$0x1FFF0]  }
0x1fa: {  	s11 =	simm.s32 $0x7;
	v37 =	vor.u32 v10, v31;
	v44 =	vadd.s32 s5, v21;
	v9 =	vadd.s32 v13, v38;
	v5 =	vld.idx.msk [tilespmem:v7+s18+$0x0], $0xffff  }
0x1fb: {  	v59 =	vadd.s32 s5, v19;
	v7 =	vadd.s32 s10, v19;
	v11 =	vadd.s32 s11, v21;
	v16 =	vld.idx.msk [tilespmem:v16+s18+$0x0], $0xffff  }
0x1fc: {  	v3 =	vadd.s32 s11, v19;
	v33 =	vsel vm13, v7, v42;
	vm15 =	vgt.u32 v11, $0x3F  }
0x1fd: {  	vm14 =	vgt.u32 v44, $0x3F;
	v2 =	vadd.s32 v13, v33;
	v34 =	vsel vm15, v3, v11;
	v7 =	vld.idx.msk [tilespmem:v35+s18+$0x0], $0xffff  }
0x1fe: {  	v44 =	vsel vm14, v59, v44;
	v1 =	vld.idx.msk [tilespmem:v1+s18+$0x0], $0xffff;
	v3 =	vadd.s32 v13, v34;
	v14 =	vor.u32 v18, v27  }
0x1ff: {  	v42 =	vshll.u32 v38, $0x7;
	[tilespmem:v41+s30+$0x0] =	vst.idx.msk $0xffff, v5;
	v5 =	vld.idx.msk [tilespmem:v9+s18+$0x0], $0xffff;
	v60 =	vor.u32 v18, v47  }
0x200: {  	v11 =	vadd.s32 v13, v44;
	v49 =	vld.idx.msk [tilespmem:v36+s18+$0x0], $0xffff;
	[tilespmem:v37+s30+$0x0] =	vst.idx.msk $0xffff, v16;
	v16 =	vor.u32 v18, v26  }
0x201: {  	v39 =	vshll.u32 v33, $0x7;
	v9 =	vadd.s32 v4, v45;
	v50 =	vld.idx.msk [tilespmem:v40+s18+$0x0], $0xffff;
	v40 =	vor.u32 v21, v42  }
0x202: {  	v52 =	vadd.s32 v4, v28;
	v35 =	vshll.u32 v34, $0x7;
	v59 =	vor.u32 v21, v39;
	v2 =	vld.idx.msk [tilespmem:v2+s18+$0x0], $0xffff  }
0x203: {  	v54 =	vadd.s32 v20, v44;
	v56 =	vor.u32 v21, v35;
	v3 =	vld.idx.msk [tilespmem:v3+s18+$0x0], $0xffff;
	[tilespmem:v14+s30+$0x0] =	vst.idx.msk $0xffff, v7  }
0x204: {  	v53 =	vadd.s32 v20, v38;
	v43 =	vshll.u32 v44, $0x7;
	v7 =	vor.u32 v18, v31;
	[tilespmem:v60+s30+$0x0] =	vst.idx.msk $0xffff, v1  }
0x205: {  	v62 =	vadd.s32 v20, v33;
	v11 =	vld.idx.msk [tilespmem:v11+s18+$0x0], $0xffff;
	v14 =	vor.u32 v21, v43;
	[tilespmem:v16+s30+$0x0] =	vst.idx.msk $0xffff, v49  }
0x206: {  	v30 =	vadd.s32 v25, v46;
	v57 =	vor.u32 v12, v27;
	[tilespmem:v40+s30+$0x0] =	vst.idx.msk $0xffff, v5;
	v9 =	vld.idx.msk [tilespmem:v9+s18+$0x0], $0xffff  }
0x207: {  	v32 =	vor.u32 v15, v47;
	v58 =	vadd.s32 v20, v34;
	[tilespmem:v59+s30+$0x0] =	vst.idx.msk $0xffff, v2;
	v63 =	vld.idx.msk [tilespmem:v48+s18+$0x0], $0xffff  }
0x208: {  	v41 =	vor.u32 v17, v31;
	v36 =	vor.u32 v15, v39;
	v5 =	vld.idx.msk [tilespmem:v51+s18+$0x0], $0xffff;
	[tilespmem:v56+s30+$0x0] =	vst.idx.msk $0xffff, v3  }
0x209: {  	v37 =	vadd.s32 v25, v44;
	v16 =	vld.idx.msk [tilespmem:v53+s18+$0x0], $0xffff;
	v51 =	vor.u32 v12, v26;
	[tilespmem:v7+s30+$0x0] =	vst.idx.msk $0xffff, v50  }
0x20a: {  	v56 =	vld.idx.msk [tilespmem:v62+s18+$0x0], $0xffff;
	v7 =	vor.u32 v6, v42;
	[tilespmem:v14+s30+$0x0] =	vst.idx.msk $0xffff, v11;
	v11 =	vadd.s32 v24, v46  }
0x20b: {  	v50 =	vadd.s32 v0, v38;
	v14 =	vld.idx.msk [tilespmem:v52+s18+$0x0], $0xffff;
	[tilespmem:v57+s30+$0x0] =	vst.idx.msk $0xffff, v9;
	v9 =	vor.u32 v12, v47  }
0x20c: {  	v40 =	vor.u32 v17, v47;
	v1 =	vor.u32 v12, v31;
	v3 =	vadd.s32 v24, v29;
	v55 =	vld.idx.msk [tilespmem:v54+s18+$0x0], $0xffff  }
0x20d: {  	v59 =	vadd.s32 v0, v34;
	v60 =	vadd.s32 v0, v33;
	v49 =	vadd.s32 v25, v45;
	v57 =	vld.idx.msk [tilespmem:v58+s18+$0x0], $0xffff  }
0x20e: {  	v18 =	vmov v13;
	v62 =	vor.u32 v6, v35;
	[tilespmem:v51+s30+$0x0] =	vst.idx.msk $0xffff, v5;
	v48 =	vld.idx.msk [tilespmem:v61+s18+$0x0], $0xffff  }
0x20f: {  	v53 =	vor.u32 v15, v26;
	v46 =	vadd.s32 v24, v28;
	[tilespmem:v7+s30+$0x0] =	vst.idx.msk $0xffff, v16;
	v51 =	vld.idx.msk [tilespmem:v11+s18+$0x0], $0xffff  }
0x210: {  	v47 =	vor.u32 v6, v43;
	v58 =	vor.u32 v6, v39;
	v54 =	vld.idx.msk [tilespmem:v50+s18+$0x0], $0xffff;
	[tilespmem:v9+s30+$0x0] =	vst.idx.msk $0xffff, v63  }
0x211: {  	s9 =	simm.s32 $0x8;
	v52 =	vor.u32 v15, v27;
	v61 =	vadd.s32 v0, v44;
	[tilespmem:v1+s30+$0x0] =	vst.idx.msk $0xffff, v14;
	v50 =	vld.idx.msk [tilespmem:v3+s18+$0x0], $0xffff  }
.LBB2_10:
0x212: {  	_ = 	snop  }
0x213: {  	v1 =	vor.u32 v17, v27  }
0x214: {  	v2 =	vor.u32 v17, v26;
	v3 =	vld.idx.msk [tilespmem:v46+s18+$0x0], $0xffff;
	v45 =	vmovc v38;
	v46 =	vmov v39;
	v27 =	vmov v42  }
0x215: {  	v26 =	vmov v43;
	v7 =	vadd.s32 v25, v29;
	v9 =	vor.u32 v15, v31;
	[tilespmem:v47+s30+$0x0] =	vst.idx.msk $0xffff, v55  }
0x216: {  	v16 =	vadd.s32 v25, v28;
	v31 =	vor.u32 v8, v35;
	[tilespmem:v58+s30+$0x0] =	vst.idx.msk $0xffff, v56;
	v5 =	vld.idx.msk [tilespmem:v61+s18+$0x0], $0xffff  }
0x217: {  	v11 =	vor.u32 v8, v27;
	v28 =	vadd.s32 v22, v45;
	[tilespmem:v52+s30+$0x0] =	vst.idx.msk $0xffff, v48;
	v29 =	vld.idx.msk [tilespmem:v60+s18+$0x0], $0xffff  }
0x218: {  	v48 =	vadd.s32 v23, v34;
	v52 =	vor.u32 v10, v26;
	[tilespmem:v62+s30+$0x0] =	vst.idx.msk $0xffff, v57;
	v42 =	vld.idx.msk [tilespmem:v49+s18+$0x0], $0xffff  }
0x219: {  	v58 =	vor.u32 v10, v46;
	v60 =	vadd.s32 v22, v34;
	[tilespmem:v53+s30+$0x0] =	vst.idx.msk $0xffff, v51;
	v14 =	vld.idx.msk [tilespmem:v59+s18+$0x0], $0xffff  }
0x21a: {  	v13 =	vld [tilespmem:$0x1FFF0];
	v47 =	vmov v44;
	v61 =	vadd.s32 v22, v33;
	[tilespmem:v32+s30+$0x0] =	vst.idx.msk $0xffff, v50;
	v59 =	vor.u32 v8, v46  }
0x21b: {  	v49 =	vadd.s32 v23, v47;
	v44 =	vld.idx.msk [tilespmem:v30+s18+$0x0], $0xffff;
	v30 =	vor.u32 v8, v26;
	[tilespmem:v9+s30+$0x0] =	vst.idx.msk $0xffff, v3  }
0x21c: {  	s5 =	smov.u32 s9;
	v50 =	vadd.s32 v23, v45;
	v9 =	vadd.s32 v22, v47;
	[tilespmem:v11+s30+$0x0] =	vst.idx.msk $0xffff, v54;
	v11 =	vld.idx.msk [tilespmem:v16+s18+$0x0], $0xffff  }
0x21d: {  	v51 =	vor.u32 v10, v27;
	v62 =	vadd.s32 s5, v21;
	v16 =	vld.idx.msk [tilespmem:v28+s18+$0x0], $0xffff;
	[tilespmem:v1+s30+$0x0] =	vst.idx.msk $0xffff, v42  }
0x21e: {  	v63 =	vadd.s32 s5, v19;
	v7 =	vld.idx.msk [tilespmem:v7+s18+$0x0], $0xffff;
	v3 =	vadd.s32 v23, v33;
	vm0 =	vgt.u32 v62, $0x3F;
	[tilespmem:v31+s30+$0x0] =	vst.idx.msk $0xffff, v14  }
0x21f: {  	s10 =	sadd.s32 $0x1, s5;
	v38 =	vsel vm0, v63, v62;
	v62 =	vor.u32 v13, v46;
	v28 =	vmov v34;
	[tilespmem:v59+s30+$0x0] =	vst.idx.msk $0xffff, v29  }
0x220: {  	s11 =	sadd.s32 $0x2, s5;
	s5 =	sadd.s32 $0x3, s5;
	v1 =	vadd.s32 s10, v19;
	v42 =	vshll.u32 v38, $0x7;
	v14 =	vor.u32 v10, v35;
	[tilespmem:v30+s30+$0x0] =	vst.idx.msk $0xffff, v5;
	v57 =	vld.idx.msk [tilespmem:v61+s18+$0x0], $0xffff  }
0x221: {  	v59 =	vadd.s32 s10, v21;
	v5 =	vadd.s32 s5, v19;
	v9 =	vld.idx.msk [tilespmem:v9+s18+$0x0], $0xffff;
	[tilespmem:v2+s30+$0x0] =	vst.idx.msk $0xffff, v44;
	v2 =	vadd.s32 v18, v38  }
0x222: {  	v29 =	vmovc v33;
	v53 =	vld.idx.msk [tilespmem:v60+s18+$0x0], $0xffff;
	v60 =	vadd.s32 s11, v21;
	vm1 =	vgt.u32 v59, $0x3F;
	v61 =	vadd.s32 s11, v19;
	[tilespmem:v41+s30+$0x0] =	vst.idx.msk $0xffff, v11  }
0x223: {  	v31 =	vmovc v35;
	[tilespmem:v40+s30+$0x0] =	vst.idx.msk $0xffff, v7;
	vm2 =	vgt.u32 v60, $0x3F;
	v33 =	vsel vm1, v1, v59;
	v1 =	vadd.s32 s5, v21  }
0x224: {  	v7 =	vor.u32 v13, v27;
	[tilespmem:v51+s30+$0x0] =	vst.idx.msk $0xffff, v16;
	v44 =	vsel vm2, v61, v60;
	vm15 =	vgt.u32 v1, $0x3F  }
0x225: {  	v11 =	vadd.s32 v18, v44;
	v34 =	vsel vm15, v5, v1;
	v5 =	vld.idx.msk [tilespmem:v50+s18+$0x0], $0xffff;
	[tilespmem:v58+s30+$0x0] =	vst.idx.msk $0xffff, v57  }
0x226: {  	v50 =	vor.u32 v21, v42;
	[tilespmem:v52+s30+$0x0] =	vst.idx.msk $0xffff, v9;
	v2 =	vld.idx.msk [tilespmem:v2+s18+$0x0], $0xffff;
	v9 =	vadd.s32 v4, v45  }
0x227: {  	v63 =	vadd.s32 v4, v29;
	v40 =	vor.u32 v17, v46;
	v1 =	vadd.s32 v18, v34;
	v3 =	vld.idx.msk [tilespmem:v3+s18+$0x0], $0xffff  }
0x228: {  	[tilespmem:v14+s30+$0x0] =	vst.idx.msk $0xffff, v53;
	v14 =	vor.u32 v13, v26;
	v53 =	vadd.s32 v20, v38;
	v49 =	vld.idx.msk [tilespmem:v49+s18+$0x0], $0xffff  }
0x229: {  	v41 =	vor.u32 v17, v31;
	v51 =	vadd.s32 v4, v47;
	v16 =	vadd.s32 v18, v33;
	v48 =	vld.idx.msk [tilespmem:v48+s18+$0x0], $0xffff  }
0x22a: {  	v43 =	vshll.u32 v44, $0x7;
	v11 =	vld.idx.msk [tilespmem:v11+s18+$0x0], $0xffff;
	[tilespmem:v7+s30+$0x0] =	vst.idx.msk $0xffff, v5;
	v5 =	vor.u32 v13, v31  }
0x22b: {  	v32 =	vmov v36;
	v35 =	vshll.u32 v34, $0x7;
	v7 =	vor.u32 v21, v43;
	v9 =	vld.idx.msk [tilespmem:v9+s18+$0x0], $0xffff;
	[tilespmem:v50+s30+$0x0] =	vst.idx.msk $0xffff, v2  }
0x22c: {  	v52 =	vadd.s32 v4, v28;
	v56 =	vor.u32 v21, v35;
	v1 =	vld.idx.msk [tilespmem:v1+s18+$0x0], $0xffff;
	[tilespmem:v62+s30+$0x0] =	vst.idx.msk $0xffff, v3  }
0x22d: {  	v54 =	vadd.s32 v20, v44;
	v57 =	vor.u32 v12, v27;
	[tilespmem:v14+s30+$0x0] =	vst.idx.msk $0xffff, v49;
	v14 =	vld.idx.msk [tilespmem:v53+s18+$0x0], $0xffff  }
0x22e: {  	v30 =	vmovc v37;
	v39 =	vshll.u32 v33, $0x7;
	v61 =	vadd.s32 v24, v45;
	v60 =	vadd.s32 v20, v34;
	v63 =	vld.idx.msk [tilespmem:v63+s18+$0x0], $0xffff  }
0x22f: {  	v36 =	vor.u32 v15, v39;
	v3 =	vor.u32 v21, v39;
	v16 =	vld.idx.msk [tilespmem:v16+s18+$0x0], $0xffff;
	[tilespmem:v5+s30+$0x0] =	vst.idx.msk $0xffff, v48  }
0x230: {  	v50 =	vor.u32 v12, v26;
	v62 =	vadd.s32 v20, v33;
	v2 =	vld.idx.msk [tilespmem:v51+s18+$0x0], $0xffff;
	[tilespmem:v7+s30+$0x0] =	vst.idx.msk $0xffff, v11  }
0x231: {  	v5 =	vor.u32 v6, v42;
	v7 =	vadd.s32 v24, v47;
	v11 =	vld.idx.msk [tilespmem:v52+s18+$0x0], $0xffff;
	[tilespmem:v56+s30+$0x0] =	vst.idx.msk $0xffff, v1  }
0x232: {  	v52 =	vadd.s32 v0, v38;
	v55 =	vld.idx.msk [tilespmem:v54+s18+$0x0], $0xffff;
	[tilespmem:v57+s30+$0x0] =	vst.idx.msk $0xffff, v9;
	v9 =	vor.u32 v12, v46  }
0x233: {  	p0 =	slt.u32 s9, $0x3C;
	v37 =	vadd.s32 v25, v44;
	v13 =	vor.u32 v12, v31;
	v1 =	vadd.s32 v24, v29;
	v57 =	vld.idx.msk [tilespmem:v60+s18+$0x0], $0xffff  }
.Ltmp6:
0x234: {  	v59 =	vadd.s32 v0, v34;
	v58 =	vor.u32 v6, v39;
	v48 =	vld.idx.msk [tilespmem:v61+s18+$0x0], $0xffff;
	[tilespmem:v3+s30+$0x0] =	vst.idx.msk $0xffff, v16;
	(pc) =	sbr.rel @p0 .LBB2_10-.Ltmp6, $4  }
0x235: {  	v49 =	vadd.s32 v25, v45;
	v53 =	vor.u32 v15, v26;
	[tilespmem:v50+s30+$0x0] =	vst.idx.msk $0xffff, v2;
	v56 =	vld.idx.msk [tilespmem:v62+s18+$0x0], $0xffff  }
0x236: {  	v47 =	vor.u32 v6, v43;
	v46 =	vadd.s32 v24, v28;
	[tilespmem:v5+s30+$0x0] =	vst.idx.msk $0xffff, v14;
	v51 =	vld.idx.msk [tilespmem:v7+s18+$0x0], $0xffff  }
0x237: {  	v60 =	vadd.s32 v0, v33;
	v61 =	vadd.s32 v0, v44;
	v54 =	vld.idx.msk [tilespmem:v52+s18+$0x0], $0xffff;
	[tilespmem:v9+s30+$0x0] =	vst.idx.msk $0xffff, v63  }
0x238: {  	s9 =	sadd.s32 $0x4, s9;
	v62 =	vor.u32 v6, v35;
	v52 =	vor.u32 v15, v27;
	[tilespmem:v13+s30+$0x0] =	vst.idx.msk $0xffff, v11;
	v50 =	vld.idx.msk [tilespmem:v1+s18+$0x0], $0xffff  }
0x239: {  	_ =	sdelay $0x3  }
0x23a: {  	[tilespmem:v47+s30+$0x0] =	vst.idx.msk $0xffff, v55;
	v1 =	vor.u32 v8, v42  }
0x23b: {  	[tilespmem:v62+s30+$0x0] =	vst.idx.msk $0xffff, v57;
	v3 =	vadd.s32 v22, v38;
	v5 =	vor.u32 v8, v43;
	v2 =	vld.idx.msk [tilespmem:v61+s18+$0x0], $0xffff  }
0x23c: {  	v9 =	vor.u32 v8, v35;
	v11 =	vadd.s32 v22, v44;
	v7 =	vld.idx.msk [tilespmem:v59+s18+$0x0], $0xffff;
	_ =	sdelay $0x1  }
0x23d: {  	[tilespmem:v58+s30+$0x0] =	vst.idx.msk $0xffff, v56  }
0x23e: {  	v14 =	vor.u32 v8, v39;
	v13 =	vld.idx.msk [tilespmem:v60+s18+$0x0], $0xffff;
	[tilespmem:v1+s30+$0x0] =	vst.idx.msk $0xffff, v54  }
0x23f: {  	v1 =	vld.idx.msk [tilespmem:v3+s18+$0x0], $0xffff;
	v3 =	vor.u32 v10, v42;
	[tilespmem:v5+s30+$0x0] =	vst.idx.msk $0xffff, v2  }
0x240: {  	[tilespmem:v9+s30+$0x0] =	vst.idx.msk $0xffff, v7;
	v5 =	vor.u32 v10, v43;
	v7 =	vld.idx.msk [tilespmem:v11+s18+$0x0], $0xffff;
	_ =	sdelay $0x1  }
0x241: {  	v16 =	vadd.s32 v22, v34  }
0x242: {  	v45 =	vadd.s32 v22, v33;
	[tilespmem:v14+s30+$0x0] =	vst.idx.msk $0xffff, v13  }
0x243: {  	[tilespmem:v3+s30+$0x0] =	vst.idx.msk $0xffff, v1  }
0x244: {  	[tilespmem:v5+s30+$0x0] =	vst.idx.msk $0xffff, v7  }
0x245: {  	v55 =	vmovc v10;
	v56 =	vor.u32 v10, v39;
	v2 =	vadd.s32 v23, v38;
	v11 =	vor.u32 v10, v35;
	v10 =	vld [tilespmem:$0x1FFF0]  }
0x246: {  	v9 =	vadd.s32 v23, v44;
	v13 =	vld.idx.msk [tilespmem:v16+s18+$0x0], $0xffff  }
0x247: {  	v14 =	vadd.s32 v23, v34;
	v16 =	vld.idx.msk [tilespmem:v45+s18+$0x0], $0xffff  }
0x248: {  	v57 =	vadd.s32 v23, v33;
	_ =	sdelay $0x1  }
0x249: {  	v1 =	vld.idx.msk [tilespmem:v2+s18+$0x0], $0xffff;
	v2 =	vor.u32 v10, v42  }
0x24a: {  	v3 =	vadd.s32 v4, v38;
	v5 =	vld.idx.msk [tilespmem:v9+s18+$0x0], $0xffff;
	[tilespmem:v11+s30+$0x0] =	vst.idx.msk $0xffff, v13;
	v7 =	vor.u32 v10, v43  }
0x24b: {  	[tilespmem:v56+s30+$0x0] =	vst.idx.msk $0xffff, v16;
	v11 =	vadd.s32 v4, v44;
	v9 =	vld.idx.msk [tilespmem:v14+s18+$0x0], $0xffff;
	v13 =	vor.u32 v10, v35  }
0x24c: {  	v58 =	vadd.s32 v4, v34;
	[tilespmem:v52+s30+$0x0] =	vst.idx.msk $0xffff, v48;
	v14 =	vld.idx.msk [tilespmem:v57+s18+$0x0], $0xffff;
	v16 =	vor.u32 v10, v39  }
0x24d: {  	v59 =	vadd.s32 v4, v33;
	[tilespmem:v53+s30+$0x0] =	vst.idx.msk $0xffff, v51  }
0x24e: {  	v46 =	vld.idx.msk [tilespmem:v46+s18+$0x0], $0xffff;
	v31 =	vor.u32 v15, v31;
	[tilespmem:v2+s30+$0x0] =	vst.idx.msk $0xffff, v1  }
0x24f: {  	v2 =	vor.u32 v12, v42;
	[tilespmem:v7+s30+$0x0] =	vst.idx.msk $0xffff, v5;
	v1 =	vld.idx.msk [tilespmem:v3+s18+$0x0], $0xffff  }
0x250: {  	v7 =	vor.u32 v12, v43;
	[tilespmem:v13+s30+$0x0] =	vst.idx.msk $0xffff, v9;
	v3 =	vadd.s32 v24, v38;
	v5 =	vld.idx.msk [tilespmem:v11+s18+$0x0], $0xffff  }
0x251: {  	[tilespmem:v16+s30+$0x0] =	vst.idx.msk $0xffff, v14;
	v9 =	vadd.s32 v24, v44;
	v13 =	vor.u32 v12, v35;
	v11 =	vld.idx.msk [tilespmem:v58+s18+$0x0], $0xffff  }
0x252: {  	v60 =	vadd.s32 v24, v34;
	[tilespmem:v32+s30+$0x0] =	vst.idx.msk $0xffff, v50;
	v16 =	vor.u32 v12, v39;
	v14 =	vld.idx.msk [tilespmem:v59+s18+$0x0], $0xffff  }
0x253: {  	v27 =	vor.u32 v17, v27;
	v62 =	vadd.s32 v24, v33;
	[tilespmem:v31+s30+$0x0] =	vst.idx.msk $0xffff, v46;
	v61 =	vld.idx.msk [tilespmem:v49+s18+$0x0], $0xffff  }
0x254: {  	v26 =	vor.u32 v17, v26;
	v28 =	vadd.s32 v25, v28;
	v30 =	vld.idx.msk [tilespmem:v30+s18+$0x0], $0xffff;
	[tilespmem:v2+s30+$0x0] =	vst.idx.msk $0xffff, v1  }
0x255: {  	v1 =	vadd.s32 v25, v29;
	[tilespmem:v7+s30+$0x0] =	vst.idx.msk $0xffff, v5;
	v2 =	vld.idx.msk [tilespmem:v3+s18+$0x0], $0xffff;
	v3 =	vor.u32 v15, v42  }
0x256: {  	v7 =	vadd.s32 v25, v38;
	[tilespmem:v13+s30+$0x0] =	vst.idx.msk $0xffff, v11;
	v5 =	vld.idx.msk [tilespmem:v9+s18+$0x0], $0xffff;
	v9 =	vor.u32 v15, v43  }
0x257: {  	[tilespmem:v16+s30+$0x0] =	vst.idx.msk $0xffff, v14;
	v13 =	vor.u32 v15, v35;
	v11 =	vld.idx.msk [tilespmem:v60+s18+$0x0], $0xffff  }
0x258: {  	[tilespmem:v27+s30+$0x0] =	vst.idx.msk $0xffff, v61;
	v16 =	vadd.s32 v25, v34;
	v14 =	vld.idx.msk [tilespmem:v62+s18+$0x0], $0xffff  }
0x259: {  	v27 =	vld.idx.msk [tilespmem:v28+s18+$0x0], $0xffff;
	[tilespmem:v26+s30+$0x0] =	vst.idx.msk $0xffff, v30;
	v26 =	vadd.s32 v25, v33  }
0x25a: {  	v1 =	vld.idx.msk [tilespmem:v1+s18+$0x0], $0xffff;
	[tilespmem:v3+s30+$0x0] =	vst.idx.msk $0xffff, v2  }
0x25b: {  	v2 =	vor.u32 v17, v42;
	[tilespmem:v9+s30+$0x0] =	vst.idx.msk $0xffff, v5;
	v3 =	vld.idx.msk [tilespmem:v7+s18+$0x0], $0xffff  }
0x25c: {  	v5 =	vor.u32 v17, v43;
	[tilespmem:v13+s30+$0x0] =	vst.idx.msk $0xffff, v11;
	v7 =	vld.idx.msk [tilespmem:v37+s18+$0x0], $0xffff  }
0x25d: {  	v9 =	vor.u32 v17, v35;
	[tilespmem:v36+s30+$0x0] =	vst.idx.msk $0xffff, v14;
	v11 =	vld.idx.msk [tilespmem:v16+s18+$0x0], $0xffff  }
0x25e: {  	[tilespmem:v41+s30+$0x0] =	vst.idx.msk $0xffff, v27;
	v13 =	vor.u32 v17, v39;
	v14 =	vld.idx.msk [tilespmem:v26+s18+$0x0], $0xffff  }
0x25f: {  	[tilespmem:v40+s30+$0x0] =	vst.idx.msk $0xffff, v1  }
0x260: {  	[tilespmem:v2+s30+$0x0] =	vst.idx.msk $0xffff, v3  }
0x261: {  	[tilespmem:v5+s30+$0x0] =	vst.idx.msk $0xffff, v7  }
0x262: {  	p0 =	sgt.u32 s0, $0x40;
	s0 =	sadd.s32 $0x1, s0;
	[tilespmem:v9+s30+$0x0] =	vst.idx.msk $0xffff, v11  }
0x263: {  	s5 =	sadd.s32 @!p0 $0x6680, s17;
	s9 =	simm.s32 @!p0 $0x80;
	s10 =	simm.s32 @!p0 $0x10800;
	[tilespmem:v13+s30+$0x0] =	vst.idx.msk $0xffff, v14  }
0x264: {  	[tilespmem:s10], [sflag:$0x3] =	stream.indirect.gather @!p0 [hbm4b:s4+s9], $0x40, s5, s9, $0xb8;
	[tilespmem:$0x18800] =	vst v63  }
0x265: {  	v18 =	vld [tilespmem:$0x1FF90];
	p0 =	sne.s32 s0, $0x43  }
.Ltmp7:
0x266: {  	v13 =	vld [tilespmem:$0x1FF80];
	(pc) =	sbr.rel @p0 .LBB2_4-.Ltmp7, $4  }
.Ltmp8:
0x267: {  	s17 =	sadd.s32 s8, s15;
	v16 =	vld [tilespmem:$0x1FFB0];
	(pc) =	sbr.rel @!p0 .LBB2_12-.Ltmp8, $4  }
0x268: {  	s5 =	sshrl.u32 s17, $0x3;
	v19 =	vld [tilespmem:$0x1FFC0]  }
0x269: {  	v63 =	vmov v23;
	v21 =	vmov v22;
	v20 =	vld [tilespmem:$0x1FFD0];
	s5 =	sadd.s32 s2, s5  }
0x26a: {  	v6 =	vmovc v8;
	v0 =	vlaneseq.u32;
	v22 =	vmovc v63;
	v8 =	vmov v55;
	v23 =	vmov v4;
	v4 =	vld [tilespmem:$0x1FFE0];
	[hbm4b:s5+s21] =	stream.strided.scatter [tilespmem:s30], [sflag:$0x6], $0x2000, s22, s21, $0x38  }
0x26b: {  	_ = 	snop  }
.LBB2_13:
0x26c: {  	_ =	sfence.sel $0x180000  }
0x26d: {  	[bflag:$0x0] =	sbarrier.arrive $0xFFFF  }
0x26e: {  	_ =	strace $0x9000004A  }
0x26f: {  	s0 =	stileid.u32;
	[bflag:$0x2] =	sbarrier.arrive $0xFFFF  }
0x270: {  	p0 =	sne.s32 s0, $0x0;
	s0 =	rddreg [dreg:$0x2]  }
0x271: {  	s0 =	sadd.s32 @!p0 $0x100000, s0  }
0x272: {  	[sflag:s0] =	ssyncadd.tile.s32 @!p0 $0x1;
	_ =	shalt  }
.Lfunc_end2:
_tile_overlayer_lowered:
.L_overlay_start_2:
0x273: {  	(tag) =	ssettag $0x2  }
0x274: {  	s0 =	rddreg [dreg:$0x0];
	s2 =	stileid.u32  }
0x275: {  	s1 =	rddreg [dreg:$0x1];
	p0 =	sne.s32 s2, $0x0  }
0x276: {  	s3 =	rddreg [dreg:$0x2];
	[bflag:$0x3] =	sbarrier.arrive $0xFFFF;
	s2 =	simm.s32 @!p0 $0x1C07  }
0x277: {  	[timem:s3], [sflag:s2] =	dma.local @!p0 [hbm:s0], s1  }
0x278: {  	s0 =	simm.s32 @!p0 $0x7  }
0x279: {  	_ =	swait.ge @!p0 [sflag:s0], s1  }
0x27a: {  	s1 =	ssub.s32 @!p0 $0x0, s1;
	[sflag:s0] =	ssyncset.done @!p0 $0x0  }
0x27b: {  	[sflag:s0] =	ssyncadd.s32 @!p0 s1  }
0x27c: {  	[bflag:$0x3] =	sbarrier.arrive $0xFFFF  }
0x27d: {  	_ =	shalt  }

</sc_bundles>
